<compile_context>
chip_gen: v7x
topology: tpu7x:2x2x1
jax: 0.10.2.dev20260603
libtpu: 0.0.44.dev20260713+nightly
codegen_flags: <defaults>
</compile_context>

<pallas_src>
import functools

import jax
import jax.numpy as jnp
from jax import lax
from jax.experimental import pallas as pl
from jax.experimental.pallas import tpu as pltpu
from jax.experimental.pallas import tpu_sc as plsc

N = 10000
E = 320000
F0 = 128
FQ = 64
G = 64
NCORES = 2
NSUB = 16
LANES = 16
CHUNK = 256
NPAD = 10240
DUMMY_DST = 10200
ROWS_PER_TILE = NPAD // NSUB
ZROWS = 128
ZCHUNKS = ROWS_PER_TILE // ZROWS
LAST_ROWS = N - (NSUB - 1) * ROWS_PER_TILE
TROWS = N // NSUB
IB = 8
NC = 80
NB = NC // IB


@functools.lru_cache(maxsize=None)
def _make_segsum(npass):
    mesh = plsc.VectorSubcoreMesh(
        core_axis_name="c", subcore_axis_name="s",
        num_cores=NCORES, num_subcores=NSUB)
    out_t = tuple(jax.ShapeDtypeStruct((N, FQ), jnp.float32)
                  for _ in range(2 * npass))
    scratch = [
        pltpu.VMEM((2, IB, CHUNK), jnp.int32),
        pltpu.VMEM((2, IB, CHUNK), jnp.int32),
        pltpu.VMEM((2, CHUNK, FQ), jnp.float32),
        pltpu.VMEM_SHARED((N, FQ), jnp.float32),
        pltpu.VMEM_SHARED((NPAD, FQ), jnp.float32),
        pltpu.SemaphoreType.DMA,
        pltpu.SemaphoreType.DMA,
        pltpu.SemaphoreType.DMA,
        pltpu.SemaphoreType.DMA,
        pltpu.SemaphoreType.DMA,
    ]

    def body(*refs):
        tables = refs[:2 * npass]
        sidx, didx = refs[2 * npass:2 * npass + 2]
        outs = refs[2 * npass + 2:4 * npass + 2]
        (sbuf, dbuf, rbuf, tab, acc,
         gsem0, gsem1, ssem0, ssem1, isem) = refs[4 * npass + 2:]
        c = lax.axis_index("c")
        s = lax.axis_index("s")
        gsems = (gsem0, gsem1)
        ssems = (ssem0, ssem1)

        def fire_gather(idx_row, slot):
            pltpu.async_copy(tab.at[idx_row], rbuf.at[slot], gsems[slot])

        def wait_gather(slot):
            pltpu.make_async_copy(
                tables[0].at[pl.ds(0, CHUNK)], rbuf.at[slot],
                gsems[slot]).wait()

        def fire_scatter(idx_row, slot):
            pltpu.async_copy(rbuf.at[slot], acc.at[idx_row], ssems[slot],
                             add=True)

        def wait_scatter(slot):
            pltpu.make_async_copy(
                rbuf.at[slot], acc.at[pl.ds(0, CHUNK)], ssems[slot]).wait()

        def split_copy(srcref, dstref):
            trow = s * ROWS_PER_TILE
            tlast = (NSUB - 1) * ROWS_PER_TILE

            @pl.when(s < NSUB - 1)
            def _():
                pltpu.sync_copy(srcref.at[pl.ds(trow, ROWS_PER_TILE)],
                                dstref.at[pl.ds(trow, ROWS_PER_TILE)])

            @pl.when(s == NSUB - 1)
            def _():
                pltpu.sync_copy(srcref.at[pl.ds(tlast, LAST_ROWS)],
                                dstref.at[pl.ds(tlast, LAST_ROWS)])

        def one_pass(t0, t1, o0, o1):
            @pl.when(c == 0)
            def _():
                split_copy(t0, tab)

            @pl.when(c == 1)
            def _():
                split_copy(t1, tab)

            def zrow(i, carry):
                for k in range(FQ // LANES):
                    rbuf[0, i, pl.ds(k * LANES, LANES)] = jnp.zeros(
                        (LANES,), jnp.float32)
                return carry
            lax.fori_loop(0, CHUNK, zrow, 0)
            for k in range(ZCHUNKS):
                pltpu.sync_copy(
                    rbuf.at[0, pl.ds(0, ZROWS)],
                    acc.at[pl.ds(s * ROWS_PER_TILE + k * ZROWS, ZROWS)])
            plsc.subcore_barrier()

            pltpu.sync_copy(sidx.at[s, pl.ds(0, IB)], sbuf.at[0])
            pltpu.sync_copy(didx.at[s, pl.ds(0, IB)], dbuf.at[0])
            fire_gather(sbuf.at[0, 0], 0)

            def block_body(b, carry):
                nxt = b + 1
                pb = lax.rem(b, 2)
                pn = lax.rem(nxt, 2)

                @pl.when(b > 0)
                def _():
                    wait_scatter(1)

                @pl.when(nxt < NB)
                def _():
                    pltpu.async_copy(sidx.at[s, pl.ds(nxt * IB, IB)],
                                     sbuf.at[pn], isem)
                    pltpu.async_copy(didx.at[s, pl.ds(nxt * IB, IB)],
                                     dbuf.at[pn], isem)

                for k in range(IB):
                    cur = k % 2
                    wait_gather(cur)
                    if k >= 1:
                        wait_scatter((k + 1) % 2)
                    if k + 1 < IB:
                        fire_gather(sbuf.at[pb, k + 1], (k + 1) % 2)
                    else:
                        @pl.when(nxt < NB)
                        def _():
                            pltpu.make_async_copy(
                                sidx.at[s, pl.ds(0, IB)], sbuf.at[pn],
                                isem).wait()
                            pltpu.make_async_copy(
                                didx.at[s, pl.ds(0, IB)], dbuf.at[pn],
                                isem).wait()
                            fire_gather(sbuf.at[pn, 0], 0)
                    fire_scatter(dbuf.at[pb, k], cur)
                return carry
            lax.fori_loop(0, NB, block_body, 0)
            wait_scatter(1)
            plsc.subcore_barrier()

            @pl.when(c == 0)
            def _():
                split_copy(acc, o0)

            @pl.when(c == 1)
            def _():
                split_copy(acc, o1)

        for p in range(npass):
            one_pass(tables[2 * p], tables[2 * p + 1],
                     outs[2 * p], outs[2 * p + 1])

    return pl.kernel(
        body, out_type=out_t, mesh=mesh, scratch_types=scratch,
        compiler_params=pltpu.CompilerParams(use_tc_tiling_on_sc=False))


def _mlp1_body(x_r, a0_r, a1_r, wa_r, ba_r, g_r, be_r, wb_r, bb_r,
               o0_r, o1_r, o2_r, o3_r):
    h = x_r[...] + jnp.concatenate([a0_r[...], a1_r[...]], axis=1)
    hp = jnp.dot(h, wa_r[...], preferred_element_type=jnp.float32) + ba_r[...]
    mu = jnp.mean(hp, axis=0, keepdims=True)
    var = jnp.mean(hp * hp, axis=0, keepdims=True) - mu * mu
    hn = (hp - mu) * (g_r[...] * lax.rsqrt(var + 1e-5)) + be_r[...]
    hn = jnp.maximum(hn, 0.0)
    h1 = jnp.maximum(
        jnp.dot(hn, wb_r[...], preferred_element_type=jnp.float32) + bb_r[...],
        0.0)
    o0_r[...] = h1[:, 0 * FQ:1 * FQ]
    o1_r[...] = h1[:, 1 * FQ:2 * FQ]
    o2_r[...] = h1[:, 2 * FQ:3 * FQ]
    o3_r[...] = h1[:, 3 * FQ:4 * FQ]


_mlp1 = pl.pallas_call(
    _mlp1_body,
    out_shape=tuple(jax.ShapeDtypeStruct((N, FQ), jnp.float32)
                    for _ in range(4)))


def _mlp2_body(h0_r, h1_r, h2_r, h3_r, a0_r, a1_r, a2_r, a3_r, b_r,
               wa_r, ba_r, g_r, be_r, wb_r, bb_r, wl_r, bl_r, o_r):
    h = jnp.concatenate([h0_r[...] + a0_r[...], h1_r[...] + a1_r[...],
                         h2_r[...] + a2_r[...], h3_r[...] + a3_r[...]], axis=1)
    hp = jnp.dot(h, wa_r[...], preferred_element_type=jnp.float32) + ba_r[...]
    mu = jnp.mean(hp, axis=0, keepdims=True)
    var = jnp.mean(hp * hp, axis=0, keepdims=True) - mu * mu
    hn = (hp - mu) * (g_r[...] * lax.rsqrt(var + 1e-5)) + be_r[...]
    hn = jnp.maximum(hn, 0.0)
    h2 = jnp.maximum(
        jnp.dot(hn, wb_r[...], preferred_element_type=jnp.float32) + bb_r[...],
        0.0)
    gid = lax.broadcasted_iota(jnp.int32, (G, N), 0)
    onehot = (b_r[...] == gid).astype(jnp.float32)
    sums = jnp.dot(onehot, h2, preferred_element_type=jnp.float32)
    counts = jnp.sum(onehot, axis=1, keepdims=True)
    pooled = sums / jnp.maximum(counts, 1.0)
    o_r[...] = (jnp.dot(pooled, wl_r[...], preferred_element_type=jnp.float32)
                + bl_r[...])


_mlp2 = pl.pallas_call(
    _mlp2_body,
    out_shape=jax.ShapeDtypeStruct((G, 256), jnp.float32))


def kernel(x, adj, batch, W1a, b1a, g1, be1, W1b, b1b,
           W2a, b2a, g2, be2, W2b, b2b, Wl, bl):
    src = adj[0].astype(jnp.int32)
    dst = adj[1].astype(jnp.int32)
    pad = NSUB * NC * CHUNK - E
    sidx = jnp.pad(src, (0, pad), constant_values=0).reshape(NSUB, NC, CHUNK)
    didx = jnp.pad(dst, (0, pad),
                   constant_values=DUMMY_DST).reshape(NSUB, NC, CHUNK)

    a1a, a1b = _make_segsum(1)(x[:, :FQ], x[:, FQ:], sidx, didx)
    q0, q1, q2, q3 = _mlp1(x, a1a, a1b, W1a, b1a.reshape(1, -1),
                           g1.reshape(1, -1), be1.reshape(1, -1), W1b,
                           b1b.reshape(1, -1))
    aq0, aq1, aq2, aq3 = _make_segsum(2)(q0, q1, q2, q3, sidx, didx)

    out = _mlp2(q0, q1, q2, q3, aq0, aq1, aq2, aq3,
                batch.astype(jnp.int32).reshape(1, N),
                W2a, b2a.reshape(1, -1), g2.reshape(1, -1), be2.reshape(1, -1),
                W2b, b2b.reshape(1, -1), Wl, bl.reshape(1, -1))
    return out

# --- scband reference (transcript-rebuilt; emitter-appended) ---
"""Pipeline reference for scband-gin-35433480192645 (READ-ONLY COPY).

The authoritative reference and input builder live on the scoring server;
editing this copy changes nothing except your own understanding.
"""

import jax, jax.numpy as jnp
import numpy as np

N = 10000
E = 320000
F0 = 128
F1 = 256
F2 = 256
G = 64

def setup_inputs(seed: int = 0) -> dict:
    key = jax.random.key(seed)
    ks = [jax.random.fold_in(key, i) for i in range(20)]
    x = jax.random.normal(ks[0], (N, F0), dtype=jnp.float32)
    adj = jax.random.randint(ks[1], (2, E), 0, N, dtype=jnp.int64)
    batch = jnp.sort(jax.random.randint(ks[2], (N,), 0, G, dtype=jnp.int64))
    def xavier(k, shape):
        fan_in, fan_out = shape[0], shape[1]
        a = float(np.sqrt(6.0 / (fan_in + fan_out)))
        return jax.random.uniform(k, shape, jnp.float32, -a, a)
    W1a = xavier(ks[3], (F0, F1)); b1a = jnp.zeros((F1,), jnp.float32)
    g1 = jnp.ones((F1,), jnp.float32); be1 = jnp.zeros((F1,), jnp.float32)
    W1b = xavier(ks[4], (F1, F1)); b1b = jnp.zeros((F1,), jnp.float32)
    W2a = xavier(ks[5], (F1, F2)); b2a = jnp.zeros((F2,), jnp.float32)
    g2 = jnp.ones((F2,), jnp.float32); be2 = jnp.zeros((F2,), jnp.float32)
    W2b = xavier(ks[6], (F2, F2)); b2b = jnp.zeros((F2,), jnp.float32)
    Wl = xavier(ks[7], (F2, F2)); bl = jnp.zeros((F2,), jnp.float32)
    return {"x": x, "adj": adj, "batch": batch,
            "W1a": W1a, "b1a": b1a, "g1": g1, "be1": be1, "W1b": W1b, "b1b": b1b,
            "W2a": W2a, "b2a": b2a, "g2": g2, "be2": be2, "W2b": W2b, "b2b": b2b,
            "Wl": Wl, "bl": bl}

def _gin_conv(x, src, dst, Wa, ba, g, be, Wb, bb):
    # GINConv with eps=0 (default, not trainable): mlp(x + sum_{j in N(i)} x_j)
    agg = jax.ops.segment_sum(x[src], dst, num_segments=x.shape[0])
    h = x + agg
    h = h @ Wa + ba
    mean = jnp.mean(h, axis=0)
    var = jnp.var(h, axis=0)  # biased, matches BatchNorm1d training stats
    h = (h - mean) / jnp.sqrt(var + 1e-5) * g + be
    h = jax.nn.relu(h)
    h = h @ Wb + bb
    h = jax.nn.relu(h)
    return h

def reference(x, adj, batch, W1a, b1a, g1, be1, W1b, b1b, W2a, b2a, g2, be2, W2b, b2b, Wl, bl):
    src, dst = adj[0], adj[1]
    h = _gin_conv(x, src, dst, W1a, b1a, g1, be1, W1b, b1b)
    h = _gin_conv(h, src, dst, W2a, b2a, g2, be2, W2b, b2b)
    # global_mean_pool
    sums = jax.ops.segment_sum(h, batch, num_segments=G)
    counts = jax.ops.segment_sum(jnp.ones((h.shape[0],), jnp.float32), batch, num_segments=G)
    pooled = sums / jnp.maximum(counts, 1.0)[:, None]
    out = pooled @ Wl + bl
    return out

if __name__ == "__main__":
    import jax
    _d = setup_inputs()
    print(jax.jit(kernel)(*tuple(_d.values())))

</pallas_src>

<mosaic_0001>
#map = affine_map<(d0, d1) -> (0, 0)>
#map1 = affine_map<(d0, d1) -> (0, 0, 0)>
module attributes {stable_mosaic.version = 14 : i64} {
  func.func @body(%arg0: i32, %arg1: i32, %arg2: memref<10000x64xf32, #tpu.memory_space<hbm>>, %arg3: memref<10000x64xf32, #tpu.memory_space<hbm>>, %arg4: memref<10000x64xf32, #tpu.memory_space<hbm>>, %arg5: memref<10000x64xf32, #tpu.memory_space<hbm>>, %arg6: memref<16x80x256xi32, #tpu.memory_space<hbm>>, %arg7: memref<16x80x256xi32, #tpu.memory_space<hbm>>, %arg8: memref<10000x64xf32, #tpu.memory_space<hbm>>, %arg9: memref<10000x64xf32, #tpu.memory_space<hbm>>, %arg10: memref<10000x64xf32, #tpu.memory_space<hbm>>, %arg11: memref<10000x64xf32, #tpu.memory_space<hbm>>, %arg12: memref<2x8x256xi32, #tpu.memory_space<vmem>>, %arg13: memref<2x8x256xi32, #tpu.memory_space<vmem>>, %arg14: memref<2x256x64xf32, #tpu.memory_space<vmem>>, %arg15: memref<10000x64xf32, #tpu.memory_space<vmem_shared>>, %arg16: memref<10240x64xf32, #tpu.memory_space<vmem_shared>>, %arg17: memref<!tpu.dma_semaphore, #tpu.memory_space<semaphore_mem>>, %arg18: memref<!tpu.dma_semaphore, #tpu.memory_space<semaphore_mem>>, %arg19: memref<!tpu.dma_semaphore, #tpu.memory_space<semaphore_mem>>, %arg20: memref<!tpu.dma_semaphore, #tpu.memory_space<semaphore_mem>>, %arg21: memref<!tpu.dma_semaphore, #tpu.memory_space<semaphore_mem>>) attributes {dimension_semantics = [#tpu.dimension_semantics<core_parallel>, #tpu.dimension_semantics<subcore_parallel>], iteration_bounds = array<i64: 2, 16>, scalar_prefetch = 0 : i64, scratch_operands = 10 : i64, tpu.core_type = #tpu.core_type<sc_vector_subcore>, window_params = [{transform_indices = #map}, {transform_indices = #map}, {transform_indices = #map}, {transform_indices = #map}, {transform_indices = #map1}, {transform_indices = #map1}, {transform_indices = #map}, {transform_indices = #map}, {transform_indices = #map}, {transform_indices = #map}]} {
    %eq3A = arith.constant 0 : i32
    %eq3A_0 = arith.cmpi eq, %arg0, %eq3A : i32
    %convert_element_type3A = arith.extui %eq3A_0 : i1 to i32
    %cond3A = arith.constant 0 : i32
    %cond3A_1 = arith.cmpi ne, %convert_element_type3A, %cond3A : i32
    scf.if %cond3A_1 {
      %mul3A_168 = arith.constant 640 : i32
      %mul3A_169 = arith.muli %arg1, %mul3A_168 : i32
      %lt3A = arith.constant 15 : i32
      %lt3A_170 = arith.cmpi slt, %arg1, %lt3A : i32
      %convert_element_type3A_171 = arith.extui %lt3A_170 : i1 to i32
      %cond3A_172 = arith.constant 0 : i32
      %cond3A_173 = arith.cmpi ne, %convert_element_type3A_171, %cond3A_172 : i32
      scf.if %cond3A_173 {
        "tpu.region"() ({
          %run_scoped3A_179 = tpu.sem_alloc : memref<!tpu.dma_semaphore, #tpu.memory_space<semaphore_mem>>
          %dma_start3A_180 = arith.constant 0 : i32
          %dma_start3A_181 = tpu.memref_slice %arg15[%mul3A_169, %dma_start3A_180] : memref<10000x64xf32, #tpu.memory_space<vmem_shared>> -> memref<640x64xf32, #tpu.memory_space<vmem_shared>>
          %dma_start3A_182 = arith.constant 0 : i32
          %dma_start3A_183 = tpu.memref_slice %arg2[%mul3A_169, %dma_start3A_182] : memref<10000x64xf32, #tpu.memory_space<hbm>> -> memref<640x64xf32, #tpu.memory_space<hbm>>
          tpu.enqueue_dma source(%dma_start3A_183 : memref<640x64xf32, #tpu.memory_space<hbm>>) target(%dma_start3A_181 : memref<640x64xf32, #tpu.memory_space<vmem_shared>>) target_semaphore(%run_scoped3A_179 : memref<!tpu.dma_semaphore, #tpu.memory_space<semaphore_mem>>)
          %dma_wait3A_184 = arith.constant 0 : i32
          %dma_wait3A_185 = tpu.memref_slice %arg15[%mul3A_169, %dma_wait3A_184] : memref<10000x64xf32, #tpu.memory_space<vmem_shared>> -> memref<640x64xf32, #tpu.memory_space<vmem_shared>>
          %dma_wait3A_186 = arith.constant 0 : i32
          %dma_wait3A_187 = tpu.memref_slice %arg2[%mul3A_169, %dma_wait3A_186] : memref<10000x64xf32, #tpu.memory_space<hbm>> -> memref<640x64xf32, #tpu.memory_space<hbm>>
          tpu.wait_dma2 semaphore(%run_scoped3A_179 : memref<!tpu.dma_semaphore, #tpu.memory_space<semaphore_mem>>) src(%dma_wait3A_187 : memref<640x64xf32, #tpu.memory_space<hbm>>) dst(%dma_wait3A_185 : memref<640x64xf32, #tpu.memory_space<vmem_shared>>)
          tpu.yield
        }) : () -> ()
      } else {
      }
      %eq3A_174 = arith.constant 15 : i32
      %eq3A_175 = arith.cmpi eq, %arg1, %eq3A_174 : i32
      %convert_element_type3A_176 = arith.extui %eq3A_175 : i1 to i32
      %cond3A_177 = arith.constant 0 : i32
      %cond3A_178 = arith.cmpi ne, %convert_element_type3A_176, %cond3A_177 : i32
      scf.if %cond3A_178 {
        "tpu.region"() ({
          %run_scoped3A_179 = tpu.sem_alloc : memref<!tpu.dma_semaphore, #tpu.memory_space<semaphore_mem>>
          %dma_start3A_180 = arith.constant 9600 : i32
          %dma_start3A_181 = arith.constant 0 : i32
          %dma_start3A_182 = tpu.memref_slice %arg15[%dma_start3A_180, %dma_start3A_181] : memref<10000x64xf32, #tpu.memory_space<vmem_shared>> -> memref<400x64xf32, #tpu.memory_space<vmem_shared>>
          %dma_start3A_183 = arith.constant 9600 : i32
          %dma_start3A_184 = arith.constant 0 : i32
          %dma_start3A_185 = tpu.memref_slice %arg2[%dma_start3A_183, %dma_start3A_184] : memref<10000x64xf32, #tpu.memory_space<hbm>> -> memref<400x64xf32, #tpu.memory_space<hbm>>
          tpu.enqueue_dma source(%dma_start3A_185 : memref<400x64xf32, #tpu.memory_space<hbm>>) target(%dma_start3A_182 : memref<400x64xf32, #tpu.memory_space<vmem_shared>>) target_semaphore(%run_scoped3A_179 : memref<!tpu.dma_semaphore, #tpu.memory_space<semaphore_mem>>)
          %dma_wait3A_186 = arith.constant 9600 : i32
          %dma_wait3A_187 = arith.constant 0 : i32
          %dma_wait3A_188 = tpu.memref_slice %arg15[%dma_wait3A_186, %dma_wait3A_187] : memref<10000x64xf32, #tpu.memory_space<vmem_shared>> -> memref<400x64xf32, #tpu.memory_space<vmem_shared>>
          %dma_wait3A_189 = arith.constant 9600 : i32
          %dma_wait3A_190 = arith.constant 0 : i32
          %dma_wait3A_191 = tpu.memref_slice %arg2[%dma_wait3A_189, %dma_wait3A_190] : memref<10000x64xf32, #tpu.memory_space<hbm>> -> memref<400x64xf32, #tpu.memory_space<hbm>>
          tpu.wait_dma2 semaphore(%run_scoped3A_179 : memref<!tpu.dma_semaphore, #tpu.memory_space<semaphore_mem>>) src(%dma_wait3A_191 : memref<400x64xf32, #tpu.memory_space<hbm>>) dst(%dma_wait3A_188 : memref<400x64xf32, #tpu.memory_space<vmem_shared>>)
          tpu.yield
        }) : () -> ()
      } else {
      }
    } else {
    }
    %eq3A_2 = arith.constant 1 : i32
    %eq3A_3 = arith.cmpi eq, %arg0, %eq3A_2 : i32
    %convert_element_type3A_4 = arith.extui %eq3A_3 : i1 to i32
    %cond3A_5 = arith.constant 0 : i32
    %cond3A_6 = arith.cmpi ne, %convert_element_type3A_4, %cond3A_5 : i32
    scf.if %cond3A_6 {
      %mul3A_168 = arith.constant 640 : i32
      %mul3A_169 = arith.muli %arg1, %mul3A_168 : i32
      %lt3A = arith.constant 15 : i32
      %lt3A_170 = arith.cmpi slt, %arg1, %lt3A : i32
      %convert_element_type3A_171 = arith.extui %lt3A_170 : i1 to i32
      %cond3A_172 = arith.constant 0 : i32
      %cond3A_173 = arith.cmpi ne, %convert_element_type3A_171, %cond3A_172 : i32
      scf.if %cond3A_173 {
        "tpu.region"() ({
          %run_scoped3A_179 = tpu.sem_alloc : memref<!tpu.dma_semaphore, #tpu.memory_space<semaphore_mem>>
          %dma_start3A_180 = arith.constant 0 : i32
          %dma_start3A_181 = tpu.memref_slice %arg15[%mul3A_169, %dma_start3A_180] : memref<10000x64xf32, #tpu.memory_space<vmem_shared>> -> memref<640x64xf32, #tpu.memory_space<vmem_shared>>
          %dma_start3A_182 = arith.constant 0 : i32
          %dma_start3A_183 = tpu.memref_slice %arg3[%mul3A_169, %dma_start3A_182] : memref<10000x64xf32, #tpu.memory_space<hbm>> -> memref<640x64xf32, #tpu.memory_space<hbm>>
          tpu.enqueue_dma source(%dma_start3A_183 : memref<640x64xf32, #tpu.memory_space<hbm>>) target(%dma_start3A_181 : memref<640x64xf32, #tpu.memory_space<vmem_shared>>) target_semaphore(%run_scoped3A_179 : memref<!tpu.dma_semaphore, #tpu.memory_space<semaphore_mem>>)
          %dma_wait3A_184 = arith.constant 0 : i32
          %dma_wait3A_185 = tpu.memref_slice %arg15[%mul3A_169, %dma_wait3A_184] : memref<10000x64xf32, #tpu.memory_space<vmem_shared>> -> memref<640x64xf32, #tpu.memory_space<vmem_shared>>
          %dma_wait3A_186 = arith.constant 0 : i32
          %dma_wait3A_187 = tpu.memref_slice %arg3[%mul3A_169, %dma_wait3A_186] : memref<10000x64xf32, #tpu.memory_space<hbm>> -> memref<640x64xf32, #tpu.memory_space<hbm>>
          tpu.wait_dma2 semaphore(%run_scoped3A_179 : memref<!tpu.dma_semaphore, #tpu.memory_space<semaphore_mem>>) src(%dma_wait3A_187 : memref<640x64xf32, #tpu.memory_space<hbm>>) dst(%dma_wait3A_185 : memref<640x64xf32, #tpu.memory_space<vmem_shared>>)
          tpu.yield
        }) : () -> ()
      } else {
      }
      %eq3A_174 = arith.constant 15 : i32
      %eq3A_175 = arith.cmpi eq, %arg1, %eq3A_174 : i32
      %convert_element_type3A_176 = arith.extui %eq3A_175 : i1 to i32
      %cond3A_177 = arith.constant 0 : i32
      %cond3A_178 = arith.cmpi ne, %convert_element_type3A_176, %cond3A_177 : i32
      scf.if %cond3A_178 {
        "tpu.region"() ({
          %run_scoped3A_179 = tpu.sem_alloc : memref<!tpu.dma_semaphore, #tpu.memory_space<semaphore_mem>>
          %dma_start3A_180 = arith.constant 9600 : i32
          %dma_start3A_181 = arith.constant 0 : i32
          %dma_start3A_182 = tpu.memref_slice %arg15[%dma_start3A_180, %dma_start3A_181] : memref<10000x64xf32, #tpu.memory_space<vmem_shared>> -> memref<400x64xf32, #tpu.memory_space<vmem_shared>>
          %dma_start3A_183 = arith.constant 9600 : i32
          %dma_start3A_184 = arith.constant 0 : i32
          %dma_start3A_185 = tpu.memref_slice %arg3[%dma_start3A_183, %dma_start3A_184] : memref<10000x64xf32, #tpu.memory_space<hbm>> -> memref<400x64xf32, #tpu.memory_space<hbm>>
          tpu.enqueue_dma source(%dma_start3A_185 : memref<400x64xf32, #tpu.memory_space<hbm>>) target(%dma_start3A_182 : memref<400x64xf32, #tpu.memory_space<vmem_shared>>) target_semaphore(%run_scoped3A_179 : memref<!tpu.dma_semaphore, #tpu.memory_space<semaphore_mem>>)
          %dma_wait3A_186 = arith.constant 9600 : i32
          %dma_wait3A_187 = arith.constant 0 : i32
          %dma_wait3A_188 = tpu.memref_slice %arg15[%dma_wait3A_186, %dma_wait3A_187] : memref<10000x64xf32, #tpu.memory_space<vmem_shared>> -> memref<400x64xf32, #tpu.memory_space<vmem_shared>>
          %dma_wait3A_189 = arith.constant 9600 : i32
          %dma_wait3A_190 = arith.constant 0 : i32
          %dma_wait3A_191 = tpu.memref_slice %arg3[%dma_wait3A_189, %dma_wait3A_190] : memref<10000x64xf32, #tpu.memory_space<hbm>> -> memref<400x64xf32, #tpu.memory_space<hbm>>
          tpu.wait_dma2 semaphore(%run_scoped3A_179 : memref<!tpu.dma_semaphore, #tpu.memory_space<semaphore_mem>>) src(%dma_wait3A_191 : memref<400x64xf32, #tpu.memory_space<hbm>>) dst(%dma_wait3A_188 : memref<400x64xf32, #tpu.memory_space<vmem_shared>>)
          tpu.yield
        }) : () -> ()
      } else {
      }
    } else {
    }
    %scan3A = arith.constant 0 : i32
    %scan3A_7 = arith.constant 0 : i32
    %scan3A_8 = arith.constant 256 : i32
    %scan3A_9 = arith.addi %scan3A_7, %scan3A_8 : i32
    %scan3A_10 = arith.constant 1 : i32
    scf.for %scan3A_168 = %scan3A_7 to %scan3A_9 step %scan3A_10  : i32 {
      %broadcast_in_dim3A = arith.constant 0.000000e+00 : f32
      %broadcast_in_dim3A_169 = vector.broadcast %broadcast_in_dim3A : f32 to vector<16xf32>
      %swap3A = arith.constant 0 : i32
      %swap3A_170 = arith.index_cast %swap3A : i32 to index
      %swap3A_171 = arith.index_cast %scan3A_168 : i32 to index
      %swap3A_172 = arith.constant 0 : index
      %swap3A_173 = tpu.vector_load %arg14[%swap3A_170, %swap3A_171, %swap3A_172] {strides = array<i32>} : memref<2x256x64xf32, #tpu.memory_space<vmem>>, vector<1x1x16xf32>,
      %swap3A_174 = vector.shape_cast %swap3A_173 : vector<1x1x16xf32> to vector<16xf32>
      %swap3A_175 = vector.shape_cast %broadcast_in_dim3A_169 : vector<16xf32> to vector<1x1x16xf32>
      tpu.vector_store %arg14[%swap3A_170, %swap3A_171, %swap3A_172], %swap3A_175 {strides = array<i32>} : memref<2x256x64xf32, #tpu.memory_space<vmem>>, vector<1x1x16xf32>,
      %broadcast_in_dim3A_176 = arith.constant 0.000000e+00 : f32
      %broadcast_in_dim3A_177 = vector.broadcast %broadcast_in_dim3A_176 : f32 to vector<16xf32>
      %swap3A_178 = arith.constant 0 : i32
      %swap3A_179 = arith.index_cast %swap3A_178 : i32 to index
      %swap3A_180 = arith.index_cast %scan3A_168 : i32 to index
      %swap3A_181 = arith.constant 16 : index
      %swap3A_182 = tpu.vector_load %arg14[%swap3A_179, %swap3A_180, %swap3A_181] {strides = array<i32>} : memref<2x256x64xf32, #tpu.memory_space<vmem>>, vector<1x1x16xf32>,
      %swap3A_183 = vector.shape_cast %swap3A_182 : vector<1x1x16xf32> to vector<16xf32>
      %swap3A_184 = vector.shape_cast %broadcast_in_dim3A_177 : vector<16xf32> to vector<1x1x16xf32>
      tpu.vector_store %arg14[%swap3A_179, %swap3A_180, %swap3A_181], %swap3A_184 {strides = array<i32>} : memref<2x256x64xf32, #tpu.memory_space<vmem>>, vector<1x1x16xf32>,
      %broadcast_in_dim3A_185 = arith.constant 0.000000e+00 : f32
      %broadcast_in_dim3A_186 = vector.broadcast %broadcast_in_dim3A_185 : f32 to vector<16xf32>
      %swap3A_187 = arith.constant 0 : i32
      %swap3A_188 = arith.index_cast %swap3A_187 : i32 to index
      %swap3A_189 = arith.index_cast %scan3A_168 : i32 to index
      %swap3A_190 = arith.constant 32 : index
      %swap3A_191 = tpu.vector_load %arg14[%swap3A_188, %swap3A_189, %swap3A_190] {strides = array<i32>} : memref<2x256x64xf32, #tpu.memory_space<vmem>>, vector<1x1x16xf32>,
      %swap3A_192 = vector.shape_cast %swap3A_191 : vector<1x1x16xf32> to vector<16xf32>
      %swap3A_193 = vector.shape_cast %broadcast_in_dim3A_186 : vector<16xf32> to vector<1x1x16xf32>
      tpu.vector_store %arg14[%swap3A_188, %swap3A_189, %swap3A_190], %swap3A_193 {strides = array<i32>} : memref<2x256x64xf32, #tpu.memory_space<vmem>>, vector<1x1x16xf32>,
      %broadcast_in_dim3A_194 = arith.constant 0.000000e+00 : f32
      %broadcast_in_dim3A_195 = vector.broadcast %broadcast_in_dim3A_194 : f32 to vector<16xf32>
      %swap3A_196 = arith.constant 0 : i32
      %swap3A_197 = arith.index_cast %swap3A_196 : i32 to index
      %swap3A_198 = arith.index_cast %scan3A_168 : i32 to index
      %swap3A_199 = arith.constant 48 : index
      %swap3A_200 = tpu.vector_load %arg14[%swap3A_197, %swap3A_198, %swap3A_199] {strides = array<i32>} : memref<2x256x64xf32, #tpu.memory_space<vmem>>, vector<1x1x16xf32>,
      %swap3A_201 = vector.shape_cast %swap3A_200 : vector<1x1x16xf32> to vector<16xf32>
      %swap3A_202 = vector.shape_cast %broadcast_in_dim3A_195 : vector<16xf32> to vector<1x1x16xf32>
      tpu.vector_store %arg14[%swap3A_197, %swap3A_198, %swap3A_199], %swap3A_202 {strides = array<i32>} : memref<2x256x64xf32, #tpu.memory_space<vmem>>, vector<1x1x16xf32>,
    }
    %scan3A_11 = arith.constant 256 : i32
    %mul3A = arith.constant 640 : i32
    %mul3A_12 = arith.muli %arg1, %mul3A : i32
    %add3A = arith.constant 0 : i32
    %add3A_13 = arith.addi %mul3A_12, %add3A : i32
    %run_scoped3A = arith.constant 0 : i32
    "tpu.region"() ({
      %run_scoped3A_168 = tpu.sem_alloc : memref<!tpu.dma_semaphore, #tpu.memory_space<semaphore_mem>>
      %dma_start3A_169 = arith.constant 0 : i32
      %dma_start3A_170 = arith.constant 0 : i32
      %dma_start3A_171 = tpu.memref_slice %arg14[%run_scoped3A, %dma_start3A_169, %dma_start3A_170] : memref<2x256x64xf32, #tpu.memory_space<vmem>> -> memref<1x128x64xf32, #tpu.memory_space<vmem>>
      %dma_start3A_172 = tpu.memref_squeeze %dma_start3A_171 : memref<1x128x64xf32, #tpu.memory_space<vmem>> -> memref<128x64xf32, #tpu.memory_space<vmem>>
      %dma_start3A_173 = arith.constant 0 : i32
      %dma_start3A_174 = tpu.memref_slice %arg16[%add3A_13, %dma_start3A_173] : memref<10240x64xf32, #tpu.memory_space<vmem_shared>> -> memref<128x64xf32, #tpu.memory_space<vmem_shared>>
      %dma_start3A_175 = arith.constant 0 : i32
      %dma_start3A_176 = tpu.memref_slice %arg16[%add3A_13, %dma_start3A_175] : memref<10240x64xf32, #tpu.memory_space<vmem_shared>> -> memref<128x64xf32, #tpu.memory_space<vmem_shared>>
      %dma_start3A_177 = arith.constant 0 : i32
      %dma_start3A_178 = arith.constant 0 : i32
      %dma_start3A_179 = tpu.memref_slice %arg14[%run_scoped3A, %dma_start3A_177, %dma_start3A_178] : memref<2x256x64xf32, #tpu.memory_space<vmem>> -> memref<1x128x64xf32, #tpu.memory_space<vmem>>
      %dma_start3A_180 = tpu.memref_squeeze %dma_start3A_179 : memref<1x128x64xf32, #tpu.memory_space<vmem>> -> memref<128x64xf32, #tpu.memory_space<vmem>>
      tpu.enqueue_dma source(%dma_start3A_180 : memref<128x64xf32, #tpu.memory_space<vmem>>) target(%dma_start3A_176 : memref<128x64xf32, #tpu.memory_space<vmem_shared>>) target_semaphore(%run_scoped3A_168 : memref<!tpu.dma_semaphore, #tpu.memory_space<semaphore_mem>>)
      %dma_wait3A_181 = arith.constant 0 : i32
      %dma_wait3A_182 = arith.constant 0 : i32
      %dma_wait3A_183 = tpu.memref_slice %arg14[%run_scoped3A, %dma_wait3A_181, %dma_wait3A_182] : memref<2x256x64xf32, #tpu.memory_space<vmem>> -> memref<1x128x64xf32, #tpu.memory_space<vmem>>
      %dma_wait3A_184 = tpu.memref_squeeze %dma_wait3A_183 : memref<1x128x64xf32, #tpu.memory_space<vmem>> -> memref<128x64xf32, #tpu.memory_space<vmem>>
      %dma_wait3A_185 = arith.constant 0 : i32
      %dma_wait3A_186 = tpu.memref_slice %arg16[%add3A_13, %dma_wait3A_185] : memref<10240x64xf32, #tpu.memory_space<vmem_shared>> -> memref<128x64xf32, #tpu.memory_space<vmem_shared>>
      %dma_wait3A_187 = arith.constant 0 : i32
      %dma_wait3A_188 = tpu.memref_slice %arg16[%add3A_13, %dma_wait3A_187] : memref<10240x64xf32, #tpu.memory_space<vmem_shared>> -> memref<128x64xf32, #tpu.memory_space<vmem_shared>>
      %dma_wait3A_189 = arith.constant 0 : i32
      %dma_wait3A_190 = arith.constant 0 : i32
      %dma_wait3A_191 = tpu.memref_slice %arg14[%run_scoped3A, %dma_wait3A_189, %dma_wait3A_190] : memref<2x256x64xf32, #tpu.memory_space<vmem>> -> memref<1x128x64xf32, #tpu.memory_space<vmem>>
      %dma_wait3A_192 = tpu.memref_squeeze %dma_wait3A_191 : memref<1x128x64xf32, #tpu.memory_space<vmem>> -> memref<128x64xf32, #tpu.memory_space<vmem>>
      tpu.wait_dma2 semaphore(%run_scoped3A_168 : memref<!tpu.dma_semaphore, #tpu.memory_space<semaphore_mem>>) src(%dma_wait3A_192 : memref<128x64xf32, #tpu.memory_space<vmem>>) dst(%dma_wait3A_188 : memref<128x64xf32, #tpu.memory_space<vmem_shared>>)
      tpu.yield
    }) : () -> ()
    %mul3A_14 = arith.constant 640 : i32
    %mul3A_15 = arith.muli %arg1, %mul3A_14 : i32
    %add3A_16 = arith.constant 128 : i32
    %add3A_17 = arith.addi %mul3A_15, %add3A_16 : i32
    %run_scoped3A_18 = arith.constant 0 : i32
    "tpu.region"() ({
      %run_scoped3A_168 = tpu.sem_alloc : memref<!tpu.dma_semaphore, #tpu.memory_space<semaphore_mem>>
      %dma_start3A_169 = arith.constant 0 : i32
      %dma_start3A_170 = arith.constant 0 : i32
      %dma_start3A_171 = tpu.memref_slice %arg14[%run_scoped3A_18, %dma_start3A_169, %dma_start3A_170] : memref<2x256x64xf32, #tpu.memory_space<vmem>> -> memref<1x128x64xf32, #tpu.memory_space<vmem>>
      %dma_start3A_172 = tpu.memref_squeeze %dma_start3A_171 : memref<1x128x64xf32, #tpu.memory_space<vmem>> -> memref<128x64xf32, #tpu.memory_space<vmem>>
      %dma_start3A_173 = arith.constant 0 : i32
      %dma_start3A_174 = tpu.memref_slice %arg16[%add3A_17, %dma_start3A_173] : memref<10240x64xf32, #tpu.memory_space<vmem_shared>> -> memref<128x64xf32, #tpu.memory_space<vmem_shared>>
      %dma_start3A_175 = arith.constant 0 : i32
      %dma_start3A_176 = tpu.memref_slice %arg16[%add3A_17, %dma_start3A_175] : memref<10240x64xf32, #tpu.memory_space<vmem_shared>> -> memref<128x64xf32, #tpu.memory_space<vmem_shared>>
      %dma_start3A_177 = arith.constant 0 : i32
      %dma_start3A_178 = arith.constant 0 : i32
      %dma_start3A_179 = tpu.memref_slice %arg14[%run_scoped3A_18, %dma_start3A_177, %dma_start3A_178] : memref<2x256x64xf32, #tpu.memory_space<vmem>> -> memref<1x128x64xf32, #tpu.memory_space<vmem>>
      %dma_start3A_180 = tpu.memref_squeeze %dma_start3A_179 : memref<1x128x64xf32, #tpu.memory_space<vmem>> -> memref<128x64xf32, #tpu.memory_space<vmem>>
      tpu.enqueue_dma source(%dma_start3A_180 : memref<128x64xf32, #tpu.memory_space<vmem>>) target(%dma_start3A_176 : memref<128x64xf32, #tpu.memory_space<vmem_shared>>) target_semaphore(%run_scoped3A_168 : memref<!tpu.dma_semaphore, #tpu.memory_space<semaphore_mem>>)
      %dma_wait3A_181 = arith.constant 0 : i32
      %dma_wait3A_182 = arith.constant 0 : i32
      %dma_wait3A_183 = tpu.memref_slice %arg14[%run_scoped3A_18, %dma_wait3A_181, %dma_wait3A_182] : memref<2x256x64xf32, #tpu.memory_space<vmem>> -> memref<1x128x64xf32, #tpu.memory_space<vmem>>
      %dma_wait3A_184 = tpu.memref_squeeze %dma_wait3A_183 : memref<1x128x64xf32, #tpu.memory_space<vmem>> -> memref<128x64xf32, #tpu.memory_space<vmem>>
      %dma_wait3A_185 = arith.constant 0 : i32
      %dma_wait3A_186 = tpu.memref_slice %arg16[%add3A_17, %dma_wait3A_185] : memref<10240x64xf32, #tpu.memory_space<vmem_shared>> -> memref<128x64xf32, #tpu.memory_space<vmem_shared>>
      %dma_wait3A_187 = arith.constant 0 : i32
      %dma_wait3A_188 = tpu.memref_slice %arg16[%add3A_17, %dma_wait3A_187] : memref<10240x64xf32, #tpu.memory_space<vmem_shared>> -> memref<128x64xf32, #tpu.memory_space<vmem_shared>>
      %dma_wait3A_189 = arith.constant 0 : i32
      %dma_wait3A_190 = arith.constant 0 : i32
      %dma_wait3A_191 = tpu.memref_slice %arg14[%run_scoped3A_18, %dma_wait3A_189, %dma_wait3A_190] : memref<2x256x64xf32, #tpu.memory_space<vmem>> -> memref<1x128x64xf32, #tpu.memory_space<vmem>>
      %dma_wait3A_192 = tpu.memref_squeeze %dma_wait3A_191 : memref<1x128x64xf32, #tpu.memory_space<vmem>> -> memref<128x64xf32, #tpu.memory_space<vmem>>
      tpu.wait_dma2 semaphore(%run_scoped3A_168 : memref<!tpu.dma_semaphore, #tpu.memory_space<semaphore_mem>>) src(%dma_wait3A_192 : memref<128x64xf32, #tpu.memory_space<vmem>>) dst(%dma_wait3A_188 : memref<128x64xf32, #tpu.memory_space<vmem_shared>>)
      tpu.yield
    }) : () -> ()
    %mul3A_19 = arith.constant 640 : i32
    %mul3A_20 = arith.muli %arg1, %mul3A_19 : i32
    %add3A_21 = arith.constant 256 : i32
    %add3A_22 = arith.addi %mul3A_20, %add3A_21 : i32
    %run_scoped3A_23 = arith.constant 0 : i32
    "tpu.region"() ({
      %run_scoped3A_168 = tpu.sem_alloc : memref<!tpu.dma_semaphore, #tpu.memory_space<semaphore_mem>>
      %dma_start3A_169 = arith.constant 0 : i32
      %dma_start3A_170 = arith.constant 0 : i32
      %dma_start3A_171 = tpu.memref_slice %arg14[%run_scoped3A_23, %dma_start3A_169, %dma_start3A_170] : memref<2x256x64xf32, #tpu.memory_space<vmem>> -> memref<1x128x64xf32, #tpu.memory_space<vmem>>
      %dma_start3A_172 = tpu.memref_squeeze %dma_start3A_171 : memref<1x128x64xf32, #tpu.memory_space<vmem>> -> memref<128x64xf32, #tpu.memory_space<vmem>>
      %dma_start3A_173 = arith.constant 0 : i32
      %dma_start3A_174 = tpu.memref_slice %arg16[%add3A_22, %dma_start3A_173] : memref<10240x64xf32, #tpu.memory_space<vmem_shared>> -> memref<128x64xf32, #tpu.memory_space<vmem_shared>>
      %dma_start3A_175 = arith.constant 0 : i32
      %dma_start3A_176 = tpu.memref_slice %arg16[%add3A_22, %dma_start3A_175] : memref<10240x64xf32, #tpu.memory_space<vmem_shared>> -> memref<128x64xf32, #tpu.memory_space<vmem_shared>>
      %dma_start3A_177 = arith.constant 0 : i32
      %dma_start3A_178 = arith.constant 0 : i32
      %dma_start3A_179 = tpu.memref_slice %arg14[%run_scoped3A_23, %dma_start3A_177, %dma_start3A_178] : memref<2x256x64xf32, #tpu.memory_space<vmem>> -> memref<1x128x64xf32, #tpu.memory_space<vmem>>
      %dma_start3A_180 = tpu.memref_squeeze %dma_start3A_179 : memref<1x128x64xf32, #tpu.memory_space<vmem>> -> memref<128x64xf32, #tpu.memory_space<vmem>>
      tpu.enqueue_dma source(%dma_start3A_180 : memref<128x64xf32, #tpu.memory_space<vmem>>) target(%dma_start3A_176 : memref<128x64xf32, #tpu.memory_space<vmem_shared>>) target_semaphore(%run_scoped3A_168 : memref<!tpu.dma_semaphore, #tpu.memory_space<semaphore_mem>>)
      %dma_wait3A_181 = arith.constant 0 : i32
      %dma_wait3A_182 = arith.constant 0 : i32
      %dma_wait3A_183 = tpu.memref_slice %arg14[%run_scoped3A_23, %dma_wait3A_181, %dma_wait3A_182] : memref<2x256x64xf32, #tpu.memory_space<vmem>> -> memref<1x128x64xf32, #tpu.memory_space<vmem>>
      %dma_wait3A_184 = tpu.memref_squeeze %dma_wait3A_183 : memref<1x128x64xf32, #tpu.memory_space<vmem>> -> memref<128x64xf32, #tpu.memory_space<vmem>>
      %dma_wait3A_185 = arith.constant 0 : i32
      %dma_wait3A_186 = tpu.memref_slice %arg16[%add3A_22, %dma_wait3A_185] : memref<10240x64xf32, #tpu.memory_space<vmem_shared>> -> memref<128x64xf32, #tpu.memory_space<vmem_shared>>
      %dma_wait3A_187 = arith.constant 0 : i32
      %dma_wait3A_188 = tpu.memref_slice %arg16[%add3A_22, %dma_wait3A_187] : memref<10240x64xf32, #tpu.memory_space<vmem_shared>> -> memref<128x64xf32, #tpu.memory_space<vmem_shared>>
      %dma_wait3A_189 = arith.constant 0 : i32
      %dma_wait3A_190 = arith.constant 0 : i32
      %dma_wait3A_191 = tpu.memref_slice %arg14[%run_scoped3A_23, %dma_wait3A_189, %dma_wait3A_190] : memref<2x256x64xf32, #tpu.memory_space<vmem>> -> memref<1x128x64xf32, #tpu.memory_space<vmem>>
      %dma_wait3A_192 = tpu.memref_squeeze %dma_wait3A_191 : memref<1x128x64xf32, #tpu.memory_space<vmem>> -> memref<128x64xf32, #tpu.memory_space<vmem>>
      tpu.wait_dma2 semaphore(%run_scoped3A_168 : memref<!tpu.dma_semaphore, #tpu.memory_space<semaphore_mem>>) src(%dma_wait3A_192 : memref<128x64xf32, #tpu.memory_space<vmem>>) dst(%dma_wait3A_188 : memref<128x64xf32, #tpu.memory_space<vmem_shared>>)
      tpu.yield
    }) : () -> ()
    %mul3A_24 = arith.constant 640 : i32
    %mul3A_25 = arith.muli %arg1, %mul3A_24 : i32
    %add3A_26 = arith.constant 384 : i32
    %add3A_27 = arith.addi %mul3A_25, %add3A_26 : i32
    %run_scoped3A_28 = arith.constant 0 : i32
    "tpu.region"() ({
      %run_scoped3A_168 = tpu.sem_alloc : memref<!tpu.dma_semaphore, #tpu.memory_space<semaphore_mem>>
      %dma_start3A_169 = arith.constant 0 : i32
      %dma_start3A_170 = arith.constant 0 : i32
      %dma_start3A_171 = tpu.memref_slice %arg14[%run_scoped3A_28, %dma_start3A_169, %dma_start3A_170] : memref<2x256x64xf32, #tpu.memory_space<vmem>> -> memref<1x128x64xf32, #tpu.memory_space<vmem>>
      %dma_start3A_172 = tpu.memref_squeeze %dma_start3A_171 : memref<1x128x64xf32, #tpu.memory_space<vmem>> -> memref<128x64xf32, #tpu.memory_space<vmem>>
      %dma_start3A_173 = arith.constant 0 : i32
      %dma_start3A_174 = tpu.memref_slice %arg16[%add3A_27, %dma_start3A_173] : memref<10240x64xf32, #tpu.memory_space<vmem_shared>> -> memref<128x64xf32, #tpu.memory_space<vmem_shared>>
      %dma_start3A_175 = arith.constant 0 : i32
      %dma_start3A_176 = tpu.memref_slice %arg16[%add3A_27, %dma_start3A_175] : memref<10240x64xf32, #tpu.memory_space<vmem_shared>> -> memref<128x64xf32, #tpu.memory_space<vmem_shared>>
      %dma_start3A_177 = arith.constant 0 : i32
      %dma_start3A_178 = arith.constant 0 : i32
      %dma_start3A_179 = tpu.memref_slice %arg14[%run_scoped3A_28, %dma_start3A_177, %dma_start3A_178] : memref<2x256x64xf32, #tpu.memory_space<vmem>> -> memref<1x128x64xf32, #tpu.memory_space<vmem>>
      %dma_start3A_180 = tpu.memref_squeeze %dma_start3A_179 : memref<1x128x64xf32, #tpu.memory_space<vmem>> -> memref<128x64xf32, #tpu.memory_space<vmem>>
      tpu.enqueue_dma source(%dma_start3A_180 : memref<128x64xf32, #tpu.memory_space<vmem>>) target(%dma_start3A_176 : memref<128x64xf32, #tpu.memory_space<vmem_shared>>) target_semaphore(%run_scoped3A_168 : memref<!tpu.dma_semaphore, #tpu.memory_space<semaphore_mem>>)
      %dma_wait3A_181 = arith.constant 0 : i32
      %dma_wait3A_182 = arith.constant 0 : i32
      %dma_wait3A_183 = tpu.memref_slice %arg14[%run_scoped3A_28, %dma_wait3A_181, %dma_wait3A_182] : memref<2x256x64xf32, #tpu.memory_space<vmem>> -> memref<1x128x64xf32, #tpu.memory_space<vmem>>
      %dma_wait3A_184 = tpu.memref_squeeze %dma_wait3A_183 : memref<1x128x64xf32, #tpu.memory_space<vmem>> -> memref<128x64xf32, #tpu.memory_space<vmem>>
      %dma_wait3A_185 = arith.constant 0 : i32
      %dma_wait3A_186 = tpu.memref_slice %arg16[%add3A_27, %dma_wait3A_185] : memref<10240x64xf32, #tpu.memory_space<vmem_shared>> -> memref<128x64xf32, #tpu.memory_space<vmem_shared>>
      %dma_wait3A_187 = arith.constant 0 : i32
      %dma_wait3A_188 = tpu.memref_slice %arg16[%add3A_27, %dma_wait3A_187] : memref<10240x64xf32, #tpu.memory_space<vmem_shared>> -> memref<128x64xf32, #tpu.memory_space<vmem_shared>>
      %dma_wait3A_189 = arith.constant 0 : i32
      %dma_wait3A_190 = arith.constant 0 : i32
      %dma_wait3A_191 = tpu.memref_slice %arg14[%run_scoped3A_28, %dma_wait3A_189, %dma_wait3A_190] : memref<2x256x64xf32, #tpu.memory_space<vmem>> -> memref<1x128x64xf32, #tpu.memory_space<vmem>>
      %dma_wait3A_192 = tpu.memref_squeeze %dma_wait3A_191 : memref<1x128x64xf32, #tpu.memory_space<vmem>> -> memref<128x64xf32, #tpu.memory_space<vmem>>
      tpu.wait_dma2 semaphore(%run_scoped3A_168 : memref<!tpu.dma_semaphore, #tpu.memory_space<semaphore_mem>>) src(%dma_wait3A_192 : memref<128x64xf32, #tpu.memory_space<vmem>>) dst(%dma_wait3A_188 : memref<128x64xf32, #tpu.memory_space<vmem_shared>>)
      tpu.yield
    }) : () -> ()
    %mul3A_29 = arith.constant 640 : i32
    %mul3A_30 = arith.muli %arg1, %mul3A_29 : i32
    %add3A_31 = arith.constant 512 : i32
    %add3A_32 = arith.addi %mul3A_30, %add3A_31 : i32
    %run_scoped3A_33 = arith.constant 0 : i32
    "tpu.region"() ({
      %run_scoped3A_168 = tpu.sem_alloc : memref<!tpu.dma_semaphore, #tpu.memory_space<semaphore_mem>>
      %dma_start3A_169 = arith.constant 0 : i32
      %dma_start3A_170 = arith.constant 0 : i32
      %dma_start3A_171 = tpu.memref_slice %arg14[%run_scoped3A_33, %dma_start3A_169, %dma_start3A_170] : memref<2x256x64xf32, #tpu.memory_space<vmem>> -> memref<1x128x64xf32, #tpu.memory_space<vmem>>
      %dma_start3A_172 = tpu.memref_squeeze %dma_start3A_171 : memref<1x128x64xf32, #tpu.memory_space<vmem>> -> memref<128x64xf32, #tpu.memory_space<vmem>>
      %dma_start3A_173 = arith.constant 0 : i32
      %dma_start3A_174 = tpu.memref_slice %arg16[%add3A_32, %dma_start3A_173] : memref<10240x64xf32, #tpu.memory_space<vmem_shared>> -> memref<128x64xf32, #tpu.memory_space<vmem_shared>>
      %dma_start3A_175 = arith.constant 0 : i32
      %dma_start3A_176 = tpu.memref_slice %arg16[%add3A_32, %dma_start3A_175] : memref<10240x64xf32, #tpu.memory_space<vmem_shared>> -> memref<128x64xf32, #tpu.memory_space<vmem_shared>>
      %dma_start3A_177 = arith.constant 0 : i32
      %dma_start3A_178 = arith.constant 0 : i32
      %dma_start3A_179 = tpu.memref_slice %arg14[%run_scoped3A_33, %dma_start3A_177, %dma_start3A_178] : memref<2x256x64xf32, #tpu.memory_space<vmem>> -> memref<1x128x64xf32, #tpu.memory_space<vmem>>
      %dma_start3A_180 = tpu.memref_squeeze %dma_start3A_179 : memref<1x128x64xf32, #tpu.memory_space<vmem>> -> memref<128x64xf32, #tpu.memory_space<vmem>>
      tpu.enqueue_dma source(%dma_start3A_180 : memref<128x64xf32, #tpu.memory_space<vmem>>) target(%dma_start3A_176 : memref<128x64xf32, #tpu.memory_space<vmem_shared>>) target_semaphore(%run_scoped3A_168 : memref<!tpu.dma_semaphore, #tpu.memory_space<semaphore_mem>>)
      %dma_wait3A_181 = arith.constant 0 : i32
      %dma_wait3A_182 = arith.constant 0 : i32
      %dma_wait3A_183 = tpu.memref_slice %arg14[%run_scoped3A_33, %dma_wait3A_181, %dma_wait3A_182] : memref<2x256x64xf32, #tpu.memory_space<vmem>> -> memref<1x128x64xf32, #tpu.memory_space<vmem>>
      %dma_wait3A_184 = tpu.memref_squeeze %dma_wait3A_183 : memref<1x128x64xf32, #tpu.memory_space<vmem>> -> memref<128x64xf32, #tpu.memory_space<vmem>>
      %dma_wait3A_185 = arith.constant 0 : i32
      %dma_wait3A_186 = tpu.memref_slice %arg16[%add3A_32, %dma_wait3A_185] : memref<10240x64xf32, #tpu.memory_space<vmem_shared>> -> memref<128x64xf32, #tpu.memory_space<vmem_shared>>
      %dma_wait3A_187 = arith.constant 0 : i32
      %dma_wait3A_188 = tpu.memref_slice %arg16[%add3A_32, %dma_wait3A_187] : memref<10240x64xf32, #tpu.memory_space<vmem_shared>> -> memref<128x64xf32, #tpu.memory_space<vmem_shared>>
      %dma_wait3A_189 = arith.constant 0 : i32
      %dma_wait3A_190 = arith.constant 0 : i32
      %dma_wait3A_191 = tpu.memref_slice %arg14[%run_scoped3A_33, %dma_wait3A_189, %dma_wait3A_190] : memref<2x256x64xf32, #tpu.memory_space<vmem>> -> memref<1x128x64xf32, #tpu.memory_space<vmem>>
      %dma_wait3A_192 = tpu.memref_squeeze %dma_wait3A_191 : memref<1x128x64xf32, #tpu.memory_space<vmem>> -> memref<128x64xf32, #tpu.memory_space<vmem>>
      tpu.wait_dma2 semaphore(%run_scoped3A_168 : memref<!tpu.dma_semaphore, #tpu.memory_space<semaphore_mem>>) src(%dma_wait3A_192 : memref<128x64xf32, #tpu.memory_space<vmem>>) dst(%dma_wait3A_188 : memref<128x64xf32, #tpu.memory_space<vmem_shared>>)
      tpu.yield
    }) : () -> ()
    %barrier3A = arith.constant 0 : index
    tpu.barrier barrier_id(%barrier3A)
    %run_scoped3A_34 = arith.constant 0 : i32
    "tpu.region"() ({
      %run_scoped3A_168 = tpu.sem_alloc : memref<!tpu.dma_semaphore, #tpu.memory_space<semaphore_mem>>
      %dma_start3A_169 = arith.constant 0 : i32
      %dma_start3A_170 = arith.constant 0 : i32
      %dma_start3A_171 = tpu.memref_slice %arg12[%run_scoped3A_34, %dma_start3A_169, %dma_start3A_170] : memref<2x8x256xi32, #tpu.memory_space<vmem>> -> memref<1x8x256xi32, #tpu.memory_space<vmem>>
      %dma_start3A_172 = tpu.memref_squeeze %dma_start3A_171 : memref<1x8x256xi32, #tpu.memory_space<vmem>> -> memref<8x256xi32, #tpu.memory_space<vmem>>
      %dma_start3A_173 = arith.constant 0 : i32
      %dma_start3A_174 = arith.constant 0 : i32
      %dma_start3A_175 = tpu.memref_slice %arg6[%arg1, %dma_start3A_173, %dma_start3A_174] : memref<16x80x256xi32, #tpu.memory_space<hbm>> -> memref<1x8x256xi32, #tpu.memory_space<hbm>>
      %dma_start3A_176 = tpu.memref_squeeze %dma_start3A_175 : memref<1x8x256xi32, #tpu.memory_space<hbm>> -> memref<8x256xi32, #tpu.memory_space<hbm>>
      %dma_start3A_177 = arith.constant 0 : i32
      %dma_start3A_178 = arith.constant 0 : i32
      %dma_start3A_179 = tpu.memref_slice %arg12[%run_scoped3A_34, %dma_start3A_177, %dma_start3A_178] : memref<2x8x256xi32, #tpu.memory_space<vmem>> -> memref<1x8x256xi32, #tpu.memory_space<vmem>>
      %dma_start3A_180 = tpu.memref_squeeze %dma_start3A_179 : memref<1x8x256xi32, #tpu.memory_space<vmem>> -> memref<8x256xi32, #tpu.memory_space<vmem>>
      %dma_start3A_181 = arith.constant 0 : i32
      %dma_start3A_182 = arith.constant 0 : i32
      %dma_start3A_183 = tpu.memref_slice %arg6[%arg1, %dma_start3A_181, %dma_start3A_182] : memref<16x80x256xi32, #tpu.memory_space<hbm>> -> memref<1x8x256xi32, #tpu.memory_space<hbm>>
      %dma_start3A_184 = tpu.memref_squeeze %dma_start3A_183 : memref<1x8x256xi32, #tpu.memory_space<hbm>> -> memref<8x256xi32, #tpu.memory_space<hbm>>
      tpu.enqueue_dma source(%dma_start3A_184 : memref<8x256xi32, #tpu.memory_space<hbm>>) target(%dma_start3A_180 : memref<8x256xi32, #tpu.memory_space<vmem>>) target_semaphore(%run_scoped3A_168 : memref<!tpu.dma_semaphore, #tpu.memory_space<semaphore_mem>>)
      %dma_wait3A_185 = arith.constant 0 : i32
      %dma_wait3A_186 = arith.constant 0 : i32
      %dma_wait3A_187 = tpu.memref_slice %arg12[%run_scoped3A_34, %dma_wait3A_185, %dma_wait3A_186] : memref<2x8x256xi32, #tpu.memory_space<vmem>> -> memref<1x8x256xi32, #tpu.memory_space<vmem>>
      %dma_wait3A_188 = tpu.memref_squeeze %dma_wait3A_187 : memref<1x8x256xi32, #tpu.memory_space<vmem>> -> memref<8x256xi32, #tpu.memory_space<vmem>>
      %dma_wait3A_189 = arith.constant 0 : i32
      %dma_wait3A_190 = arith.constant 0 : i32
      %dma_wait3A_191 = tpu.memref_slice %arg6[%arg1, %dma_wait3A_189, %dma_wait3A_190] : memref<16x80x256xi32, #tpu.memory_space<hbm>> -> memref<1x8x256xi32, #tpu.memory_space<hbm>>
      %dma_wait3A_192 = tpu.memref_squeeze %dma_wait3A_191 : memref<1x8x256xi32, #tpu.memory_space<hbm>> -> memref<8x256xi32, #tpu.memory_space<hbm>>
      %dma_wait3A_193 = arith.constant 0 : i32
      %dma_wait3A_194 = arith.constant 0 : i32
      %dma_wait3A_195 = tpu.memref_slice %arg12[%run_scoped3A_34, %dma_wait3A_193, %dma_wait3A_194] : memref<2x8x256xi32, #tpu.memory_space<vmem>> -> memref<1x8x256xi32, #tpu.memory_space<vmem>>
      %dma_wait3A_196 = tpu.memref_squeeze %dma_wait3A_195 : memref<1x8x256xi32, #tpu.memory_space<vmem>> -> memref<8x256xi32, #tpu.memory_space<vmem>>
      %dma_wait3A_197 = arith.constant 0 : i32
      %dma_wait3A_198 = arith.constant 0 : i32
      %dma_wait3A_199 = tpu.memref_slice %arg6[%arg1, %dma_wait3A_197, %dma_wait3A_198] : memref<16x80x256xi32, #tpu.memory_space<hbm>> -> memref<1x8x256xi32, #tpu.memory_space<hbm>>
      %dma_wait3A_200 = tpu.memref_squeeze %dma_wait3A_199 : memref<1x8x256xi32, #tpu.memory_space<hbm>> -> memref<8x256xi32, #tpu.memory_space<hbm>>
      tpu.wait_dma2 semaphore(%run_scoped3A_168 : memref<!tpu.dma_semaphore, #tpu.memory_space<semaphore_mem>>) src(%dma_wait3A_200 : memref<8x256xi32, #tpu.memory_space<hbm>>) dst(%dma_wait3A_196 : memref<8x256xi32, #tpu.memory_space<vmem>>)
      tpu.yield
    }) : () -> ()
    %run_scoped3A_35 = arith.constant 0 : i32
    "tpu.region"() ({
      %run_scoped3A_168 = tpu.sem_alloc : memref<!tpu.dma_semaphore, #tpu.memory_space<semaphore_mem>>
      %dma_start3A_169 = arith.constant 0 : i32
      %dma_start3A_170 = arith.constant 0 : i32
      %dma_start3A_171 = tpu.memref_slice %arg13[%run_scoped3A_35, %dma_start3A_169, %dma_start3A_170] : memref<2x8x256xi32, #tpu.memory_space<vmem>> -> memref<1x8x256xi32, #tpu.memory_space<vmem>>
      %dma_start3A_172 = tpu.memref_squeeze %dma_start3A_171 : memref<1x8x256xi32, #tpu.memory_space<vmem>> -> memref<8x256xi32, #tpu.memory_space<vmem>>
      %dma_start3A_173 = arith.constant 0 : i32
      %dma_start3A_174 = arith.constant 0 : i32
      %dma_start3A_175 = tpu.memref_slice %arg7[%arg1, %dma_start3A_173, %dma_start3A_174] : memref<16x80x256xi32, #tpu.memory_space<hbm>> -> memref<1x8x256xi32, #tpu.memory_space<hbm>>
      %dma_start3A_176 = tpu.memref_squeeze %dma_start3A_175 : memref<1x8x256xi32, #tpu.memory_space<hbm>> -> memref<8x256xi32, #tpu.memory_space<hbm>>
      %dma_start3A_177 = arith.constant 0 : i32
      %dma_start3A_178 = arith.constant 0 : i32
      %dma_start3A_179 = tpu.memref_slice %arg13[%run_scoped3A_35, %dma_start3A_177, %dma_start3A_178] : memref<2x8x256xi32, #tpu.memory_space<vmem>> -> memref<1x8x256xi32, #tpu.memory_space<vmem>>
      %dma_start3A_180 = tpu.memref_squeeze %dma_start3A_179 : memref<1x8x256xi32, #tpu.memory_space<vmem>> -> memref<8x256xi32, #tpu.memory_space<vmem>>
      %dma_start3A_181 = arith.constant 0 : i32
      %dma_start3A_182 = arith.constant 0 : i32
      %dma_start3A_183 = tpu.memref_slice %arg7[%arg1, %dma_start3A_181, %dma_start3A_182] : memref<16x80x256xi32, #tpu.memory_space<hbm>> -> memref<1x8x256xi32, #tpu.memory_space<hbm>>
      %dma_start3A_184 = tpu.memref_squeeze %dma_start3A_183 : memref<1x8x256xi32, #tpu.memory_space<hbm>> -> memref<8x256xi32, #tpu.memory_space<hbm>>
      tpu.enqueue_dma source(%dma_start3A_184 : memref<8x256xi32, #tpu.memory_space<hbm>>) target(%dma_start3A_180 : memref<8x256xi32, #tpu.memory_space<vmem>>) target_semaphore(%run_scoped3A_168 : memref<!tpu.dma_semaphore, #tpu.memory_space<semaphore_mem>>)
      %dma_wait3A_185 = arith.constant 0 : i32
      %dma_wait3A_186 = arith.constant 0 : i32
      %dma_wait3A_187 = tpu.memref_slice %arg13[%run_scoped3A_35, %dma_wait3A_185, %dma_wait3A_186] : memref<2x8x256xi32, #tpu.memory_space<vmem>> -> memref<1x8x256xi32, #tpu.memory_space<vmem>>
      %dma_wait3A_188 = tpu.memref_squeeze %dma_wait3A_187 : memref<1x8x256xi32, #tpu.memory_space<vmem>> -> memref<8x256xi32, #tpu.memory_space<vmem>>
      %dma_wait3A_189 = arith.constant 0 : i32
      %dma_wait3A_190 = arith.constant 0 : i32
      %dma_wait3A_191 = tpu.memref_slice %arg7[%arg1, %dma_wait3A_189, %dma_wait3A_190] : memref<16x80x256xi32, #tpu.memory_space<hbm>> -> memref<1x8x256xi32, #tpu.memory_space<hbm>>
      %dma_wait3A_192 = tpu.memref_squeeze %dma_wait3A_191 : memref<1x8x256xi32, #tpu.memory_space<hbm>> -> memref<8x256xi32, #tpu.memory_space<hbm>>
      %dma_wait3A_193 = arith.constant 0 : i32
      %dma_wait3A_194 = arith.constant 0 : i32
      %dma_wait3A_195 = tpu.memref_slice %arg13[%run_scoped3A_35, %dma_wait3A_193, %dma_wait3A_194] : memref<2x8x256xi32, #tpu.memory_space<vmem>> -> memref<1x8x256xi32, #tpu.memory_space<vmem>>
      %dma_wait3A_196 = tpu.memref_squeeze %dma_wait3A_195 : memref<1x8x256xi32, #tpu.memory_space<vmem>> -> memref<8x256xi32, #tpu.memory_space<vmem>>
      %dma_wait3A_197 = arith.constant 0 : i32
      %dma_wait3A_198 = arith.constant 0 : i32
      %dma_wait3A_199 = tpu.memref_slice %arg7[%arg1, %dma_wait3A_197, %dma_wait3A_198] : memref<16x80x256xi32, #tpu.memory_space<hbm>> -> memref<1x8x256xi32, #tpu.memory_space<hbm>>
      %dma_wait3A_200 = tpu.memref_squeeze %dma_wait3A_199 : memref<1x8x256xi32, #tpu.memory_space<hbm>> -> memref<8x256xi32, #tpu.memory_space<hbm>>
      tpu.wait_dma2 semaphore(%run_scoped3A_168 : memref<!tpu.dma_semaphore, #tpu.memory_space<semaphore_mem>>) src(%dma_wait3A_200 : memref<8x256xi32, #tpu.memory_space<hbm>>) dst(%dma_wait3A_196 : memref<8x256xi32, #tpu.memory_space<vmem>>)
      tpu.yield
    }) : () -> ()
    %dma_start3A = arith.constant 0 : i32
    %dma_start3A_36 = arith.constant 0 : i32
    %dma_start3A_37 = arith.constant 0 : i32
    %dma_start3A_38 = arith.constant 0 : i32
    %dma_start3A_39 = arith.constant 0 : i32
    %dma_start3A_40 = tpu.memref_slice %arg14[%dma_start3A_37, %dma_start3A_38, %dma_start3A_39] : memref<2x256x64xf32, #tpu.memory_space<vmem>> -> memref<1x256x64xf32, #tpu.memory_space<vmem>>
    %dma_start3A_41 = tpu.memref_squeeze %dma_start3A_40 : memref<1x256x64xf32, #tpu.memory_space<vmem>> -> memref<256x64xf32, #tpu.memory_space<vmem>>
    %dma_start3A_42 = arith.constant 0 : i32
    %dma_start3A_43 = tpu.memref_slice %arg12[%dma_start3A, %dma_start3A_36, %dma_start3A_42] : memref<2x8x256xi32, #tpu.memory_space<vmem>> -> memref<1x1x256xi32, #tpu.memory_space<vmem>>
    %dma_start3A_44 = tpu.memref_squeeze %dma_start3A_43 : memref<1x1x256xi32, #tpu.memory_space<vmem>> -> memref<256xi32, #tpu.memory_space<vmem>>
    %dma_start3A_45 = arith.constant 0 : i32
    %dma_start3A_46 = arith.constant 0 : i32
    %dma_start3A_47 = tpu.memref_slice %arg15[%dma_start3A_45, %dma_start3A_46] : memref<10000x64xf32, #tpu.memory_space<vmem_shared>> -> memref<10000x64xf32, #tpu.memory_space<vmem_shared>>
    tpu.enqueue_indirect_dma source(%dma_start3A_47 : memref<10000x64xf32, #tpu.memory_space<vmem_shared>>) target(%dma_start3A_41 : memref<256x64xf32, #tpu.memory_space<vmem>>) offsets(%dma_start3A_44 : memref<256xi32, #tpu.memory_space<vmem>>) semaphore(%arg17 : memref<!tpu.dma_semaphore, #tpu.memory_space<semaphore_mem>>)
    %scan3A_48 = arith.constant 0 : i32
    %scan3A_49 = arith.constant 0 : i32
    %scan3A_50 = arith.constant 10 : i32
    %scan3A_51 = arith.addi %scan3A_49, %scan3A_50 : i32
    %scan3A_52 = arith.constant 1 : i32
    scf.for %scan3A_168 = %scan3A_49 to %scan3A_51 step %scan3A_52  : i32 {
      %add3A_169 = arith.constant 1 : i32
      %add3A_170 = arith.addi %scan3A_168, %add3A_169 : i32
      %rem3A = arith.constant 2 : i32
      %rem3A_171 = arith.remsi %scan3A_168, %rem3A : i32
      %rem3A_172 = arith.constant 2 : i32
      %rem3A_173 = arith.remsi %add3A_170, %rem3A_172 : i32
      %gt3A = arith.constant 0 : i32
      %gt3A_174 = arith.cmpi sgt, %scan3A_168, %gt3A : i32
      %convert_element_type3A_175 = arith.extui %gt3A_174 : i1 to i32
      %cond3A_176 = arith.constant 0 : i32
      %cond3A_177 = arith.cmpi ne, %convert_element_type3A_175, %cond3A_176 : i32
      scf.if %cond3A_177 {
        %dma_wait3A_592 = arith.constant 1 : i32
        %dma_wait3A_593 = arith.constant 0 : i32
        %dma_wait3A_594 = arith.constant 0 : i32
        %dma_wait3A_595 = tpu.memref_slice %arg14[%dma_wait3A_592, %dma_wait3A_593, %dma_wait3A_594] : memref<2x256x64xf32, #tpu.memory_space<vmem>> -> memref<1x256x64xf32, #tpu.memory_space<vmem>>
        %dma_wait3A_596 = tpu.memref_squeeze %dma_wait3A_595 : memref<1x256x64xf32, #tpu.memory_space<vmem>> -> memref<256x64xf32, #tpu.memory_space<vmem>>
        %dma_wait3A_597 = arith.constant 0 : i32
        %dma_wait3A_598 = arith.constant 0 : i32
        %dma_wait3A_599 = tpu.memref_slice %arg16[%dma_wait3A_597, %dma_wait3A_598] : memref<10240x64xf32, #tpu.memory_space<vmem_shared>> -> memref<256x64xf32, #tpu.memory_space<vmem_shared>>
        %dma_wait3A_600 = arith.constant 0 : i32
        %dma_wait3A_601 = arith.constant 0 : i32
        %dma_wait3A_602 = tpu.memref_slice %arg16[%dma_wait3A_600, %dma_wait3A_601] : memref<10240x64xf32, #tpu.memory_space<vmem_shared>> -> memref<256x64xf32, #tpu.memory_space<vmem_shared>>
        %dma_wait3A_603 = arith.constant 0 : i32
        %dma_wait3A_604 = arith.constant 0 : i32
        %dma_wait3A_605 = tpu.memref_slice %arg14[%dma_wait3A_592, %dma_wait3A_603, %dma_wait3A_604] : memref<2x256x64xf32, #tpu.memory_space<vmem>> -> memref<1x256x64xf32, #tpu.memory_space<vmem>>
        %dma_wait3A_606 = tpu.memref_squeeze %dma_wait3A_605 : memref<1x256x64xf32, #tpu.memory_space<vmem>> -> memref<256x64xf32, #tpu.memory_space<vmem>>
        tpu.wait_dma2 semaphore(%arg20 : memref<!tpu.dma_semaphore, #tpu.memory_space<semaphore_mem>>) src(%dma_wait3A_606 : memref<256x64xf32, #tpu.memory_space<vmem>>) dst(%dma_wait3A_602 : memref<256x64xf32, #tpu.memory_space<vmem_shared>>)
      } else {
      }
      %lt3A = arith.constant 10 : i32
      %lt3A_178 = arith.cmpi slt, %add3A_170, %lt3A : i32
      %convert_element_type3A_179 = arith.extui %lt3A_178 : i1 to i32
      %cond3A_180 = arith.constant 0 : i32
      %cond3A_181 = arith.cmpi ne, %convert_element_type3A_179, %cond3A_180 : i32
      scf.if %cond3A_181 {
        %mul3A_592 = arith.constant 8 : i32
        %mul3A_593 = arith.muli %add3A_170, %mul3A_592 : i32
        %dma_start3A_594 = arith.constant 0 : i32
        %dma_start3A_595 = arith.constant 0 : i32
        %dma_start3A_596 = tpu.memref_slice %arg12[%rem3A_173, %dma_start3A_594, %dma_start3A_595] : memref<2x8x256xi32, #tpu.memory_space<vmem>> -> memref<1x8x256xi32, #tpu.memory_space<vmem>>
        %dma_start3A_597 = tpu.memref_squeeze %dma_start3A_596 : memref<1x8x256xi32, #tpu.memory_space<vmem>> -> memref<8x256xi32, #tpu.memory_space<vmem>>
        %dma_start3A_598 = arith.constant 0 : i32
        %dma_start3A_599 = tpu.memref_slice %arg6[%arg1, %mul3A_593, %dma_start3A_598] : memref<16x80x256xi32, #tpu.memory_space<hbm>> -> memref<1x8x256xi32, #tpu.memory_space<hbm>>
        %dma_start3A_600 = tpu.memref_squeeze %dma_start3A_599 : memref<1x8x256xi32, #tpu.memory_space<hbm>> -> memref<8x256xi32, #tpu.memory_space<hbm>>
        %dma_start3A_601 = arith.constant 0 : i32
        %dma_start3A_602 = arith.constant 0 : i32
        %dma_start3A_603 = tpu.memref_slice %arg12[%rem3A_173, %dma_start3A_601, %dma_start3A_602] : memref<2x8x256xi32, #tpu.memory_space<vmem>> -> memref<1x8x256xi32, #tpu.memory_space<vmem>>
        %dma_start3A_604 = tpu.memref_squeeze %dma_start3A_603 : memref<1x8x256xi32, #tpu.memory_space<vmem>> -> memref<8x256xi32, #tpu.memory_space<vmem>>
        %dma_start3A_605 = arith.constant 0 : i32
        %dma_start3A_606 = tpu.memref_slice %arg6[%arg1, %mul3A_593, %dma_start3A_605] : memref<16x80x256xi32, #tpu.memory_space<hbm>> -> memref<1x8x256xi32, #tpu.memory_space<hbm>>
        %dma_start3A_607 = tpu.memref_squeeze %dma_start3A_606 : memref<1x8x256xi32, #tpu.memory_space<hbm>> -> memref<8x256xi32, #tpu.memory_space<hbm>>
        tpu.enqueue_dma source(%dma_start3A_607 : memref<8x256xi32, #tpu.memory_space<hbm>>) target(%dma_start3A_604 : memref<8x256xi32, #tpu.memory_space<vmem>>) target_semaphore(%arg21 : memref<!tpu.dma_semaphore, #tpu.memory_space<semaphore_mem>>)
        %mul3A_608 = arith.constant 8 : i32
        %mul3A_609 = arith.muli %add3A_170, %mul3A_608 : i32
        %dma_start3A_610 = arith.constant 0 : i32
        %dma_start3A_611 = arith.constant 0 : i32
        %dma_start3A_612 = tpu.memref_slice %arg13[%rem3A_173, %dma_start3A_610, %dma_start3A_611] : memref<2x8x256xi32, #tpu.memory_space<vmem>> -> memref<1x8x256xi32, #tpu.memory_space<vmem>>
        %dma_start3A_613 = tpu.memref_squeeze %dma_start3A_612 : memref<1x8x256xi32, #tpu.memory_space<vmem>> -> memref<8x256xi32, #tpu.memory_space<vmem>>
        %dma_start3A_614 = arith.constant 0 : i32
        %dma_start3A_615 = tpu.memref_slice %arg7[%arg1, %mul3A_609, %dma_start3A_614] : memref<16x80x256xi32, #tpu.memory_space<hbm>> -> memref<1x8x256xi32, #tpu.memory_space<hbm>>
        %dma_start3A_616 = tpu.memref_squeeze %dma_start3A_615 : memref<1x8x256xi32, #tpu.memory_space<hbm>> -> memref<8x256xi32, #tpu.memory_space<hbm>>
        %dma_start3A_617 = arith.constant 0 : i32
        %dma_start3A_618 = arith.constant 0 : i32
        %dma_start3A_619 = tpu.memref_slice %arg13[%rem3A_173, %dma_start3A_617, %dma_start3A_618] : memref<2x8x256xi32, #tpu.memory_space<vmem>> -> memref<1x8x256xi32, #tpu.memory_space<vmem>>
        %dma_start3A_620 = tpu.memref_squeeze %dma_start3A_619 : memref<1x8x256xi32, #tpu.memory_space<vmem>> -> memref<8x256xi32, #tpu.memory_space<vmem>>
        %dma_start3A_621 = arith.constant 0 : i32
        %dma_start3A_622 = tpu.memref_slice %arg7[%arg1, %mul3A_609, %dma_start3A_621] : memref<16x80x256xi32, #tpu.memory_space<hbm>> -> memref<1x8x256xi32, #tpu.memory_space<hbm>>
        %dma_start3A_623 = tpu.memref_squeeze %dma_start3A_622 : memref<1x8x256xi32, #tpu.memory_space<hbm>> -> memref<8x256xi32, #tpu.memory_space<hbm>>
        tpu.enqueue_dma source(%dma_start3A_623 : memref<8x256xi32, #tpu.memory_space<hbm>>) target(%dma_start3A_620 : memref<8x256xi32, #tpu.memory_space<vmem>>) target_semaphore(%arg21 : memref<!tpu.dma_semaphore, #tpu.memory_space<semaphore_mem>>)
      } else {
      }
      %dma_wait3A_182 = arith.constant 0 : i32
      %dma_wait3A_183 = arith.constant 0 : i32
      %dma_wait3A_184 = arith.constant 0 : i32
      %dma_wait3A_185 = tpu.memref_slice %arg14[%dma_wait3A_182, %dma_wait3A_183, %dma_wait3A_184] : memref<2x256x64xf32, #tpu.memory_space<vmem>> -> memref<1x256x64xf32, #tpu.memory_space<vmem>>
      %dma_wait3A_186 = tpu.memref_squeeze %dma_wait3A_185 : memref<1x256x64xf32, #tpu.memory_space<vmem>> -> memref<256x64xf32, #tpu.memory_space<vmem>>
      %dma_wait3A_187 = arith.constant 0 : i32
      %dma_wait3A_188 = arith.constant 0 : i32
      %dma_wait3A_189 = tpu.memref_slice %arg2[%dma_wait3A_187, %dma_wait3A_188] : memref<10000x64xf32, #tpu.memory_space<hbm>> -> memref<256x64xf32, #tpu.memory_space<hbm>>
      %dma_wait3A_190 = arith.constant 0 : i32
      %dma_wait3A_191 = arith.constant 0 : i32
      %dma_wait3A_192 = tpu.memref_slice %arg14[%dma_wait3A_182, %dma_wait3A_190, %dma_wait3A_191] : memref<2x256x64xf32, #tpu.memory_space<vmem>> -> memref<1x256x64xf32, #tpu.memory_space<vmem>>
      %dma_wait3A_193 = tpu.memref_squeeze %dma_wait3A_192 : memref<1x256x64xf32, #tpu.memory_space<vmem>> -> memref<256x64xf32, #tpu.memory_space<vmem>>
      %dma_wait3A_194 = arith.constant 0 : i32
      %dma_wait3A_195 = arith.constant 0 : i32
      %dma_wait3A_196 = tpu.memref_slice %arg2[%dma_wait3A_194, %dma_wait3A_195] : memref<10000x64xf32, #tpu.memory_space<hbm>> -> memref<256x64xf32, #tpu.memory_space<hbm>>
      tpu.wait_dma2 semaphore(%arg17 : memref<!tpu.dma_semaphore, #tpu.memory_space<semaphore_mem>>) src(%dma_wait3A_196 : memref<256x64xf32, #tpu.memory_space<hbm>>) dst(%dma_wait3A_193 : memref<256x64xf32, #tpu.memory_space<vmem>>)
      %dma_start3A_197 = arith.constant 1 : i32
      %dma_start3A_198 = arith.constant 1 : i32
      %dma_start3A_199 = arith.constant 0 : i32
      %dma_start3A_200 = arith.constant 0 : i32
      %dma_start3A_201 = tpu.memref_slice %arg14[%dma_start3A_198, %dma_start3A_199, %dma_start3A_200] : memref<2x256x64xf32, #tpu.memory_space<vmem>> -> memref<1x256x64xf32, #tpu.memory_space<vmem>>
      %dma_start3A_202 = tpu.memref_squeeze %dma_start3A_201 : memref<1x256x64xf32, #tpu.memory_space<vmem>> -> memref<256x64xf32, #tpu.memory_space<vmem>>
      %dma_start3A_203 = arith.constant 0 : i32
      %dma_start3A_204 = tpu.memref_slice %arg12[%rem3A_171, %dma_start3A_197, %dma_start3A_203] : memref<2x8x256xi32, #tpu.memory_space<vmem>> -> memref<1x1x256xi32, #tpu.memory_space<vmem>>
      %dma_start3A_205 = tpu.memref_squeeze %dma_start3A_204 : memref<1x1x256xi32, #tpu.memory_space<vmem>> -> memref<256xi32, #tpu.memory_space<vmem>>
      %dma_start3A_206 = arith.constant 0 : i32
      %dma_start3A_207 = arith.constant 0 : i32
      %dma_start3A_208 = tpu.memref_slice %arg15[%dma_start3A_206, %dma_start3A_207] : memref<10000x64xf32, #tpu.memory_space<vmem_shared>> -> memref<10000x64xf32, #tpu.memory_space<vmem_shared>>
      tpu.enqueue_indirect_dma source(%dma_start3A_208 : memref<10000x64xf32, #tpu.memory_space<vmem_shared>>) target(%dma_start3A_202 : memref<256x64xf32, #tpu.memory_space<vmem>>) offsets(%dma_start3A_205 : memref<256xi32, #tpu.memory_space<vmem>>) semaphore(%arg18 : memref<!tpu.dma_semaphore, #tpu.memory_space<semaphore_mem>>)
      %dma_start3A_209 = arith.constant 0 : i32
      %dma_start3A_210 = arith.constant 0 : i32
      %dma_start3A_211 = arith.constant 0 : i32
      %dma_start3A_212 = arith.constant 0 : i32
      %dma_start3A_213 = tpu.memref_slice %arg14[%dma_start3A_209, %dma_start3A_211, %dma_start3A_212] : memref<2x256x64xf32, #tpu.memory_space<vmem>> -> memref<1x256x64xf32, #tpu.memory_space<vmem>>
      %dma_start3A_214 = tpu.memref_squeeze %dma_start3A_213 : memref<1x256x64xf32, #tpu.memory_space<vmem>> -> memref<256x64xf32, #tpu.memory_space<vmem>>
      %dma_start3A_215 = arith.constant 0 : i32
      %dma_start3A_216 = tpu.memref_slice %arg13[%rem3A_171, %dma_start3A_210, %dma_start3A_215] : memref<2x8x256xi32, #tpu.memory_space<vmem>> -> memref<1x1x256xi32, #tpu.memory_space<vmem>>
      %dma_start3A_217 = tpu.memref_squeeze %dma_start3A_216 : memref<1x1x256xi32, #tpu.memory_space<vmem>> -> memref<256xi32, #tpu.memory_space<vmem>>
      %dma_start3A_218 = arith.constant 0 : i32
      %dma_start3A_219 = arith.constant 0 : i32
      %dma_start3A_220 = tpu.memref_slice %arg16[%dma_start3A_218, %dma_start3A_219] : memref<10240x64xf32, #tpu.memory_space<vmem_shared>> -> memref<10240x64xf32, #tpu.memory_space<vmem_shared>>
      tpu.enqueue_indirect_dma source(%dma_start3A_214 : memref<256x64xf32, #tpu.memory_space<vmem>>) target(%dma_start3A_220 : memref<10240x64xf32, #tpu.memory_space<vmem_shared>>) offsets(%dma_start3A_217 : memref<256xi32, #tpu.memory_space<vmem>>) semaphore(%arg19 : memref<!tpu.dma_semaphore, #tpu.memory_space<semaphore_mem>>) {add = true}
      %dma_wait3A_221 = arith.constant 1 : i32
      %dma_wait3A_222 = arith.constant 0 : i32
      %dma_wait3A_223 = arith.constant 0 : i32
      %dma_wait3A_224 = tpu.memref_slice %arg14[%dma_wait3A_221, %dma_wait3A_222, %dma_wait3A_223] : memref<2x256x64xf32, #tpu.memory_space<vmem>> -> memref<1x256x64xf32, #tpu.memory_space<vmem>>
      %dma_wait3A_225 = tpu.memref_squeeze %dma_wait3A_224 : memref<1x256x64xf32, #tpu.memory_space<vmem>> -> memref<256x64xf32, #tpu.memory_space<vmem>>
      %dma_wait3A_226 = arith.constant 0 : i32
      %dma_wait3A_227 = arith.constant 0 : i32
      %dma_wait3A_228 = tpu.memref_slice %arg2[%dma_wait3A_226, %dma_wait3A_227] : memref<10000x64xf32, #tpu.memory_space<hbm>> -> memref<256x64xf32, #tpu.memory_space<hbm>>
      %dma_wait3A_229 = arith.constant 0 : i32
      %dma_wait3A_230 = arith.constant 0 : i32
      %dma_wait3A_231 = tpu.memref_slice %arg14[%dma_wait3A_221, %dma_wait3A_229, %dma_wait3A_230] : memref<2x256x64xf32, #tpu.memory_space<vmem>> -> memref<1x256x64xf32, #tpu.memory_space<vmem>>
      %dma_wait3A_232 = tpu.memref_squeeze %dma_wait3A_231 : memref<1x256x64xf32, #tpu.memory_space<vmem>> -> memref<256x64xf32, #tpu.memory_space<vmem>>
      %dma_wait3A_233 = arith.constant 0 : i32
      %dma_wait3A_234 = arith.constant 0 : i32
      %dma_wait3A_235 = tpu.memref_slice %arg2[%dma_wait3A_233, %dma_wait3A_234] : memref<10000x64xf32, #tpu.memory_space<hbm>> -> memref<256x64xf32, #tpu.memory_space<hbm>>
      tpu.wait_dma2 semaphore(%arg18 : memref<!tpu.dma_semaphore, #tpu.memory_space<semaphore_mem>>) src(%dma_wait3A_235 : memref<256x64xf32, #tpu.memory_space<hbm>>) dst(%dma_wait3A_232 : memref<256x64xf32, #tpu.memory_space<vmem>>)
      %dma_wait3A_236 = arith.constant 0 : i32
      %dma_wait3A_237 = arith.constant 0 : i32
      %dma_wait3A_238 = arith.constant 0 : i32
      %dma_wait3A_239 = tpu.memref_slice %arg14[%dma_wait3A_236, %dma_wait3A_237, %dma_wait3A_238] : memref<2x256x64xf32, #tpu.memory_space<vmem>> -> memref<1x256x64xf32, #tpu.memory_space<vmem>>
      %dma_wait3A_240 = tpu.memref_squeeze %dma_wait3A_239 : memref<1x256x64xf32, #tpu.memory_space<vmem>> -> memref<256x64xf32, #tpu.memory_space<vmem>>
      %dma_wait3A_241 = arith.constant 0 : i32
      %dma_wait3A_242 = arith.constant 0 : i32
      %dma_wait3A_243 = tpu.memref_slice %arg16[%dma_wait3A_241, %dma_wait3A_242] : memref<10240x64xf32, #tpu.memory_space<vmem_shared>> -> memref<256x64xf32, #tpu.memory_space<vmem_shared>>
      %dma_wait3A_244 = arith.constant 0 : i32
      %dma_wait3A_245 = arith.constant 0 : i32
      %dma_wait3A_246 = tpu.memref_slice %arg16[%dma_wait3A_244, %dma_wait3A_245] : memref<10240x64xf32, #tpu.memory_space<vmem_shared>> -> memref<256x64xf32, #tpu.memory_space<vmem_shared>>
      %dma_wait3A_247 = arith.constant 0 : i32
      %dma_wait3A_248 = arith.constant 0 : i32
      %dma_wait3A_249 = tpu.memref_slice %arg14[%dma_wait3A_236, %dma_wait3A_247, %dma_wait3A_248] : memref<2x256x64xf32, #tpu.memory_space<vmem>> -> memref<1x256x64xf32, #tpu.memory_space<vmem>>
      %dma_wait3A_250 = tpu.memref_squeeze %dma_wait3A_249 : memref<1x256x64xf32, #tpu.memory_space<vmem>> -> memref<256x64xf32, #tpu.memory_space<vmem>>
      tpu.wait_dma2 semaphore(%arg19 : memref<!tpu.dma_semaphore, #tpu.memory_space<semaphore_mem>>) src(%dma_wait3A_250 : memref<256x64xf32, #tpu.memory_space<vmem>>) dst(%dma_wait3A_246 : memref<256x64xf32, #tpu.memory_space<vmem_shared>>)
      %dma_start3A_251 = arith.constant 2 : i32
      %dma_start3A_252 = arith.constant 0 : i32
      %dma_start3A_253 = arith.constant 0 : i32
      %dma_start3A_254 = arith.constant 0 : i32
      %dma_start3A_255 = tpu.memref_slice %arg14[%dma_start3A_252, %dma_start3A_253, %dma_start3A_254] : memref<2x256x64xf32, #tpu.memory_space<vmem>> -> memref<1x256x64xf32, #tpu.memory_space<vmem>>
      %dma_start3A_256 = tpu.memref_squeeze %dma_start3A_255 : memref<1x256x64xf32, #tpu.memory_space<vmem>> -> memref<256x64xf32, #tpu.memory_space<vmem>>
      %dma_start3A_257 = arith.constant 0 : i32
      %dma_start3A_258 = tpu.memref_slice %arg12[%rem3A_171, %dma_start3A_251, %dma_start3A_257] : memref<2x8x256xi32, #tpu.memory_space<vmem>> -> memref<1x1x256xi32, #tpu.memory_space<vmem>>
      %dma_start3A_259 = tpu.memref_squeeze %dma_start3A_258 : memref<1x1x256xi32, #tpu.memory_space<vmem>> -> memref<256xi32, #tpu.memory_space<vmem>>
      %dma_start3A_260 = arith.constant 0 : i32
      %dma_start3A_261 = arith.constant 0 : i32
      %dma_start3A_262 = tpu.memref_slice %arg15[%dma_start3A_260, %dma_start3A_261] : memref<10000x64xf32, #tpu.memory_space<vmem_shared>> -> memref<10000x64xf32, #tpu.memory_space<vmem_shared>>
      tpu.enqueue_indirect_dma source(%dma_start3A_262 : memref<10000x64xf32, #tpu.memory_space<vmem_shared>>) target(%dma_start3A_256 : memref<256x64xf32, #tpu.memory_space<vmem>>) offsets(%dma_start3A_259 : memref<256xi32, #tpu.memory_space<vmem>>) semaphore(%arg17 : memref<!tpu.dma_semaphore, #tpu.memory_space<semaphore_mem>>)
      %dma_start3A_263 = arith.constant 1 : i32
      %dma_start3A_264 = arith.constant 1 : i32
      %dma_start3A_265 = arith.constant 0 : i32
      %dma_start3A_266 = arith.constant 0 : i32
      %dma_start3A_267 = tpu.memref_slice %arg14[%dma_start3A_263, %dma_start3A_265, %dma_start3A_266] : memref<2x256x64xf32, #tpu.memory_space<vmem>> -> memref<1x256x64xf32, #tpu.memory_space<vmem>>
      %dma_start3A_268 = tpu.memref_squeeze %dma_start3A_267 : memref<1x256x64xf32, #tpu.memory_space<vmem>> -> memref<256x64xf32, #tpu.memory_space<vmem>>
      %dma_start3A_269 = arith.constant 0 : i32
      %dma_start3A_270 = tpu.memref_slice %arg13[%rem3A_171, %dma_start3A_264, %dma_start3A_269] : memref<2x8x256xi32, #tpu.memory_space<vmem>> -> memref<1x1x256xi32, #tpu.memory_space<vmem>>
      %dma_start3A_271 = tpu.memref_squeeze %dma_start3A_270 : memref<1x1x256xi32, #tpu.memory_space<vmem>> -> memref<256xi32, #tpu.memory_space<vmem>>
      %dma_start3A_272 = arith.constant 0 : i32
      %dma_start3A_273 = arith.constant 0 : i32
      %dma_start3A_274 = tpu.memref_slice %arg16[%dma_start3A_272, %dma_start3A_273] : memref<10240x64xf32, #tpu.memory_space<vmem_shared>> -> memref<10240x64xf32, #tpu.memory_space<vmem_shared>>
      tpu.enqueue_indirect_dma source(%dma_start3A_268 : memref<256x64xf32, #tpu.memory_space<vmem>>) target(%dma_start3A_274 : memref<10240x64xf32, #tpu.memory_space<vmem_shared>>) offsets(%dma_start3A_271 : memref<256xi32, #tpu.memory_space<vmem>>) semaphore(%arg20 : memref<!tpu.dma_semaphore, #tpu.memory_space<semaphore_mem>>) {add = true}
      %dma_wait3A_275 = arith.constant 0 : i32
      %dma_wait3A_276 = arith.constant 0 : i32
      %dma_wait3A_277 = arith.constant 0 : i32
      %dma_wait3A_278 = tpu.memref_slice %arg14[%dma_wait3A_275, %dma_wait3A_276, %dma_wait3A_277] : memref<2x256x64xf32, #tpu.memory_space<vmem>> -> memref<1x256x64xf32, #tpu.memory_space<vmem>>
      %dma_wait3A_279 = tpu.memref_squeeze %dma_wait3A_278 : memref<1x256x64xf32, #tpu.memory_space<vmem>> -> memref<256x64xf32, #tpu.memory_space<vmem>>
      %dma_wait3A_280 = arith.constant 0 : i32
      %dma_wait3A_281 = arith.constant 0 : i32
      %dma_wait3A_282 = tpu.memref_slice %arg2[%dma_wait3A_280, %dma_wait3A_281] : memref<10000x64xf32, #tpu.memory_space<hbm>> -> memref<256x64xf32, #tpu.memory_space<hbm>>
      %dma_wait3A_283 = arith.constant 0 : i32
      %dma_wait3A_284 = arith.constant 0 : i32
      %dma_wait3A_285 = tpu.memref_slice %arg14[%dma_wait3A_275, %dma_wait3A_283, %dma_wait3A_284] : memref<2x256x64xf32, #tpu.memory_space<vmem>> -> memref<1x256x64xf32, #tpu.memory_space<vmem>>
      %dma_wait3A_286 = tpu.memref_squeeze %dma_wait3A_285 : memref<1x256x64xf32, #tpu.memory_space<vmem>> -> memref<256x64xf32, #tpu.memory_space<vmem>>
      %dma_wait3A_287 = arith.constant 0 : i32
      %dma_wait3A_288 = arith.constant 0 : i32
      %dma_wait3A_289 = tpu.memref_slice %arg2[%dma_wait3A_287, %dma_wait3A_288] : memref<10000x64xf32, #tpu.memory_space<hbm>> -> memref<256x64xf32, #tpu.memory_space<hbm>>
      tpu.wait_dma2 semaphore(%arg17 : memref<!tpu.dma_semaphore, #tpu.memory_space<semaphore_mem>>) src(%dma_wait3A_289 : memref<256x64xf32, #tpu.memory_space<hbm>>) dst(%dma_wait3A_286 : memref<256x64xf32, #tpu.memory_space<vmem>>)
      %dma_wait3A_290 = arith.constant 1 : i32
      %dma_wait3A_291 = arith.constant 0 : i32
      %dma_wait3A_292 = arith.constant 0 : i32
      %dma_wait3A_293 = tpu.memref_slice %arg14[%dma_wait3A_290, %dma_wait3A_291, %dma_wait3A_292] : memref<2x256x64xf32, #tpu.memory_space<vmem>> -> memref<1x256x64xf32, #tpu.memory_space<vmem>>
      %dma_wait3A_294 = tpu.memref_squeeze %dma_wait3A_293 : memref<1x256x64xf32, #tpu.memory_space<vmem>> -> memref<256x64xf32, #tpu.memory_space<vmem>>
      %dma_wait3A_295 = arith.constant 0 : i32
      %dma_wait3A_296 = arith.constant 0 : i32
      %dma_wait3A_297 = tpu.memref_slice %arg16[%dma_wait3A_295, %dma_wait3A_296] : memref<10240x64xf32, #tpu.memory_space<vmem_shared>> -> memref<256x64xf32, #tpu.memory_space<vmem_shared>>
      %dma_wait3A_298 = arith.constant 0 : i32
      %dma_wait3A_299 = arith.constant 0 : i32
      %dma_wait3A_300 = tpu.memref_slice %arg16[%dma_wait3A_298, %dma_wait3A_299] : memref<10240x64xf32, #tpu.memory_space<vmem_shared>> -> memref<256x64xf32, #tpu.memory_space<vmem_shared>>
      %dma_wait3A_301 = arith.constant 0 : i32
      %dma_wait3A_302 = arith.constant 0 : i32
      %dma_wait3A_303 = tpu.memref_slice %arg14[%dma_wait3A_290, %dma_wait3A_301, %dma_wait3A_302] : memref<2x256x64xf32, #tpu.memory_space<vmem>> -> memref<1x256x64xf32, #tpu.memory_space<vmem>>
      %dma_wait3A_304 = tpu.memref_squeeze %dma_wait3A_303 : memref<1x256x64xf32, #tpu.memory_space<vmem>> -> memref<256x64xf32, #tpu.memory_space<vmem>>
      tpu.wait_dma2 semaphore(%arg20 : memref<!tpu.dma_semaphore, #tpu.memory_space<semaphore_mem>>) src(%dma_wait3A_304 : memref<256x64xf32, #tpu.memory_space<vmem>>) dst(%dma_wait3A_300 : memref<256x64xf32, #tpu.memory_space<vmem_shared>>)
      %dma_start3A_305 = arith.constant 3 : i32
      %dma_start3A_306 = arith.constant 1 : i32
      %dma_start3A_307 = arith.constant 0 : i32
      %dma_start3A_308 = arith.constant 0 : i32
      %dma_start3A_309 = tpu.memref_slice %arg14[%dma_start3A_306, %dma_start3A_307, %dma_start3A_308] : memref<2x256x64xf32, #tpu.memory_space<vmem>> -> memref<1x256x64xf32, #tpu.memory_space<vmem>>
      %dma_start3A_310 = tpu.memref_squeeze %dma_start3A_309 : memref<1x256x64xf32, #tpu.memory_space<vmem>> -> memref<256x64xf32, #tpu.memory_space<vmem>>
      %dma_start3A_311 = arith.constant 0 : i32
      %dma_start3A_312 = tpu.memref_slice %arg12[%rem3A_171, %dma_start3A_305, %dma_start3A_311] : memref<2x8x256xi32, #tpu.memory_space<vmem>> -> memref<1x1x256xi32, #tpu.memory_space<vmem>>
      %dma_start3A_313 = tpu.memref_squeeze %dma_start3A_312 : memref<1x1x256xi32, #tpu.memory_space<vmem>> -> memref<256xi32, #tpu.memory_space<vmem>>
      %dma_start3A_314 = arith.constant 0 : i32
      %dma_start3A_315 = arith.constant 0 : i32
      %dma_start3A_316 = tpu.memref_slice %arg15[%dma_start3A_314, %dma_start3A_315] : memref<10000x64xf32, #tpu.memory_space<vmem_shared>> -> memref<10000x64xf32, #tpu.memory_space<vmem_shared>>
      tpu.enqueue_indirect_dma source(%dma_start3A_316 : memref<10000x64xf32, #tpu.memory_space<vmem_shared>>) target(%dma_start3A_310 : memref<256x64xf32, #tpu.memory_space<vmem>>) offsets(%dma_start3A_313 : memref<256xi32, #tpu.memory_space<vmem>>) semaphore(%arg18 : memref<!tpu.dma_semaphore, #tpu.memory_space<semaphore_mem>>)
      %dma_start3A_317 = arith.constant 0 : i32
      %dma_start3A_318 = arith.constant 2 : i32
      %dma_start3A_319 = arith.constant 0 : i32
      %dma_start3A_320 = arith.constant 0 : i32
      %dma_start3A_321 = tpu.memref_slice %arg14[%dma_start3A_317, %dma_start3A_319, %dma_start3A_320] : memref<2x256x64xf32, #tpu.memory_space<vmem>> -> memref<1x256x64xf32, #tpu.memory_space<vmem>>
      %dma_start3A_322 = tpu.memref_squeeze %dma_start3A_321 : memref<1x256x64xf32, #tpu.memory_space<vmem>> -> memref<256x64xf32, #tpu.memory_space<vmem>>
      %dma_start3A_323 = arith.constant 0 : i32
      %dma_start3A_324 = tpu.memref_slice %arg13[%rem3A_171, %dma_start3A_318, %dma_start3A_323] : memref<2x8x256xi32, #tpu.memory_space<vmem>> -> memref<1x1x256xi32, #tpu.memory_space<vmem>>
      %dma_start3A_325 = tpu.memref_squeeze %dma_start3A_324 : memref<1x1x256xi32, #tpu.memory_space<vmem>> -> memref<256xi32, #tpu.memory_space<vmem>>
      %dma_start3A_326 = arith.constant 0 : i32
      %dma_start3A_327 = arith.constant 0 : i32
      %dma_start3A_328 = tpu.memref_slice %arg16[%dma_start3A_326, %dma_start3A_327] : memref<10240x64xf32, #tpu.memory_space<vmem_shared>> -> memref<10240x64xf32, #tpu.memory_space<vmem_shared>>
      tpu.enqueue_indirect_dma source(%dma_start3A_322 : memref<256x64xf32, #tpu.memory_space<vmem>>) target(%dma_start3A_328 : memref<10240x64xf32, #tpu.memory_space<vmem_shared>>) offsets(%dma_start3A_325 : memref<256xi32, #tpu.memory_space<vmem>>) semaphore(%arg19 : memref<!tpu.dma_semaphore, #tpu.memory_space<semaphore_mem>>) {add = true}
      %dma_wait3A_329 = arith.constant 1 : i32
      %dma_wait3A_330 = arith.constant 0 : i32
      %dma_wait3A_331 = arith.constant 0 : i32
      %dma_wait3A_332 = tpu.memref_slice %arg14[%dma_wait3A_329, %dma_wait3A_330, %dma_wait3A_331] : memref<2x256x64xf32, #tpu.memory_space<vmem>> -> memref<1x256x64xf32, #tpu.memory_space<vmem>>
      %dma_wait3A_333 = tpu.memref_squeeze %dma_wait3A_332 : memref<1x256x64xf32, #tpu.memory_space<vmem>> -> memref<256x64xf32, #tpu.memory_space<vmem>>
      %dma_wait3A_334 = arith.constant 0 : i32
      %dma_wait3A_335 = arith.constant 0 : i32
      %dma_wait3A_336 = tpu.memref_slice %arg2[%dma_wait3A_334, %dma_wait3A_335] : memref<10000x64xf32, #tpu.memory_space<hbm>> -> memref<256x64xf32, #tpu.memory_space<hbm>>
      %dma_wait3A_337 = arith.constant 0 : i32
      %dma_wait3A_338 = arith.constant 0 : i32
      %dma_wait3A_339 = tpu.memref_slice %arg14[%dma_wait3A_329, %dma_wait3A_337, %dma_wait3A_338] : memref<2x256x64xf32, #tpu.memory_space<vmem>> -> memref<1x256x64xf32, #tpu.memory_space<vmem>>
      %dma_wait3A_340 = tpu.memref_squeeze %dma_wait3A_339 : memref<1x256x64xf32, #tpu.memory_space<vmem>> -> memref<256x64xf32, #tpu.memory_space<vmem>>
      %dma_wait3A_341 = arith.constant 0 : i32
      %dma_wait3A_342 = arith.constant 0 : i32
      %dma_wait3A_343 = tpu.memref_slice %arg2[%dma_wait3A_341, %dma_wait3A_342] : memref<10000x64xf32, #tpu.memory_space<hbm>> -> memref<256x64xf32, #tpu.memory_space<hbm>>
      tpu.wait_dma2 semaphore(%arg18 : memref<!tpu.dma_semaphore, #tpu.memory_space<semaphore_mem>>) src(%dma_wait3A_343 : memref<256x64xf32, #tpu.memory_space<hbm>>) dst(%dma_wait3A_340 : memref<256x64xf32, #tpu.memory_space<vmem>>)
      %dma_wait3A_344 = arith.constant 0 : i32
      %dma_wait3A_345 = arith.constant 0 : i32
      %dma_wait3A_346 = arith.constant 0 : i32
      %dma_wait3A_347 = tpu.memref_slice %arg14[%dma_wait3A_344, %dma_wait3A_345, %dma_wait3A_346] : memref<2x256x64xf32, #tpu.memory_space<vmem>> -> memref<1x256x64xf32, #tpu.memory_space<vmem>>
      %dma_wait3A_348 = tpu.memref_squeeze %dma_wait3A_347 : memref<1x256x64xf32, #tpu.memory_space<vmem>> -> memref<256x64xf32, #tpu.memory_space<vmem>>
      %dma_wait3A_349 = arith.constant 0 : i32
      %dma_wait3A_350 = arith.constant 0 : i32
      %dma_wait3A_351 = tpu.memref_slice %arg16[%dma_wait3A_349, %dma_wait3A_350] : memref<10240x64xf32, #tpu.memory_space<vmem_shared>> -> memref<256x64xf32, #tpu.memory_space<vmem_shared>>
      %dma_wait3A_352 = arith.constant 0 : i32
      %dma_wait3A_353 = arith.constant 0 : i32
      %dma_wait3A_354 = tpu.memref_slice %arg16[%dma_wait3A_352, %dma_wait3A_353] : memref<10240x64xf32, #tpu.memory_space<vmem_shared>> -> memref<256x64xf32, #tpu.memory_space<vmem_shared>>
      %dma_wait3A_355 = arith.constant 0 : i32
      %dma_wait3A_356 = arith.constant 0 : i32
      %dma_wait3A_357 = tpu.memref_slice %arg14[%dma_wait3A_344, %dma_wait3A_355, %dma_wait3A_356] : memref<2x256x64xf32, #tpu.memory_space<vmem>> -> memref<1x256x64xf32, #tpu.memory_space<vmem>>
      %dma_wait3A_358 = tpu.memref_squeeze %dma_wait3A_357 : memref<1x256x64xf32, #tpu.memory_space<vmem>> -> memref<256x64xf32, #tpu.memory_space<vmem>>
      tpu.wait_dma2 semaphore(%arg19 : memref<!tpu.dma_semaphore, #tpu.memory_space<semaphore_mem>>) src(%dma_wait3A_358 : memref<256x64xf32, #tpu.memory_space<vmem>>) dst(%dma_wait3A_354 : memref<256x64xf32, #tpu.memory_space<vmem_shared>>)
      %dma_start3A_359 = arith.constant 4 : i32
      %dma_start3A_360 = arith.constant 0 : i32
      %dma_start3A_361 = arith.constant 0 : i32
      %dma_start3A_362 = arith.constant 0 : i32
      %dma_start3A_363 = tpu.memref_slice %arg14[%dma_start3A_360, %dma_start3A_361, %dma_start3A_362] : memref<2x256x64xf32, #tpu.memory_space<vmem>> -> memref<1x256x64xf32, #tpu.memory_space<vmem>>
      %dma_start3A_364 = tpu.memref_squeeze %dma_start3A_363 : memref<1x256x64xf32, #tpu.memory_space<vmem>> -> memref<256x64xf32, #tpu.memory_space<vmem>>
      %dma_start3A_365 = arith.constant 0 : i32
      %dma_start3A_366 = tpu.memref_slice %arg12[%rem3A_171, %dma_start3A_359, %dma_start3A_365] : memref<2x8x256xi32, #tpu.memory_space<vmem>> -> memref<1x1x256xi32, #tpu.memory_space<vmem>>
      %dma_start3A_367 = tpu.memref_squeeze %dma_start3A_366 : memref<1x1x256xi32, #tpu.memory_space<vmem>> -> memref<256xi32, #tpu.memory_space<vmem>>
      %dma_start3A_368 = arith.constant 0 : i32
      %dma_start3A_369 = arith.constant 0 : i32
      %dma_start3A_370 = tpu.memref_slice %arg15[%dma_start3A_368, %dma_start3A_369] : memref<10000x64xf32, #tpu.memory_space<vmem_shared>> -> memref<10000x64xf32, #tpu.memory_space<vmem_shared>>
      tpu.enqueue_indirect_dma source(%dma_start3A_370 : memref<10000x64xf32, #tpu.memory_space<vmem_shared>>) target(%dma_start3A_364 : memref<256x64xf32, #tpu.memory_space<vmem>>) offsets(%dma_start3A_367 : memref<256xi32, #tpu.memory_space<vmem>>) semaphore(%arg17 : memref<!tpu.dma_semaphore, #tpu.memory_space<semaphore_mem>>)
      %dma_start3A_371 = arith.constant 1 : i32
      %dma_start3A_372 = arith.constant 3 : i32
      %dma_start3A_373 = arith.constant 0 : i32
      %dma_start3A_374 = arith.constant 0 : i32
      %dma_start3A_375 = tpu.memref_slice %arg14[%dma_start3A_371, %dma_start3A_373, %dma_start3A_374] : memref<2x256x64xf32, #tpu.memory_space<vmem>> -> memref<1x256x64xf32, #tpu.memory_space<vmem>>
      %dma_start3A_376 = tpu.memref_squeeze %dma_start3A_375 : memref<1x256x64xf32, #tpu.memory_space<vmem>> -> memref<256x64xf32, #tpu.memory_space<vmem>>
      %dma_start3A_377 = arith.constant 0 : i32
      %dma_start3A_378 = tpu.memref_slice %arg13[%rem3A_171, %dma_start3A_372, %dma_start3A_377] : memref<2x8x256xi32, #tpu.memory_space<vmem>> -> memref<1x1x256xi32, #tpu.memory_space<vmem>>
      %dma_start3A_379 = tpu.memref_squeeze %dma_start3A_378 : memref<1x1x256xi32, #tpu.memory_space<vmem>> -> memref<256xi32, #tpu.memory_space<vmem>>
      %dma_start3A_380 = arith.constant 0 : i32
      %dma_start3A_381 = arith.constant 0 : i32
      %dma_start3A_382 = tpu.memref_slice %arg16[%dma_start3A_380, %dma_start3A_381] : memref<10240x64xf32, #tpu.memory_space<vmem_shared>> -> memref<10240x64xf32, #tpu.memory_space<vmem_shared>>
      tpu.enqueue_indirect_dma source(%dma_start3A_376 : memref<256x64xf32, #tpu.memory_space<vmem>>) target(%dma_start3A_382 : memref<10240x64xf32, #tpu.memory_space<vmem_shared>>) offsets(%dma_start3A_379 : memref<256xi32, #tpu.memory_space<vmem>>) semaphore(%arg20 : memref<!tpu.dma_semaphore, #tpu.memory_space<semaphore_mem>>) {add = true}
      %dma_wait3A_383 = arith.constant 0 : i32
      %dma_wait3A_384 = arith.constant 0 : i32
      %dma_wait3A_385 = arith.constant 0 : i32
      %dma_wait3A_386 = tpu.memref_slice %arg14[%dma_wait3A_383, %dma_wait3A_384, %dma_wait3A_385] : memref<2x256x64xf32, #tpu.memory_space<vmem>> -> memref<1x256x64xf32, #tpu.memory_space<vmem>>
      %dma_wait3A_387 = tpu.memref_squeeze %dma_wait3A_386 : memref<1x256x64xf32, #tpu.memory_space<vmem>> -> memref<256x64xf32, #tpu.memory_space<vmem>>
      %dma_wait3A_388 = arith.constant 0 : i32
      %dma_wait3A_389 = arith.constant 0 : i32
      %dma_wait3A_390 = tpu.memref_slice %arg2[%dma_wait3A_388, %dma_wait3A_389] : memref<10000x64xf32, #tpu.memory_space<hbm>> -> memref<256x64xf32, #tpu.memory_space<hbm>>
      %dma_wait3A_391 = arith.constant 0 : i32
      %dma_wait3A_392 = arith.constant 0 : i32
      %dma_wait3A_393 = tpu.memref_slice %arg14[%dma_wait3A_383, %dma_wait3A_391, %dma_wait3A_392] : memref<2x256x64xf32, #tpu.memory_space<vmem>> -> memref<1x256x64xf32, #tpu.memory_space<vmem>>
      %dma_wait3A_394 = tpu.memref_squeeze %dma_wait3A_393 : memref<1x256x64xf32, #tpu.memory_space<vmem>> -> memref<256x64xf32, #tpu.memory_space<vmem>>
      %dma_wait3A_395 = arith.constant 0 : i32
      %dma_wait3A_396 = arith.constant 0 : i32
      %dma_wait3A_397 = tpu.memref_slice %arg2[%dma_wait3A_395, %dma_wait3A_396] : memref<10000x64xf32, #tpu.memory_space<hbm>> -> memref<256x64xf32, #tpu.memory_space<hbm>>
      tpu.wait_dma2 semaphore(%arg17 : memref<!tpu.dma_semaphore, #tpu.memory_space<semaphore_mem>>) src(%dma_wait3A_397 : memref<256x64xf32, #tpu.memory_space<hbm>>) dst(%dma_wait3A_394 : memref<256x64xf32, #tpu.memory_space<vmem>>)
      %dma_wait3A_398 = arith.constant 1 : i32
      %dma_wait3A_399 = arith.constant 0 : i32
      %dma_wait3A_400 = arith.constant 0 : i32
      %dma_wait3A_401 = tpu.memref_slice %arg14[%dma_wait3A_398, %dma_wait3A_399, %dma_wait3A_400] : memref<2x256x64xf32, #tpu.memory_space<vmem>> -> memref<1x256x64xf32, #tpu.memory_space<vmem>>
      %dma_wait3A_402 = tpu.memref_squeeze %dma_wait3A_401 : memref<1x256x64xf32, #tpu.memory_space<vmem>> -> memref<256x64xf32, #tpu.memory_space<vmem>>
      %dma_wait3A_403 = arith.constant 0 : i32
      %dma_wait3A_404 = arith.constant 0 : i32
      %dma_wait3A_405 = tpu.memref_slice %arg16[%dma_wait3A_403, %dma_wait3A_404] : memref<10240x64xf32, #tpu.memory_space<vmem_shared>> -> memref<256x64xf32, #tpu.memory_space<vmem_shared>>
      %dma_wait3A_406 = arith.constant 0 : i32
      %dma_wait3A_407 = arith.constant 0 : i32
      %dma_wait3A_408 = tpu.memref_slice %arg16[%dma_wait3A_406, %dma_wait3A_407] : memref<10240x64xf32, #tpu.memory_space<vmem_shared>> -> memref<256x64xf32, #tpu.memory_space<vmem_shared>>
      %dma_wait3A_409 = arith.constant 0 : i32
      %dma_wait3A_410 = arith.constant 0 : i32
      %dma_wait3A_411 = tpu.memref_slice %arg14[%dma_wait3A_398, %dma_wait3A_409, %dma_wait3A_410] : memref<2x256x64xf32, #tpu.memory_space<vmem>> -> memref<1x256x64xf32, #tpu.memory_space<vmem>>
      %dma_wait3A_412 = tpu.memref_squeeze %dma_wait3A_411 : memref<1x256x64xf32, #tpu.memory_space<vmem>> -> memref<256x64xf32, #tpu.memory_space<vmem>>
      tpu.wait_dma2 semaphore(%arg20 : memref<!tpu.dma_semaphore, #tpu.memory_space<semaphore_mem>>) src(%dma_wait3A_412 : memref<256x64xf32, #tpu.memory_space<vmem>>) dst(%dma_wait3A_408 : memref<256x64xf32, #tpu.memory_space<vmem_shared>>)
      %dma_start3A_413 = arith.constant 5 : i32
      %dma_start3A_414 = arith.constant 1 : i32
      %dma_start3A_415 = arith.constant 0 : i32
      %dma_start3A_416 = arith.constant 0 : i32
      %dma_start3A_417 = tpu.memref_slice %arg14[%dma_start3A_414, %dma_start3A_415, %dma_start3A_416] : memref<2x256x64xf32, #tpu.memory_space<vmem>> -> memref<1x256x64xf32, #tpu.memory_space<vmem>>
      %dma_start3A_418 = tpu.memref_squeeze %dma_start3A_417 : memref<1x256x64xf32, #tpu.memory_space<vmem>> -> memref<256x64xf32, #tpu.memory_space<vmem>>
      %dma_start3A_419 = arith.constant 0 : i32
      %dma_start3A_420 = tpu.memref_slice %arg12[%rem3A_171, %dma_start3A_413, %dma_start3A_419] : memref<2x8x256xi32, #tpu.memory_space<vmem>> -> memref<1x1x256xi32, #tpu.memory_space<vmem>>
      %dma_start3A_421 = tpu.memref_squeeze %dma_start3A_420 : memref<1x1x256xi32, #tpu.memory_space<vmem>> -> memref<256xi32, #tpu.memory_space<vmem>>
      %dma_start3A_422 = arith.constant 0 : i32
      %dma_start3A_423 = arith.constant 0 : i32
      %dma_start3A_424 = tpu.memref_slice %arg15[%dma_start3A_422, %dma_start3A_423] : memref<10000x64xf32, #tpu.memory_space<vmem_shared>> -> memref<10000x64xf32, #tpu.memory_space<vmem_shared>>
      tpu.enqueue_indirect_dma source(%dma_start3A_424 : memref<10000x64xf32, #tpu.memory_space<vmem_shared>>) target(%dma_start3A_418 : memref<256x64xf32, #tpu.memory_space<vmem>>) offsets(%dma_start3A_421 : memref<256xi32, #tpu.memory_space<vmem>>) semaphore(%arg18 : memref<!tpu.dma_semaphore, #tpu.memory_space<semaphore_mem>>)
      %dma_start3A_425 = arith.constant 0 : i32
      %dma_start3A_426 = arith.constant 4 : i32
      %dma_start3A_427 = arith.constant 0 : i32
      %dma_start3A_428 = arith.constant 0 : i32
      %dma_start3A_429 = tpu.memref_slice %arg14[%dma_start3A_425, %dma_start3A_427, %dma_start3A_428] : memref<2x256x64xf32, #tpu.memory_space<vmem>> -> memref<1x256x64xf32, #tpu.memory_space<vmem>>
      %dma_start3A_430 = tpu.memref_squeeze %dma_start3A_429 : memref<1x256x64xf32, #tpu.memory_space<vmem>> -> memref<256x64xf32, #tpu.memory_space<vmem>>
      %dma_start3A_431 = arith.constant 0 : i32
      %dma_start3A_432 = tpu.memref_slice %arg13[%rem3A_171, %dma_start3A_426, %dma_start3A_431] : memref<2x8x256xi32, #tpu.memory_space<vmem>> -> memref<1x1x256xi32, #tpu.memory_space<vmem>>
      %dma_start3A_433 = tpu.memref_squeeze %dma_start3A_432 : memref<1x1x256xi32, #tpu.memory_space<vmem>> -> memref<256xi32, #tpu.memory_space<vmem>>
      %dma_start3A_434 = arith.constant 0 : i32
      %dma_start3A_435 = arith.constant 0 : i32
      %dma_start3A_436 = tpu.memref_slice %arg16[%dma_start3A_434, %dma_start3A_435] : memref<10240x64xf32, #tpu.memory_space<vmem_shared>> -> memref<10240x64xf32, #tpu.memory_space<vmem_shared>>
      tpu.enqueue_indirect_dma source(%dma_start3A_430 : memref<256x64xf32, #tpu.memory_space<vmem>>) target(%dma_start3A_436 : memref<10240x64xf32, #tpu.memory_space<vmem_shared>>) offsets(%dma_start3A_433 : memref<256xi32, #tpu.memory_space<vmem>>) semaphore(%arg19 : memref<!tpu.dma_semaphore, #tpu.memory_space<semaphore_mem>>) {add = true}
      %dma_wait3A_437 = arith.constant 1 : i32
      %dma_wait3A_438 = arith.constant 0 : i32
      %dma_wait3A_439 = arith.constant 0 : i32
      %dma_wait3A_440 = tpu.memref_slice %arg14[%dma_wait3A_437, %dma_wait3A_438, %dma_wait3A_439] : memref<2x256x64xf32, #tpu.memory_space<vmem>> -> memref<1x256x64xf32, #tpu.memory_space<vmem>>
      %dma_wait3A_441 = tpu.memref_squeeze %dma_wait3A_440 : memref<1x256x64xf32, #tpu.memory_space<vmem>> -> memref<256x64xf32, #tpu.memory_space<vmem>>
      %dma_wait3A_442 = arith.constant 0 : i32
      %dma_wait3A_443 = arith.constant 0 : i32
      %dma_wait3A_444 = tpu.memref_slice %arg2[%dma_wait3A_442, %dma_wait3A_443] : memref<10000x64xf32, #tpu.memory_space<hbm>> -> memref<256x64xf32, #tpu.memory_space<hbm>>
      %dma_wait3A_445 = arith.constant 0 : i32
      %dma_wait3A_446 = arith.constant 0 : i32
      %dma_wait3A_447 = tpu.memref_slice %arg14[%dma_wait3A_437, %dma_wait3A_445, %dma_wait3A_446] : memref<2x256x64xf32, #tpu.memory_space<vmem>> -> memref<1x256x64xf32, #tpu.memory_space<vmem>>
      %dma_wait3A_448 = tpu.memref_squeeze %dma_wait3A_447 : memref<1x256x64xf32, #tpu.memory_space<vmem>> -> memref<256x64xf32, #tpu.memory_space<vmem>>
      %dma_wait3A_449 = arith.constant 0 : i32
      %dma_wait3A_450 = arith.constant 0 : i32
      %dma_wait3A_451 = tpu.memref_slice %arg2[%dma_wait3A_449, %dma_wait3A_450] : memref<10000x64xf32, #tpu.memory_space<hbm>> -> memref<256x64xf32, #tpu.memory_space<hbm>>
      tpu.wait_dma2 semaphore(%arg18 : memref<!tpu.dma_semaphore, #tpu.memory_space<semaphore_mem>>) src(%dma_wait3A_451 : memref<256x64xf32, #tpu.memory_space<hbm>>) dst(%dma_wait3A_448 : memref<256x64xf32, #tpu.memory_space<vmem>>)
      %dma_wait3A_452 = arith.constant 0 : i32
      %dma_wait3A_453 = arith.constant 0 : i32
      %dma_wait3A_454 = arith.constant 0 : i32
      %dma_wait3A_455 = tpu.memref_slice %arg14[%dma_wait3A_452, %dma_wait3A_453, %dma_wait3A_454] : memref<2x256x64xf32, #tpu.memory_space<vmem>> -> memref<1x256x64xf32, #tpu.memory_space<vmem>>
      %dma_wait3A_456 = tpu.memref_squeeze %dma_wait3A_455 : memref<1x256x64xf32, #tpu.memory_space<vmem>> -> memref<256x64xf32, #tpu.memory_space<vmem>>
      %dma_wait3A_457 = arith.constant 0 : i32
      %dma_wait3A_458 = arith.constant 0 : i32
      %dma_wait3A_459 = tpu.memref_slice %arg16[%dma_wait3A_457, %dma_wait3A_458] : memref<10240x64xf32, #tpu.memory_space<vmem_shared>> -> memref<256x64xf32, #tpu.memory_space<vmem_shared>>
      %dma_wait3A_460 = arith.constant 0 : i32
      %dma_wait3A_461 = arith.constant 0 : i32
      %dma_wait3A_462 = tpu.memref_slice %arg16[%dma_wait3A_460, %dma_wait3A_461] : memref<10240x64xf32, #tpu.memory_space<vmem_shared>> -> memref<256x64xf32, #tpu.memory_space<vmem_shared>>
      %dma_wait3A_463 = arith.constant 0 : i32
      %dma_wait3A_464 = arith.constant 0 : i32
      %dma_wait3A_465 = tpu.memref_slice %arg14[%dma_wait3A_452, %dma_wait3A_463, %dma_wait3A_464] : memref<2x256x64xf32, #tpu.memory_space<vmem>> -> memref<1x256x64xf32, #tpu.memory_space<vmem>>
      %dma_wait3A_466 = tpu.memref_squeeze %dma_wait3A_465 : memref<1x256x64xf32, #tpu.memory_space<vmem>> -> memref<256x64xf32, #tpu.memory_space<vmem>>
      tpu.wait_dma2 semaphore(%arg19 : memref<!tpu.dma_semaphore, #tpu.memory_space<semaphore_mem>>) src(%dma_wait3A_466 : memref<256x64xf32, #tpu.memory_space<vmem>>) dst(%dma_wait3A_462 : memref<256x64xf32, #tpu.memory_space<vmem_shared>>)
      %dma_start3A_467 = arith.constant 6 : i32
      %dma_start3A_468 = arith.constant 0 : i32
      %dma_start3A_469 = arith.constant 0 : i32
      %dma_start3A_470 = arith.constant 0 : i32
      %dma_start3A_471 = tpu.memref_slice %arg14[%dma_start3A_468, %dma_start3A_469, %dma_start3A_470] : memref<2x256x64xf32, #tpu.memory_space<vmem>> -> memref<1x256x64xf32, #tpu.memory_space<vmem>>
      %dma_start3A_472 = tpu.memref_squeeze %dma_start3A_471 : memref<1x256x64xf32, #tpu.memory_space<vmem>> -> memref<256x64xf32, #tpu.memory_space<vmem>>
      %dma_start3A_473 = arith.constant 0 : i32
      %dma_start3A_474 = tpu.memref_slice %arg12[%rem3A_171, %dma_start3A_467, %dma_start3A_473] : memref<2x8x256xi32, #tpu.memory_space<vmem>> -> memref<1x1x256xi32, #tpu.memory_space<vmem>>
      %dma_start3A_475 = tpu.memref_squeeze %dma_start3A_474 : memref<1x1x256xi32, #tpu.memory_space<vmem>> -> memref<256xi32, #tpu.memory_space<vmem>>
      %dma_start3A_476 = arith.constant 0 : i32
      %dma_start3A_477 = arith.constant 0 : i32
      %dma_start3A_478 = tpu.memref_slice %arg15[%dma_start3A_476, %dma_start3A_477] : memref<10000x64xf32, #tpu.memory_space<vmem_shared>> -> memref<10000x64xf32, #tpu.memory_space<vmem_shared>>
      tpu.enqueue_indirect_dma source(%dma_start3A_478 : memref<10000x64xf32, #tpu.memory_space<vmem_shared>>) target(%dma_start3A_472 : memref<256x64xf32, #tpu.memory_space<vmem>>) offsets(%dma_start3A_475 : memref<256xi32, #tpu.memory_space<vmem>>) semaphore(%arg17 : memref<!tpu.dma_semaphore, #tpu.memory_space<semaphore_mem>>)
      %dma_start3A_479 = arith.constant 1 : i32
      %dma_start3A_480 = arith.constant 5 : i32
      %dma_start3A_481 = arith.constant 0 : i32
      %dma_start3A_482 = arith.constant 0 : i32
      %dma_start3A_483 = tpu.memref_slice %arg14[%dma_start3A_479, %dma_start3A_481, %dma_start3A_482] : memref<2x256x64xf32, #tpu.memory_space<vmem>> -> memref<1x256x64xf32, #tpu.memory_space<vmem>>
      %dma_start3A_484 = tpu.memref_squeeze %dma_start3A_483 : memref<1x256x64xf32, #tpu.memory_space<vmem>> -> memref<256x64xf32, #tpu.memory_space<vmem>>
      %dma_start3A_485 = arith.constant 0 : i32
      %dma_start3A_486 = tpu.memref_slice %arg13[%rem3A_171, %dma_start3A_480, %dma_start3A_485] : memref<2x8x256xi32, #tpu.memory_space<vmem>> -> memref<1x1x256xi32, #tpu.memory_space<vmem>>
      %dma_start3A_487 = tpu.memref_squeeze %dma_start3A_486 : memref<1x1x256xi32, #tpu.memory_space<vmem>> -> memref<256xi32, #tpu.memory_space<vmem>>
      %dma_start3A_488 = arith.constant 0 : i32
      %dma_start3A_489 = arith.constant 0 : i32
      %dma_start3A_490 = tpu.memref_slice %arg16[%dma_start3A_488, %dma_start3A_489] : memref<10240x64xf32, #tpu.memory_space<vmem_shared>> -> memref<10240x64xf32, #tpu.memory_space<vmem_shared>>
      tpu.enqueue_indirect_dma source(%dma_start3A_484 : memref<256x64xf32, #tpu.memory_space<vmem>>) target(%dma_start3A_490 : memref<10240x64xf32, #tpu.memory_space<vmem_shared>>) offsets(%dma_start3A_487 : memref<256xi32, #tpu.memory_space<vmem>>) semaphore(%arg20 : memref<!tpu.dma_semaphore, #tpu.memory_space<semaphore_mem>>) {add = true}
      %dma_wait3A_491 = arith.constant 0 : i32
      %dma_wait3A_492 = arith.constant 0 : i32
      %dma_wait3A_493 = arith.constant 0 : i32
      %dma_wait3A_494 = tpu.memref_slice %arg14[%dma_wait3A_491, %dma_wait3A_492, %dma_wait3A_493] : memref<2x256x64xf32, #tpu.memory_space<vmem>> -> memref<1x256x64xf32, #tpu.memory_space<vmem>>
      %dma_wait3A_495 = tpu.memref_squeeze %dma_wait3A_494 : memref<1x256x64xf32, #tpu.memory_space<vmem>> -> memref<256x64xf32, #tpu.memory_space<vmem>>
      %dma_wait3A_496 = arith.constant 0 : i32
      %dma_wait3A_497 = arith.constant 0 : i32
      %dma_wait3A_498 = tpu.memref_slice %arg2[%dma_wait3A_496, %dma_wait3A_497] : memref<10000x64xf32, #tpu.memory_space<hbm>> -> memref<256x64xf32, #tpu.memory_space<hbm>>
      %dma_wait3A_499 = arith.constant 0 : i32
      %dma_wait3A_500 = arith.constant 0 : i32
      %dma_wait3A_501 = tpu.memref_slice %arg14[%dma_wait3A_491, %dma_wait3A_499, %dma_wait3A_500] : memref<2x256x64xf32, #tpu.memory_space<vmem>> -> memref<1x256x64xf32, #tpu.memory_space<vmem>>
      %dma_wait3A_502 = tpu.memref_squeeze %dma_wait3A_501 : memref<1x256x64xf32, #tpu.memory_space<vmem>> -> memref<256x64xf32, #tpu.memory_space<vmem>>
      %dma_wait3A_503 = arith.constant 0 : i32
      %dma_wait3A_504 = arith.constant 0 : i32
      %dma_wait3A_505 = tpu.memref_slice %arg2[%dma_wait3A_503, %dma_wait3A_504] : memref<10000x64xf32, #tpu.memory_space<hbm>> -> memref<256x64xf32, #tpu.memory_space<hbm>>
      tpu.wait_dma2 semaphore(%arg17 : memref<!tpu.dma_semaphore, #tpu.memory_space<semaphore_mem>>) src(%dma_wait3A_505 : memref<256x64xf32, #tpu.memory_space<hbm>>) dst(%dma_wait3A_502 : memref<256x64xf32, #tpu.memory_space<vmem>>)
      %dma_wait3A_506 = arith.constant 1 : i32
      %dma_wait3A_507 = arith.constant 0 : i32
      %dma_wait3A_508 = arith.constant 0 : i32
      %dma_wait3A_509 = tpu.memref_slice %arg14[%dma_wait3A_506, %dma_wait3A_507, %dma_wait3A_508] : memref<2x256x64xf32, #tpu.memory_space<vmem>> -> memref<1x256x64xf32, #tpu.memory_space<vmem>>
      %dma_wait3A_510 = tpu.memref_squeeze %dma_wait3A_509 : memref<1x256x64xf32, #tpu.memory_space<vmem>> -> memref<256x64xf32, #tpu.memory_space<vmem>>
      %dma_wait3A_511 = arith.constant 0 : i32
      %dma_wait3A_512 = arith.constant 0 : i32
      %dma_wait3A_513 = tpu.memref_slice %arg16[%dma_wait3A_511, %dma_wait3A_512] : memref<10240x64xf32, #tpu.memory_space<vmem_shared>> -> memref<256x64xf32, #tpu.memory_space<vmem_shared>>
      %dma_wait3A_514 = arith.constant 0 : i32
      %dma_wait3A_515 = arith.constant 0 : i32
      %dma_wait3A_516 = tpu.memref_slice %arg16[%dma_wait3A_514, %dma_wait3A_515] : memref<10240x64xf32, #tpu.memory_space<vmem_shared>> -> memref<256x64xf32, #tpu.memory_space<vmem_shared>>
      %dma_wait3A_517 = arith.constant 0 : i32
      %dma_wait3A_518 = arith.constant 0 : i32
      %dma_wait3A_519 = tpu.memref_slice %arg14[%dma_wait3A_506, %dma_wait3A_517, %dma_wait3A_518] : memref<2x256x64xf32, #tpu.memory_space<vmem>> -> memref<1x256x64xf32, #tpu.memory_space<vmem>>
      %dma_wait3A_520 = tpu.memref_squeeze %dma_wait3A_519 : memref<1x256x64xf32, #tpu.memory_space<vmem>> -> memref<256x64xf32, #tpu.memory_space<vmem>>
      tpu.wait_dma2 semaphore(%arg20 : memref<!tpu.dma_semaphore, #tpu.memory_space<semaphore_mem>>) src(%dma_wait3A_520 : memref<256x64xf32, #tpu.memory_space<vmem>>) dst(%dma_wait3A_516 : memref<256x64xf32, #tpu.memory_space<vmem_shared>>)
      %dma_start3A_521 = arith.constant 7 : i32
      %dma_start3A_522 = arith.constant 1 : i32
      %dma_start3A_523 = arith.constant 0 : i32
      %dma_start3A_524 = arith.constant 0 : i32
      %dma_start3A_525 = tpu.memref_slice %arg14[%dma_start3A_522, %dma_start3A_523, %dma_start3A_524] : memref<2x256x64xf32, #tpu.memory_space<vmem>> -> memref<1x256x64xf32, #tpu.memory_space<vmem>>
      %dma_start3A_526 = tpu.memref_squeeze %dma_start3A_525 : memref<1x256x64xf32, #tpu.memory_space<vmem>> -> memref<256x64xf32, #tpu.memory_space<vmem>>
      %dma_start3A_527 = arith.constant 0 : i32
      %dma_start3A_528 = tpu.memref_slice %arg12[%rem3A_171, %dma_start3A_521, %dma_start3A_527] : memref<2x8x256xi32, #tpu.memory_space<vmem>> -> memref<1x1x256xi32, #tpu.memory_space<vmem>>
      %dma_start3A_529 = tpu.memref_squeeze %dma_start3A_528 : memref<1x1x256xi32, #tpu.memory_space<vmem>> -> memref<256xi32, #tpu.memory_space<vmem>>
      %dma_start3A_530 = arith.constant 0 : i32
      %dma_start3A_531 = arith.constant 0 : i32
      %dma_start3A_532 = tpu.memref_slice %arg15[%dma_start3A_530, %dma_start3A_531] : memref<10000x64xf32, #tpu.memory_space<vmem_shared>> -> memref<10000x64xf32, #tpu.memory_space<vmem_shared>>
      tpu.enqueue_indirect_dma source(%dma_start3A_532 : memref<10000x64xf32, #tpu.memory_space<vmem_shared>>) target(%dma_start3A_526 : memref<256x64xf32, #tpu.memory_space<vmem>>) offsets(%dma_start3A_529 : memref<256xi32, #tpu.memory_space<vmem>>) semaphore(%arg18 : memref<!tpu.dma_semaphore, #tpu.memory_space<semaphore_mem>>)
      %dma_start3A_533 = arith.constant 0 : i32
      %dma_start3A_534 = arith.constant 6 : i32
      %dma_start3A_535 = arith.constant 0 : i32
      %dma_start3A_536 = arith.constant 0 : i32
      %dma_start3A_537 = tpu.memref_slice %arg14[%dma_start3A_533, %dma_start3A_535, %dma_start3A_536] : memref<2x256x64xf32, #tpu.memory_space<vmem>> -> memref<1x256x64xf32, #tpu.memory_space<vmem>>
      %dma_start3A_538 = tpu.memref_squeeze %dma_start3A_537 : memref<1x256x64xf32, #tpu.memory_space<vmem>> -> memref<256x64xf32, #tpu.memory_space<vmem>>
      %dma_start3A_539 = arith.constant 0 : i32
      %dma_start3A_540 = tpu.memref_slice %arg13[%rem3A_171, %dma_start3A_534, %dma_start3A_539] : memref<2x8x256xi32, #tpu.memory_space<vmem>> -> memref<1x1x256xi32, #tpu.memory_space<vmem>>
      %dma_start3A_541 = tpu.memref_squeeze %dma_start3A_540 : memref<1x1x256xi32, #tpu.memory_space<vmem>> -> memref<256xi32, #tpu.memory_space<vmem>>
      %dma_start3A_542 = arith.constant 0 : i32
      %dma_start3A_543 = arith.constant 0 : i32
      %dma_start3A_544 = tpu.memref_slice %arg16[%dma_start3A_542, %dma_start3A_543] : memref<10240x64xf32, #tpu.memory_space<vmem_shared>> -> memref<10240x64xf32, #tpu.memory_space<vmem_shared>>
      tpu.enqueue_indirect_dma source(%dma_start3A_538 : memref<256x64xf32, #tpu.memory_space<vmem>>) target(%dma_start3A_544 : memref<10240x64xf32, #tpu.memory_space<vmem_shared>>) offsets(%dma_start3A_541 : memref<256xi32, #tpu.memory_space<vmem>>) semaphore(%arg19 : memref<!tpu.dma_semaphore, #tpu.memory_space<semaphore_mem>>) {add = true}
      %dma_wait3A_545 = arith.constant 1 : i32
      %dma_wait3A_546 = arith.constant 0 : i32
      %dma_wait3A_547 = arith.constant 0 : i32
      %dma_wait3A_548 = tpu.memref_slice %arg14[%dma_wait3A_545, %dma_wait3A_546, %dma_wait3A_547] : memref<2x256x64xf32, #tpu.memory_space<vmem>> -> memref<1x256x64xf32, #tpu.memory_space<vmem>>
      %dma_wait3A_549 = tpu.memref_squeeze %dma_wait3A_548 : memref<1x256x64xf32, #tpu.memory_space<vmem>> -> memref<256x64xf32, #tpu.memory_space<vmem>>
      %dma_wait3A_550 = arith.constant 0 : i32
      %dma_wait3A_551 = arith.constant 0 : i32
      %dma_wait3A_552 = tpu.memref_slice %arg2[%dma_wait3A_550, %dma_wait3A_551] : memref<10000x64xf32, #tpu.memory_space<hbm>> -> memref<256x64xf32, #tpu.memory_space<hbm>>
      %dma_wait3A_553 = arith.constant 0 : i32
      %dma_wait3A_554 = arith.constant 0 : i32
      %dma_wait3A_555 = tpu.memref_slice %arg14[%dma_wait3A_545, %dma_wait3A_553, %dma_wait3A_554] : memref<2x256x64xf32, #tpu.memory_space<vmem>> -> memref<1x256x64xf32, #tpu.memory_space<vmem>>
      %dma_wait3A_556 = tpu.memref_squeeze %dma_wait3A_555 : memref<1x256x64xf32, #tpu.memory_space<vmem>> -> memref<256x64xf32, #tpu.memory_space<vmem>>
      %dma_wait3A_557 = arith.constant 0 : i32
      %dma_wait3A_558 = arith.constant 0 : i32
      %dma_wait3A_559 = tpu.memref_slice %arg2[%dma_wait3A_557, %dma_wait3A_558] : memref<10000x64xf32, #tpu.memory_space<hbm>> -> memref<256x64xf32, #tpu.memory_space<hbm>>
      tpu.wait_dma2 semaphore(%arg18 : memref<!tpu.dma_semaphore, #tpu.memory_space<semaphore_mem>>) src(%dma_wait3A_559 : memref<256x64xf32, #tpu.memory_space<hbm>>) dst(%dma_wait3A_556 : memref<256x64xf32, #tpu.memory_space<vmem>>)
      %dma_wait3A_560 = arith.constant 0 : i32
      %dma_wait3A_561 = arith.constant 0 : i32
      %dma_wait3A_562 = arith.constant 0 : i32
      %dma_wait3A_563 = tpu.memref_slice %arg14[%dma_wait3A_560, %dma_wait3A_561, %dma_wait3A_562] : memref<2x256x64xf32, #tpu.memory_space<vmem>> -> memref<1x256x64xf32, #tpu.memory_space<vmem>>
      %dma_wait3A_564 = tpu.memref_squeeze %dma_wait3A_563 : memref<1x256x64xf32, #tpu.memory_space<vmem>> -> memref<256x64xf32, #tpu.memory_space<vmem>>
      %dma_wait3A_565 = arith.constant 0 : i32
      %dma_wait3A_566 = arith.constant 0 : i32
      %dma_wait3A_567 = tpu.memref_slice %arg16[%dma_wait3A_565, %dma_wait3A_566] : memref<10240x64xf32, #tpu.memory_space<vmem_shared>> -> memref<256x64xf32, #tpu.memory_space<vmem_shared>>
      %dma_wait3A_568 = arith.constant 0 : i32
      %dma_wait3A_569 = arith.constant 0 : i32
      %dma_wait3A_570 = tpu.memref_slice %arg16[%dma_wait3A_568, %dma_wait3A_569] : memref<10240x64xf32, #tpu.memory_space<vmem_shared>> -> memref<256x64xf32, #tpu.memory_space<vmem_shared>>
      %dma_wait3A_571 = arith.constant 0 : i32
      %dma_wait3A_572 = arith.constant 0 : i32
      %dma_wait3A_573 = tpu.memref_slice %arg14[%dma_wait3A_560, %dma_wait3A_571, %dma_wait3A_572] : memref<2x256x64xf32, #tpu.memory_space<vmem>> -> memref<1x256x64xf32, #tpu.memory_space<vmem>>
      %dma_wait3A_574 = tpu.memref_squeeze %dma_wait3A_573 : memref<1x256x64xf32, #tpu.memory_space<vmem>> -> memref<256x64xf32, #tpu.memory_space<vmem>>
      tpu.wait_dma2 semaphore(%arg19 : memref<!tpu.dma_semaphore, #tpu.memory_space<semaphore_mem>>) src(%dma_wait3A_574 : memref<256x64xf32, #tpu.memory_space<vmem>>) dst(%dma_wait3A_570 : memref<256x64xf32, #tpu.memory_space<vmem_shared>>)
      %lt3A_575 = arith.constant 10 : i32
      %lt3A_576 = arith.cmpi slt, %add3A_170, %lt3A_575 : i32
      %convert_element_type3A_577 = arith.extui %lt3A_576 : i1 to i32
      %cond3A_578 = arith.constant 0 : i32
      %cond3A_579 = arith.cmpi ne, %convert_element_type3A_577, %cond3A_578 : i32
      scf.if %cond3A_579 {
        %dma_wait3A_592 = arith.constant 0 : i32
        %dma_wait3A_593 = arith.constant 0 : i32
        %dma_wait3A_594 = tpu.memref_slice %arg12[%rem3A_173, %dma_wait3A_592, %dma_wait3A_593] : memref<2x8x256xi32, #tpu.memory_space<vmem>> -> memref<1x8x256xi32, #tpu.memory_space<vmem>>
        %dma_wait3A_595 = tpu.memref_squeeze %dma_wait3A_594 : memref<1x8x256xi32, #tpu.memory_space<vmem>> -> memref<8x256xi32, #tpu.memory_space<vmem>>
        %dma_wait3A_596 = arith.constant 0 : i32
        %dma_wait3A_597 = arith.constant 0 : i32
        %dma_wait3A_598 = tpu.memref_slice %arg6[%arg1, %dma_wait3A_596, %dma_wait3A_597] : memref<16x80x256xi32, #tpu.memory_space<hbm>> -> memref<1x8x256xi32, #tpu.memory_space<hbm>>
        %dma_wait3A_599 = tpu.memref_squeeze %dma_wait3A_598 : memref<1x8x256xi32, #tpu.memory_space<hbm>> -> memref<8x256xi32, #tpu.memory_space<hbm>>
        %dma_wait3A_600 = arith.constant 0 : i32
        %dma_wait3A_601 = arith.constant 0 : i32
        %dma_wait3A_602 = tpu.memref_slice %arg12[%rem3A_173, %dma_wait3A_600, %dma_wait3A_601] : memref<2x8x256xi32, #tpu.memory_space<vmem>> -> memref<1x8x256xi32, #tpu.memory_space<vmem>>
        %dma_wait3A_603 = tpu.memref_squeeze %dma_wait3A_602 : memref<1x8x256xi32, #tpu.memory_space<vmem>> -> memref<8x256xi32, #tpu.memory_space<vmem>>
        %dma_wait3A_604 = arith.constant 0 : i32
        %dma_wait3A_605 = arith.constant 0 : i32
        %dma_wait3A_606 = tpu.memref_slice %arg6[%arg1, %dma_wait3A_604, %dma_wait3A_605] : memref<16x80x256xi32, #tpu.memory_space<hbm>> -> memref<1x8x256xi32, #tpu.memory_space<hbm>>
        %dma_wait3A_607 = tpu.memref_squeeze %dma_wait3A_606 : memref<1x8x256xi32, #tpu.memory_space<hbm>> -> memref<8x256xi32, #tpu.memory_space<hbm>>
        tpu.wait_dma2 semaphore(%arg21 : memref<!tpu.dma_semaphore, #tpu.memory_space<semaphore_mem>>) src(%dma_wait3A_607 : memref<8x256xi32, #tpu.memory_space<hbm>>) dst(%dma_wait3A_603 : memref<8x256xi32, #tpu.memory_space<vmem>>)
        %dma_wait3A_608 = arith.constant 0 : i32
        %dma_wait3A_609 = arith.constant 0 : i32
        %dma_wait3A_610 = tpu.memref_slice %arg13[%rem3A_173, %dma_wait3A_608, %dma_wait3A_609] : memref<2x8x256xi32, #tpu.memory_space<vmem>> -> memref<1x8x256xi32, #tpu.memory_space<vmem>>
        %dma_wait3A_611 = tpu.memref_squeeze %dma_wait3A_610 : memref<1x8x256xi32, #tpu.memory_space<vmem>> -> memref<8x256xi32, #tpu.memory_space<vmem>>
        %dma_wait3A_612 = arith.constant 0 : i32
        %dma_wait3A_613 = arith.constant 0 : i32
        %dma_wait3A_614 = tpu.memref_slice %arg7[%arg1, %dma_wait3A_612, %dma_wait3A_613] : memref<16x80x256xi32, #tpu.memory_space<hbm>> -> memref<1x8x256xi32, #tpu.memory_space<hbm>>
        %dma_wait3A_615 = tpu.memref_squeeze %dma_wait3A_614 : memref<1x8x256xi32, #tpu.memory_space<hbm>> -> memref<8x256xi32, #tpu.memory_space<hbm>>
        %dma_wait3A_616 = arith.constant 0 : i32
        %dma_wait3A_617 = arith.constant 0 : i32
        %dma_wait3A_618 = tpu.memref_slice %arg13[%rem3A_173, %dma_wait3A_616, %dma_wait3A_617] : memref<2x8x256xi32, #tpu.memory_space<vmem>> -> memref<1x8x256xi32, #tpu.memory_space<vmem>>
        %dma_wait3A_619 = tpu.memref_squeeze %dma_wait3A_618 : memref<1x8x256xi32, #tpu.memory_space<vmem>> -> memref<8x256xi32, #tpu.memory_space<vmem>>
        %dma_wait3A_620 = arith.constant 0 : i32
        %dma_wait3A_621 = arith.constant 0 : i32
        %dma_wait3A_622 = tpu.memref_slice %arg7[%arg1, %dma_wait3A_620, %dma_wait3A_621] : memref<16x80x256xi32, #tpu.memory_space<hbm>> -> memref<1x8x256xi32, #tpu.memory_space<hbm>>
        %dma_wait3A_623 = tpu.memref_squeeze %dma_wait3A_622 : memref<1x8x256xi32, #tpu.memory_space<hbm>> -> memref<8x256xi32, #tpu.memory_space<hbm>>
        tpu.wait_dma2 semaphore(%arg21 : memref<!tpu.dma_semaphore, #tpu.memory_space<semaphore_mem>>) src(%dma_wait3A_623 : memref<8x256xi32, #tpu.memory_space<hbm>>) dst(%dma_wait3A_619 : memref<8x256xi32, #tpu.memory_space<vmem>>)
        %dma_start3A_624 = arith.constant 0 : i32
        %dma_start3A_625 = arith.constant 0 : i32
        %dma_start3A_626 = arith.constant 0 : i32
        %dma_start3A_627 = arith.constant 0 : i32
        %dma_start3A_628 = tpu.memref_slice %arg14[%dma_start3A_625, %dma_start3A_626, %dma_start3A_627] : memref<2x256x64xf32, #tpu.memory_space<vmem>> -> memref<1x256x64xf32, #tpu.memory_space<vmem>>
        %dma_start3A_629 = tpu.memref_squeeze %dma_start3A_628 : memref<1x256x64xf32, #tpu.memory_space<vmem>> -> memref<256x64xf32, #tpu.memory_space<vmem>>
        %dma_start3A_630 = arith.constant 0 : i32
        %dma_start3A_631 = tpu.memref_slice %arg12[%rem3A_173, %dma_start3A_624, %dma_start3A_630] : memref<2x8x256xi32, #tpu.memory_space<vmem>> -> memref<1x1x256xi32, #tpu.memory_space<vmem>>
        %dma_start3A_632 = tpu.memref_squeeze %dma_start3A_631 : memref<1x1x256xi32, #tpu.memory_space<vmem>> -> memref<256xi32, #tpu.memory_space<vmem>>
        %dma_start3A_633 = arith.constant 0 : i32
        %dma_start3A_634 = arith.constant 0 : i32
        %dma_start3A_635 = tpu.memref_slice %arg15[%dma_start3A_633, %dma_start3A_634] : memref<10000x64xf32, #tpu.memory_space<vmem_shared>> -> memref<10000x64xf32, #tpu.memory_space<vmem_shared>>
        tpu.enqueue_indirect_dma source(%dma_start3A_635 : memref<10000x64xf32, #tpu.memory_space<vmem_shared>>) target(%dma_start3A_629 : memref<256x64xf32, #tpu.memory_space<vmem>>) offsets(%dma_start3A_632 : memref<256xi32, #tpu.memory_space<vmem>>) semaphore(%arg17 : memref<!tpu.dma_semaphore, #tpu.memory_space<semaphore_mem>>)
      } else {
      }
      %dma_start3A_580 = arith.constant 1 : i32
      %dma_start3A_581 = arith.constant 7 : i32
      %dma_start3A_582 = arith.constant 0 : i32
      %dma_start3A_583 = arith.constant 0 : i32
      %dma_start3A_584 = tpu.memref_slice %arg14[%dma_start3A_580, %dma_start3A_582, %dma_start3A_583] : memref<2x256x64xf32, #tpu.memory_space<vmem>> -> memref<1x256x64xf32, #tpu.memory_space<vmem>>
      %dma_start3A_585 = tpu.memref_squeeze %dma_start3A_584 : memref<1x256x64xf32, #tpu.memory_space<vmem>> -> memref<256x64xf32, #tpu.memory_space<vmem>>
      %dma_start3A_586 = arith.constant 0 : i32
      %dma_start3A_587 = tpu.memref_slice %arg13[%rem3A_171, %dma_start3A_581, %dma_start3A_586] : memref<2x8x256xi32, #tpu.memory_space<vmem>> -> memref<1x1x256xi32, #tpu.memory_space<vmem>>
      %dma_start3A_588 = tpu.memref_squeeze %dma_start3A_587 : memref<1x1x256xi32, #tpu.memory_space<vmem>> -> memref<256xi32, #tpu.memory_space<vmem>>
      %dma_start3A_589 = arith.constant 0 : i32
      %dma_start3A_590 = arith.constant 0 : i32
      %dma_start3A_591 = tpu.memref_slice %arg16[%dma_start3A_589, %dma_start3A_590] : memref<10240x64xf32, #tpu.memory_space<vmem_shared>> -> memref<10240x64xf32, #tpu.memory_space<vmem_shared>>
      tpu.enqueue_indirect_dma source(%dma_start3A_585 : memref<256x64xf32, #tpu.memory_space<vmem>>) target(%dma_start3A_591 : memref<10240x64xf32, #tpu.memory_space<vmem_shared>>) offsets(%dma_start3A_588 : memref<256xi32, #tpu.memory_space<vmem>>) semaphore(%arg20 : memref<!tpu.dma_semaphore, #tpu.memory_space<semaphore_mem>>) {add = true}
    }
    %scan3A_53 = arith.constant 10 : i32
    %dma_wait3A = arith.constant 1 : i32
    %dma_wait3A_54 = arith.constant 0 : i32
    %dma_wait3A_55 = arith.constant 0 : i32
    %dma_wait3A_56 = tpu.memref_slice %arg14[%dma_wait3A, %dma_wait3A_54, %dma_wait3A_55] : memref<2x256x64xf32, #tpu.memory_space<vmem>> -> memref<1x256x64xf32, #tpu.memory_space<vmem>>
    %dma_wait3A_57 = tpu.memref_squeeze %dma_wait3A_56 : memref<1x256x64xf32, #tpu.memory_space<vmem>> -> memref<256x64xf32, #tpu.memory_space<vmem>>
    %dma_wait3A_58 = arith.constant 0 : i32
    %dma_wait3A_59 = arith.constant 0 : i32
    %dma_wait3A_60 = tpu.memref_slice %arg16[%dma_wait3A_58, %dma_wait3A_59] : memref<10240x64xf32, #tpu.memory_space<vmem_shared>> -> memref<256x64xf32, #tpu.memory_space<vmem_shared>>
    %dma_wait3A_61 = arith.constant 0 : i32
    %dma_wait3A_62 = arith.constant 0 : i32
    %dma_wait3A_63 = tpu.memref_slice %arg16[%dma_wait3A_61, %dma_wait3A_62] : memref<10240x64xf32, #tpu.memory_space<vmem_shared>> -> memref<256x64xf32, #tpu.memory_space<vmem_shared>>
    %dma_wait3A_64 = arith.constant 0 : i32
    %dma_wait3A_65 = arith.constant 0 : i32
    %dma_wait3A_66 = tpu.memref_slice %arg14[%dma_wait3A, %dma_wait3A_64, %dma_wait3A_65] : memref<2x256x64xf32, #tpu.memory_space<vmem>> -> memref<1x256x64xf32, #tpu.memory_space<vmem>>
    %dma_wait3A_67 = tpu.memref_squeeze %dma_wait3A_66 : memref<1x256x64xf32, #tpu.memory_space<vmem>> -> memref<256x64xf32, #tpu.memory_space<vmem>>
    tpu.wait_dma2 semaphore(%arg20 : memref<!tpu.dma_semaphore, #tpu.memory_space<semaphore_mem>>) src(%dma_wait3A_67 : memref<256x64xf32, #tpu.memory_space<vmem>>) dst(%dma_wait3A_63 : memref<256x64xf32, #tpu.memory_space<vmem_shared>>)
    %barrier3A_68 = arith.constant 0 : index
    tpu.barrier barrier_id(%barrier3A_68)
    %eq3A_69 = arith.constant 0 : i32
    %eq3A_70 = arith.cmpi eq, %arg0, %eq3A_69 : i32
    %convert_element_type3A_71 = arith.extui %eq3A_70 : i1 to i32
    %cond3A_72 = arith.constant 0 : i32
    %cond3A_73 = arith.cmpi ne, %convert_element_type3A_71, %cond3A_72 : i32
    scf.if %cond3A_73 {
      %mul3A_168 = arith.constant 640 : i32
      %mul3A_169 = arith.muli %arg1, %mul3A_168 : i32
      %lt3A = arith.constant 15 : i32
      %lt3A_170 = arith.cmpi slt, %arg1, %lt3A : i32
      %convert_element_type3A_171 = arith.extui %lt3A_170 : i1 to i32
      %cond3A_172 = arith.constant 0 : i32
      %cond3A_173 = arith.cmpi ne, %convert_element_type3A_171, %cond3A_172 : i32
      scf.if %cond3A_173 {
        "tpu.region"() ({
          %run_scoped3A_179 = tpu.sem_alloc : memref<!tpu.dma_semaphore, #tpu.memory_space<semaphore_mem>>
          %dma_start3A_180 = arith.constant 0 : i32
          %dma_start3A_181 = tpu.memref_slice %arg8[%mul3A_169, %dma_start3A_180] : memref<10000x64xf32, #tpu.memory_space<hbm>> -> memref<640x64xf32, #tpu.memory_space<hbm>>
          %dma_start3A_182 = arith.constant 0 : i32
          %dma_start3A_183 = tpu.memref_slice %arg16[%mul3A_169, %dma_start3A_182] : memref<10240x64xf32, #tpu.memory_space<vmem_shared>> -> memref<640x64xf32, #tpu.memory_space<vmem_shared>>
          tpu.enqueue_dma source(%dma_start3A_183 : memref<640x64xf32, #tpu.memory_space<vmem_shared>>) target(%dma_start3A_181 : memref<640x64xf32, #tpu.memory_space<hbm>>) target_semaphore(%run_scoped3A_179 : memref<!tpu.dma_semaphore, #tpu.memory_space<semaphore_mem>>)
          %dma_wait3A_184 = arith.constant 0 : i32
          %dma_wait3A_185 = tpu.memref_slice %arg8[%mul3A_169, %dma_wait3A_184] : memref<10000x64xf32, #tpu.memory_space<hbm>> -> memref<640x64xf32, #tpu.memory_space<hbm>>
          %dma_wait3A_186 = arith.constant 0 : i32
          %dma_wait3A_187 = tpu.memref_slice %arg16[%mul3A_169, %dma_wait3A_186] : memref<10240x64xf32, #tpu.memory_space<vmem_shared>> -> memref<640x64xf32, #tpu.memory_space<vmem_shared>>
          tpu.wait_dma2 semaphore(%run_scoped3A_179 : memref<!tpu.dma_semaphore, #tpu.memory_space<semaphore_mem>>) src(%dma_wait3A_187 : memref<640x64xf32, #tpu.memory_space<vmem_shared>>) dst(%dma_wait3A_185 : memref<640x64xf32, #tpu.memory_space<hbm>>)
          tpu.yield
        }) : () -> ()
      } else {
      }
      %eq3A_174 = arith.constant 15 : i32
      %eq3A_175 = arith.cmpi eq, %arg1, %eq3A_174 : i32
      %convert_element_type3A_176 = arith.extui %eq3A_175 : i1 to i32
      %cond3A_177 = arith.constant 0 : i32
      %cond3A_178 = arith.cmpi ne, %convert_element_type3A_176, %cond3A_177 : i32
      scf.if %cond3A_178 {
        "tpu.region"() ({
          %run_scoped3A_179 = tpu.sem_alloc : memref<!tpu.dma_semaphore, #tpu.memory_space<semaphore_mem>>
          %dma_start3A_180 = arith.constant 9600 : i32
          %dma_start3A_181 = arith.constant 0 : i32
          %dma_start3A_182 = tpu.memref_slice %arg8[%dma_start3A_180, %dma_start3A_181] : memref<10000x64xf32, #tpu.memory_space<hbm>> -> memref<400x64xf32, #tpu.memory_space<hbm>>
          %dma_start3A_183 = arith.constant 9600 : i32
          %dma_start3A_184 = arith.constant 0 : i32
          %dma_start3A_185 = tpu.memref_slice %arg16[%dma_start3A_183, %dma_start3A_184] : memref<10240x64xf32, #tpu.memory_space<vmem_shared>> -> memref<400x64xf32, #tpu.memory_space<vmem_shared>>
          tpu.enqueue_dma source(%dma_start3A_185 : memref<400x64xf32, #tpu.memory_space<vmem_shared>>) target(%dma_start3A_182 : memref<400x64xf32, #tpu.memory_space<hbm>>) target_semaphore(%run_scoped3A_179 : memref<!tpu.dma_semaphore, #tpu.memory_space<semaphore_mem>>)
          %dma_wait3A_186 = arith.constant 9600 : i32
          %dma_wait3A_187 = arith.constant 0 : i32
          %dma_wait3A_188 = tpu.memref_slice %arg8[%dma_wait3A_186, %dma_wait3A_187] : memref<10000x64xf32, #tpu.memory_space<hbm>> -> memref<400x64xf32, #tpu.memory_space<hbm>>
          %dma_wait3A_189 = arith.constant 9600 : i32
          %dma_wait3A_190 = arith.constant 0 : i32
          %dma_wait3A_191 = tpu.memref_slice %arg16[%dma_wait3A_189, %dma_wait3A_190] : memref<10240x64xf32, #tpu.memory_space<vmem_shared>> -> memref<400x64xf32, #tpu.memory_space<vmem_shared>>
          tpu.wait_dma2 semaphore(%run_scoped3A_179 : memref<!tpu.dma_semaphore, #tpu.memory_space<semaphore_mem>>) src(%dma_wait3A_191 : memref<400x64xf32, #tpu.memory_space<vmem_shared>>) dst(%dma_wait3A_188 : memref<400x64xf32, #tpu.memory_space<hbm>>)
          tpu.yield
        }) : () -> ()
      } else {
      }
    } else {
    }
    %eq3A_74 = arith.constant 1 : i32
    %eq3A_75 = arith.cmpi eq, %arg0, %eq3A_74 : i32
    %convert_element_type3A_76 = arith.extui %eq3A_75 : i1 to i32
    %cond3A_77 = arith.constant 0 : i32
    %cond3A_78 = arith.cmpi ne, %convert_element_type3A_76, %cond3A_77 : i32
    scf.if %cond3A_78 {
      %mul3A_168 = arith.constant 640 : i32
      %mul3A_169 = arith.muli %arg1, %mul3A_168 : i32
      %lt3A = arith.constant 15 : i32
      %lt3A_170 = arith.cmpi slt, %arg1, %lt3A : i32
      %convert_element_type3A_171 = arith.extui %lt3A_170 : i1 to i32
      %cond3A_172 = arith.constant 0 : i32
      %cond3A_173 = arith.cmpi ne, %convert_element_type3A_171, %cond3A_172 : i32
      scf.if %cond3A_173 {
        "tpu.region"() ({
          %run_scoped3A_179 = tpu.sem_alloc : memref<!tpu.dma_semaphore, #tpu.memory_space<semaphore_mem>>
          %dma_start3A_180 = arith.constant 0 : i32
          %dma_start3A_181 = tpu.memref_slice %arg9[%mul3A_169, %dma_start3A_180] : memref<10000x64xf32, #tpu.memory_space<hbm>> -> memref<640x64xf32, #tpu.memory_space<hbm>>
          %dma_start3A_182 = arith.constant 0 : i32
          %dma_start3A_183 = tpu.memref_slice %arg16[%mul3A_169, %dma_start3A_182] : memref<10240x64xf32, #tpu.memory_space<vmem_shared>> -> memref<640x64xf32, #tpu.memory_space<vmem_shared>>
          tpu.enqueue_dma source(%dma_start3A_183 : memref<640x64xf32, #tpu.memory_space<vmem_shared>>) target(%dma_start3A_181 : memref<640x64xf32, #tpu.memory_space<hbm>>) target_semaphore(%run_scoped3A_179 : memref<!tpu.dma_semaphore, #tpu.memory_space<semaphore_mem>>)
          %dma_wait3A_184 = arith.constant 0 : i32
          %dma_wait3A_185 = tpu.memref_slice %arg9[%mul3A_169, %dma_wait3A_184] : memref<10000x64xf32, #tpu.memory_space<hbm>> -> memref<640x64xf32, #tpu.memory_space<hbm>>
          %dma_wait3A_186 = arith.constant 0 : i32
          %dma_wait3A_187 = tpu.memref_slice %arg16[%mul3A_169, %dma_wait3A_186] : memref<10240x64xf32, #tpu.memory_space<vmem_shared>> -> memref<640x64xf32, #tpu.memory_space<vmem_shared>>
          tpu.wait_dma2 semaphore(%run_scoped3A_179 : memref<!tpu.dma_semaphore, #tpu.memory_space<semaphore_mem>>) src(%dma_wait3A_187 : memref<640x64xf32, #tpu.memory_space<vmem_shared>>) dst(%dma_wait3A_185 : memref<640x64xf32, #tpu.memory_space<hbm>>)
          tpu.yield
        }) : () -> ()
      } else {
      }
      %eq3A_174 = arith.constant 15 : i32
      %eq3A_175 = arith.cmpi eq, %arg1, %eq3A_174 : i32
      %convert_element_type3A_176 = arith.extui %eq3A_175 : i1 to i32
      %cond3A_177 = arith.constant 0 : i32
      %cond3A_178 = arith.cmpi ne, %convert_element_type3A_176, %cond3A_177 : i32
      scf.if %cond3A_178 {
        "tpu.region"() ({
          %run_scoped3A_179 = tpu.sem_alloc : memref<!tpu.dma_semaphore, #tpu.memory_space<semaphore_mem>>
          %dma_start3A_180 = arith.constant 9600 : i32
          %dma_start3A_181 = arith.constant 0 : i32
          %dma_start3A_182 = tpu.memref_slice %arg9[%dma_start3A_180, %dma_start3A_181] : memref<10000x64xf32, #tpu.memory_space<hbm>> -> memref<400x64xf32, #tpu.memory_space<hbm>>
          %dma_start3A_183 = arith.constant 9600 : i32
          %dma_start3A_184 = arith.constant 0 : i32
          %dma_start3A_185 = tpu.memref_slice %arg16[%dma_start3A_183, %dma_start3A_184] : memref<10240x64xf32, #tpu.memory_space<vmem_shared>> -> memref<400x64xf32, #tpu.memory_space<vmem_shared>>
          tpu.enqueue_dma source(%dma_start3A_185 : memref<400x64xf32, #tpu.memory_space<vmem_shared>>) target(%dma_start3A_182 : memref<400x64xf32, #tpu.memory_space<hbm>>) target_semaphore(%run_scoped3A_179 : memref<!tpu.dma_semaphore, #tpu.memory_space<semaphore_mem>>)
          %dma_wait3A_186 = arith.constant 9600 : i32
          %dma_wait3A_187 = arith.constant 0 : i32
          %dma_wait3A_188 = tpu.memref_slice %arg9[%dma_wait3A_186, %dma_wait3A_187] : memref<10000x64xf32, #tpu.memory_space<hbm>> -> memref<400x64xf32, #tpu.memory_space<hbm>>
          %dma_wait3A_189 = arith.constant 9600 : i32
          %dma_wait3A_190 = arith.constant 0 : i32
          %dma_wait3A_191 = tpu.memref_slice %arg16[%dma_wait3A_189, %dma_wait3A_190] : memref<10240x64xf32, #tpu.memory_space<vmem_shared>> -> memref<400x64xf32, #tpu.memory_space<vmem_shared>>
          tpu.wait_dma2 semaphore(%run_scoped3A_179 : memref<!tpu.dma_semaphore, #tpu.memory_space<semaphore_mem>>) src(%dma_wait3A_191 : memref<400x64xf32, #tpu.memory_space<vmem_shared>>) dst(%dma_wait3A_188 : memref<400x64xf32, #tpu.memory_space<hbm>>)
          tpu.yield
        }) : () -> ()
      } else {
      }
    } else {
    }
    %eq3A_79 = arith.constant 0 : i32
    %eq3A_80 = arith.cmpi eq, %arg0, %eq3A_79 : i32
    %convert_element_type3A_81 = arith.extui %eq3A_80 : i1 to i32
    %cond3A_82 = arith.constant 0 : i32
    %cond3A_83 = arith.cmpi ne, %convert_element_type3A_81, %cond3A_82 : i32
    scf.if %cond3A_83 {
      %mul3A_168 = arith.constant 640 : i32
      %mul3A_169 = arith.muli %arg1, %mul3A_168 : i32
      %lt3A = arith.constant 15 : i32
      %lt3A_170 = arith.cmpi slt, %arg1, %lt3A : i32
      %convert_element_type3A_171 = arith.extui %lt3A_170 : i1 to i32
      %cond3A_172 = arith.constant 0 : i32
      %cond3A_173 = arith.cmpi ne, %convert_element_type3A_171, %cond3A_172 : i32
      scf.if %cond3A_173 {
        "tpu.region"() ({
          %run_scoped3A_179 = tpu.sem_alloc : memref<!tpu.dma_semaphore, #tpu.memory_space<semaphore_mem>>
          %dma_start3A_180 = arith.constant 0 : i32
          %dma_start3A_181 = tpu.memref_slice %arg15[%mul3A_169, %dma_start3A_180] : memref<10000x64xf32, #tpu.memory_space<vmem_shared>> -> memref<640x64xf32, #tpu.memory_space<vmem_shared>>
          %dma_start3A_182 = arith.constant 0 : i32
          %dma_start3A_183 = tpu.memref_slice %arg4[%mul3A_169, %dma_start3A_182] : memref<10000x64xf32, #tpu.memory_space<hbm>> -> memref<640x64xf32, #tpu.memory_space<hbm>>
          tpu.enqueue_dma source(%dma_start3A_183 : memref<640x64xf32, #tpu.memory_space<hbm>>) target(%dma_start3A_181 : memref<640x64xf32, #tpu.memory_space<vmem_shared>>) target_semaphore(%run_scoped3A_179 : memref<!tpu.dma_semaphore, #tpu.memory_space<semaphore_mem>>)
          %dma_wait3A_184 = arith.constant 0 : i32
          %dma_wait3A_185 = tpu.memref_slice %arg15[%mul3A_169, %dma_wait3A_184] : memref<10000x64xf32, #tpu.memory_space<vmem_shared>> -> memref<640x64xf32, #tpu.memory_space<vmem_shared>>
          %dma_wait3A_186 = arith.constant 0 : i32
          %dma_wait3A_187 = tpu.memref_slice %arg4[%mul3A_169, %dma_wait3A_186] : memref<10000x64xf32, #tpu.memory_space<hbm>> -> memref<640x64xf32, #tpu.memory_space<hbm>>
          tpu.wait_dma2 semaphore(%run_scoped3A_179 : memref<!tpu.dma_semaphore, #tpu.memory_space<semaphore_mem>>) src(%dma_wait3A_187 : memref<640x64xf32, #tpu.memory_space<hbm>>) dst(%dma_wait3A_185 : memref<640x64xf32, #tpu.memory_space<vmem_shared>>)
          tpu.yield
        }) : () -> ()
      } else {
      }
      %eq3A_174 = arith.constant 15 : i32
      %eq3A_175 = arith.cmpi eq, %arg1, %eq3A_174 : i32
      %convert_element_type3A_176 = arith.extui %eq3A_175 : i1 to i32
      %cond3A_177 = arith.constant 0 : i32
      %cond3A_178 = arith.cmpi ne, %convert_element_type3A_176, %cond3A_177 : i32
      scf.if %cond3A_178 {
        "tpu.region"() ({
          %run_scoped3A_179 = tpu.sem_alloc : memref<!tpu.dma_semaphore, #tpu.memory_space<semaphore_mem>>
          %dma_start3A_180 = arith.constant 9600 : i32
          %dma_start3A_181 = arith.constant 0 : i32
          %dma_start3A_182 = tpu.memref_slice %arg15[%dma_start3A_180, %dma_start3A_181] : memref<10000x64xf32, #tpu.memory_space<vmem_shared>> -> memref<400x64xf32, #tpu.memory_space<vmem_shared>>
          %dma_start3A_183 = arith.constant 9600 : i32
          %dma_start3A_184 = arith.constant 0 : i32
          %dma_start3A_185 = tpu.memref_slice %arg4[%dma_start3A_183, %dma_start3A_184] : memref<10000x64xf32, #tpu.memory_space<hbm>> -> memref<400x64xf32, #tpu.memory_space<hbm>>
          tpu.enqueue_dma source(%dma_start3A_185 : memref<400x64xf32, #tpu.memory_space<hbm>>) target(%dma_start3A_182 : memref<400x64xf32, #tpu.memory_space<vmem_shared>>) target_semaphore(%run_scoped3A_179 : memref<!tpu.dma_semaphore, #tpu.memory_space<semaphore_mem>>)
          %dma_wait3A_186 = arith.constant 9600 : i32
          %dma_wait3A_187 = arith.constant 0 : i32
          %dma_wait3A_188 = tpu.memref_slice %arg15[%dma_wait3A_186, %dma_wait3A_187] : memref<10000x64xf32, #tpu.memory_space<vmem_shared>> -> memref<400x64xf32, #tpu.memory_space<vmem_shared>>
          %dma_wait3A_189 = arith.constant 9600 : i32
          %dma_wait3A_190 = arith.constant 0 : i32
          %dma_wait3A_191 = tpu.memref_slice %arg4[%dma_wait3A_189, %dma_wait3A_190] : memref<10000x64xf32, #tpu.memory_space<hbm>> -> memref<400x64xf32, #tpu.memory_space<hbm>>
          tpu.wait_dma2 semaphore(%run_scoped3A_179 : memref<!tpu.dma_semaphore, #tpu.memory_space<semaphore_mem>>) src(%dma_wait3A_191 : memref<400x64xf32, #tpu.memory_space<hbm>>) dst(%dma_wait3A_188 : memref<400x64xf32, #tpu.memory_space<vmem_shared>>)
          tpu.yield
        }) : () -> ()
      } else {
      }
    } else {
    }
    %eq3A_84 = arith.constant 1 : i32
    %eq3A_85 = arith.cmpi eq, %arg0, %eq3A_84 : i32
    %convert_element_type3A_86 = arith.extui %eq3A_85 : i1 to i32
    %cond3A_87 = arith.constant 0 : i32
    %cond3A_88 = arith.cmpi ne, %convert_element_type3A_86, %cond3A_87 : i32
    scf.if %cond3A_88 {
      %mul3A_168 = arith.constant 640 : i32
      %mul3A_169 = arith.muli %arg1, %mul3A_168 : i32
      %lt3A = arith.constant 15 : i32
      %lt3A_170 = arith.cmpi slt, %arg1, %lt3A : i32
      %convert_element_type3A_171 = arith.extui %lt3A_170 : i1 to i32
      %cond3A_172 = arith.constant 0 : i32
      %cond3A_173 = arith.cmpi ne, %convert_element_type3A_171, %cond3A_172 : i32
      scf.if %cond3A_173 {
        "tpu.region"() ({
          %run_scoped3A_179 = tpu.sem_alloc : memref<!tpu.dma_semaphore, #tpu.memory_space<semaphore_mem>>
          %dma_start3A_180 = arith.constant 0 : i32
          %dma_start3A_181 = tpu.memref_slice %arg15[%mul3A_169, %dma_start3A_180] : memref<10000x64xf32, #tpu.memory_space<vmem_shared>> -> memref<640x64xf32, #tpu.memory_space<vmem_shared>>
          %dma_start3A_182 = arith.constant 0 : i32
          %dma_start3A_183 = tpu.memref_slice %arg5[%mul3A_169, %dma_start3A_182] : memref<10000x64xf32, #tpu.memory_space<hbm>> -> memref<640x64xf32, #tpu.memory_space<hbm>>
          tpu.enqueue_dma source(%dma_start3A_183 : memref<640x64xf32, #tpu.memory_space<hbm>>) target(%dma_start3A_181 : memref<640x64xf32, #tpu.memory_space<vmem_shared>>) target_semaphore(%run_scoped3A_179 : memref<!tpu.dma_semaphore, #tpu.memory_space<semaphore_mem>>)
          %dma_wait3A_184 = arith.constant 0 : i32
          %dma_wait3A_185 = tpu.memref_slice %arg15[%mul3A_169, %dma_wait3A_184] : memref<10000x64xf32, #tpu.memory_space<vmem_shared>> -> memref<640x64xf32, #tpu.memory_space<vmem_shared>>
          %dma_wait3A_186 = arith.constant 0 : i32
          %dma_wait3A_187 = tpu.memref_slice %arg5[%mul3A_169, %dma_wait3A_186] : memref<10000x64xf32, #tpu.memory_space<hbm>> -> memref<640x64xf32, #tpu.memory_space<hbm>>
          tpu.wait_dma2 semaphore(%run_scoped3A_179 : memref<!tpu.dma_semaphore, #tpu.memory_space<semaphore_mem>>) src(%dma_wait3A_187 : memref<640x64xf32, #tpu.memory_space<hbm>>) dst(%dma_wait3A_185 : memref<640x64xf32, #tpu.memory_space<vmem_shared>>)
          tpu.yield
        }) : () -> ()
      } else {
      }
      %eq3A_174 = arith.constant 15 : i32
      %eq3A_175 = arith.cmpi eq, %arg1, %eq3A_174 : i32
      %convert_element_type3A_176 = arith.extui %eq3A_175 : i1 to i32
      %cond3A_177 = arith.constant 0 : i32
      %cond3A_178 = arith.cmpi ne, %convert_element_type3A_176, %cond3A_177 : i32
      scf.if %cond3A_178 {
        "tpu.region"() ({
          %run_scoped3A_179 = tpu.sem_alloc : memref<!tpu.dma_semaphore, #tpu.memory_space<semaphore_mem>>
          %dma_start3A_180 = arith.constant 9600 : i32
          %dma_start3A_181 = arith.constant 0 : i32
          %dma_start3A_182 = tpu.memref_slice %arg15[%dma_start3A_180, %dma_start3A_181] : memref<10000x64xf32, #tpu.memory_space<vmem_shared>> -> memref<400x64xf32, #tpu.memory_space<vmem_shared>>
          %dma_start3A_183 = arith.constant 9600 : i32
          %dma_start3A_184 = arith.constant 0 : i32
          %dma_start3A_185 = tpu.memref_slice %arg5[%dma_start3A_183, %dma_start3A_184] : memref<10000x64xf32, #tpu.memory_space<hbm>> -> memref<400x64xf32, #tpu.memory_space<hbm>>
          tpu.enqueue_dma source(%dma_start3A_185 : memref<400x64xf32, #tpu.memory_space<hbm>>) target(%dma_start3A_182 : memref<400x64xf32, #tpu.memory_space<vmem_shared>>) target_semaphore(%run_scoped3A_179 : memref<!tpu.dma_semaphore, #tpu.memory_space<semaphore_mem>>)
          %dma_wait3A_186 = arith.constant 9600 : i32
          %dma_wait3A_187 = arith.constant 0 : i32
          %dma_wait3A_188 = tpu.memref_slice %arg15[%dma_wait3A_186, %dma_wait3A_187] : memref<10000x64xf32, #tpu.memory_space<vmem_shared>> -> memref<400x64xf32, #tpu.memory_space<vmem_shared>>
          %dma_wait3A_189 = arith.constant 9600 : i32
          %dma_wait3A_190 = arith.constant 0 : i32
          %dma_wait3A_191 = tpu.memref_slice %arg5[%dma_wait3A_189, %dma_wait3A_190] : memref<10000x64xf32, #tpu.memory_space<hbm>> -> memref<400x64xf32, #tpu.memory_space<hbm>>
          tpu.wait_dma2 semaphore(%run_scoped3A_179 : memref<!tpu.dma_semaphore, #tpu.memory_space<semaphore_mem>>) src(%dma_wait3A_191 : memref<400x64xf32, #tpu.memory_space<hbm>>) dst(%dma_wait3A_188 : memref<400x64xf32, #tpu.memory_space<vmem_shared>>)
          tpu.yield
        }) : () -> ()
      } else {
      }
    } else {
    }
    %scan3A_89 = arith.constant 0 : i32
    %scan3A_90 = arith.constant 0 : i32
    %scan3A_91 = arith.constant 256 : i32
    %scan3A_92 = arith.addi %scan3A_90, %scan3A_91 : i32
    %scan3A_93 = arith.constant 1 : i32
    scf.for %scan3A_168 = %scan3A_90 to %scan3A_92 step %scan3A_93  : i32 {
      %broadcast_in_dim3A = arith.constant 0.000000e+00 : f32
      %broadcast_in_dim3A_169 = vector.broadcast %broadcast_in_dim3A : f32 to vector<16xf32>
      %swap3A = arith.constant 0 : i32
      %swap3A_170 = arith.index_cast %swap3A : i32 to index
      %swap3A_171 = arith.index_cast %scan3A_168 : i32 to index
      %swap3A_172 = arith.constant 0 : index
      %swap3A_173 = tpu.vector_load %arg14[%swap3A_170, %swap3A_171, %swap3A_172] {strides = array<i32>} : memref<2x256x64xf32, #tpu.memory_space<vmem>>, vector<1x1x16xf32>,
      %swap3A_174 = vector.shape_cast %swap3A_173 : vector<1x1x16xf32> to vector<16xf32>
      %swap3A_175 = vector.shape_cast %broadcast_in_dim3A_169 : vector<16xf32> to vector<1x1x16xf32>
      tpu.vector_store %arg14[%swap3A_170, %swap3A_171, %swap3A_172], %swap3A_175 {strides = array<i32>} : memref<2x256x64xf32, #tpu.memory_space<vmem>>, vector<1x1x16xf32>,
      %broadcast_in_dim3A_176 = arith.constant 0.000000e+00 : f32
      %broadcast_in_dim3A_177 = vector.broadcast %broadcast_in_dim3A_176 : f32 to vector<16xf32>
      %swap3A_178 = arith.constant 0 : i32
      %swap3A_179 = arith.index_cast %swap3A_178 : i32 to index
      %swap3A_180 = arith.index_cast %scan3A_168 : i32 to index
      %swap3A_181 = arith.constant 16 : index
      %swap3A_182 = tpu.vector_load %arg14[%swap3A_179, %swap3A_180, %swap3A_181] {strides = array<i32>} : memref<2x256x64xf32, #tpu.memory_space<vmem>>, vector<1x1x16xf32>,
      %swap3A_183 = vector.shape_cast %swap3A_182 : vector<1x1x16xf32> to vector<16xf32>
      %swap3A_184 = vector.shape_cast %broadcast_in_dim3A_177 : vector<16xf32> to vector<1x1x16xf32>
      tpu.vector_store %arg14[%swap3A_179, %swap3A_180, %swap3A_181], %swap3A_184 {strides = array<i32>} : memref<2x256x64xf32, #tpu.memory_space<vmem>>, vector<1x1x16xf32>,
      %broadcast_in_dim3A_185 = arith.constant 0.000000e+00 : f32
      %broadcast_in_dim3A_186 = vector.broadcast %broadcast_in_dim3A_185 : f32 to vector<16xf32>
      %swap3A_187 = arith.constant 0 : i32
      %swap3A_188 = arith.index_cast %swap3A_187 : i32 to index
      %swap3A_189 = arith.index_cast %scan3A_168 : i32 to index
      %swap3A_190 = arith.constant 32 : index
      %swap3A_191 = tpu.vector_load %arg14[%swap3A_188, %swap3A_189, %swap3A_190] {strides = array<i32>} : memref<2x256x64xf32, #tpu.memory_space<vmem>>, vector<1x1x16xf32>,
      %swap3A_192 = vector.shape_cast %swap3A_191 : vector<1x1x16xf32> to vector<16xf32>
      %swap3A_193 = vector.shape_cast %broadcast_in_dim3A_186 : vector<16xf32> to vector<1x1x16xf32>
      tpu.vector_store %arg14[%swap3A_188, %swap3A_189, %swap3A_190], %swap3A_193 {strides = array<i32>} : memref<2x256x64xf32, #tpu.memory_space<vmem>>, vector<1x1x16xf32>,
      %broadcast_in_dim3A_194 = arith.constant 0.000000e+00 : f32
      %broadcast_in_dim3A_195 = vector.broadcast %broadcast_in_dim3A_194 : f32 to vector<16xf32>
      %swap3A_196 = arith.constant 0 : i32
      %swap3A_197 = arith.index_cast %swap3A_196 : i32 to index
      %swap3A_198 = arith.index_cast %scan3A_168 : i32 to index
      %swap3A_199 = arith.constant 48 : index
      %swap3A_200 = tpu.vector_load %arg14[%swap3A_197, %swap3A_198, %swap3A_199] {strides = array<i32>} : memref<2x256x64xf32, #tpu.memory_space<vmem>>, vector<1x1x16xf32>,
      %swap3A_201 = vector.shape_cast %swap3A_200 : vector<1x1x16xf32> to vector<16xf32>
      %swap3A_202 = vector.shape_cast %broadcast_in_dim3A_195 : vector<16xf32> to vector<1x1x16xf32>
      tpu.vector_store %arg14[%swap3A_197, %swap3A_198, %swap3A_199], %swap3A_202 {strides = array<i32>} : memref<2x256x64xf32, #tpu.memory_space<vmem>>, vector<1x1x16xf32>,
    }
    %scan3A_94 = arith.constant 256 : i32
    %mul3A_95 = arith.constant 640 : i32
    %mul3A_96 = arith.muli %arg1, %mul3A_95 : i32
    %add3A_97 = arith.constant 0 : i32
    %add3A_98 = arith.addi %mul3A_96, %add3A_97 : i32
    %run_scoped3A_99 = arith.constant 0 : i32
    "tpu.region"() ({
      %run_scoped3A_168 = tpu.sem_alloc : memref<!tpu.dma_semaphore, #tpu.memory_space<semaphore_mem>>
      %dma_start3A_169 = arith.constant 0 : i32
      %dma_start3A_170 = arith.constant 0 : i32
      %dma_start3A_171 = tpu.memref_slice %arg14[%run_scoped3A_99, %dma_start3A_169, %dma_start3A_170] : memref<2x256x64xf32, #tpu.memory_space<vmem>> -> memref<1x128x64xf32, #tpu.memory_space<vmem>>
      %dma_start3A_172 = tpu.memref_squeeze %dma_start3A_171 : memref<1x128x64xf32, #tpu.memory_space<vmem>> -> memref<128x64xf32, #tpu.memory_space<vmem>>
      %dma_start3A_173 = arith.constant 0 : i32
      %dma_start3A_174 = tpu.memref_slice %arg16[%add3A_98, %dma_start3A_173] : memref<10240x64xf32, #tpu.memory_space<vmem_shared>> -> memref<128x64xf32, #tpu.memory_space<vmem_shared>>
      %dma_start3A_175 = arith.constant 0 : i32
      %dma_start3A_176 = tpu.memref_slice %arg16[%add3A_98, %dma_start3A_175] : memref<10240x64xf32, #tpu.memory_space<vmem_shared>> -> memref<128x64xf32, #tpu.memory_space<vmem_shared>>
      %dma_start3A_177 = arith.constant 0 : i32
      %dma_start3A_178 = arith.constant 0 : i32
      %dma_start3A_179 = tpu.memref_slice %arg14[%run_scoped3A_99, %dma_start3A_177, %dma_start3A_178] : memref<2x256x64xf32, #tpu.memory_space<vmem>> -> memref<1x128x64xf32, #tpu.memory_space<vmem>>
      %dma_start3A_180 = tpu.memref_squeeze %dma_start3A_179 : memref<1x128x64xf32, #tpu.memory_space<vmem>> -> memref<128x64xf32, #tpu.memory_space<vmem>>
      tpu.enqueue_dma source(%dma_start3A_180 : memref<128x64xf32, #tpu.memory_space<vmem>>) target(%dma_start3A_176 : memref<128x64xf32, #tpu.memory_space<vmem_shared>>) target_semaphore(%run_scoped3A_168 : memref<!tpu.dma_semaphore, #tpu.memory_space<semaphore_mem>>)
      %dma_wait3A_181 = arith.constant 0 : i32
      %dma_wait3A_182 = arith.constant 0 : i32
      %dma_wait3A_183 = tpu.memref_slice %arg14[%run_scoped3A_99, %dma_wait3A_181, %dma_wait3A_182] : memref<2x256x64xf32, #tpu.memory_space<vmem>> -> memref<1x128x64xf32, #tpu.memory_space<vmem>>
      %dma_wait3A_184 = tpu.memref_squeeze %dma_wait3A_183 : memref<1x128x64xf32, #tpu.memory_space<vmem>> -> memref<128x64xf32, #tpu.memory_space<vmem>>
      %dma_wait3A_185 = arith.constant 0 : i32
      %dma_wait3A_186 = tpu.memref_slice %arg16[%add3A_98, %dma_wait3A_185] : memref<10240x64xf32, #tpu.memory_space<vmem_shared>> -> memref<128x64xf32, #tpu.memory_space<vmem_shared>>
      %dma_wait3A_187 = arith.constant 0 : i32
      %dma_wait3A_188 = tpu.memref_slice %arg16[%add3A_98, %dma_wait3A_187] : memref<10240x64xf32, #tpu.memory_space<vmem_shared>> -> memref<128x64xf32, #tpu.memory_space<vmem_shared>>
      %dma_wait3A_189 = arith.constant 0 : i32
      %dma_wait3A_190 = arith.constant 0 : i32
      %dma_wait3A_191 = tpu.memref_slice %arg14[%run_scoped3A_99, %dma_wait3A_189, %dma_wait3A_190] : memref<2x256x64xf32, #tpu.memory_space<vmem>> -> memref<1x128x64xf32, #tpu.memory_space<vmem>>
      %dma_wait3A_192 = tpu.memref_squeeze %dma_wait3A_191 : memref<1x128x64xf32, #tpu.memory_space<vmem>> -> memref<128x64xf32, #tpu.memory_space<vmem>>
      tpu.wait_dma2 semaphore(%run_scoped3A_168 : memref<!tpu.dma_semaphore, #tpu.memory_space<semaphore_mem>>) src(%dma_wait3A_192 : memref<128x64xf32, #tpu.memory_space<vmem>>) dst(%dma_wait3A_188 : memref<128x64xf32, #tpu.memory_space<vmem_shared>>)
      tpu.yield
    }) : () -> ()
    %mul3A_100 = arith.constant 640 : i32
    %mul3A_101 = arith.muli %arg1, %mul3A_100 : i32
    %add3A_102 = arith.constant 128 : i32
    %add3A_103 = arith.addi %mul3A_101, %add3A_102 : i32
    %run_scoped3A_104 = arith.constant 0 : i32
    "tpu.region"() ({
      %run_scoped3A_168 = tpu.sem_alloc : memref<!tpu.dma_semaphore, #tpu.memory_space<semaphore_mem>>
      %dma_start3A_169 = arith.constant 0 : i32
      %dma_start3A_170 = arith.constant 0 : i32
      %dma_start3A_171 = tpu.memref_slice %arg14[%run_scoped3A_104, %dma_start3A_169, %dma_start3A_170] : memref<2x256x64xf32, #tpu.memory_space<vmem>> -> memref<1x128x64xf32, #tpu.memory_space<vmem>>
      %dma_start3A_172 = tpu.memref_squeeze %dma_start3A_171 : memref<1x128x64xf32, #tpu.memory_space<vmem>> -> memref<128x64xf32, #tpu.memory_space<vmem>>
      %dma_start3A_173 = arith.constant 0 : i32
      %dma_start3A_174 = tpu.memref_slice %arg16[%add3A_103, %dma_start3A_173] : memref<10240x64xf32, #tpu.memory_space<vmem_shared>> -> memref<128x64xf32, #tpu.memory_space<vmem_shared>>
      %dma_start3A_175 = arith.constant 0 : i32
      %dma_start3A_176 = tpu.memref_slice %arg16[%add3A_103, %dma_start3A_175] : memref<10240x64xf32, #tpu.memory_space<vmem_shared>> -> memref<128x64xf32, #tpu.memory_space<vmem_shared>>
      %dma_start3A_177 = arith.constant 0 : i32
      %dma_start3A_178 = arith.constant 0 : i32
      %dma_start3A_179 = tpu.memref_slice %arg14[%run_scoped3A_104, %dma_start3A_177, %dma_start3A_178] : memref<2x256x64xf32, #tpu.memory_space<vmem>> -> memref<1x128x64xf32, #tpu.memory_space<vmem>>
      %dma_start3A_180 = tpu.memref_squeeze %dma_start3A_179 : memref<1x128x64xf32, #tpu.memory_space<vmem>> -> memref<128x64xf32, #tpu.memory_space<vmem>>
      tpu.enqueue_dma source(%dma_start3A_180 : memref<128x64xf32, #tpu.memory_space<vmem>>) target(%dma_start3A_176 : memref<128x64xf32, #tpu.memory_space<vmem_shared>>) target_semaphore(%run_scoped3A_168 : memref<!tpu.dma_semaphore, #tpu.memory_space<semaphore_mem>>)
      %dma_wait3A_181 = arith.constant 0 : i32
      %dma_wait3A_182 = arith.constant 0 : i32
      %dma_wait3A_183 = tpu.memref_slice %arg14[%run_scoped3A_104, %dma_wait3A_181, %dma_wait3A_182] : memref<2x256x64xf32, #tpu.memory_space<vmem>> -> memref<1x128x64xf32, #tpu.memory_space<vmem>>
      %dma_wait3A_184 = tpu.memref_squeeze %dma_wait3A_183 : memref<1x128x64xf32, #tpu.memory_space<vmem>> -> memref<128x64xf32, #tpu.memory_space<vmem>>
      %dma_wait3A_185 = arith.constant 0 : i32
      %dma_wait3A_186 = tpu.memref_slice %arg16[%add3A_103, %dma_wait3A_185] : memref<10240x64xf32, #tpu.memory_space<vmem_shared>> -> memref<128x64xf32, #tpu.memory_space<vmem_shared>>
      %dma_wait3A_187 = arith.constant 0 : i32
      %dma_wait3A_188 = tpu.memref_slice %arg16[%add3A_103, %dma_wait3A_187] : memref<10240x64xf32, #tpu.memory_space<vmem_shared>> -> memref<128x64xf32, #tpu.memory_space<vmem_shared>>
      %dma_wait3A_189 = arith.constant 0 : i32
      %dma_wait3A_190 = arith.constant 0 : i32
      %dma_wait3A_191 = tpu.memref_slice %arg14[%run_scoped3A_104, %dma_wait3A_189, %dma_wait3A_190] : memref<2x256x64xf32, #tpu.memory_space<vmem>> -> memref<1x128x64xf32, #tpu.memory_space<vmem>>
      %dma_wait3A_192 = tpu.memref_squeeze %dma_wait3A_191 : memref<1x128x64xf32, #tpu.memory_space<vmem>> -> memref<128x64xf32, #tpu.memory_space<vmem>>
      tpu.wait_dma2 semaphore(%run_scoped3A_168 : memref<!tpu.dma_semaphore, #tpu.memory_space<semaphore_mem>>) src(%dma_wait3A_192 : memref<128x64xf32, #tpu.memory_space<vmem>>) dst(%dma_wait3A_188 : memref<128x64xf32, #tpu.memory_space<vmem_shared>>)
      tpu.yield
    }) : () -> ()
    %mul3A_105 = arith.constant 640 : i32
    %mul3A_106 = arith.muli %arg1, %mul3A_105 : i32
    %add3A_107 = arith.constant 256 : i32
    %add3A_108 = arith.addi %mul3A_106, %add3A_107 : i32
    %run_scoped3A_109 = arith.constant 0 : i32
    "tpu.region"() ({
      %run_scoped3A_168 = tpu.sem_alloc : memref<!tpu.dma_semaphore, #tpu.memory_space<semaphore_mem>>
      %dma_start3A_169 = arith.constant 0 : i32
      %dma_start3A_170 = arith.constant 0 : i32
      %dma_start3A_171 = tpu.memref_slice %arg14[%run_scoped3A_109, %dma_start3A_169, %dma_start3A_170] : memref<2x256x64xf32, #tpu.memory_space<vmem>> -> memref<1x128x64xf32, #tpu.memory_space<vmem>>
      %dma_start3A_172 = tpu.memref_squeeze %dma_start3A_171 : memref<1x128x64xf32, #tpu.memory_space<vmem>> -> memref<128x64xf32, #tpu.memory_space<vmem>>
      %dma_start3A_173 = arith.constant 0 : i32
      %dma_start3A_174 = tpu.memref_slice %arg16[%add3A_108, %dma_start3A_173] : memref<10240x64xf32, #tpu.memory_space<vmem_shared>> -> memref<128x64xf32, #tpu.memory_space<vmem_shared>>
      %dma_start3A_175 = arith.constant 0 : i32
      %dma_start3A_176 = tpu.memref_slice %arg16[%add3A_108, %dma_start3A_175] : memref<10240x64xf32, #tpu.memory_space<vmem_shared>> -> memref<128x64xf32, #tpu.memory_space<vmem_shared>>
      %dma_start3A_177 = arith.constant 0 : i32
      %dma_start3A_178 = arith.constant 0 : i32
      %dma_start3A_179 = tpu.memref_slice %arg14[%run_scoped3A_109, %dma_start3A_177, %dma_start3A_178] : memref<2x256x64xf32, #tpu.memory_space<vmem>> -> memref<1x128x64xf32, #tpu.memory_space<vmem>>
      %dma_start3A_180 = tpu.memref_squeeze %dma_start3A_179 : memref<1x128x64xf32, #tpu.memory_space<vmem>> -> memref<128x64xf32, #tpu.memory_space<vmem>>
      tpu.enqueue_dma source(%dma_start3A_180 : memref<128x64xf32, #tpu.memory_space<vmem>>) target(%dma_start3A_176 : memref<128x64xf32, #tpu.memory_space<vmem_shared>>) target_semaphore(%run_scoped3A_168 : memref<!tpu.dma_semaphore, #tpu.memory_space<semaphore_mem>>)
      %dma_wait3A_181 = arith.constant 0 : i32
      %dma_wait3A_182 = arith.constant 0 : i32
      %dma_wait3A_183 = tpu.memref_slice %arg14[%run_scoped3A_109, %dma_wait3A_181, %dma_wait3A_182] : memref<2x256x64xf32, #tpu.memory_space<vmem>> -> memref<1x128x64xf32, #tpu.memory_space<vmem>>
      %dma_wait3A_184 = tpu.memref_squeeze %dma_wait3A_183 : memref<1x128x64xf32, #tpu.memory_space<vmem>> -> memref<128x64xf32, #tpu.memory_space<vmem>>
      %dma_wait3A_185 = arith.constant 0 : i32
      %dma_wait3A_186 = tpu.memref_slice %arg16[%add3A_108, %dma_wait3A_185] : memref<10240x64xf32, #tpu.memory_space<vmem_shared>> -> memref<128x64xf32, #tpu.memory_space<vmem_shared>>
      %dma_wait3A_187 = arith.constant 0 : i32
      %dma_wait3A_188 = tpu.memref_slice %arg16[%add3A_108, %dma_wait3A_187] : memref<10240x64xf32, #tpu.memory_space<vmem_shared>> -> memref<128x64xf32, #tpu.memory_space<vmem_shared>>
      %dma_wait3A_189 = arith.constant 0 : i32
      %dma_wait3A_190 = arith.constant 0 : i32
      %dma_wait3A_191 = tpu.memref_slice %arg14[%run_scoped3A_109, %dma_wait3A_189, %dma_wait3A_190] : memref<2x256x64xf32, #tpu.memory_space<vmem>> -> memref<1x128x64xf32, #tpu.memory_space<vmem>>
      %dma_wait3A_192 = tpu.memref_squeeze %dma_wait3A_191 : memref<1x128x64xf32, #tpu.memory_space<vmem>> -> memref<128x64xf32, #tpu.memory_space<vmem>>
      tpu.wait_dma2 semaphore(%run_scoped3A_168 : memref<!tpu.dma_semaphore, #tpu.memory_space<semaphore_mem>>) src(%dma_wait3A_192 : memref<128x64xf32, #tpu.memory_space<vmem>>) dst(%dma_wait3A_188 : memref<128x64xf32, #tpu.memory_space<vmem_shared>>)
      tpu.yield
    }) : () -> ()
    %mul3A_110 = arith.constant 640 : i32
    %mul3A_111 = arith.muli %arg1, %mul3A_110 : i32
    %add3A_112 = arith.constant 384 : i32
    %add3A_113 = arith.addi %mul3A_111, %add3A_112 : i32
    %run_scoped3A_114 = arith.constant 0 : i32
    "tpu.region"() ({
      %run_scoped3A_168 = tpu.sem_alloc : memref<!tpu.dma_semaphore, #tpu.memory_space<semaphore_mem>>
      %dma_start3A_169 = arith.constant 0 : i32
      %dma_start3A_170 = arith.constant 0 : i32
      %dma_start3A_171 = tpu.memref_slice %arg14[%run_scoped3A_114, %dma_start3A_169, %dma_start3A_170] : memref<2x256x64xf32, #tpu.memory_space<vmem>> -> memref<1x128x64xf32, #tpu.memory_space<vmem>>
      %dma_start3A_172 = tpu.memref_squeeze %dma_start3A_171 : memref<1x128x64xf32, #tpu.memory_space<vmem>> -> memref<128x64xf32, #tpu.memory_space<vmem>>
      %dma_start3A_173 = arith.constant 0 : i32
      %dma_start3A_174 = tpu.memref_slice %arg16[%add3A_113, %dma_start3A_173] : memref<10240x64xf32, #tpu.memory_space<vmem_shared>> -> memref<128x64xf32, #tpu.memory_space<vmem_shared>>
      %dma_start3A_175 = arith.constant 0 : i32
      %dma_start3A_176 = tpu.memref_slice %arg16[%add3A_113, %dma_start3A_175] : memref<10240x64xf32, #tpu.memory_space<vmem_shared>> -> memref<128x64xf32, #tpu.memory_space<vmem_shared>>
      %dma_start3A_177 = arith.constant 0 : i32
      %dma_start3A_178 = arith.constant 0 : i32
      %dma_start3A_179 = tpu.memref_slice %arg14[%run_scoped3A_114, %dma_start3A_177, %dma_start3A_178] : memref<2x256x64xf32, #tpu.memory_space<vmem>> -> memref<1x128x64xf32, #tpu.memory_space<vmem>>
      %dma_start3A_180 = tpu.memref_squeeze %dma_start3A_179 : memref<1x128x64xf32, #tpu.memory_space<vmem>> -> memref<128x64xf32, #tpu.memory_space<vmem>>
      tpu.enqueue_dma source(%dma_start3A_180 : memref<128x64xf32, #tpu.memory_space<vmem>>) target(%dma_start3A_176 : memref<128x64xf32, #tpu.memory_space<vmem_shared>>) target_semaphore(%run_scoped3A_168 : memref<!tpu.dma_semaphore, #tpu.memory_space<semaphore_mem>>)
      %dma_wait3A_181 = arith.constant 0 : i32
      %dma_wait3A_182 = arith.constant 0 : i32
      %dma_wait3A_183 = tpu.memref_slice %arg14[%run_scoped3A_114, %dma_wait3A_181, %dma_wait3A_182] : memref<2x256x64xf32, #tpu.memory_space<vmem>> -> memref<1x128x64xf32, #tpu.memory_space<vmem>>
      %dma_wait3A_184 = tpu.memref_squeeze %dma_wait3A_183 : memref<1x128x64xf32, #tpu.memory_space<vmem>> -> memref<128x64xf32, #tpu.memory_space<vmem>>
      %dma_wait3A_185 = arith.constant 0 : i32
      %dma_wait3A_186 = tpu.memref_slice %arg16[%add3A_113, %dma_wait3A_185] : memref<10240x64xf32, #tpu.memory_space<vmem_shared>> -> memref<128x64xf32, #tpu.memory_space<vmem_shared>>
      %dma_wait3A_187 = arith.constant 0 : i32
      %dma_wait3A_188 = tpu.memref_slice %arg16[%add3A_113, %dma_wait3A_187] : memref<10240x64xf32, #tpu.memory_space<vmem_shared>> -> memref<128x64xf32, #tpu.memory_space<vmem_shared>>
      %dma_wait3A_189 = arith.constant 0 : i32
      %dma_wait3A_190 = arith.constant 0 : i32
      %dma_wait3A_191 = tpu.memref_slice %arg14[%run_scoped3A_114, %dma_wait3A_189, %dma_wait3A_190] : memref<2x256x64xf32, #tpu.memory_space<vmem>> -> memref<1x128x64xf32, #tpu.memory_space<vmem>>
      %dma_wait3A_192 = tpu.memref_squeeze %dma_wait3A_191 : memref<1x128x64xf32, #tpu.memory_space<vmem>> -> memref<128x64xf32, #tpu.memory_space<vmem>>
      tpu.wait_dma2 semaphore(%run_scoped3A_168 : memref<!tpu.dma_semaphore, #tpu.memory_space<semaphore_mem>>) src(%dma_wait3A_192 : memref<128x64xf32, #tpu.memory_space<vmem>>) dst(%dma_wait3A_188 : memref<128x64xf32, #tpu.memory_space<vmem_shared>>)
      tpu.yield
    }) : () -> ()
    %mul3A_115 = arith.constant 640 : i32
    %mul3A_116 = arith.muli %arg1, %mul3A_115 : i32
    %add3A_117 = arith.constant 512 : i32
    %add3A_118 = arith.addi %mul3A_116, %add3A_117 : i32
    %run_scoped3A_119 = arith.constant 0 : i32
    "tpu.region"() ({
      %run_scoped3A_168 = tpu.sem_alloc : memref<!tpu.dma_semaphore, #tpu.memory_space<semaphore_mem>>
      %dma_start3A_169 = arith.constant 0 : i32
      %dma_start3A_170 = arith.constant 0 : i32
      %dma_start3A_171 = tpu.memref_slice %arg14[%run_scoped3A_119, %dma_start3A_169, %dma_start3A_170] : memref<2x256x64xf32, #tpu.memory_space<vmem>> -> memref<1x128x64xf32, #tpu.memory_space<vmem>>
      %dma_start3A_172 = tpu.memref_squeeze %dma_start3A_171 : memref<1x128x64xf32, #tpu.memory_space<vmem>> -> memref<128x64xf32, #tpu.memory_space<vmem>>
      %dma_start3A_173 = arith.constant 0 : i32
      %dma_start3A_174 = tpu.memref_slice %arg16[%add3A_118, %dma_start3A_173] : memref<10240x64xf32, #tpu.memory_space<vmem_shared>> -> memref<128x64xf32, #tpu.memory_space<vmem_shared>>
      %dma_start3A_175 = arith.constant 0 : i32
      %dma_start3A_176 = tpu.memref_slice %arg16[%add3A_118, %dma_start3A_175] : memref<10240x64xf32, #tpu.memory_space<vmem_shared>> -> memref<128x64xf32, #tpu.memory_space<vmem_shared>>
      %dma_start3A_177 = arith.constant 0 : i32
      %dma_start3A_178 = arith.constant 0 : i32
      %dma_start3A_179 = tpu.memref_slice %arg14[%run_scoped3A_119, %dma_start3A_177, %dma_start3A_178] : memref<2x256x64xf32, #tpu.memory_space<vmem>> -> memref<1x128x64xf32, #tpu.memory_space<vmem>>
      %dma_start3A_180 = tpu.memref_squeeze %dma_start3A_179 : memref<1x128x64xf32, #tpu.memory_space<vmem>> -> memref<128x64xf32, #tpu.memory_space<vmem>>
      tpu.enqueue_dma source(%dma_start3A_180 : memref<128x64xf32, #tpu.memory_space<vmem>>) target(%dma_start3A_176 : memref<128x64xf32, #tpu.memory_space<vmem_shared>>) target_semaphore(%run_scoped3A_168 : memref<!tpu.dma_semaphore, #tpu.memory_space<semaphore_mem>>)
      %dma_wait3A_181 = arith.constant 0 : i32
      %dma_wait3A_182 = arith.constant 0 : i32
      %dma_wait3A_183 = tpu.memref_slice %arg14[%run_scoped3A_119, %dma_wait3A_181, %dma_wait3A_182] : memref<2x256x64xf32, #tpu.memory_space<vmem>> -> memref<1x128x64xf32, #tpu.memory_space<vmem>>
      %dma_wait3A_184 = tpu.memref_squeeze %dma_wait3A_183 : memref<1x128x64xf32, #tpu.memory_space<vmem>> -> memref<128x64xf32, #tpu.memory_space<vmem>>
      %dma_wait3A_185 = arith.constant 0 : i32
      %dma_wait3A_186 = tpu.memref_slice %arg16[%add3A_118, %dma_wait3A_185] : memref<10240x64xf32, #tpu.memory_space<vmem_shared>> -> memref<128x64xf32, #tpu.memory_space<vmem_shared>>
      %dma_wait3A_187 = arith.constant 0 : i32
      %dma_wait3A_188 = tpu.memref_slice %arg16[%add3A_118, %dma_wait3A_187] : memref<10240x64xf32, #tpu.memory_space<vmem_shared>> -> memref<128x64xf32, #tpu.memory_space<vmem_shared>>
      %dma_wait3A_189 = arith.constant 0 : i32
      %dma_wait3A_190 = arith.constant 0 : i32
      %dma_wait3A_191 = tpu.memref_slice %arg14[%run_scoped3A_119, %dma_wait3A_189, %dma_wait3A_190] : memref<2x256x64xf32, #tpu.memory_space<vmem>> -> memref<1x128x64xf32, #tpu.memory_space<vmem>>
      %dma_wait3A_192 = tpu.memref_squeeze %dma_wait3A_191 : memref<1x128x64xf32, #tpu.memory_space<vmem>> -> memref<128x64xf32, #tpu.memory_space<vmem>>
      tpu.wait_dma2 semaphore(%run_scoped3A_168 : memref<!tpu.dma_semaphore, #tpu.memory_space<semaphore_mem>>) src(%dma_wait3A_192 : memref<128x64xf32, #tpu.memory_space<vmem>>) dst(%dma_wait3A_188 : memref<128x64xf32, #tpu.memory_space<vmem_shared>>)
      tpu.yield
    }) : () -> ()
    %barrier3A_120 = arith.constant 0 : index
    tpu.barrier barrier_id(%barrier3A_120)
    %run_scoped3A_121 = arith.constant 0 : i32
    "tpu.region"() ({
      %run_scoped3A_168 = tpu.sem_alloc : memref<!tpu.dma_semaphore, #tpu.memory_space<semaphore_mem>>
      %dma_start3A_169 = arith.constant 0 : i32
      %dma_start3A_170 = arith.constant 0 : i32
      %dma_start3A_171 = tpu.memref_slice %arg12[%run_scoped3A_121, %dma_start3A_169, %dma_start3A_170] : memref<2x8x256xi32, #tpu.memory_space<vmem>> -> memref<1x8x256xi32, #tpu.memory_space<vmem>>
      %dma_start3A_172 = tpu.memref_squeeze %dma_start3A_171 : memref<1x8x256xi32, #tpu.memory_space<vmem>> -> memref<8x256xi32, #tpu.memory_space<vmem>>
      %dma_start3A_173 = arith.constant 0 : i32
      %dma_start3A_174 = arith.constant 0 : i32
      %dma_start3A_175 = tpu.memref_slice %arg6[%arg1, %dma_start3A_173, %dma_start3A_174] : memref<16x80x256xi32, #tpu.memory_space<hbm>> -> memref<1x8x256xi32, #tpu.memory_space<hbm>>
      %dma_start3A_176 = tpu.memref_squeeze %dma_start3A_175 : memref<1x8x256xi32, #tpu.memory_space<hbm>> -> memref<8x256xi32, #tpu.memory_space<hbm>>
      %dma_start3A_177 = arith.constant 0 : i32
      %dma_start3A_178 = arith.constant 0 : i32
      %dma_start3A_179 = tpu.memref_slice %arg12[%run_scoped3A_121, %dma_start3A_177, %dma_start3A_178] : memref<2x8x256xi32, #tpu.memory_space<vmem>> -> memref<1x8x256xi32, #tpu.memory_space<vmem>>
      %dma_start3A_180 = tpu.memref_squeeze %dma_start3A_179 : memref<1x8x256xi32, #tpu.memory_space<vmem>> -> memref<8x256xi32, #tpu.memory_space<vmem>>
      %dma_start3A_181 = arith.constant 0 : i32
      %dma_start3A_182 = arith.constant 0 : i32
      %dma_start3A_183 = tpu.memref_slice %arg6[%arg1, %dma_start3A_181, %dma_start3A_182] : memref<16x80x256xi32, #tpu.memory_space<hbm>> -> memref<1x8x256xi32, #tpu.memory_space<hbm>>
      %dma_start3A_184 = tpu.memref_squeeze %dma_start3A_183 : memref<1x8x256xi32, #tpu.memory_space<hbm>> -> memref<8x256xi32, #tpu.memory_space<hbm>>
      tpu.enqueue_dma source(%dma_start3A_184 : memref<8x256xi32, #tpu.memory_space<hbm>>) target(%dma_start3A_180 : memref<8x256xi32, #tpu.memory_space<vmem>>) target_semaphore(%run_scoped3A_168 : memref<!tpu.dma_semaphore, #tpu.memory_space<semaphore_mem>>)
      %dma_wait3A_185 = arith.constant 0 : i32
      %dma_wait3A_186 = arith.constant 0 : i32
      %dma_wait3A_187 = tpu.memref_slice %arg12[%run_scoped3A_121, %dma_wait3A_185, %dma_wait3A_186] : memref<2x8x256xi32, #tpu.memory_space<vmem>> -> memref<1x8x256xi32, #tpu.memory_space<vmem>>
      %dma_wait3A_188 = tpu.memref_squeeze %dma_wait3A_187 : memref<1x8x256xi32, #tpu.memory_space<vmem>> -> memref<8x256xi32, #tpu.memory_space<vmem>>
      %dma_wait3A_189 = arith.constant 0 : i32
      %dma_wait3A_190 = arith.constant 0 : i32
      %dma_wait3A_191 = tpu.memref_slice %arg6[%arg1, %dma_wait3A_189, %dma_wait3A_190] : memref<16x80x256xi32, #tpu.memory_space<hbm>> -> memref<1x8x256xi32, #tpu.memory_space<hbm>>
      %dma_wait3A_192 = tpu.memref_squeeze %dma_wait3A_191 : memref<1x8x256xi32, #tpu.memory_space<hbm>> -> memref<8x256xi32, #tpu.memory_space<hbm>>
      %dma_wait3A_193 = arith.constant 0 : i32
      %dma_wait3A_194 = arith.constant 0 : i32
      %dma_wait3A_195 = tpu.memref_slice %arg12[%run_scoped3A_121, %dma_wait3A_193, %dma_wait3A_194] : memref<2x8x256xi32, #tpu.memory_space<vmem>> -> memref<1x8x256xi32, #tpu.memory_space<vmem>>
      %dma_wait3A_196 = tpu.memref_squeeze %dma_wait3A_195 : memref<1x8x256xi32, #tpu.memory_space<vmem>> -> memref<8x256xi32, #tpu.memory_space<vmem>>
      %dma_wait3A_197 = arith.constant 0 : i32
      %dma_wait3A_198 = arith.constant 0 : i32
      %dma_wait3A_199 = tpu.memref_slice %arg6[%arg1, %dma_wait3A_197, %dma_wait3A_198] : memref<16x80x256xi32, #tpu.memory_space<hbm>> -> memref<1x8x256xi32, #tpu.memory_space<hbm>>
      %dma_wait3A_200 = tpu.memref_squeeze %dma_wait3A_199 : memref<1x8x256xi32, #tpu.memory_space<hbm>> -> memref<8x256xi32, #tpu.memory_space<hbm>>
      tpu.wait_dma2 semaphore(%run_scoped3A_168 : memref<!tpu.dma_semaphore, #tpu.memory_space<semaphore_mem>>) src(%dma_wait3A_200 : memref<8x256xi32, #tpu.memory_space<hbm>>) dst(%dma_wait3A_196 : memref<8x256xi32, #tpu.memory_space<vmem>>)
      tpu.yield
    }) : () -> ()
    %run_scoped3A_122 = arith.constant 0 : i32
    "tpu.region"() ({
      %run_scoped3A_168 = tpu.sem_alloc : memref<!tpu.dma_semaphore, #tpu.memory_space<semaphore_mem>>
      %dma_start3A_169 = arith.constant 0 : i32
      %dma_start3A_170 = arith.constant 0 : i32
      %dma_start3A_171 = tpu.memref_slice %arg13[%run_scoped3A_122, %dma_start3A_169, %dma_start3A_170] : memref<2x8x256xi32, #tpu.memory_space<vmem>> -> memref<1x8x256xi32, #tpu.memory_space<vmem>>
      %dma_start3A_172 = tpu.memref_squeeze %dma_start3A_171 : memref<1x8x256xi32, #tpu.memory_space<vmem>> -> memref<8x256xi32, #tpu.memory_space<vmem>>
      %dma_start3A_173 = arith.constant 0 : i32
      %dma_start3A_174 = arith.constant 0 : i32
      %dma_start3A_175 = tpu.memref_slice %arg7[%arg1, %dma_start3A_173, %dma_start3A_174] : memref<16x80x256xi32, #tpu.memory_space<hbm>> -> memref<1x8x256xi32, #tpu.memory_space<hbm>>
      %dma_start3A_176 = tpu.memref_squeeze %dma_start3A_175 : memref<1x8x256xi32, #tpu.memory_space<hbm>> -> memref<8x256xi32, #tpu.memory_space<hbm>>
      %dma_start3A_177 = arith.constant 0 : i32
      %dma_start3A_178 = arith.constant 0 : i32
      %dma_start3A_179 = tpu.memref_slice %arg13[%run_scoped3A_122, %dma_start3A_177, %dma_start3A_178] : memref<2x8x256xi32, #tpu.memory_space<vmem>> -> memref<1x8x256xi32, #tpu.memory_space<vmem>>
      %dma_start3A_180 = tpu.memref_squeeze %dma_start3A_179 : memref<1x8x256xi32, #tpu.memory_space<vmem>> -> memref<8x256xi32, #tpu.memory_space<vmem>>
      %dma_start3A_181 = arith.constant 0 : i32
      %dma_start3A_182 = arith.constant 0 : i32
      %dma_start3A_183 = tpu.memref_slice %arg7[%arg1, %dma_start3A_181, %dma_start3A_182] : memref<16x80x256xi32, #tpu.memory_space<hbm>> -> memref<1x8x256xi32, #tpu.memory_space<hbm>>
      %dma_start3A_184 = tpu.memref_squeeze %dma_start3A_183 : memref<1x8x256xi32, #tpu.memory_space<hbm>> -> memref<8x256xi32, #tpu.memory_space<hbm>>
      tpu.enqueue_dma source(%dma_start3A_184 : memref<8x256xi32, #tpu.memory_space<hbm>>) target(%dma_start3A_180 : memref<8x256xi32, #tpu.memory_space<vmem>>) target_semaphore(%run_scoped3A_168 : memref<!tpu.dma_semaphore, #tpu.memory_space<semaphore_mem>>)
      %dma_wait3A_185 = arith.constant 0 : i32
      %dma_wait3A_186 = arith.constant 0 : i32
      %dma_wait3A_187 = tpu.memref_slice %arg13[%run_scoped3A_122, %dma_wait3A_185, %dma_wait3A_186] : memref<2x8x256xi32, #tpu.memory_space<vmem>> -> memref<1x8x256xi32, #tpu.memory_space<vmem>>
      %dma_wait3A_188 = tpu.memref_squeeze %dma_wait3A_187 : memref<1x8x256xi32, #tpu.memory_space<vmem>> -> memref<8x256xi32, #tpu.memory_space<vmem>>
      %dma_wait3A_189 = arith.constant 0 : i32
      %dma_wait3A_190 = arith.constant 0 : i32
      %dma_wait3A_191 = tpu.memref_slice %arg7[%arg1, %dma_wait3A_189, %dma_wait3A_190] : memref<16x80x256xi32, #tpu.memory_space<hbm>> -> memref<1x8x256xi32, #tpu.memory_space<hbm>>
      %dma_wait3A_192 = tpu.memref_squeeze %dma_wait3A_191 : memref<1x8x256xi32, #tpu.memory_space<hbm>> -> memref<8x256xi32, #tpu.memory_space<hbm>>
      %dma_wait3A_193 = arith.constant 0 : i32
      %dma_wait3A_194 = arith.constant 0 : i32
      %dma_wait3A_195 = tpu.memref_slice %arg13[%run_scoped3A_122, %dma_wait3A_193, %dma_wait3A_194] : memref<2x8x256xi32, #tpu.memory_space<vmem>> -> memref<1x8x256xi32, #tpu.memory_space<vmem>>
      %dma_wait3A_196 = tpu.memref_squeeze %dma_wait3A_195 : memref<1x8x256xi32, #tpu.memory_space<vmem>> -> memref<8x256xi32, #tpu.memory_space<vmem>>
      %dma_wait3A_197 = arith.constant 0 : i32
      %dma_wait3A_198 = arith.constant 0 : i32
      %dma_wait3A_199 = tpu.memref_slice %arg7[%arg1, %dma_wait3A_197, %dma_wait3A_198] : memref<16x80x256xi32, #tpu.memory_space<hbm>> -> memref<1x8x256xi32, #tpu.memory_space<hbm>>
      %dma_wait3A_200 = tpu.memref_squeeze %dma_wait3A_199 : memref<1x8x256xi32, #tpu.memory_space<hbm>> -> memref<8x256xi32, #tpu.memory_space<hbm>>
      tpu.wait_dma2 semaphore(%run_scoped3A_168 : memref<!tpu.dma_semaphore, #tpu.memory_space<semaphore_mem>>) src(%dma_wait3A_200 : memref<8x256xi32, #tpu.memory_space<hbm>>) dst(%dma_wait3A_196 : memref<8x256xi32, #tpu.memory_space<vmem>>)
      tpu.yield
    }) : () -> ()
    %dma_start3A_123 = arith.constant 0 : i32
    %dma_start3A_124 = arith.constant 0 : i32
    %dma_start3A_125 = arith.constant 0 : i32
    %dma_start3A_126 = arith.constant 0 : i32
    %dma_start3A_127 = arith.constant 0 : i32
    %dma_start3A_128 = tpu.memref_slice %arg14[%dma_start3A_125, %dma_start3A_126, %dma_start3A_127] : memref<2x256x64xf32, #tpu.memory_space<vmem>> -> memref<1x256x64xf32, #tpu.memory_space<vmem>>
    %dma_start3A_129 = tpu.memref_squeeze %dma_start3A_128 : memref<1x256x64xf32, #tpu.memory_space<vmem>> -> memref<256x64xf32, #tpu.memory_space<vmem>>
    %dma_start3A_130 = arith.constant 0 : i32
    %dma_start3A_131 = tpu.memref_slice %arg12[%dma_start3A_123, %dma_start3A_124, %dma_start3A_130] : memref<2x8x256xi32, #tpu.memory_space<vmem>> -> memref<1x1x256xi32, #tpu.memory_space<vmem>>
    %dma_start3A_132 = tpu.memref_squeeze %dma_start3A_131 : memref<1x1x256xi32, #tpu.memory_space<vmem>> -> memref<256xi32, #tpu.memory_space<vmem>>
    %dma_start3A_133 = arith.constant 0 : i32
    %dma_start3A_134 = arith.constant 0 : i32
    %dma_start3A_135 = tpu.memref_slice %arg15[%dma_start3A_133, %dma_start3A_134] : memref<10000x64xf32, #tpu.memory_space<vmem_shared>> -> memref<10000x64xf32, #tpu.memory_space<vmem_shared>>
    tpu.enqueue_indirect_dma source(%dma_start3A_135 : memref<10000x64xf32, #tpu.memory_space<vmem_shared>>) target(%dma_start3A_129 : memref<256x64xf32, #tpu.memory_space<vmem>>) offsets(%dma_start3A_132 : memref<256xi32, #tpu.memory_space<vmem>>) semaphore(%arg17 : memref<!tpu.dma_semaphore, #tpu.memory_space<semaphore_mem>>)
    %scan3A_136 = arith.constant 0 : i32
    %scan3A_137 = arith.constant 0 : i32
    %scan3A_138 = arith.constant 10 : i32
    %scan3A_139 = arith.addi %scan3A_137, %scan3A_138 : i32
    %scan3A_140 = arith.constant 1 : i32
    scf.for %scan3A_168 = %scan3A_137 to %scan3A_139 step %scan3A_140  : i32 {
      %add3A_169 = arith.constant 1 : i32
      %add3A_170 = arith.addi %scan3A_168, %add3A_169 : i32
      %rem3A = arith.constant 2 : i32
      %rem3A_171 = arith.remsi %scan3A_168, %rem3A : i32
      %rem3A_172 = arith.constant 2 : i32
      %rem3A_173 = arith.remsi %add3A_170, %rem3A_172 : i32
      %gt3A = arith.constant 0 : i32
      %gt3A_174 = arith.cmpi sgt, %scan3A_168, %gt3A : i32
      %convert_element_type3A_175 = arith.extui %gt3A_174 : i1 to i32
      %cond3A_176 = arith.constant 0 : i32
      %cond3A_177 = arith.cmpi ne, %convert_element_type3A_175, %cond3A_176 : i32
      scf.if %cond3A_177 {
        %dma_wait3A_592 = arith.constant 1 : i32
        %dma_wait3A_593 = arith.constant 0 : i32
        %dma_wait3A_594 = arith.constant 0 : i32
        %dma_wait3A_595 = tpu.memref_slice %arg14[%dma_wait3A_592, %dma_wait3A_593, %dma_wait3A_594] : memref<2x256x64xf32, #tpu.memory_space<vmem>> -> memref<1x256x64xf32, #tpu.memory_space<vmem>>
        %dma_wait3A_596 = tpu.memref_squeeze %dma_wait3A_595 : memref<1x256x64xf32, #tpu.memory_space<vmem>> -> memref<256x64xf32, #tpu.memory_space<vmem>>
        %dma_wait3A_597 = arith.constant 0 : i32
        %dma_wait3A_598 = arith.constant 0 : i32
        %dma_wait3A_599 = tpu.memref_slice %arg16[%dma_wait3A_597, %dma_wait3A_598] : memref<10240x64xf32, #tpu.memory_space<vmem_shared>> -> memref<256x64xf32, #tpu.memory_space<vmem_shared>>
        %dma_wait3A_600 = arith.constant 0 : i32
        %dma_wait3A_601 = arith.constant 0 : i32
        %dma_wait3A_602 = tpu.memref_slice %arg16[%dma_wait3A_600, %dma_wait3A_601] : memref<10240x64xf32, #tpu.memory_space<vmem_shared>> -> memref<256x64xf32, #tpu.memory_space<vmem_shared>>
        %dma_wait3A_603 = arith.constant 0 : i32
        %dma_wait3A_604 = arith.constant 0 : i32
        %dma_wait3A_605 = tpu.memref_slice %arg14[%dma_wait3A_592, %dma_wait3A_603, %dma_wait3A_604] : memref<2x256x64xf32, #tpu.memory_space<vmem>> -> memref<1x256x64xf32, #tpu.memory_space<vmem>>
        %dma_wait3A_606 = tpu.memref_squeeze %dma_wait3A_605 : memref<1x256x64xf32, #tpu.memory_space<vmem>> -> memref<256x64xf32, #tpu.memory_space<vmem>>
        tpu.wait_dma2 semaphore(%arg20 : memref<!tpu.dma_semaphore, #tpu.memory_space<semaphore_mem>>) src(%dma_wait3A_606 : memref<256x64xf32, #tpu.memory_space<vmem>>) dst(%dma_wait3A_602 : memref<256x64xf32, #tpu.memory_space<vmem_shared>>)
      } else {
      }
      %lt3A = arith.constant 10 : i32
      %lt3A_178 = arith.cmpi slt, %add3A_170, %lt3A : i32
      %convert_element_type3A_179 = arith.extui %lt3A_178 : i1 to i32
      %cond3A_180 = arith.constant 0 : i32
      %cond3A_181 = arith.cmpi ne, %convert_element_type3A_179, %cond3A_180 : i32
      scf.if %cond3A_181 {
        %mul3A_592 = arith.constant 8 : i32
        %mul3A_593 = arith.muli %add3A_170, %mul3A_592 : i32
        %dma_start3A_594 = arith.constant 0 : i32
        %dma_start3A_595 = arith.constant 0 : i32
        %dma_start3A_596 = tpu.memref_slice %arg12[%rem3A_173, %dma_start3A_594, %dma_start3A_595] : memref<2x8x256xi32, #tpu.memory_space<vmem>> -> memref<1x8x256xi32, #tpu.memory_space<vmem>>
        %dma_start3A_597 = tpu.memref_squeeze %dma_start3A_596 : memref<1x8x256xi32, #tpu.memory_space<vmem>> -> memref<8x256xi32, #tpu.memory_space<vmem>>
        %dma_start3A_598 = arith.constant 0 : i32
        %dma_start3A_599 = tpu.memref_slice %arg6[%arg1, %mul3A_593, %dma_start3A_598] : memref<16x80x256xi32, #tpu.memory_space<hbm>> -> memref<1x8x256xi32, #tpu.memory_space<hbm>>
        %dma_start3A_600 = tpu.memref_squeeze %dma_start3A_599 : memref<1x8x256xi32, #tpu.memory_space<hbm>> -> memref<8x256xi32, #tpu.memory_space<hbm>>
        %dma_start3A_601 = arith.constant 0 : i32
        %dma_start3A_602 = arith.constant 0 : i32
        %dma_start3A_603 = tpu.memref_slice %arg12[%rem3A_173, %dma_start3A_601, %dma_start3A_602] : memref<2x8x256xi32, #tpu.memory_space<vmem>> -> memref<1x8x256xi32, #tpu.memory_space<vmem>>
        %dma_start3A_604 = tpu.memref_squeeze %dma_start3A_603 : memref<1x8x256xi32, #tpu.memory_space<vmem>> -> memref<8x256xi32, #tpu.memory_space<vmem>>
        %dma_start3A_605 = arith.constant 0 : i32
        %dma_start3A_606 = tpu.memref_slice %arg6[%arg1, %mul3A_593, %dma_start3A_605] : memref<16x80x256xi32, #tpu.memory_space<hbm>> -> memref<1x8x256xi32, #tpu.memory_space<hbm>>
        %dma_start3A_607 = tpu.memref_squeeze %dma_start3A_606 : memref<1x8x256xi32, #tpu.memory_space<hbm>> -> memref<8x256xi32, #tpu.memory_space<hbm>>
        tpu.enqueue_dma source(%dma_start3A_607 : memref<8x256xi32, #tpu.memory_space<hbm>>) target(%dma_start3A_604 : memref<8x256xi32, #tpu.memory_space<vmem>>) target_semaphore(%arg21 : memref<!tpu.dma_semaphore, #tpu.memory_space<semaphore_mem>>)
        %mul3A_608 = arith.constant 8 : i32
        %mul3A_609 = arith.muli %add3A_170, %mul3A_608 : i32
        %dma_start3A_610 = arith.constant 0 : i32
        %dma_start3A_611 = arith.constant 0 : i32
        %dma_start3A_612 = tpu.memref_slice %arg13[%rem3A_173, %dma_start3A_610, %dma_start3A_611] : memref<2x8x256xi32, #tpu.memory_space<vmem>> -> memref<1x8x256xi32, #tpu.memory_space<vmem>>
        %dma_start3A_613 = tpu.memref_squeeze %dma_start3A_612 : memref<1x8x256xi32, #tpu.memory_space<vmem>> -> memref<8x256xi32, #tpu.memory_space<vmem>>
        %dma_start3A_614 = arith.constant 0 : i32
        %dma_start3A_615 = tpu.memref_slice %arg7[%arg1, %mul3A_609, %dma_start3A_614] : memref<16x80x256xi32, #tpu.memory_space<hbm>> -> memref<1x8x256xi32, #tpu.memory_space<hbm>>
        %dma_start3A_616 = tpu.memref_squeeze %dma_start3A_615 : memref<1x8x256xi32, #tpu.memory_space<hbm>> -> memref<8x256xi32, #tpu.memory_space<hbm>>
        %dma_start3A_617 = arith.constant 0 : i32
        %dma_start3A_618 = arith.constant 0 : i32
        %dma_start3A_619 = tpu.memref_slice %arg13[%rem3A_173, %dma_start3A_617, %dma_start3A_618] : memref<2x8x256xi32, #tpu.memory_space<vmem>> -> memref<1x8x256xi32, #tpu.memory_space<vmem>>
        %dma_start3A_620 = tpu.memref_squeeze %dma_start3A_619 : memref<1x8x256xi32, #tpu.memory_space<vmem>> -> memref<8x256xi32, #tpu.memory_space<vmem>>
        %dma_start3A_621 = arith.constant 0 : i32
        %dma_start3A_622 = tpu.memref_slice %arg7[%arg1, %mul3A_609, %dma_start3A_621] : memref<16x80x256xi32, #tpu.memory_space<hbm>> -> memref<1x8x256xi32, #tpu.memory_space<hbm>>
        %dma_start3A_623 = tpu.memref_squeeze %dma_start3A_622 : memref<1x8x256xi32, #tpu.memory_space<hbm>> -> memref<8x256xi32, #tpu.memory_space<hbm>>
        tpu.enqueue_dma source(%dma_start3A_623 : memref<8x256xi32, #tpu.memory_space<hbm>>) target(%dma_start3A_620 : memref<8x256xi32, #tpu.memory_space<vmem>>) target_semaphore(%arg21 : memref<!tpu.dma_semaphore, #tpu.memory_space<semaphore_mem>>)
      } else {
      }
      %dma_wait3A_182 = arith.constant 0 : i32
      %dma_wait3A_183 = arith.constant 0 : i32
      %dma_wait3A_184 = arith.constant 0 : i32
      %dma_wait3A_185 = tpu.memref_slice %arg14[%dma_wait3A_182, %dma_wait3A_183, %dma_wait3A_184] : memref<2x256x64xf32, #tpu.memory_space<vmem>> -> memref<1x256x64xf32, #tpu.memory_space<vmem>>
      %dma_wait3A_186 = tpu.memref_squeeze %dma_wait3A_185 : memref<1x256x64xf32, #tpu.memory_space<vmem>> -> memref<256x64xf32, #tpu.memory_space<vmem>>
      %dma_wait3A_187 = arith.constant 0 : i32
      %dma_wait3A_188 = arith.constant 0 : i32
      %dma_wait3A_189 = tpu.memref_slice %arg2[%dma_wait3A_187, %dma_wait3A_188] : memref<10000x64xf32, #tpu.memory_space<hbm>> -> memref<256x64xf32, #tpu.memory_space<hbm>>
      %dma_wait3A_190 = arith.constant 0 : i32
      %dma_wait3A_191 = arith.constant 0 : i32
      %dma_wait3A_192 = tpu.memref_slice %arg14[%dma_wait3A_182, %dma_wait3A_190, %dma_wait3A_191] : memref<2x256x64xf32, #tpu.memory_space<vmem>> -> memref<1x256x64xf32, #tpu.memory_space<vmem>>
      %dma_wait3A_193 = tpu.memref_squeeze %dma_wait3A_192 : memref<1x256x64xf32, #tpu.memory_space<vmem>> -> memref<256x64xf32, #tpu.memory_space<vmem>>
      %dma_wait3A_194 = arith.constant 0 : i32
      %dma_wait3A_195 = arith.constant 0 : i32
      %dma_wait3A_196 = tpu.memref_slice %arg2[%dma_wait3A_194, %dma_wait3A_195] : memref<10000x64xf32, #tpu.memory_space<hbm>> -> memref<256x64xf32, #tpu.memory_space<hbm>>
      tpu.wait_dma2 semaphore(%arg17 : memref<!tpu.dma_semaphore, #tpu.memory_space<semaphore_mem>>) src(%dma_wait3A_196 : memref<256x64xf32, #tpu.memory_space<hbm>>) dst(%dma_wait3A_193 : memref<256x64xf32, #tpu.memory_space<vmem>>)
      %dma_start3A_197 = arith.constant 1 : i32
      %dma_start3A_198 = arith.constant 1 : i32
      %dma_start3A_199 = arith.constant 0 : i32
      %dma_start3A_200 = arith.constant 0 : i32
      %dma_start3A_201 = tpu.memref_slice %arg14[%dma_start3A_198, %dma_start3A_199, %dma_start3A_200] : memref<2x256x64xf32, #tpu.memory_space<vmem>> -> memref<1x256x64xf32, #tpu.memory_space<vmem>>
      %dma_start3A_202 = tpu.memref_squeeze %dma_start3A_201 : memref<1x256x64xf32, #tpu.memory_space<vmem>> -> memref<256x64xf32, #tpu.memory_space<vmem>>
      %dma_start3A_203 = arith.constant 0 : i32
      %dma_start3A_204 = tpu.memref_slice %arg12[%rem3A_171, %dma_start3A_197, %dma_start3A_203] : memref<2x8x256xi32, #tpu.memory_space<vmem>> -> memref<1x1x256xi32, #tpu.memory_space<vmem>>
      %dma_start3A_205 = tpu.memref_squeeze %dma_start3A_204 : memref<1x1x256xi32, #tpu.memory_space<vmem>> -> memref<256xi32, #tpu.memory_space<vmem>>
      %dma_start3A_206 = arith.constant 0 : i32
      %dma_start3A_207 = arith.constant 0 : i32
      %dma_start3A_208 = tpu.memref_slice %arg15[%dma_start3A_206, %dma_start3A_207] : memref<10000x64xf32, #tpu.memory_space<vmem_shared>> -> memref<10000x64xf32, #tpu.memory_space<vmem_shared>>
      tpu.enqueue_indirect_dma source(%dma_start3A_208 : memref<10000x64xf32, #tpu.memory_space<vmem_shared>>) target(%dma_start3A_202 : memref<256x64xf32, #tpu.memory_space<vmem>>) offsets(%dma_start3A_205 : memref<256xi32, #tpu.memory_space<vmem>>) semaphore(%arg18 : memref<!tpu.dma_semaphore, #tpu.memory_space<semaphore_mem>>)
      %dma_start3A_209 = arith.constant 0 : i32
      %dma_start3A_210 = arith.constant 0 : i32
      %dma_start3A_211 = arith.constant 0 : i32
      %dma_start3A_212 = arith.constant 0 : i32
      %dma_start3A_213 = tpu.memref_slice %arg14[%dma_start3A_209, %dma_start3A_211, %dma_start3A_212] : memref<2x256x64xf32, #tpu.memory_space<vmem>> -> memref<1x256x64xf32, #tpu.memory_space<vmem>>
      %dma_start3A_214 = tpu.memref_squeeze %dma_start3A_213 : memref<1x256x64xf32, #tpu.memory_space<vmem>> -> memref<256x64xf32, #tpu.memory_space<vmem>>
      %dma_start3A_215 = arith.constant 0 : i32
      %dma_start3A_216 = tpu.memref_slice %arg13[%rem3A_171, %dma_start3A_210, %dma_start3A_215] : memref<2x8x256xi32, #tpu.memory_space<vmem>> -> memref<1x1x256xi32, #tpu.memory_space<vmem>>
      %dma_start3A_217 = tpu.memref_squeeze %dma_start3A_216 : memref<1x1x256xi32, #tpu.memory_space<vmem>> -> memref<256xi32, #tpu.memory_space<vmem>>
      %dma_start3A_218 = arith.constant 0 : i32
      %dma_start3A_219 = arith.constant 0 : i32
      %dma_start3A_220 = tpu.memref_slice %arg16[%dma_start3A_218, %dma_start3A_219] : memref<10240x64xf32, #tpu.memory_space<vmem_shared>> -> memref<10240x64xf32, #tpu.memory_space<vmem_shared>>
      tpu.enqueue_indirect_dma source(%dma_start3A_214 : memref<256x64xf32, #tpu.memory_space<vmem>>) target(%dma_start3A_220 : memref<10240x64xf32, #tpu.memory_space<vmem_shared>>) offsets(%dma_start3A_217 : memref<256xi32, #tpu.memory_space<vmem>>) semaphore(%arg19 : memref<!tpu.dma_semaphore, #tpu.memory_space<semaphore_mem>>) {add = true}
      %dma_wait3A_221 = arith.constant 1 : i32
      %dma_wait3A_222 = arith.constant 0 : i32
      %dma_wait3A_223 = arith.constant 0 : i32
      %dma_wait3A_224 = tpu.memref_slice %arg14[%dma_wait3A_221, %dma_wait3A_222, %dma_wait3A_223] : memref<2x256x64xf32, #tpu.memory_space<vmem>> -> memref<1x256x64xf32, #tpu.memory_space<vmem>>
      %dma_wait3A_225 = tpu.memref_squeeze %dma_wait3A_224 : memref<1x256x64xf32, #tpu.memory_space<vmem>> -> memref<256x64xf32, #tpu.memory_space<vmem>>
      %dma_wait3A_226 = arith.constant 0 : i32
      %dma_wait3A_227 = arith.constant 0 : i32
      %dma_wait3A_228 = tpu.memref_slice %arg2[%dma_wait3A_226, %dma_wait3A_227] : memref<10000x64xf32, #tpu.memory_space<hbm>> -> memref<256x64xf32, #tpu.memory_space<hbm>>
      %dma_wait3A_229 = arith.constant 0 : i32
      %dma_wait3A_230 = arith.constant 0 : i32
      %dma_wait3A_231 = tpu.memref_slice %arg14[%dma_wait3A_221, %dma_wait3A_229, %dma_wait3A_230] : memref<2x256x64xf32, #tpu.memory_space<vmem>> -> memref<1x256x64xf32, #tpu.memory_space<vmem>>
      %dma_wait3A_232 = tpu.memref_squeeze %dma_wait3A_231 : memref<1x256x64xf32, #tpu.memory_space<vmem>> -> memref<256x64xf32, #tpu.memory_space<vmem>>
      %dma_wait3A_233 = arith.constant 0 : i32
      %dma_wait3A_234 = arith.constant 0 : i32
      %dma_wait3A_235 = tpu.memref_slice %arg2[%dma_wait3A_233, %dma_wait3A_234] : memref<10000x64xf32, #tpu.memory_space<hbm>> -> memref<256x64xf32, #tpu.memory_space<hbm>>
      tpu.wait_dma2 semaphore(%arg18 : memref<!tpu.dma_semaphore, #tpu.memory_space<semaphore_mem>>) src(%dma_wait3A_235 : memref<256x64xf32, #tpu.memory_space<hbm>>) dst(%dma_wait3A_232 : memref<256x64xf32, #tpu.memory_space<vmem>>)
      %dma_wait3A_236 = arith.constant 0 : i32
      %dma_wait3A_237 = arith.constant 0 : i32
      %dma_wait3A_238 = arith.constant 0 : i32
      %dma_wait3A_239 = tpu.memref_slice %arg14[%dma_wait3A_236, %dma_wait3A_237, %dma_wait3A_238] : memref<2x256x64xf32, #tpu.memory_space<vmem>> -> memref<1x256x64xf32, #tpu.memory_space<vmem>>
      %dma_wait3A_240 = tpu.memref_squeeze %dma_wait3A_239 : memref<1x256x64xf32, #tpu.memory_space<vmem>> -> memref<256x64xf32, #tpu.memory_space<vmem>>
      %dma_wait3A_241 = arith.constant 0 : i32
      %dma_wait3A_242 = arith.constant 0 : i32
      %dma_wait3A_243 = tpu.memref_slice %arg16[%dma_wait3A_241, %dma_wait3A_242] : memref<10240x64xf32, #tpu.memory_space<vmem_shared>> -> memref<256x64xf32, #tpu.memory_space<vmem_shared>>
      %dma_wait3A_244 = arith.constant 0 : i32
      %dma_wait3A_245 = arith.constant 0 : i32
      %dma_wait3A_246 = tpu.memref_slice %arg16[%dma_wait3A_244, %dma_wait3A_245] : memref<10240x64xf32, #tpu.memory_space<vmem_shared>> -> memref<256x64xf32, #tpu.memory_space<vmem_shared>>
      %dma_wait3A_247 = arith.constant 0 : i32
      %dma_wait3A_248 = arith.constant 0 : i32
      %dma_wait3A_249 = tpu.memref_slice %arg14[%dma_wait3A_236, %dma_wait3A_247, %dma_wait3A_248] : memref<2x256x64xf32, #tpu.memory_space<vmem>> -> memref<1x256x64xf32, #tpu.memory_space<vmem>>
      %dma_wait3A_250 = tpu.memref_squeeze %dma_wait3A_249 : memref<1x256x64xf32, #tpu.memory_space<vmem>> -> memref<256x64xf32, #tpu.memory_space<vmem>>
      tpu.wait_dma2 semaphore(%arg19 : memref<!tpu.dma_semaphore, #tpu.memory_space<semaphore_mem>>) src(%dma_wait3A_250 : memref<256x64xf32, #tpu.memory_space<vmem>>) dst(%dma_wait3A_246 : memref<256x64xf32, #tpu.memory_space<vmem_shared>>)
      %dma_start3A_251 = arith.constant 2 : i32
      %dma_start3A_252 = arith.constant 0 : i32
      %dma_start3A_253 = arith.constant 0 : i32
      %dma_start3A_254 = arith.constant 0 : i32
      %dma_start3A_255 = tpu.memref_slice %arg14[%dma_start3A_252, %dma_start3A_253, %dma_start3A_254] : memref<2x256x64xf32, #tpu.memory_space<vmem>> -> memref<1x256x64xf32, #tpu.memory_space<vmem>>
      %dma_start3A_256 = tpu.memref_squeeze %dma_start3A_255 : memref<1x256x64xf32, #tpu.memory_space<vmem>> -> memref<256x64xf32, #tpu.memory_space<vmem>>
      %dma_start3A_257 = arith.constant 0 : i32
      %dma_start3A_258 = tpu.memref_slice %arg12[%rem3A_171, %dma_start3A_251, %dma_start3A_257] : memref<2x8x256xi32, #tpu.memory_space<vmem>> -> memref<1x1x256xi32, #tpu.memory_space<vmem>>
      %dma_start3A_259 = tpu.memref_squeeze %dma_start3A_258 : memref<1x1x256xi32, #tpu.memory_space<vmem>> -> memref<256xi32, #tpu.memory_space<vmem>>
      %dma_start3A_260 = arith.constant 0 : i32
      %dma_start3A_261 = arith.constant 0 : i32
      %dma_start3A_262 = tpu.memref_slice %arg15[%dma_start3A_260, %dma_start3A_261] : memref<10000x64xf32, #tpu.memory_space<vmem_shared>> -> memref<10000x64xf32, #tpu.memory_space<vmem_shared>>
      tpu.enqueue_indirect_dma source(%dma_start3A_262 : memref<10000x64xf32, #tpu.memory_space<vmem_shared>>) target(%dma_start3A_256 : memref<256x64xf32, #tpu.memory_space<vmem>>) offsets(%dma_start3A_259 : memref<256xi32, #tpu.memory_space<vmem>>) semaphore(%arg17 : memref<!tpu.dma_semaphore, #tpu.memory_space<semaphore_mem>>)
      %dma_start3A_263 = arith.constant 1 : i32
      %dma_start3A_264 = arith.constant 1 : i32
      %dma_start3A_265 = arith.constant 0 : i32
      %dma_start3A_266 = arith.constant 0 : i32
      %dma_start3A_267 = tpu.memref_slice %arg14[%dma_start3A_263, %dma_start3A_265, %dma_start3A_266] : memref<2x256x64xf32, #tpu.memory_space<vmem>> -> memref<1x256x64xf32, #tpu.memory_space<vmem>>
      %dma_start3A_268 = tpu.memref_squeeze %dma_start3A_267 : memref<1x256x64xf32, #tpu.memory_space<vmem>> -> memref<256x64xf32, #tpu.memory_space<vmem>>
      %dma_start3A_269 = arith.constant 0 : i32
      %dma_start3A_270 = tpu.memref_slice %arg13[%rem3A_171, %dma_start3A_264, %dma_start3A_269] : memref<2x8x256xi32, #tpu.memory_space<vmem>> -> memref<1x1x256xi32, #tpu.memory_space<vmem>>
      %dma_start3A_271 = tpu.memref_squeeze %dma_start3A_270 : memref<1x1x256xi32, #tpu.memory_space<vmem>> -> memref<256xi32, #tpu.memory_space<vmem>>
      %dma_start3A_272 = arith.constant 0 : i32
      %dma_start3A_273 = arith.constant 0 : i32
      %dma_start3A_274 = tpu.memref_slice %arg16[%dma_start3A_272, %dma_start3A_273] : memref<10240x64xf32, #tpu.memory_space<vmem_shared>> -> memref<10240x64xf32, #tpu.memory_space<vmem_shared>>
      tpu.enqueue_indirect_dma source(%dma_start3A_268 : memref<256x64xf32, #tpu.memory_space<vmem>>) target(%dma_start3A_274 : memref<10240x64xf32, #tpu.memory_space<vmem_shared>>) offsets(%dma_start3A_271 : memref<256xi32, #tpu.memory_space<vmem>>) semaphore(%arg20 : memref<!tpu.dma_semaphore, #tpu.memory_space<semaphore_mem>>) {add = true}
      %dma_wait3A_275 = arith.constant 0 : i32
      %dma_wait3A_276 = arith.constant 0 : i32
      %dma_wait3A_277 = arith.constant 0 : i32
      %dma_wait3A_278 = tpu.memref_slice %arg14[%dma_wait3A_275, %dma_wait3A_276, %dma_wait3A_277] : memref<2x256x64xf32, #tpu.memory_space<vmem>> -> memref<1x256x64xf32, #tpu.memory_space<vmem>>
      %dma_wait3A_279 = tpu.memref_squeeze %dma_wait3A_278 : memref<1x256x64xf32, #tpu.memory_space<vmem>> -> memref<256x64xf32, #tpu.memory_space<vmem>>
      %dma_wait3A_280 = arith.constant 0 : i32
      %dma_wait3A_281 = arith.constant 0 : i32
      %dma_wait3A_282 = tpu.memref_slice %arg2[%dma_wait3A_280, %dma_wait3A_281] : memref<10000x64xf32, #tpu.memory_space<hbm>> -> memref<256x64xf32, #tpu.memory_space<hbm>>
      %dma_wait3A_283 = arith.constant 0 : i32
      %dma_wait3A_284 = arith.constant 0 : i32
      %dma_wait3A_285 = tpu.memref_slice %arg14[%dma_wait3A_275, %dma_wait3A_283, %dma_wait3A_284] : memref<2x256x64xf32, #tpu.memory_space<vmem>> -> memref<1x256x64xf32, #tpu.memory_space<vmem>>
      %dma_wait3A_286 = tpu.memref_squeeze %dma_wait3A_285 : memref<1x256x64xf32, #tpu.memory_space<vmem>> -> memref<256x64xf32, #tpu.memory_space<vmem>>
      %dma_wait3A_287 = arith.constant 0 : i32
      %dma_wait3A_288 = arith.constant 0 : i32
      %dma_wait3A_289 = tpu.memref_slice %arg2[%dma_wait3A_287, %dma_wait3A_288] : memref<10000x64xf32, #tpu.memory_space<hbm>> -> memref<256x64xf32, #tpu.memory_space<hbm>>
      tpu.wait_dma2 semaphore(%arg17 : memref<!tpu.dma_semaphore, #tpu.memory_space<semaphore_mem>>) src(%dma_wait3A_289 : memref<256x64xf32, #tpu.memory_space<hbm>>) dst(%dma_wait3A_286 : memref<256x64xf32, #tpu.memory_space<vmem>>)
      %dma_wait3A_290 = arith.constant 1 : i32
      %dma_wait3A_291 = arith.constant 0 : i32
      %dma_wait3A_292 = arith.constant 0 : i32
      %dma_wait3A_293 = tpu.memref_slice %arg14[%dma_wait3A_290, %dma_wait3A_291, %dma_wait3A_292] : memref<2x256x64xf32, #tpu.memory_space<vmem>> -> memref<1x256x64xf32, #tpu.memory_space<vmem>>
      %dma_wait3A_294 = tpu.memref_squeeze %dma_wait3A_293 : memref<1x256x64xf32, #tpu.memory_space<vmem>> -> memref<256x64xf32, #tpu.memory_space<vmem>>
      %dma_wait3A_295 = arith.constant 0 : i32
      %dma_wait3A_296 = arith.constant 0 : i32
      %dma_wait3A_297 = tpu.memref_slice %arg16[%dma_wait3A_295, %dma_wait3A_296] : memref<10240x64xf32, #tpu.memory_space<vmem_shared>> -> memref<256x64xf32, #tpu.memory_space<vmem_shared>>
      %dma_wait3A_298 = arith.constant 0 : i32
      %dma_wait3A_299 = arith.constant 0 : i32
      %dma_wait3A_300 = tpu.memref_slice %arg16[%dma_wait3A_298, %dma_wait3A_299] : memref<10240x64xf32, #tpu.memory_space<vmem_shared>> -> memref<256x64xf32, #tpu.memory_space<vmem_shared>>
      %dma_wait3A_301 = arith.constant 0 : i32
      %dma_wait3A_302 = arith.constant 0 : i32
      %dma_wait3A_303 = tpu.memref_slice %arg14[%dma_wait3A_290, %dma_wait3A_301, %dma_wait3A_302] : memref<2x256x64xf32, #tpu.memory_space<vmem>> -> memref<1x256x64xf32, #tpu.memory_space<vmem>>
      %dma_wait3A_304 = tpu.memref_squeeze %dma_wait3A_303 : memref<1x256x64xf32, #tpu.memory_space<vmem>> -> memref<256x64xf32, #tpu.memory_space<vmem>>
      tpu.wait_dma2 semaphore(%arg20 : memref<!tpu.dma_semaphore, #tpu.memory_space<semaphore_mem>>) src(%dma_wait3A_304 : memref<256x64xf32, #tpu.memory_space<vmem>>) dst(%dma_wait3A_300 : memref<256x64xf32, #tpu.memory_space<vmem_shared>>)
      %dma_start3A_305 = arith.constant 3 : i32
      %dma_start3A_306 = arith.constant 1 : i32
      %dma_start3A_307 = arith.constant 0 : i32
      %dma_start3A_308 = arith.constant 0 : i32
      %dma_start3A_309 = tpu.memref_slice %arg14[%dma_start3A_306, %dma_start3A_307, %dma_start3A_308] : memref<2x256x64xf32, #tpu.memory_space<vmem>> -> memref<1x256x64xf32, #tpu.memory_space<vmem>>
      %dma_start3A_310 = tpu.memref_squeeze %dma_start3A_309 : memref<1x256x64xf32, #tpu.memory_space<vmem>> -> memref<256x64xf32, #tpu.memory_space<vmem>>
      %dma_start3A_311 = arith.constant 0 : i32
      %dma_start3A_312 = tpu.memref_slice %arg12[%rem3A_171, %dma_start3A_305, %dma_start3A_311] : memref<2x8x256xi32, #tpu.memory_space<vmem>> -> memref<1x1x256xi32, #tpu.memory_space<vmem>>
      %dma_start3A_313 = tpu.memref_squeeze %dma_start3A_312 : memref<1x1x256xi32, #tpu.memory_space<vmem>> -> memref<256xi32, #tpu.memory_space<vmem>>
      %dma_start3A_314 = arith.constant 0 : i32
      %dma_start3A_315 = arith.constant 0 : i32
      %dma_start3A_316 = tpu.memref_slice %arg15[%dma_start3A_314, %dma_start3A_315] : memref<10000x64xf32, #tpu.memory_space<vmem_shared>> -> memref<10000x64xf32, #tpu.memory_space<vmem_shared>>
      tpu.enqueue_indirect_dma source(%dma_start3A_316 : memref<10000x64xf32, #tpu.memory_space<vmem_shared>>) target(%dma_start3A_310 : memref<256x64xf32, #tpu.memory_space<vmem>>) offsets(%dma_start3A_313 : memref<256xi32, #tpu.memory_space<vmem>>) semaphore(%arg18 : memref<!tpu.dma_semaphore, #tpu.memory_space<semaphore_mem>>)
      %dma_start3A_317 = arith.constant 0 : i32
      %dma_start3A_318 = arith.constant 2 : i32
      %dma_start3A_319 = arith.constant 0 : i32
      %dma_start3A_320 = arith.constant 0 : i32
      %dma_start3A_321 = tpu.memref_slice %arg14[%dma_start3A_317, %dma_start3A_319, %dma_start3A_320] : memref<2x256x64xf32, #tpu.memory_space<vmem>> -> memref<1x256x64xf32, #tpu.memory_space<vmem>>
      %dma_start3A_322 = tpu.memref_squeeze %dma_start3A_321 : memref<1x256x64xf32, #tpu.memory_space<vmem>> -> memref<256x64xf32, #tpu.memory_space<vmem>>
      %dma_start3A_323 = arith.constant 0 : i32
      %dma_start3A_324 = tpu.memref_slice %arg13[%rem3A_171, %dma_start3A_318, %dma_start3A_323] : memref<2x8x256xi32, #tpu.memory_space<vmem>> -> memref<1x1x256xi32, #tpu.memory_space<vmem>>
      %dma_start3A_325 = tpu.memref_squeeze %dma_start3A_324 : memref<1x1x256xi32, #tpu.memory_space<vmem>> -> memref<256xi32, #tpu.memory_space<vmem>>
      %dma_start3A_326 = arith.constant 0 : i32
      %dma_start3A_327 = arith.constant 0 : i32
      %dma_start3A_328 = tpu.memref_slice %arg16[%dma_start3A_326, %dma_start3A_327] : memref<10240x64xf32, #tpu.memory_space<vmem_shared>> -> memref<10240x64xf32, #tpu.memory_space<vmem_shared>>
      tpu.enqueue_indirect_dma source(%dma_start3A_322 : memref<256x64xf32, #tpu.memory_space<vmem>>) target(%dma_start3A_328 : memref<10240x64xf32, #tpu.memory_space<vmem_shared>>) offsets(%dma_start3A_325 : memref<256xi32, #tpu.memory_space<vmem>>) semaphore(%arg19 : memref<!tpu.dma_semaphore, #tpu.memory_space<semaphore_mem>>) {add = true}
      %dma_wait3A_329 = arith.constant 1 : i32
      %dma_wait3A_330 = arith.constant 0 : i32
      %dma_wait3A_331 = arith.constant 0 : i32
      %dma_wait3A_332 = tpu.memref_slice %arg14[%dma_wait3A_329, %dma_wait3A_330, %dma_wait3A_331] : memref<2x256x64xf32, #tpu.memory_space<vmem>> -> memref<1x256x64xf32, #tpu.memory_space<vmem>>
      %dma_wait3A_333 = tpu.memref_squeeze %dma_wait3A_332 : memref<1x256x64xf32, #tpu.memory_space<vmem>> -> memref<256x64xf32, #tpu.memory_space<vmem>>
      %dma_wait3A_334 = arith.constant 0 : i32
      %dma_wait3A_335 = arith.constant 0 : i32
      %dma_wait3A_336 = tpu.memref_slice %arg2[%dma_wait3A_334, %dma_wait3A_335] : memref<10000x64xf32, #tpu.memory_space<hbm>> -> memref<256x64xf32, #tpu.memory_space<hbm>>
      %dma_wait3A_337 = arith.constant 0 : i32
      %dma_wait3A_338 = arith.constant 0 : i32
      %dma_wait3A_339 = tpu.memref_slice %arg14[%dma_wait3A_329, %dma_wait3A_337, %dma_wait3A_338] : memref<2x256x64xf32, #tpu.memory_space<vmem>> -> memref<1x256x64xf32, #tpu.memory_space<vmem>>
      %dma_wait3A_340 = tpu.memref_squeeze %dma_wait3A_339 : memref<1x256x64xf32, #tpu.memory_space<vmem>> -> memref<256x64xf32, #tpu.memory_space<vmem>>
      %dma_wait3A_341 = arith.constant 0 : i32
      %dma_wait3A_342 = arith.constant 0 : i32
      %dma_wait3A_343 = tpu.memref_slice %arg2[%dma_wait3A_341, %dma_wait3A_342] : memref<10000x64xf32, #tpu.memory_space<hbm>> -> memref<256x64xf32, #tpu.memory_space<hbm>>
      tpu.wait_dma2 semaphore(%arg18 : memref<!tpu.dma_semaphore, #tpu.memory_space<semaphore_mem>>) src(%dma_wait3A_343 : memref<256x64xf32, #tpu.memory_space<hbm>>) dst(%dma_wait3A_340 : memref<256x64xf32, #tpu.memory_space<vmem>>)
      %dma_wait3A_344 = arith.constant 0 : i32
      %dma_wait3A_345 = arith.constant 0 : i32
      %dma_wait3A_346 = arith.constant 0 : i32
      %dma_wait3A_347 = tpu.memref_slice %arg14[%dma_wait3A_344, %dma_wait3A_345, %dma_wait3A_346] : memref<2x256x64xf32, #tpu.memory_space<vmem>> -> memref<1x256x64xf32, #tpu.memory_space<vmem>>
      %dma_wait3A_348 = tpu.memref_squeeze %dma_wait3A_347 : memref<1x256x64xf32, #tpu.memory_space<vmem>> -> memref<256x64xf32, #tpu.memory_space<vmem>>
      %dma_wait3A_349 = arith.constant 0 : i32
      %dma_wait3A_350 = arith.constant 0 : i32
      %dma_wait3A_351 = tpu.memref_slice %arg16[%dma_wait3A_349, %dma_wait3A_350] : memref<10240x64xf32, #tpu.memory_space<vmem_shared>> -> memref<256x64xf32, #tpu.memory_space<vmem_shared>>
      %dma_wait3A_352 = arith.constant 0 : i32
      %dma_wait3A_353 = arith.constant 0 : i32
      %dma_wait3A_354 = tpu.memref_slice %arg16[%dma_wait3A_352, %dma_wait3A_353] : memref<10240x64xf32, #tpu.memory_space<vmem_shared>> -> memref<256x64xf32, #tpu.memory_space<vmem_shared>>
      %dma_wait3A_355 = arith.constant 0 : i32
      %dma_wait3A_356 = arith.constant 0 : i32
      %dma_wait3A_357 = tpu.memref_slice %arg14[%dma_wait3A_344, %dma_wait3A_355, %dma_wait3A_356] : memref<2x256x64xf32, #tpu.memory_space<vmem>> -> memref<1x256x64xf32, #tpu.memory_space<vmem>>
      %dma_wait3A_358 = tpu.memref_squeeze %dma_wait3A_357 : memref<1x256x64xf32, #tpu.memory_space<vmem>> -> memref<256x64xf32, #tpu.memory_space<vmem>>
      tpu.wait_dma2 semaphore(%arg19 : memref<!tpu.dma_semaphore, #tpu.memory_space<semaphore_mem>>) src(%dma_wait3A_358 : memref<256x64xf32, #tpu.memory_space<vmem>>) dst(%dma_wait3A_354 : memref<256x64xf32, #tpu.memory_space<vmem_shared>>)
      %dma_start3A_359 = arith.constant 4 : i32
      %dma_start3A_360 = arith.constant 0 : i32
      %dma_start3A_361 = arith.constant 0 : i32
      %dma_start3A_362 = arith.constant 0 : i32
      %dma_start3A_363 = tpu.memref_slice %arg14[%dma_start3A_360, %dma_start3A_361, %dma_start3A_362] : memref<2x256x64xf32, #tpu.memory_space<vmem>> -> memref<1x256x64xf32, #tpu.memory_space<vmem>>
      %dma_start3A_364 = tpu.memref_squeeze %dma_start3A_363 : memref<1x256x64xf32, #tpu.memory_space<vmem>> -> memref<256x64xf32, #tpu.memory_space<vmem>>
      %dma_start3A_365 = arith.constant 0 : i32
      %dma_start3A_366 = tpu.memref_slice %arg12[%rem3A_171, %dma_start3A_359, %dma_start3A_365] : memref<2x8x256xi32, #tpu.memory_space<vmem>> -> memref<1x1x256xi32, #tpu.memory_space<vmem>>
      %dma_start3A_367 = tpu.memref_squeeze %dma_start3A_366 : memref<1x1x256xi32, #tpu.memory_space<vmem>> -> memref<256xi32, #tpu.memory_space<vmem>>
      %dma_start3A_368 = arith.constant 0 : i32
      %dma_start3A_369 = arith.constant 0 : i32
      %dma_start3A_370 = tpu.memref_slice %arg15[%dma_start3A_368, %dma_start3A_369] : memref<10000x64xf32, #tpu.memory_space<vmem_shared>> -> memref<10000x64xf32, #tpu.memory_space<vmem_shared>>
      tpu.enqueue_indirect_dma source(%dma_start3A_370 : memref<10000x64xf32, #tpu.memory_space<vmem_shared>>) target(%dma_start3A_364 : memref<256x64xf32, #tpu.memory_space<vmem>>) offsets(%dma_start3A_367 : memref<256xi32, #tpu.memory_space<vmem>>) semaphore(%arg17 : memref<!tpu.dma_semaphore, #tpu.memory_space<semaphore_mem>>)
      %dma_start3A_371 = arith.constant 1 : i32
      %dma_start3A_372 = arith.constant 3 : i32
      %dma_start3A_373 = arith.constant 0 : i32
      %dma_start3A_374 = arith.constant 0 : i32
      %dma_start3A_375 = tpu.memref_slice %arg14[%dma_start3A_371, %dma_start3A_373, %dma_start3A_374] : memref<2x256x64xf32, #tpu.memory_space<vmem>> -> memref<1x256x64xf32, #tpu.memory_space<vmem>>
      %dma_start3A_376 = tpu.memref_squeeze %dma_start3A_375 : memref<1x256x64xf32, #tpu.memory_space<vmem>> -> memref<256x64xf32, #tpu.memory_space<vmem>>
      %dma_start3A_377 = arith.constant 0 : i32
      %dma_start3A_378 = tpu.memref_slice %arg13[%rem3A_171, %dma_start3A_372, %dma_start3A_377] : memref<2x8x256xi32, #tpu.memory_space<vmem>> -> memref<1x1x256xi32, #tpu.memory_space<vmem>>
      %dma_start3A_379 = tpu.memref_squeeze %dma_start3A_378 : memref<1x1x256xi32, #tpu.memory_space<vmem>> -> memref<256xi32, #tpu.memory_space<vmem>>
      %dma_start3A_380 = arith.constant 0 : i32
      %dma_start3A_381 = arith.constant 0 : i32
      %dma_start3A_382 = tpu.memref_slice %arg16[%dma_start3A_380, %dma_start3A_381] : memref<10240x64xf32, #tpu.memory_space<vmem_shared>> -> memref<10240x64xf32, #tpu.memory_space<vmem_shared>>
      tpu.enqueue_indirect_dma source(%dma_start3A_376 : memref<256x64xf32, #tpu.memory_space<vmem>>) target(%dma_start3A_382 : memref<10240x64xf32, #tpu.memory_space<vmem_shared>>) offsets(%dma_start3A_379 : memref<256xi32, #tpu.memory_space<vmem>>) semaphore(%arg20 : memref<!tpu.dma_semaphore, #tpu.memory_space<semaphore_mem>>) {add = true}
      %dma_wait3A_383 = arith.constant 0 : i32
      %dma_wait3A_384 = arith.constant 0 : i32
      %dma_wait3A_385 = arith.constant 0 : i32
      %dma_wait3A_386 = tpu.memref_slice %arg14[%dma_wait3A_383, %dma_wait3A_384, %dma_wait3A_385] : memref<2x256x64xf32, #tpu.memory_space<vmem>> -> memref<1x256x64xf32, #tpu.memory_space<vmem>>
      %dma_wait3A_387 = tpu.memref_squeeze %dma_wait3A_386 : memref<1x256x64xf32, #tpu.memory_space<vmem>> -> memref<256x64xf32, #tpu.memory_space<vmem>>
      %dma_wait3A_388 = arith.constant 0 : i32
      %dma_wait3A_389 = arith.constant 0 : i32
      %dma_wait3A_390 = tpu.memref_slice %arg2[%dma_wait3A_388, %dma_wait3A_389] : memref<10000x64xf32, #tpu.memory_space<hbm>> -> memref<256x64xf32, #tpu.memory_space<hbm>>
      %dma_wait3A_391 = arith.constant 0 : i32
      %dma_wait3A_392 = arith.constant 0 : i32
      %dma_wait3A_393 = tpu.memref_slice %arg14[%dma_wait3A_383, %dma_wait3A_391, %dma_wait3A_392] : memref<2x256x64xf32, #tpu.memory_space<vmem>> -> memref<1x256x64xf32, #tpu.memory_space<vmem>>
      %dma_wait3A_394 = tpu.memref_squeeze %dma_wait3A_393 : memref<1x256x64xf32, #tpu.memory_space<vmem>> -> memref<256x64xf32, #tpu.memory_space<vmem>>
      %dma_wait3A_395 = arith.constant 0 : i32
      %dma_wait3A_396 = arith.constant 0 : i32
      %dma_wait3A_397 = tpu.memref_slice %arg2[%dma_wait3A_395, %dma_wait3A_396] : memref<10000x64xf32, #tpu.memory_space<hbm>> -> memref<256x64xf32, #tpu.memory_space<hbm>>
      tpu.wait_dma2 semaphore(%arg17 : memref<!tpu.dma_semaphore, #tpu.memory_space<semaphore_mem>>) src(%dma_wait3A_397 : memref<256x64xf32, #tpu.memory_space<hbm>>) dst(%dma_wait3A_394 : memref<256x64xf32, #tpu.memory_space<vmem>>)
      %dma_wait3A_398 = arith.constant 1 : i32
      %dma_wait3A_399 = arith.constant 0 : i32
      %dma_wait3A_400 = arith.constant 0 : i32
      %dma_wait3A_401 = tpu.memref_slice %arg14[%dma_wait3A_398, %dma_wait3A_399, %dma_wait3A_400] : memref<2x256x64xf32, #tpu.memory_space<vmem>> -> memref<1x256x64xf32, #tpu.memory_space<vmem>>
      %dma_wait3A_402 = tpu.memref_squeeze %dma_wait3A_401 : memref<1x256x64xf32, #tpu.memory_space<vmem>> -> memref<256x64xf32, #tpu.memory_space<vmem>>
      %dma_wait3A_403 = arith.constant 0 : i32
      %dma_wait3A_404 = arith.constant 0 : i32
      %dma_wait3A_405 = tpu.memref_slice %arg16[%dma_wait3A_403, %dma_wait3A_404] : memref<10240x64xf32, #tpu.memory_space<vmem_shared>> -> memref<256x64xf32, #tpu.memory_space<vmem_shared>>
      %dma_wait3A_406 = arith.constant 0 : i32
      %dma_wait3A_407 = arith.constant 0 : i32
      %dma_wait3A_408 = tpu.memref_slice %arg16[%dma_wait3A_406, %dma_wait3A_407] : memref<10240x64xf32, #tpu.memory_space<vmem_shared>> -> memref<256x64xf32, #tpu.memory_space<vmem_shared>>
      %dma_wait3A_409 = arith.constant 0 : i32
      %dma_wait3A_410 = arith.constant 0 : i32
      %dma_wait3A_411 = tpu.memref_slice %arg14[%dma_wait3A_398, %dma_wait3A_409, %dma_wait3A_410] : memref<2x256x64xf32, #tpu.memory_space<vmem>> -> memref<1x256x64xf32, #tpu.memory_space<vmem>>
      %dma_wait3A_412 = tpu.memref_squeeze %dma_wait3A_411 : memref<1x256x64xf32, #tpu.memory_space<vmem>> -> memref<256x64xf32, #tpu.memory_space<vmem>>
      tpu.wait_dma2 semaphore(%arg20 : memref<!tpu.dma_semaphore, #tpu.memory_space<semaphore_mem>>) src(%dma_wait3A_412 : memref<256x64xf32, #tpu.memory_space<vmem>>) dst(%dma_wait3A_408 : memref<256x64xf32, #tpu.memory_space<vmem_shared>>)
      %dma_start3A_413 = arith.constant 5 : i32
      %dma_start3A_414 = arith.constant 1 : i32
      %dma_start3A_415 = arith.constant 0 : i32
      %dma_start3A_416 = arith.constant 0 : i32
      %dma_start3A_417 = tpu.memref_slice %arg14[%dma_start3A_414, %dma_start3A_415, %dma_start3A_416] : memref<2x256x64xf32, #tpu.memory_space<vmem>> -> memref<1x256x64xf32, #tpu.memory_space<vmem>>
      %dma_start3A_418 = tpu.memref_squeeze %dma_start3A_417 : memref<1x256x64xf32, #tpu.memory_space<vmem>> -> memref<256x64xf32, #tpu.memory_space<vmem>>
      %dma_start3A_419 = arith.constant 0 : i32
      %dma_start3A_420 = tpu.memref_slice %arg12[%rem3A_171, %dma_start3A_413, %dma_start3A_419] : memref<2x8x256xi32, #tpu.memory_space<vmem>> -> memref<1x1x256xi32, #tpu.memory_space<vmem>>
      %dma_start3A_421 = tpu.memref_squeeze %dma_start3A_420 : memref<1x1x256xi32, #tpu.memory_space<vmem>> -> memref<256xi32, #tpu.memory_space<vmem>>
      %dma_start3A_422 = arith.constant 0 : i32
      %dma_start3A_423 = arith.constant 0 : i32
      %dma_start3A_424 = tpu.memref_slice %arg15[%dma_start3A_422, %dma_start3A_423] : memref<10000x64xf32, #tpu.memory_space<vmem_shared>> -> memref<10000x64xf32, #tpu.memory_space<vmem_shared>>
      tpu.enqueue_indirect_dma source(%dma_start3A_424 : memref<10000x64xf32, #tpu.memory_space<vmem_shared>>) target(%dma_start3A_418 : memref<256x64xf32, #tpu.memory_space<vmem>>) offsets(%dma_start3A_421 : memref<256xi32, #tpu.memory_space<vmem>>) semaphore(%arg18 : memref<!tpu.dma_semaphore, #tpu.memory_space<semaphore_mem>>)
      %dma_start3A_425 = arith.constant 0 : i32
      %dma_start3A_426 = arith.constant 4 : i32
      %dma_start3A_427 = arith.constant 0 : i32
      %dma_start3A_428 = arith.constant 0 : i32
      %dma_start3A_429 = tpu.memref_slice %arg14[%dma_start3A_425, %dma_start3A_427, %dma_start3A_428] : memref<2x256x64xf32, #tpu.memory_space<vmem>> -> memref<1x256x64xf32, #tpu.memory_space<vmem>>
      %dma_start3A_430 = tpu.memref_squeeze %dma_start3A_429 : memref<1x256x64xf32, #tpu.memory_space<vmem>> -> memref<256x64xf32, #tpu.memory_space<vmem>>
      %dma_start3A_431 = arith.constant 0 : i32
      %dma_start3A_432 = tpu.memref_slice %arg13[%rem3A_171, %dma_start3A_426, %dma_start3A_431] : memref<2x8x256xi32, #tpu.memory_space<vmem>> -> memref<1x1x256xi32, #tpu.memory_space<vmem>>
      %dma_start3A_433 = tpu.memref_squeeze %dma_start3A_432 : memref<1x1x256xi32, #tpu.memory_space<vmem>> -> memref<256xi32, #tpu.memory_space<vmem>>
      %dma_start3A_434 = arith.constant 0 : i32
      %dma_start3A_435 = arith.constant 0 : i32
      %dma_start3A_436 = tpu.memref_slice %arg16[%dma_start3A_434, %dma_start3A_435] : memref<10240x64xf32, #tpu.memory_space<vmem_shared>> -> memref<10240x64xf32, #tpu.memory_space<vmem_shared>>
      tpu.enqueue_indirect_dma source(%dma_start3A_430 : memref<256x64xf32, #tpu.memory_space<vmem>>) target(%dma_start3A_436 : memref<10240x64xf32, #tpu.memory_space<vmem_shared>>) offsets(%dma_start3A_433 : memref<256xi32, #tpu.memory_space<vmem>>) semaphore(%arg19 : memref<!tpu.dma_semaphore, #tpu.memory_space<semaphore_mem>>) {add = true}
      %dma_wait3A_437 = arith.constant 1 : i32
      %dma_wait3A_438 = arith.constant 0 : i32
      %dma_wait3A_439 = arith.constant 0 : i32
      %dma_wait3A_440 = tpu.memref_slice %arg14[%dma_wait3A_437, %dma_wait3A_438, %dma_wait3A_439] : memref<2x256x64xf32, #tpu.memory_space<vmem>> -> memref<1x256x64xf32, #tpu.memory_space<vmem>>
      %dma_wait3A_441 = tpu.memref_squeeze %dma_wait3A_440 : memref<1x256x64xf32, #tpu.memory_space<vmem>> -> memref<256x64xf32, #tpu.memory_space<vmem>>
      %dma_wait3A_442 = arith.constant 0 : i32
      %dma_wait3A_443 = arith.constant 0 : i32
      %dma_wait3A_444 = tpu.memref_slice %arg2[%dma_wait3A_442, %dma_wait3A_443] : memref<10000x64xf32, #tpu.memory_space<hbm>> -> memref<256x64xf32, #tpu.memory_space<hbm>>
      %dma_wait3A_445 = arith.constant 0 : i32
      %dma_wait3A_446 = arith.constant 0 : i32
      %dma_wait3A_447 = tpu.memref_slice %arg14[%dma_wait3A_437, %dma_wait3A_445, %dma_wait3A_446] : memref<2x256x64xf32, #tpu.memory_space<vmem>> -> memref<1x256x64xf32, #tpu.memory_space<vmem>>
      %dma_wait3A_448 = tpu.memref_squeeze %dma_wait3A_447 : memref<1x256x64xf32, #tpu.memory_space<vmem>> -> memref<256x64xf32, #tpu.memory_space<vmem>>
      %dma_wait3A_449 = arith.constant 0 : i32
      %dma_wait3A_450 = arith.constant 0 : i32
      %dma_wait3A_451 = tpu.memref_slice %arg2[%dma_wait3A_449, %dma_wait3A_450] : memref<10000x64xf32, #tpu.memory_space<hbm>> -> memref<256x64xf32, #tpu.memory_space<hbm>>
      tpu.wait_dma2 semaphore(%arg18 : memref<!tpu.dma_semaphore, #tpu.memory_space<semaphore_mem>>) src(%dma_wait3A_451 : memref<256x64xf32, #tpu.memory_space<hbm>>) dst(%dma_wait3A_448 : memref<256x64xf32, #tpu.memory_space<vmem>>)
      %dma_wait3A_452 = arith.constant 0 : i32
      %dma_wait3A_453 = arith.constant 0 : i32
      %dma_wait3A_454 = arith.constant 0 : i32
      %dma_wait3A_455 = tpu.memref_slice %arg14[%dma_wait3A_452, %dma_wait3A_453, %dma_wait3A_454] : memref<2x256x64xf32, #tpu.memory_space<vmem>> -> memref<1x256x64xf32, #tpu.memory_space<vmem>>
      %dma_wait3A_456 = tpu.memref_squeeze %dma_wait3A_455 : memref<1x256x64xf32, #tpu.memory_space<vmem>> -> memref<256x64xf32, #tpu.memory_space<vmem>>
      %dma_wait3A_457 = arith.constant 0 : i32
      %dma_wait3A_458 = arith.constant 0 : i32
      %dma_wait3A_459 = tpu.memref_slice %arg16[%dma_wait3A_457, %dma_wait3A_458] : memref<10240x64xf32, #tpu.memory_space<vmem_shared>> -> memref<256x64xf32, #tpu.memory_space<vmem_shared>>
      %dma_wait3A_460 = arith.constant 0 : i32
      %dma_wait3A_461 = arith.constant 0 : i32
      %dma_wait3A_462 = tpu.memref_slice %arg16[%dma_wait3A_460, %dma_wait3A_461] : memref<10240x64xf32, #tpu.memory_space<vmem_shared>> -> memref<256x64xf32, #tpu.memory_space<vmem_shared>>
      %dma_wait3A_463 = arith.constant 0 : i32
      %dma_wait3A_464 = arith.constant 0 : i32
      %dma_wait3A_465 = tpu.memref_slice %arg14[%dma_wait3A_452, %dma_wait3A_463, %dma_wait3A_464] : memref<2x256x64xf32, #tpu.memory_space<vmem>> -> memref<1x256x64xf32, #tpu.memory_space<vmem>>
      %dma_wait3A_466 = tpu.memref_squeeze %dma_wait3A_465 : memref<1x256x64xf32, #tpu.memory_space<vmem>> -> memref<256x64xf32, #tpu.memory_space<vmem>>
      tpu.wait_dma2 semaphore(%arg19 : memref<!tpu.dma_semaphore, #tpu.memory_space<semaphore_mem>>) src(%dma_wait3A_466 : memref<256x64xf32, #tpu.memory_space<vmem>>) dst(%dma_wait3A_462 : memref<256x64xf32, #tpu.memory_space<vmem_shared>>)
      %dma_start3A_467 = arith.constant 6 : i32
      %dma_start3A_468 = arith.constant 0 : i32
      %dma_start3A_469 = arith.constant 0 : i32
      %dma_start3A_470 = arith.constant 0 : i32
      %dma_start3A_471 = tpu.memref_slice %arg14[%dma_start3A_468, %dma_start3A_469, %dma_start3A_470] : memref<2x256x64xf32, #tpu.memory_space<vmem>> -> memref<1x256x64xf32, #tpu.memory_space<vmem>>
      %dma_start3A_472 = tpu.memref_squeeze %dma_start3A_471 : memref<1x256x64xf32, #tpu.memory_space<vmem>> -> memref<256x64xf32, #tpu.memory_space<vmem>>
      %dma_start3A_473 = arith.constant 0 : i32
      %dma_start3A_474 = tpu.memref_slice %arg12[%rem3A_171, %dma_start3A_467, %dma_start3A_473] : memref<2x8x256xi32, #tpu.memory_space<vmem>> -> memref<1x1x256xi32, #tpu.memory_space<vmem>>
      %dma_start3A_475 = tpu.memref_squeeze %dma_start3A_474 : memref<1x1x256xi32, #tpu.memory_space<vmem>> -> memref<256xi32, #tpu.memory_space<vmem>>
      %dma_start3A_476 = arith.constant 0 : i32
      %dma_start3A_477 = arith.constant 0 : i32
      %dma_start3A_478 = tpu.memref_slice %arg15[%dma_start3A_476, %dma_start3A_477] : memref<10000x64xf32, #tpu.memory_space<vmem_shared>> -> memref<10000x64xf32, #tpu.memory_space<vmem_shared>>
      tpu.enqueue_indirect_dma source(%dma_start3A_478 : memref<10000x64xf32, #tpu.memory_space<vmem_shared>>) target(%dma_start3A_472 : memref<256x64xf32, #tpu.memory_space<vmem>>) offsets(%dma_start3A_475 : memref<256xi32, #tpu.memory_space<vmem>>) semaphore(%arg17 : memref<!tpu.dma_semaphore, #tpu.memory_space<semaphore_mem>>)
      %dma_start3A_479 = arith.constant 1 : i32
      %dma_start3A_480 = arith.constant 5 : i32
      %dma_start3A_481 = arith.constant 0 : i32
      %dma_start3A_482 = arith.constant 0 : i32
      %dma_start3A_483 = tpu.memref_slice %arg14[%dma_start3A_479, %dma_start3A_481, %dma_start3A_482] : memref<2x256x64xf32, #tpu.memory_space<vmem>> -> memref<1x256x64xf32, #tpu.memory_space<vmem>>
      %dma_start3A_484 = tpu.memref_squeeze %dma_start3A_483 : memref<1x256x64xf32, #tpu.memory_space<vmem>> -> memref<256x64xf32, #tpu.memory_space<vmem>>
      %dma_start3A_485 = arith.constant 0 : i32
      %dma_start3A_486 = tpu.memref_slice %arg13[%rem3A_171, %dma_start3A_480, %dma_start3A_485] : memref<2x8x256xi32, #tpu.memory_space<vmem>> -> memref<1x1x256xi32, #tpu.memory_space<vmem>>
      %dma_start3A_487 = tpu.memref_squeeze %dma_start3A_486 : memref<1x1x256xi32, #tpu.memory_space<vmem>> -> memref<256xi32, #tpu.memory_space<vmem>>
      %dma_start3A_488 = arith.constant 0 : i32
      %dma_start3A_489 = arith.constant 0 : i32
      %dma_start3A_490 = tpu.memref_slice %arg16[%dma_start3A_488, %dma_start3A_489] : memref<10240x64xf32, #tpu.memory_space<vmem_shared>> -> memref<10240x64xf32, #tpu.memory_space<vmem_shared>>
      tpu.enqueue_indirect_dma source(%dma_start3A_484 : memref<256x64xf32, #tpu.memory_space<vmem>>) target(%dma_start3A_490 : memref<10240x64xf32, #tpu.memory_space<vmem_shared>>) offsets(%dma_start3A_487 : memref<256xi32, #tpu.memory_space<vmem>>) semaphore(%arg20 : memref<!tpu.dma_semaphore, #tpu.memory_space<semaphore_mem>>) {add = true}
      %dma_wait3A_491 = arith.constant 0 : i32
      %dma_wait3A_492 = arith.constant 0 : i32
      %dma_wait3A_493 = arith.constant 0 : i32
      %dma_wait3A_494 = tpu.memref_slice %arg14[%dma_wait3A_491, %dma_wait3A_492, %dma_wait3A_493] : memref<2x256x64xf32, #tpu.memory_space<vmem>> -> memref<1x256x64xf32, #tpu.memory_space<vmem>>
      %dma_wait3A_495 = tpu.memref_squeeze %dma_wait3A_494 : memref<1x256x64xf32, #tpu.memory_space<vmem>> -> memref<256x64xf32, #tpu.memory_space<vmem>>
      %dma_wait3A_496 = arith.constant 0 : i32
      %dma_wait3A_497 = arith.constant 0 : i32
      %dma_wait3A_498 = tpu.memref_slice %arg2[%dma_wait3A_496, %dma_wait3A_497] : memref<10000x64xf32, #tpu.memory_space<hbm>> -> memref<256x64xf32, #tpu.memory_space<hbm>>
      %dma_wait3A_499 = arith.constant 0 : i32
      %dma_wait3A_500 = arith.constant 0 : i32
      %dma_wait3A_501 = tpu.memref_slice %arg14[%dma_wait3A_491, %dma_wait3A_499, %dma_wait3A_500] : memref<2x256x64xf32, #tpu.memory_space<vmem>> -> memref<1x256x64xf32, #tpu.memory_space<vmem>>
      %dma_wait3A_502 = tpu.memref_squeeze %dma_wait3A_501 : memref<1x256x64xf32, #tpu.memory_space<vmem>> -> memref<256x64xf32, #tpu.memory_space<vmem>>
      %dma_wait3A_503 = arith.constant 0 : i32
      %dma_wait3A_504 = arith.constant 0 : i32
      %dma_wait3A_505 = tpu.memref_slice %arg2[%dma_wait3A_503, %dma_wait3A_504] : memref<10000x64xf32, #tpu.memory_space<hbm>> -> memref<256x64xf32, #tpu.memory_space<hbm>>
      tpu.wait_dma2 semaphore(%arg17 : memref<!tpu.dma_semaphore, #tpu.memory_space<semaphore_mem>>) src(%dma_wait3A_505 : memref<256x64xf32, #tpu.memory_space<hbm>>) dst(%dma_wait3A_502 : memref<256x64xf32, #tpu.memory_space<vmem>>)
      %dma_wait3A_506 = arith.constant 1 : i32
      %dma_wait3A_507 = arith.constant 0 : i32
      %dma_wait3A_508 = arith.constant 0 : i32
      %dma_wait3A_509 = tpu.memref_slice %arg14[%dma_wait3A_506, %dma_wait3A_507, %dma_wait3A_508] : memref<2x256x64xf32, #tpu.memory_space<vmem>> -> memref<1x256x64xf32, #tpu.memory_space<vmem>>
      %dma_wait3A_510 = tpu.memref_squeeze %dma_wait3A_509 : memref<1x256x64xf32, #tpu.memory_space<vmem>> -> memref<256x64xf32, #tpu.memory_space<vmem>>
      %dma_wait3A_511 = arith.constant 0 : i32
      %dma_wait3A_512 = arith.constant 0 : i32
      %dma_wait3A_513 = tpu.memref_slice %arg16[%dma_wait3A_511, %dma_wait3A_512] : memref<10240x64xf32, #tpu.memory_space<vmem_shared>> -> memref<256x64xf32, #tpu.memory_space<vmem_shared>>
      %dma_wait3A_514 = arith.constant 0 : i32
      %dma_wait3A_515 = arith.constant 0 : i32
      %dma_wait3A_516 = tpu.memref_slice %arg16[%dma_wait3A_514, %dma_wait3A_515] : memref<10240x64xf32, #tpu.memory_space<vmem_shared>> -> memref<256x64xf32, #tpu.memory_space<vmem_shared>>
      %dma_wait3A_517 = arith.constant 0 : i32
      %dma_wait3A_518 = arith.constant 0 : i32
      %dma_wait3A_519 = tpu.memref_slice %arg14[%dma_wait3A_506, %dma_wait3A_517, %dma_wait3A_518] : memref<2x256x64xf32, #tpu.memory_space<vmem>> -> memref<1x256x64xf32, #tpu.memory_space<vmem>>
      %dma_wait3A_520 = tpu.memref_squeeze %dma_wait3A_519 : memref<1x256x64xf32, #tpu.memory_space<vmem>> -> memref<256x64xf32, #tpu.memory_space<vmem>>
      tpu.wait_dma2 semaphore(%arg20 : memref<!tpu.dma_semaphore, #tpu.memory_space<semaphore_mem>>) src(%dma_wait3A_520 : memref<256x64xf32, #tpu.memory_space<vmem>>) dst(%dma_wait3A_516 : memref<256x64xf32, #tpu.memory_space<vmem_shared>>)
      %dma_start3A_521 = arith.constant 7 : i32
      %dma_start3A_522 = arith.constant 1 : i32
      %dma_start3A_523 = arith.constant 0 : i32
      %dma_start3A_524 = arith.constant 0 : i32
      %dma_start3A_525 = tpu.memref_slice %arg14[%dma_start3A_522, %dma_start3A_523, %dma_start3A_524] : memref<2x256x64xf32, #tpu.memory_space<vmem>> -> memref<1x256x64xf32, #tpu.memory_space<vmem>>
      %dma_start3A_526 = tpu.memref_squeeze %dma_start3A_525 : memref<1x256x64xf32, #tpu.memory_space<vmem>> -> memref<256x64xf32, #tpu.memory_space<vmem>>
      %dma_start3A_527 = arith.constant 0 : i32
      %dma_start3A_528 = tpu.memref_slice %arg12[%rem3A_171, %dma_start3A_521, %dma_start3A_527] : memref<2x8x256xi32, #tpu.memory_space<vmem>> -> memref<1x1x256xi32, #tpu.memory_space<vmem>>
      %dma_start3A_529 = tpu.memref_squeeze %dma_start3A_528 : memref<1x1x256xi32, #tpu.memory_space<vmem>> -> memref<256xi32, #tpu.memory_space<vmem>>
      %dma_start3A_530 = arith.constant 0 : i32
      %dma_start3A_531 = arith.constant 0 : i32
      %dma_start3A_532 = tpu.memref_slice %arg15[%dma_start3A_530, %dma_start3A_531] : memref<10000x64xf32, #tpu.memory_space<vmem_shared>> -> memref<10000x64xf32, #tpu.memory_space<vmem_shared>>
      tpu.enqueue_indirect_dma source(%dma_start3A_532 : memref<10000x64xf32, #tpu.memory_space<vmem_shared>>) target(%dma_start3A_526 : memref<256x64xf32, #tpu.memory_space<vmem>>) offsets(%dma_start3A_529 : memref<256xi32, #tpu.memory_space<vmem>>) semaphore(%arg18 : memref<!tpu.dma_semaphore, #tpu.memory_space<semaphore_mem>>)
      %dma_start3A_533 = arith.constant 0 : i32
      %dma_start3A_534 = arith.constant 6 : i32
      %dma_start3A_535 = arith.constant 0 : i32
      %dma_start3A_536 = arith.constant 0 : i32
      %dma_start3A_537 = tpu.memref_slice %arg14[%dma_start3A_533, %dma_start3A_535, %dma_start3A_536] : memref<2x256x64xf32, #tpu.memory_space<vmem>> -> memref<1x256x64xf32, #tpu.memory_space<vmem>>
      %dma_start3A_538 = tpu.memref_squeeze %dma_start3A_537 : memref<1x256x64xf32, #tpu.memory_space<vmem>> -> memref<256x64xf32, #tpu.memory_space<vmem>>
      %dma_start3A_539 = arith.constant 0 : i32
      %dma_start3A_540 = tpu.memref_slice %arg13[%rem3A_171, %dma_start3A_534, %dma_start3A_539] : memref<2x8x256xi32, #tpu.memory_space<vmem>> -> memref<1x1x256xi32, #tpu.memory_space<vmem>>
      %dma_start3A_541 = tpu.memref_squeeze %dma_start3A_540 : memref<1x1x256xi32, #tpu.memory_space<vmem>> -> memref<256xi32, #tpu.memory_space<vmem>>
      %dma_start3A_542 = arith.constant 0 : i32
      %dma_start3A_543 = arith.constant 0 : i32
      %dma_start3A_544 = tpu.memref_slice %arg16[%dma_start3A_542, %dma_start3A_543] : memref<10240x64xf32, #tpu.memory_space<vmem_shared>> -> memref<10240x64xf32, #tpu.memory_space<vmem_shared>>
      tpu.enqueue_indirect_dma source(%dma_start3A_538 : memref<256x64xf32, #tpu.memory_space<vmem>>) target(%dma_start3A_544 : memref<10240x64xf32, #tpu.memory_space<vmem_shared>>) offsets(%dma_start3A_541 : memref<256xi32, #tpu.memory_space<vmem>>) semaphore(%arg19 : memref<!tpu.dma_semaphore, #tpu.memory_space<semaphore_mem>>) {add = true}
      %dma_wait3A_545 = arith.constant 1 : i32
      %dma_wait3A_546 = arith.constant 0 : i32
      %dma_wait3A_547 = arith.constant 0 : i32
      %dma_wait3A_548 = tpu.memref_slice %arg14[%dma_wait3A_545, %dma_wait3A_546, %dma_wait3A_547] : memref<2x256x64xf32, #tpu.memory_space<vmem>> -> memref<1x256x64xf32, #tpu.memory_space<vmem>>
      %dma_wait3A_549 = tpu.memref_squeeze %dma_wait3A_548 : memref<1x256x64xf32, #tpu.memory_space<vmem>> -> memref<256x64xf32, #tpu.memory_space<vmem>>
      %dma_wait3A_550 = arith.constant 0 : i32
      %dma_wait3A_551 = arith.constant 0 : i32
      %dma_wait3A_552 = tpu.memref_slice %arg2[%dma_wait3A_550, %dma_wait3A_551] : memref<10000x64xf32, #tpu.memory_space<hbm>> -> memref<256x64xf32, #tpu.memory_space<hbm>>
      %dma_wait3A_553 = arith.constant 0 : i32
      %dma_wait3A_554 = arith.constant 0 : i32
      %dma_wait3A_555 = tpu.memref_slice %arg14[%dma_wait3A_545, %dma_wait3A_553, %dma_wait3A_554] : memref<2x256x64xf32, #tpu.memory_space<vmem>> -> memref<1x256x64xf32, #tpu.memory_space<vmem>>
      %dma_wait3A_556 = tpu.memref_squeeze %dma_wait3A_555 : memref<1x256x64xf32, #tpu.memory_space<vmem>> -> memref<256x64xf32, #tpu.memory_space<vmem>>
      %dma_wait3A_557 = arith.constant 0 : i32
      %dma_wait3A_558 = arith.constant 0 : i32
      %dma_wait3A_559 = tpu.memref_slice %arg2[%dma_wait3A_557, %dma_wait3A_558] : memref<10000x64xf32, #tpu.memory_space<hbm>> -> memref<256x64xf32, #tpu.memory_space<hbm>>
      tpu.wait_dma2 semaphore(%arg18 : memref<!tpu.dma_semaphore, #tpu.memory_space<semaphore_mem>>) src(%dma_wait3A_559 : memref<256x64xf32, #tpu.memory_space<hbm>>) dst(%dma_wait3A_556 : memref<256x64xf32, #tpu.memory_space<vmem>>)
      %dma_wait3A_560 = arith.constant 0 : i32
      %dma_wait3A_561 = arith.constant 0 : i32
      %dma_wait3A_562 = arith.constant 0 : i32
      %dma_wait3A_563 = tpu.memref_slice %arg14[%dma_wait3A_560, %dma_wait3A_561, %dma_wait3A_562] : memref<2x256x64xf32, #tpu.memory_space<vmem>> -> memref<1x256x64xf32, #tpu.memory_space<vmem>>
      %dma_wait3A_564 = tpu.memref_squeeze %dma_wait3A_563 : memref<1x256x64xf32, #tpu.memory_space<vmem>> -> memref<256x64xf32, #tpu.memory_space<vmem>>
      %dma_wait3A_565 = arith.constant 0 : i32
      %dma_wait3A_566 = arith.constant 0 : i32
      %dma_wait3A_567 = tpu.memref_slice %arg16[%dma_wait3A_565, %dma_wait3A_566] : memref<10240x64xf32, #tpu.memory_space<vmem_shared>> -> memref<256x64xf32, #tpu.memory_space<vmem_shared>>
      %dma_wait3A_568 = arith.constant 0 : i32
      %dma_wait3A_569 = arith.constant 0 : i32
      %dma_wait3A_570 = tpu.memref_slice %arg16[%dma_wait3A_568, %dma_wait3A_569] : memref<10240x64xf32, #tpu.memory_space<vmem_shared>> -> memref<256x64xf32, #tpu.memory_space<vmem_shared>>
      %dma_wait3A_571 = arith.constant 0 : i32
      %dma_wait3A_572 = arith.constant 0 : i32
      %dma_wait3A_573 = tpu.memref_slice %arg14[%dma_wait3A_560, %dma_wait3A_571, %dma_wait3A_572] : memref<2x256x64xf32, #tpu.memory_space<vmem>> -> memref<1x256x64xf32, #tpu.memory_space<vmem>>
      %dma_wait3A_574 = tpu.memref_squeeze %dma_wait3A_573 : memref<1x256x64xf32, #tpu.memory_space<vmem>> -> memref<256x64xf32, #tpu.memory_space<vmem>>
      tpu.wait_dma2 semaphore(%arg19 : memref<!tpu.dma_semaphore, #tpu.memory_space<semaphore_mem>>) src(%dma_wait3A_574 : memref<256x64xf32, #tpu.memory_space<vmem>>) dst(%dma_wait3A_570 : memref<256x64xf32, #tpu.memory_space<vmem_shared>>)
      %lt3A_575 = arith.constant 10 : i32
      %lt3A_576 = arith.cmpi slt, %add3A_170, %lt3A_575 : i32
      %convert_element_type3A_577 = arith.extui %lt3A_576 : i1 to i32
      %cond3A_578 = arith.constant 0 : i32
      %cond3A_579 = arith.cmpi ne, %convert_element_type3A_577, %cond3A_578 : i32
      scf.if %cond3A_579 {
        %dma_wait3A_592 = arith.constant 0 : i32
        %dma_wait3A_593 = arith.constant 0 : i32
        %dma_wait3A_594 = tpu.memref_slice %arg12[%rem3A_173, %dma_wait3A_592, %dma_wait3A_593] : memref<2x8x256xi32, #tpu.memory_space<vmem>> -> memref<1x8x256xi32, #tpu.memory_space<vmem>>
        %dma_wait3A_595 = tpu.memref_squeeze %dma_wait3A_594 : memref<1x8x256xi32, #tpu.memory_space<vmem>> -> memref<8x256xi32, #tpu.memory_space<vmem>>
        %dma_wait3A_596 = arith.constant 0 : i32
        %dma_wait3A_597 = arith.constant 0 : i32
        %dma_wait3A_598 = tpu.memref_slice %arg6[%arg1, %dma_wait3A_596, %dma_wait3A_597] : memref<16x80x256xi32, #tpu.memory_space<hbm>> -> memref<1x8x256xi32, #tpu.memory_space<hbm>>
        %dma_wait3A_599 = tpu.memref_squeeze %dma_wait3A_598 : memref<1x8x256xi32, #tpu.memory_space<hbm>> -> memref<8x256xi32, #tpu.memory_space<hbm>>
        %dma_wait3A_600 = arith.constant 0 : i32
        %dma_wait3A_601 = arith.constant 0 : i32
        %dma_wait3A_602 = tpu.memref_slice %arg12[%rem3A_173, %dma_wait3A_600, %dma_wait3A_601] : memref<2x8x256xi32, #tpu.memory_space<vmem>> -> memref<1x8x256xi32, #tpu.memory_space<vmem>>
        %dma_wait3A_603 = tpu.memref_squeeze %dma_wait3A_602 : memref<1x8x256xi32, #tpu.memory_space<vmem>> -> memref<8x256xi32, #tpu.memory_space<vmem>>
        %dma_wait3A_604 = arith.constant 0 : i32
        %dma_wait3A_605 = arith.constant 0 : i32
        %dma_wait3A_606 = tpu.memref_slice %arg6[%arg1, %dma_wait3A_604, %dma_wait3A_605] : memref<16x80x256xi32, #tpu.memory_space<hbm>> -> memref<1x8x256xi32, #tpu.memory_space<hbm>>
        %dma_wait3A_607 = tpu.memref_squeeze %dma_wait3A_606 : memref<1x8x256xi32, #tpu.memory_space<hbm>> -> memref<8x256xi32, #tpu.memory_space<hbm>>
        tpu.wait_dma2 semaphore(%arg21 : memref<!tpu.dma_semaphore, #tpu.memory_space<semaphore_mem>>) src(%dma_wait3A_607 : memref<8x256xi32, #tpu.memory_space<hbm>>) dst(%dma_wait3A_603 : memref<8x256xi32, #tpu.memory_space<vmem>>)
        %dma_wait3A_608 = arith.constant 0 : i32
        %dma_wait3A_609 = arith.constant 0 : i32
        %dma_wait3A_610 = tpu.memref_slice %arg13[%rem3A_173, %dma_wait3A_608, %dma_wait3A_609] : memref<2x8x256xi32, #tpu.memory_space<vmem>> -> memref<1x8x256xi32, #tpu.memory_space<vmem>>
        %dma_wait3A_611 = tpu.memref_squeeze %dma_wait3A_610 : memref<1x8x256xi32, #tpu.memory_space<vmem>> -> memref<8x256xi32, #tpu.memory_space<vmem>>
        %dma_wait3A_612 = arith.constant 0 : i32
        %dma_wait3A_613 = arith.constant 0 : i32
        %dma_wait3A_614 = tpu.memref_slice %arg7[%arg1, %dma_wait3A_612, %dma_wait3A_613] : memref<16x80x256xi32, #tpu.memory_space<hbm>> -> memref<1x8x256xi32, #tpu.memory_space<hbm>>
        %dma_wait3A_615 = tpu.memref_squeeze %dma_wait3A_614 : memref<1x8x256xi32, #tpu.memory_space<hbm>> -> memref<8x256xi32, #tpu.memory_space<hbm>>
        %dma_wait3A_616 = arith.constant 0 : i32
        %dma_wait3A_617 = arith.constant 0 : i32
        %dma_wait3A_618 = tpu.memref_slice %arg13[%rem3A_173, %dma_wait3A_616, %dma_wait3A_617] : memref<2x8x256xi32, #tpu.memory_space<vmem>> -> memref<1x8x256xi32, #tpu.memory_space<vmem>>
        %dma_wait3A_619 = tpu.memref_squeeze %dma_wait3A_618 : memref<1x8x256xi32, #tpu.memory_space<vmem>> -> memref<8x256xi32, #tpu.memory_space<vmem>>
        %dma_wait3A_620 = arith.constant 0 : i32
        %dma_wait3A_621 = arith.constant 0 : i32
        %dma_wait3A_622 = tpu.memref_slice %arg7[%arg1, %dma_wait3A_620, %dma_wait3A_621] : memref<16x80x256xi32, #tpu.memory_space<hbm>> -> memref<1x8x256xi32, #tpu.memory_space<hbm>>
        %dma_wait3A_623 = tpu.memref_squeeze %dma_wait3A_622 : memref<1x8x256xi32, #tpu.memory_space<hbm>> -> memref<8x256xi32, #tpu.memory_space<hbm>>
        tpu.wait_dma2 semaphore(%arg21 : memref<!tpu.dma_semaphore, #tpu.memory_space<semaphore_mem>>) src(%dma_wait3A_623 : memref<8x256xi32, #tpu.memory_space<hbm>>) dst(%dma_wait3A_619 : memref<8x256xi32, #tpu.memory_space<vmem>>)
        %dma_start3A_624 = arith.constant 0 : i32
        %dma_start3A_625 = arith.constant 0 : i32
        %dma_start3A_626 = arith.constant 0 : i32
        %dma_start3A_627 = arith.constant 0 : i32
        %dma_start3A_628 = tpu.memref_slice %arg14[%dma_start3A_625, %dma_start3A_626, %dma_start3A_627] : memref<2x256x64xf32, #tpu.memory_space<vmem>> -> memref<1x256x64xf32, #tpu.memory_space<vmem>>
        %dma_start3A_629 = tpu.memref_squeeze %dma_start3A_628 : memref<1x256x64xf32, #tpu.memory_space<vmem>> -> memref<256x64xf32, #tpu.memory_space<vmem>>
        %dma_start3A_630 = arith.constant 0 : i32
        %dma_start3A_631 = tpu.memref_slice %arg12[%rem3A_173, %dma_start3A_624, %dma_start3A_630] : memref<2x8x256xi32, #tpu.memory_space<vmem>> -> memref<1x1x256xi32, #tpu.memory_space<vmem>>
        %dma_start3A_632 = tpu.memref_squeeze %dma_start3A_631 : memref<1x1x256xi32, #tpu.memory_space<vmem>> -> memref<256xi32, #tpu.memory_space<vmem>>
        %dma_start3A_633 = arith.constant 0 : i32
        %dma_start3A_634 = arith.constant 0 : i32
        %dma_start3A_635 = tpu.memref_slice %arg15[%dma_start3A_633, %dma_start3A_634] : memref<10000x64xf32, #tpu.memory_space<vmem_shared>> -> memref<10000x64xf32, #tpu.memory_space<vmem_shared>>
        tpu.enqueue_indirect_dma source(%dma_start3A_635 : memref<10000x64xf32, #tpu.memory_space<vmem_shared>>) target(%dma_start3A_629 : memref<256x64xf32, #tpu.memory_space<vmem>>) offsets(%dma_start3A_632 : memref<256xi32, #tpu.memory_space<vmem>>) semaphore(%arg17 : memref<!tpu.dma_semaphore, #tpu.memory_space<semaphore_mem>>)
      } else {
      }
      %dma_start3A_580 = arith.constant 1 : i32
      %dma_start3A_581 = arith.constant 7 : i32
      %dma_start3A_582 = arith.constant 0 : i32
      %dma_start3A_583 = arith.constant 0 : i32
      %dma_start3A_584 = tpu.memref_slice %arg14[%dma_start3A_580, %dma_start3A_582, %dma_start3A_583] : memref<2x256x64xf32, #tpu.memory_space<vmem>> -> memref<1x256x64xf32, #tpu.memory_space<vmem>>
      %dma_start3A_585 = tpu.memref_squeeze %dma_start3A_584 : memref<1x256x64xf32, #tpu.memory_space<vmem>> -> memref<256x64xf32, #tpu.memory_space<vmem>>
      %dma_start3A_586 = arith.constant 0 : i32
      %dma_start3A_587 = tpu.memref_slice %arg13[%rem3A_171, %dma_start3A_581, %dma_start3A_586] : memref<2x8x256xi32, #tpu.memory_space<vmem>> -> memref<1x1x256xi32, #tpu.memory_space<vmem>>
      %dma_start3A_588 = tpu.memref_squeeze %dma_start3A_587 : memref<1x1x256xi32, #tpu.memory_space<vmem>> -> memref<256xi32, #tpu.memory_space<vmem>>
      %dma_start3A_589 = arith.constant 0 : i32
      %dma_start3A_590 = arith.constant 0 : i32
      %dma_start3A_591 = tpu.memref_slice %arg16[%dma_start3A_589, %dma_start3A_590] : memref<10240x64xf32, #tpu.memory_space<vmem_shared>> -> memref<10240x64xf32, #tpu.memory_space<vmem_shared>>
      tpu.enqueue_indirect_dma source(%dma_start3A_585 : memref<256x64xf32, #tpu.memory_space<vmem>>) target(%dma_start3A_591 : memref<10240x64xf32, #tpu.memory_space<vmem_shared>>) offsets(%dma_start3A_588 : memref<256xi32, #tpu.memory_space<vmem>>) semaphore(%arg20 : memref<!tpu.dma_semaphore, #tpu.memory_space<semaphore_mem>>) {add = true}
    }
    %scan3A_141 = arith.constant 10 : i32
    %dma_wait3A_142 = arith.constant 1 : i32
    %dma_wait3A_143 = arith.constant 0 : i32
    %dma_wait3A_144 = arith.constant 0 : i32
    %dma_wait3A_145 = tpu.memref_slice %arg14[%dma_wait3A_142, %dma_wait3A_143, %dma_wait3A_144] : memref<2x256x64xf32, #tpu.memory_space<vmem>> -> memref<1x256x64xf32, #tpu.memory_space<vmem>>
    %dma_wait3A_146 = tpu.memref_squeeze %dma_wait3A_145 : memref<1x256x64xf32, #tpu.memory_space<vmem>> -> memref<256x64xf32, #tpu.memory_space<vmem>>
    %dma_wait3A_147 = arith.constant 0 : i32
    %dma_wait3A_148 = arith.constant 0 : i32
    %dma_wait3A_149 = tpu.memref_slice %arg16[%dma_wait3A_147, %dma_wait3A_148] : memref<10240x64xf32, #tpu.memory_space<vmem_shared>> -> memref<256x64xf32, #tpu.memory_space<vmem_shared>>
    %dma_wait3A_150 = arith.constant 0 : i32
    %dma_wait3A_151 = arith.constant 0 : i32
    %dma_wait3A_152 = tpu.memref_slice %arg16[%dma_wait3A_150, %dma_wait3A_151] : memref<10240x64xf32, #tpu.memory_space<vmem_shared>> -> memref<256x64xf32, #tpu.memory_space<vmem_shared>>
    %dma_wait3A_153 = arith.constant 0 : i32
    %dma_wait3A_154 = arith.constant 0 : i32
    %dma_wait3A_155 = tpu.memref_slice %arg14[%dma_wait3A_142, %dma_wait3A_153, %dma_wait3A_154] : memref<2x256x64xf32, #tpu.memory_space<vmem>> -> memref<1x256x64xf32, #tpu.memory_space<vmem>>
    %dma_wait3A_156 = tpu.memref_squeeze %dma_wait3A_155 : memref<1x256x64xf32, #tpu.memory_space<vmem>> -> memref<256x64xf32, #tpu.memory_space<vmem>>
    tpu.wait_dma2 semaphore(%arg20 : memref<!tpu.dma_semaphore, #tpu.memory_space<semaphore_mem>>) src(%dma_wait3A_156 : memref<256x64xf32, #tpu.memory_space<vmem>>) dst(%dma_wait3A_152 : memref<256x64xf32, #tpu.memory_space<vmem_shared>>)
    %barrier3A_157 = arith.constant 0 : index
    tpu.barrier barrier_id(%barrier3A_157)
    %eq3A_158 = arith.constant 0 : i32
    %eq3A_159 = arith.cmpi eq, %arg0, %eq3A_158 : i32
    %convert_element_type3A_160 = arith.extui %eq3A_159 : i1 to i32
    %cond3A_161 = arith.constant 0 : i32
    %cond3A_162 = arith.cmpi ne, %convert_element_type3A_160, %cond3A_161 : i32
    scf.if %cond3A_162 {
      %mul3A_168 = arith.constant 640 : i32
      %mul3A_169 = arith.muli %arg1, %mul3A_168 : i32
      %lt3A = arith.constant 15 : i32
      %lt3A_170 = arith.cmpi slt, %arg1, %lt3A : i32
      %convert_element_type3A_171 = arith.extui %lt3A_170 : i1 to i32
      %cond3A_172 = arith.constant 0 : i32
      %cond3A_173 = arith.cmpi ne, %convert_element_type3A_171, %cond3A_172 : i32
      scf.if %cond3A_173 {
        "tpu.region"() ({
          %run_scoped3A_179 = tpu.sem_alloc : memref<!tpu.dma_semaphore, #tpu.memory_space<semaphore_mem>>
          %dma_start3A_180 = arith.constant 0 : i32
          %dma_start3A_181 = tpu.memref_slice %arg10[%mul3A_169, %dma_start3A_180] : memref<10000x64xf32, #tpu.memory_space<hbm>> -> memref<640x64xf32, #tpu.memory_space<hbm>>
          %dma_start3A_182 = arith.constant 0 : i32
          %dma_start3A_183 = tpu.memref_slice %arg16[%mul3A_169, %dma_start3A_182] : memref<10240x64xf32, #tpu.memory_space<vmem_shared>> -> memref<640x64xf32, #tpu.memory_space<vmem_shared>>
          tpu.enqueue_dma source(%dma_start3A_183 : memref<640x64xf32, #tpu.memory_space<vmem_shared>>) target(%dma_start3A_181 : memref<640x64xf32, #tpu.memory_space<hbm>>) target_semaphore(%run_scoped3A_179 : memref<!tpu.dma_semaphore, #tpu.memory_space<semaphore_mem>>)
          %dma_wait3A_184 = arith.constant 0 : i32
          %dma_wait3A_185 = tpu.memref_slice %arg10[%mul3A_169, %dma_wait3A_184] : memref<10000x64xf32, #tpu.memory_space<hbm>> -> memref<640x64xf32, #tpu.memory_space<hbm>>
          %dma_wait3A_186 = arith.constant 0 : i32
          %dma_wait3A_187 = tpu.memref_slice %arg16[%mul3A_169, %dma_wait3A_186] : memref<10240x64xf32, #tpu.memory_space<vmem_shared>> -> memref<640x64xf32, #tpu.memory_space<vmem_shared>>
          tpu.wait_dma2 semaphore(%run_scoped3A_179 : memref<!tpu.dma_semaphore, #tpu.memory_space<semaphore_mem>>) src(%dma_wait3A_187 : memref<640x64xf32, #tpu.memory_space<vmem_shared>>) dst(%dma_wait3A_185 : memref<640x64xf32, #tpu.memory_space<hbm>>)
          tpu.yield
        }) : () -> ()
      } else {
      }
      %eq3A_174 = arith.constant 15 : i32
      %eq3A_175 = arith.cmpi eq, %arg1, %eq3A_174 : i32
      %convert_element_type3A_176 = arith.extui %eq3A_175 : i1 to i32
      %cond3A_177 = arith.constant 0 : i32
      %cond3A_178 = arith.cmpi ne, %convert_element_type3A_176, %cond3A_177 : i32
      scf.if %cond3A_178 {
        "tpu.region"() ({
          %run_scoped3A_179 = tpu.sem_alloc : memref<!tpu.dma_semaphore, #tpu.memory_space<semaphore_mem>>
          %dma_start3A_180 = arith.constant 9600 : i32
          %dma_start3A_181 = arith.constant 0 : i32
          %dma_start3A_182 = tpu.memref_slice %arg10[%dma_start3A_180, %dma_start3A_181] : memref<10000x64xf32, #tpu.memory_space<hbm>> -> memref<400x64xf32, #tpu.memory_space<hbm>>
          %dma_start3A_183 = arith.constant 9600 : i32
          %dma_start3A_184 = arith.constant 0 : i32
          %dma_start3A_185 = tpu.memref_slice %arg16[%dma_start3A_183, %dma_start3A_184] : memref<10240x64xf32, #tpu.memory_space<vmem_shared>> -> memref<400x64xf32, #tpu.memory_space<vmem_shared>>
          tpu.enqueue_dma source(%dma_start3A_185 : memref<400x64xf32, #tpu.memory_space<vmem_shared>>) target(%dma_start3A_182 : memref<400x64xf32, #tpu.memory_space<hbm>>) target_semaphore(%run_scoped3A_179 : memref<!tpu.dma_semaphore, #tpu.memory_space<semaphore_mem>>)
          %dma_wait3A_186 = arith.constant 9600 : i32
          %dma_wait3A_187 = arith.constant 0 : i32
          %dma_wait3A_188 = tpu.memref_slice %arg10[%dma_wait3A_186, %dma_wait3A_187] : memref<10000x64xf32, #tpu.memory_space<hbm>> -> memref<400x64xf32, #tpu.memory_space<hbm>>
          %dma_wait3A_189 = arith.constant 9600 : i32
          %dma_wait3A_190 = arith.constant 0 : i32
          %dma_wait3A_191 = tpu.memref_slice %arg16[%dma_wait3A_189, %dma_wait3A_190] : memref<10240x64xf32, #tpu.memory_space<vmem_shared>> -> memref<400x64xf32, #tpu.memory_space<vmem_shared>>
          tpu.wait_dma2 semaphore(%run_scoped3A_179 : memref<!tpu.dma_semaphore, #tpu.memory_space<semaphore_mem>>) src(%dma_wait3A_191 : memref<400x64xf32, #tpu.memory_space<vmem_shared>>) dst(%dma_wait3A_188 : memref<400x64xf32, #tpu.memory_space<hbm>>)
          tpu.yield
        }) : () -> ()
      } else {
      }
    } else {
    }
    %eq3A_163 = arith.constant 1 : i32
    %eq3A_164 = arith.cmpi eq, %arg0, %eq3A_163 : i32
    %convert_element_type3A_165 = arith.extui %eq3A_164 : i1 to i32
    %cond3A_166 = arith.constant 0 : i32
    %cond3A_167 = arith.cmpi ne, %convert_element_type3A_165, %cond3A_166 : i32
    scf.if %cond3A_167 {
      %mul3A_168 = arith.constant 640 : i32
      %mul3A_169 = arith.muli %arg1, %mul3A_168 : i32
      %lt3A = arith.constant 15 : i32
      %lt3A_170 = arith.cmpi slt, %arg1, %lt3A : i32
      %convert_element_type3A_171 = arith.extui %lt3A_170 : i1 to i32
      %cond3A_172 = arith.constant 0 : i32
      %cond3A_173 = arith.cmpi ne, %convert_element_type3A_171, %cond3A_172 : i32
      scf.if %cond3A_173 {
        "tpu.region"() ({
          %run_scoped3A_179 = tpu.sem_alloc : memref<!tpu.dma_semaphore, #tpu.memory_space<semaphore_mem>>
          %dma_start3A_180 = arith.constant 0 : i32
          %dma_start3A_181 = tpu.memref_slice %arg11[%mul3A_169, %dma_start3A_180] : memref<10000x64xf32, #tpu.memory_space<hbm>> -> memref<640x64xf32, #tpu.memory_space<hbm>>
          %dma_start3A_182 = arith.constant 0 : i32
          %dma_start3A_183 = tpu.memref_slice %arg16[%mul3A_169, %dma_start3A_182] : memref<10240x64xf32, #tpu.memory_space<vmem_shared>> -> memref<640x64xf32, #tpu.memory_space<vmem_shared>>
          tpu.enqueue_dma source(%dma_start3A_183 : memref<640x64xf32, #tpu.memory_space<vmem_shared>>) target(%dma_start3A_181 : memref<640x64xf32, #tpu.memory_space<hbm>>) target_semaphore(%run_scoped3A_179 : memref<!tpu.dma_semaphore, #tpu.memory_space<semaphore_mem>>)
          %dma_wait3A_184 = arith.constant 0 : i32
          %dma_wait3A_185 = tpu.memref_slice %arg11[%mul3A_169, %dma_wait3A_184] : memref<10000x64xf32, #tpu.memory_space<hbm>> -> memref<640x64xf32, #tpu.memory_space<hbm>>
          %dma_wait3A_186 = arith.constant 0 : i32
          %dma_wait3A_187 = tpu.memref_slice %arg16[%mul3A_169, %dma_wait3A_186] : memref<10240x64xf32, #tpu.memory_space<vmem_shared>> -> memref<640x64xf32, #tpu.memory_space<vmem_shared>>
          tpu.wait_dma2 semaphore(%run_scoped3A_179 : memref<!tpu.dma_semaphore, #tpu.memory_space<semaphore_mem>>) src(%dma_wait3A_187 : memref<640x64xf32, #tpu.memory_space<vmem_shared>>) dst(%dma_wait3A_185 : memref<640x64xf32, #tpu.memory_space<hbm>>)
          tpu.yield
        }) : () -> ()
      } else {
      }
      %eq3A_174 = arith.constant 15 : i32
      %eq3A_175 = arith.cmpi eq, %arg1, %eq3A_174 : i32
      %convert_element_type3A_176 = arith.extui %eq3A_175 : i1 to i32
      %cond3A_177 = arith.constant 0 : i32
      %cond3A_178 = arith.cmpi ne, %convert_element_type3A_176, %cond3A_177 : i32
      scf.if %cond3A_178 {
        "tpu.region"() ({
          %run_scoped3A_179 = tpu.sem_alloc : memref<!tpu.dma_semaphore, #tpu.memory_space<semaphore_mem>>
          %dma_start3A_180 = arith.constant 9600 : i32
          %dma_start3A_181 = arith.constant 0 : i32
          %dma_start3A_182 = tpu.memref_slice %arg11[%dma_start3A_180, %dma_start3A_181] : memref<10000x64xf32, #tpu.memory_space<hbm>> -> memref<400x64xf32, #tpu.memory_space<hbm>>
          %dma_start3A_183 = arith.constant 9600 : i32
          %dma_start3A_184 = arith.constant 0 : i32
          %dma_start3A_185 = tpu.memref_slice %arg16[%dma_start3A_183, %dma_start3A_184] : memref<10240x64xf32, #tpu.memory_space<vmem_shared>> -> memref<400x64xf32, #tpu.memory_space<vmem_shared>>
          tpu.enqueue_dma source(%dma_start3A_185 : memref<400x64xf32, #tpu.memory_space<vmem_shared>>) target(%dma_start3A_182 : memref<400x64xf32, #tpu.memory_space<hbm>>) target_semaphore(%run_scoped3A_179 : memref<!tpu.dma_semaphore, #tpu.memory_space<semaphore_mem>>)
          %dma_wait3A_186 = arith.constant 9600 : i32
          %dma_wait3A_187 = arith.constant 0 : i32
          %dma_wait3A_188 = tpu.memref_slice %arg11[%dma_wait3A_186, %dma_wait3A_187] : memref<10000x64xf32, #tpu.memory_space<hbm>> -> memref<400x64xf32, #tpu.memory_space<hbm>>
          %dma_wait3A_189 = arith.constant 9600 : i32
          %dma_wait3A_190 = arith.constant 0 : i32
          %dma_wait3A_191 = tpu.memref_slice %arg16[%dma_wait3A_189, %dma_wait3A_190] : memref<10240x64xf32, #tpu.memory_space<vmem_shared>> -> memref<400x64xf32, #tpu.memory_space<vmem_shared>>
          tpu.wait_dma2 semaphore(%run_scoped3A_179 : memref<!tpu.dma_semaphore, #tpu.memory_space<semaphore_mem>>) src(%dma_wait3A_191 : memref<400x64xf32, #tpu.memory_space<vmem_shared>>) dst(%dma_wait3A_188 : memref<400x64xf32, #tpu.memory_space<hbm>>)
          tpu.yield
        }) : () -> ()
      } else {
      }
    } else {
    }
    return
  }
}

#map = affine_map<(d0, d1) -> (0, 0)>
#map1 = affine_map<(d0, d1) -> (0, 0, 0)>
module attributes {stable_mosaic.version = 14 : i64} {
  func.func @body(%arg0: i32, %arg1: i32, %arg2: memref<10000x64xf32, #tpu.memory_space<hbm>>, %arg3: memref<10000x64xf32, #tpu.memory_space<hbm>>, %arg4: memref<16x80x256xi32, #tpu.memory_space<hbm>>, %arg5: memref<16x80x256xi32, #tpu.memory_space<hbm>>, %arg6: memref<10000x64xf32, #tpu.memory_space<hbm>>, %arg7: memref<10000x64xf32, #tpu.memory_space<hbm>>, %arg8: memref<2x8x256xi32, #tpu.memory_space<vmem>>, %arg9: memref<2x8x256xi32, #tpu.memory_space<vmem>>, %arg10: memref<2x256x64xf32, #tpu.memory_space<vmem>>, %arg11: memref<10000x64xf32, #tpu.memory_space<vmem_shared>>, %arg12: memref<10240x64xf32, #tpu.memory_space<vmem_shared>>, %arg13: memref<!tpu.dma_semaphore, #tpu.memory_space<semaphore_mem>>, %arg14: memref<!tpu.dma_semaphore, #tpu.memory_space<semaphore_mem>>, %arg15: memref<!tpu.dma_semaphore, #tpu.memory_space<semaphore_mem>>, %arg16: memref<!tpu.dma_semaphore, #tpu.memory_space<semaphore_mem>>, %arg17: memref<!tpu.dma_semaphore, #tpu.memory_space<semaphore_mem>>) attributes {dimension_semantics = [#tpu.dimension_semantics<core_parallel>, #tpu.dimension_semantics<subcore_parallel>], iteration_bounds = array<i64: 2, 16>, scalar_prefetch = 0 : i64, scratch_operands = 10 : i64, tpu.core_type = #tpu.core_type<sc_vector_subcore>, window_params = [{transform_indices = #map}, {transform_indices = #map}, {transform_indices = #map1}, {transform_indices = #map1}, {transform_indices = #map}, {transform_indices = #map}]} {
    %eq3A = arith.constant 0 : i32
    %eq3A_0 = arith.cmpi eq, %arg0, %eq3A : i32
    %convert_element_type3A = arith.extui %eq3A_0 : i1 to i32
    %cond3A = arith.constant 0 : i32
    %cond3A_1 = arith.cmpi ne, %convert_element_type3A, %cond3A : i32
    scf.if %cond3A_1 {
      %mul3A_79 = arith.constant 640 : i32
      %mul3A_80 = arith.muli %arg1, %mul3A_79 : i32
      %lt3A = arith.constant 15 : i32
      %lt3A_81 = arith.cmpi slt, %arg1, %lt3A : i32
      %convert_element_type3A_82 = arith.extui %lt3A_81 : i1 to i32
      %cond3A_83 = arith.constant 0 : i32
      %cond3A_84 = arith.cmpi ne, %convert_element_type3A_82, %cond3A_83 : i32
      scf.if %cond3A_84 {
        "tpu.region"() ({
          %run_scoped3A_90 = tpu.sem_alloc : memref<!tpu.dma_semaphore, #tpu.memory_space<semaphore_mem>>
          %dma_start3A_91 = arith.constant 0 : i32
          %dma_start3A_92 = tpu.memref_slice %arg11[%mul3A_80, %dma_start3A_91] : memref<10000x64xf32, #tpu.memory_space<vmem_shared>> -> memref<640x64xf32, #tpu.memory_space<vmem_shared>>
          %dma_start3A_93 = arith.constant 0 : i32
          %dma_start3A_94 = tpu.memref_slice %arg2[%mul3A_80, %dma_start3A_93] : memref<10000x64xf32, #tpu.memory_space<hbm>> -> memref<640x64xf32, #tpu.memory_space<hbm>>
          tpu.enqueue_dma source(%dma_start3A_94 : memref<640x64xf32, #tpu.memory_space<hbm>>) target(%dma_start3A_92 : memref<640x64xf32, #tpu.memory_space<vmem_shared>>) target_semaphore(%run_scoped3A_90 : memref<!tpu.dma_semaphore, #tpu.memory_space<semaphore_mem>>)
          %dma_wait3A_95 = arith.constant 0 : i32
          %dma_wait3A_96 = tpu.memref_slice %arg11[%mul3A_80, %dma_wait3A_95] : memref<10000x64xf32, #tpu.memory_space<vmem_shared>> -> memref<640x64xf32, #tpu.memory_space<vmem_shared>>
          %dma_wait3A_97 = arith.constant 0 : i32
          %dma_wait3A_98 = tpu.memref_slice %arg2[%mul3A_80, %dma_wait3A_97] : memref<10000x64xf32, #tpu.memory_space<hbm>> -> memref<640x64xf32, #tpu.memory_space<hbm>>
          tpu.wait_dma2 semaphore(%run_scoped3A_90 : memref<!tpu.dma_semaphore, #tpu.memory_space<semaphore_mem>>) src(%dma_wait3A_98 : memref<640x64xf32, #tpu.memory_space<hbm>>) dst(%dma_wait3A_96 : memref<640x64xf32, #tpu.memory_space<vmem_shared>>)
          tpu.yield
        }) : () -> ()
      } else {
      }
      %eq3A_85 = arith.constant 15 : i32
      %eq3A_86 = arith.cmpi eq, %arg1, %eq3A_85 : i32
      %convert_element_type3A_87 = arith.extui %eq3A_86 : i1 to i32
      %cond3A_88 = arith.constant 0 : i32
      %cond3A_89 = arith.cmpi ne, %convert_element_type3A_87, %cond3A_88 : i32
      scf.if %cond3A_89 {
        "tpu.region"() ({
          %run_scoped3A_90 = tpu.sem_alloc : memref<!tpu.dma_semaphore, #tpu.memory_space<semaphore_mem>>
          %dma_start3A_91 = arith.constant 9600 : i32
          %dma_start3A_92 = arith.constant 0 : i32
          %dma_start3A_93 = tpu.memref_slice %arg11[%dma_start3A_91, %dma_start3A_92] : memref<10000x64xf32, #tpu.memory_space<vmem_shared>> -> memref<400x64xf32, #tpu.memory_space<vmem_shared>>
          %dma_start3A_94 = arith.constant 9600 : i32
          %dma_start3A_95 = arith.constant 0 : i32
          %dma_start3A_96 = tpu.memref_slice %arg2[%dma_start3A_94, %dma_start3A_95] : memref<10000x64xf32, #tpu.memory_space<hbm>> -> memref<400x64xf32, #tpu.memory_space<hbm>>
          tpu.enqueue_dma source(%dma_start3A_96 : memref<400x64xf32, #tpu.memory_space<hbm>>) target(%dma_start3A_93 : memref<400x64xf32, #tpu.memory_space<vmem_shared>>) target_semaphore(%run_scoped3A_90 : memref<!tpu.dma_semaphore, #tpu.memory_space<semaphore_mem>>)
          %dma_wait3A_97 = arith.constant 9600 : i32
          %dma_wait3A_98 = arith.constant 0 : i32
          %dma_wait3A_99 = tpu.memref_slice %arg11[%dma_wait3A_97, %dma_wait3A_98] : memref<10000x64xf32, #tpu.memory_space<vmem_shared>> -> memref<400x64xf32, #tpu.memory_space<vmem_shared>>
          %dma_wait3A_100 = arith.constant 9600 : i32
          %dma_wait3A_101 = arith.constant 0 : i32
          %dma_wait3A_102 = tpu.memref_slice %arg2[%dma_wait3A_100, %dma_wait3A_101] : memref<10000x64xf32, #tpu.memory_space<hbm>> -> memref<400x64xf32, #tpu.memory_space<hbm>>
          tpu.wait_dma2 semaphore(%run_scoped3A_90 : memref<!tpu.dma_semaphore, #tpu.memory_space<semaphore_mem>>) src(%dma_wait3A_102 : memref<400x64xf32, #tpu.memory_space<hbm>>) dst(%dma_wait3A_99 : memref<400x64xf32, #tpu.memory_space<vmem_shared>>)
          tpu.yield
        }) : () -> ()
      } else {
      }
    } else {
    }
    %eq3A_2 = arith.constant 1 : i32
    %eq3A_3 = arith.cmpi eq, %arg0, %eq3A_2 : i32
    %convert_element_type3A_4 = arith.extui %eq3A_3 : i1 to i32
    %cond3A_5 = arith.constant 0 : i32
    %cond3A_6 = arith.cmpi ne, %convert_element_type3A_4, %cond3A_5 : i32
    scf.if %cond3A_6 {
      %mul3A_79 = arith.constant 640 : i32
      %mul3A_80 = arith.muli %arg1, %mul3A_79 : i32
      %lt3A = arith.constant 15 : i32
      %lt3A_81 = arith.cmpi slt, %arg1, %lt3A : i32
      %convert_element_type3A_82 = arith.extui %lt3A_81 : i1 to i32
      %cond3A_83 = arith.constant 0 : i32
      %cond3A_84 = arith.cmpi ne, %convert_element_type3A_82, %cond3A_83 : i32
      scf.if %cond3A_84 {
        "tpu.region"() ({
          %run_scoped3A_90 = tpu.sem_alloc : memref<!tpu.dma_semaphore, #tpu.memory_space<semaphore_mem>>
          %dma_start3A_91 = arith.constant 0 : i32
          %dma_start3A_92 = tpu.memref_slice %arg11[%mul3A_80, %dma_start3A_91] : memref<10000x64xf32, #tpu.memory_space<vmem_shared>> -> memref<640x64xf32, #tpu.memory_space<vmem_shared>>
          %dma_start3A_93 = arith.constant 0 : i32
          %dma_start3A_94 = tpu.memref_slice %arg3[%mul3A_80, %dma_start3A_93] : memref<10000x64xf32, #tpu.memory_space<hbm>> -> memref<640x64xf32, #tpu.memory_space<hbm>>
          tpu.enqueue_dma source(%dma_start3A_94 : memref<640x64xf32, #tpu.memory_space<hbm>>) target(%dma_start3A_92 : memref<640x64xf32, #tpu.memory_space<vmem_shared>>) target_semaphore(%run_scoped3A_90 : memref<!tpu.dma_semaphore, #tpu.memory_space<semaphore_mem>>)
          %dma_wait3A_95 = arith.constant 0 : i32
          %dma_wait3A_96 = tpu.memref_slice %arg11[%mul3A_80, %dma_wait3A_95] : memref<10000x64xf32, #tpu.memory_space<vmem_shared>> -> memref<640x64xf32, #tpu.memory_space<vmem_shared>>
          %dma_wait3A_97 = arith.constant 0 : i32
          %dma_wait3A_98 = tpu.memref_slice %arg3[%mul3A_80, %dma_wait3A_97] : memref<10000x64xf32, #tpu.memory_space<hbm>> -> memref<640x64xf32, #tpu.memory_space<hbm>>
          tpu.wait_dma2 semaphore(%run_scoped3A_90 : memref<!tpu.dma_semaphore, #tpu.memory_space<semaphore_mem>>) src(%dma_wait3A_98 : memref<640x64xf32, #tpu.memory_space<hbm>>) dst(%dma_wait3A_96 : memref<640x64xf32, #tpu.memory_space<vmem_shared>>)
          tpu.yield
        }) : () -> ()
      } else {
      }
      %eq3A_85 = arith.constant 15 : i32
      %eq3A_86 = arith.cmpi eq, %arg1, %eq3A_85 : i32
      %convert_element_type3A_87 = arith.extui %eq3A_86 : i1 to i32
      %cond3A_88 = arith.constant 0 : i32
      %cond3A_89 = arith.cmpi ne, %convert_element_type3A_87, %cond3A_88 : i32
      scf.if %cond3A_89 {
        "tpu.region"() ({
          %run_scoped3A_90 = tpu.sem_alloc : memref<!tpu.dma_semaphore, #tpu.memory_space<semaphore_mem>>
          %dma_start3A_91 = arith.constant 9600 : i32
          %dma_start3A_92 = arith.constant 0 : i32
          %dma_start3A_93 = tpu.memref_slice %arg11[%dma_start3A_91, %dma_start3A_92] : memref<10000x64xf32, #tpu.memory_space<vmem_shared>> -> memref<400x64xf32, #tpu.memory_space<vmem_shared>>
          %dma_start3A_94 = arith.constant 9600 : i32
          %dma_start3A_95 = arith.constant 0 : i32
          %dma_start3A_96 = tpu.memref_slice %arg3[%dma_start3A_94, %dma_start3A_95] : memref<10000x64xf32, #tpu.memory_space<hbm>> -> memref<400x64xf32, #tpu.memory_space<hbm>>
          tpu.enqueue_dma source(%dma_start3A_96 : memref<400x64xf32, #tpu.memory_space<hbm>>) target(%dma_start3A_93 : memref<400x64xf32, #tpu.memory_space<vmem_shared>>) target_semaphore(%run_scoped3A_90 : memref<!tpu.dma_semaphore, #tpu.memory_space<semaphore_mem>>)
          %dma_wait3A_97 = arith.constant 9600 : i32
          %dma_wait3A_98 = arith.constant 0 : i32
          %dma_wait3A_99 = tpu.memref_slice %arg11[%dma_wait3A_97, %dma_wait3A_98] : memref<10000x64xf32, #tpu.memory_space<vmem_shared>> -> memref<400x64xf32, #tpu.memory_space<vmem_shared>>
          %dma_wait3A_100 = arith.constant 9600 : i32
          %dma_wait3A_101 = arith.constant 0 : i32
          %dma_wait3A_102 = tpu.memref_slice %arg3[%dma_wait3A_100, %dma_wait3A_101] : memref<10000x64xf32, #tpu.memory_space<hbm>> -> memref<400x64xf32, #tpu.memory_space<hbm>>
          tpu.wait_dma2 semaphore(%run_scoped3A_90 : memref<!tpu.dma_semaphore, #tpu.memory_space<semaphore_mem>>) src(%dma_wait3A_102 : memref<400x64xf32, #tpu.memory_space<hbm>>) dst(%dma_wait3A_99 : memref<400x64xf32, #tpu.memory_space<vmem_shared>>)
          tpu.yield
        }) : () -> ()
      } else {
      }
    } else {
    }
    %scan3A = arith.constant 0 : i32
    %scan3A_7 = arith.constant 0 : i32
    %scan3A_8 = arith.constant 256 : i32
    %scan3A_9 = arith.addi %scan3A_7, %scan3A_8 : i32
    %scan3A_10 = arith.constant 1 : i32
    scf.for %scan3A_79 = %scan3A_7 to %scan3A_9 step %scan3A_10  : i32 {
      %broadcast_in_dim3A = arith.constant 0.000000e+00 : f32
      %broadcast_in_dim3A_80 = vector.broadcast %broadcast_in_dim3A : f32 to vector<16xf32>
      %swap3A = arith.constant 0 : i32
      %swap3A_81 = arith.index_cast %swap3A : i32 to index
      %swap3A_82 = arith.index_cast %scan3A_79 : i32 to index
      %swap3A_83 = arith.constant 0 : index
      %swap3A_84 = tpu.vector_load %arg10[%swap3A_81, %swap3A_82, %swap3A_83] {strides = array<i32>} : memref<2x256x64xf32, #tpu.memory_space<vmem>>, vector<1x1x16xf32>,
      %swap3A_85 = vector.shape_cast %swap3A_84 : vector<1x1x16xf32> to vector<16xf32>
      %swap3A_86 = vector.shape_cast %broadcast_in_dim3A_80 : vector<16xf32> to vector<1x1x16xf32>
      tpu.vector_store %arg10[%swap3A_81, %swap3A_82, %swap3A_83], %swap3A_86 {strides = array<i32>} : memref<2x256x64xf32, #tpu.memory_space<vmem>>, vector<1x1x16xf32>,
      %broadcast_in_dim3A_87 = arith.constant 0.000000e+00 : f32
      %broadcast_in_dim3A_88 = vector.broadcast %broadcast_in_dim3A_87 : f32 to vector<16xf32>
      %swap3A_89 = arith.constant 0 : i32
      %swap3A_90 = arith.index_cast %swap3A_89 : i32 to index
      %swap3A_91 = arith.index_cast %scan3A_79 : i32 to index
      %swap3A_92 = arith.constant 16 : index
      %swap3A_93 = tpu.vector_load %arg10[%swap3A_90, %swap3A_91, %swap3A_92] {strides = array<i32>} : memref<2x256x64xf32, #tpu.memory_space<vmem>>, vector<1x1x16xf32>,
      %swap3A_94 = vector.shape_cast %swap3A_93 : vector<1x1x16xf32> to vector<16xf32>
      %swap3A_95 = vector.shape_cast %broadcast_in_dim3A_88 : vector<16xf32> to vector<1x1x16xf32>
      tpu.vector_store %arg10[%swap3A_90, %swap3A_91, %swap3A_92], %swap3A_95 {strides = array<i32>} : memref<2x256x64xf32, #tpu.memory_space<vmem>>, vector<1x1x16xf32>,
      %broadcast_in_dim3A_96 = arith.constant 0.000000e+00 : f32
      %broadcast_in_dim3A_97 = vector.broadcast %broadcast_in_dim3A_96 : f32 to vector<16xf32>
      %swap3A_98 = arith.constant 0 : i32
      %swap3A_99 = arith.index_cast %swap3A_98 : i32 to index
      %swap3A_100 = arith.index_cast %scan3A_79 : i32 to index
      %swap3A_101 = arith.constant 32 : index
      %swap3A_102 = tpu.vector_load %arg10[%swap3A_99, %swap3A_100, %swap3A_101] {strides = array<i32>} : memref<2x256x64xf32, #tpu.memory_space<vmem>>, vector<1x1x16xf32>,
      %swap3A_103 = vector.shape_cast %swap3A_102 : vector<1x1x16xf32> to vector<16xf32>
      %swap3A_104 = vector.shape_cast %broadcast_in_dim3A_97 : vector<16xf32> to vector<1x1x16xf32>
      tpu.vector_store %arg10[%swap3A_99, %swap3A_100, %swap3A_101], %swap3A_104 {strides = array<i32>} : memref<2x256x64xf32, #tpu.memory_space<vmem>>, vector<1x1x16xf32>,
      %broadcast_in_dim3A_105 = arith.constant 0.000000e+00 : f32
      %broadcast_in_dim3A_106 = vector.broadcast %broadcast_in_dim3A_105 : f32 to vector<16xf32>
      %swap3A_107 = arith.constant 0 : i32
      %swap3A_108 = arith.index_cast %swap3A_107 : i32 to index
      %swap3A_109 = arith.index_cast %scan3A_79 : i32 to index
      %swap3A_110 = arith.constant 48 : index
      %swap3A_111 = tpu.vector_load %arg10[%swap3A_108, %swap3A_109, %swap3A_110] {strides = array<i32>} : memref<2x256x64xf32, #tpu.memory_space<vmem>>, vector<1x1x16xf32>,
      %swap3A_112 = vector.shape_cast %swap3A_111 : vector<1x1x16xf32> to vector<16xf32>
      %swap3A_113 = vector.shape_cast %broadcast_in_dim3A_106 : vector<16xf32> to vector<1x1x16xf32>
      tpu.vector_store %arg10[%swap3A_108, %swap3A_109, %swap3A_110], %swap3A_113 {strides = array<i32>} : memref<2x256x64xf32, #tpu.memory_space<vmem>>, vector<1x1x16xf32>,
    }
    %scan3A_11 = arith.constant 256 : i32
    %mul3A = arith.constant 640 : i32
    %mul3A_12 = arith.muli %arg1, %mul3A : i32
    %add3A = arith.constant 0 : i32
    %add3A_13 = arith.addi %mul3A_12, %add3A : i32
    %run_scoped3A = arith.constant 0 : i32
    "tpu.region"() ({
      %run_scoped3A_79 = tpu.sem_alloc : memref<!tpu.dma_semaphore, #tpu.memory_space<semaphore_mem>>
      %dma_start3A_80 = arith.constant 0 : i32
      %dma_start3A_81 = arith.constant 0 : i32
      %dma_start3A_82 = tpu.memref_slice %arg10[%run_scoped3A, %dma_start3A_80, %dma_start3A_81] : memref<2x256x64xf32, #tpu.memory_space<vmem>> -> memref<1x128x64xf32, #tpu.memory_space<vmem>>
      %dma_start3A_83 = tpu.memref_squeeze %dma_start3A_82 : memref<1x128x64xf32, #tpu.memory_space<vmem>> -> memref<128x64xf32, #tpu.memory_space<vmem>>
      %dma_start3A_84 = arith.constant 0 : i32
      %dma_start3A_85 = tpu.memref_slice %arg12[%add3A_13, %dma_start3A_84] : memref<10240x64xf32, #tpu.memory_space<vmem_shared>> -> memref<128x64xf32, #tpu.memory_space<vmem_shared>>
      %dma_start3A_86 = arith.constant 0 : i32
      %dma_start3A_87 = tpu.memref_slice %arg12[%add3A_13, %dma_start3A_86] : memref<10240x64xf32, #tpu.memory_space<vmem_shared>> -> memref<128x64xf32, #tpu.memory_space<vmem_shared>>
      %dma_start3A_88 = arith.constant 0 : i32
      %dma_start3A_89 = arith.constant 0 : i32
      %dma_start3A_90 = tpu.memref_slice %arg10[%run_scoped3A, %dma_start3A_88, %dma_start3A_89] : memref<2x256x64xf32, #tpu.memory_space<vmem>> -> memref<1x128x64xf32, #tpu.memory_space<vmem>>
      %dma_start3A_91 = tpu.memref_squeeze %dma_start3A_90 : memref<1x128x64xf32, #tpu.memory_space<vmem>> -> memref<128x64xf32, #tpu.memory_space<vmem>>
      tpu.enqueue_dma source(%dma_start3A_91 : memref<128x64xf32, #tpu.memory_space<vmem>>) target(%dma_start3A_87 : memref<128x64xf32, #tpu.memory_space<vmem_shared>>) target_semaphore(%run_scoped3A_79 : memref<!tpu.dma_semaphore, #tpu.memory_space<semaphore_mem>>)
      %dma_wait3A_92 = arith.constant 0 : i32
      %dma_wait3A_93 = arith.constant 0 : i32
      %dma_wait3A_94 = tpu.memref_slice %arg10[%run_scoped3A, %dma_wait3A_92, %dma_wait3A_93] : memref<2x256x64xf32, #tpu.memory_space<vmem>> -> memref<1x128x64xf32, #tpu.memory_space<vmem>>
      %dma_wait3A_95 = tpu.memref_squeeze %dma_wait3A_94 : memref<1x128x64xf32, #tpu.memory_space<vmem>> -> memref<128x64xf32, #tpu.memory_space<vmem>>
      %dma_wait3A_96 = arith.constant 0 : i32
      %dma_wait3A_97 = tpu.memref_slice %arg12[%add3A_13, %dma_wait3A_96] : memref<10240x64xf32, #tpu.memory_space<vmem_shared>> -> memref<128x64xf32, #tpu.memory_space<vmem_shared>>
      %dma_wait3A_98 = arith.constant 0 : i32
      %dma_wait3A_99 = tpu.memref_slice %arg12[%add3A_13, %dma_wait3A_98] : memref<10240x64xf32, #tpu.memory_space<vmem_shared>> -> memref<128x64xf32, #tpu.memory_space<vmem_shared>>
      %dma_wait3A_100 = arith.constant 0 : i32
      %dma_wait3A_101 = arith.constant 0 : i32
      %dma_wait3A_102 = tpu.memref_slice %arg10[%run_scoped3A, %dma_wait3A_100, %dma_wait3A_101] : memref<2x256x64xf32, #tpu.memory_space<vmem>> -> memref<1x128x64xf32, #tpu.memory_space<vmem>>
      %dma_wait3A_103 = tpu.memref_squeeze %dma_wait3A_102 : memref<1x128x64xf32, #tpu.memory_space<vmem>> -> memref<128x64xf32, #tpu.memory_space<vmem>>
      tpu.wait_dma2 semaphore(%run_scoped3A_79 : memref<!tpu.dma_semaphore, #tpu.memory_space<semaphore_mem>>) src(%dma_wait3A_103 : memref<128x64xf32, #tpu.memory_space<vmem>>) dst(%dma_wait3A_99 : memref<128x64xf32, #tpu.memory_space<vmem_shared>>)
      tpu.yield
    }) : () -> ()
    %mul3A_14 = arith.constant 640 : i32
    %mul3A_15 = arith.muli %arg1, %mul3A_14 : i32
    %add3A_16 = arith.constant 128 : i32
    %add3A_17 = arith.addi %mul3A_15, %add3A_16 : i32
    %run_scoped3A_18 = arith.constant 0 : i32
    "tpu.region"() ({
      %run_scoped3A_79 = tpu.sem_alloc : memref<!tpu.dma_semaphore, #tpu.memory_space<semaphore_mem>>
      %dma_start3A_80 = arith.constant 0 : i32
      %dma_start3A_81 = arith.constant 0 : i32
      %dma_start3A_82 = tpu.memref_slice %arg10[%run_scoped3A_18, %dma_start3A_80, %dma_start3A_81] : memref<2x256x64xf32, #tpu.memory_space<vmem>> -> memref<1x128x64xf32, #tpu.memory_space<vmem>>
      %dma_start3A_83 = tpu.memref_squeeze %dma_start3A_82 : memref<1x128x64xf32, #tpu.memory_space<vmem>> -> memref<128x64xf32, #tpu.memory_space<vmem>>
      %dma_start3A_84 = arith.constant 0 : i32
      %dma_start3A_85 = tpu.memref_slice %arg12[%add3A_17, %dma_start3A_84] : memref<10240x64xf32, #tpu.memory_space<vmem_shared>> -> memref<128x64xf32, #tpu.memory_space<vmem_shared>>
      %dma_start3A_86 = arith.constant 0 : i32
      %dma_start3A_87 = tpu.memref_slice %arg12[%add3A_17, %dma_start3A_86] : memref<10240x64xf32, #tpu.memory_space<vmem_shared>> -> memref<128x64xf32, #tpu.memory_space<vmem_shared>>
      %dma_start3A_88 = arith.constant 0 : i32
      %dma_start3A_89 = arith.constant 0 : i32
      %dma_start3A_90 = tpu.memref_slice %arg10[%run_scoped3A_18, %dma_start3A_88, %dma_start3A_89] : memref<2x256x64xf32, #tpu.memory_space<vmem>> -> memref<1x128x64xf32, #tpu.memory_space<vmem>>
      %dma_start3A_91 = tpu.memref_squeeze %dma_start3A_90 : memref<1x128x64xf32, #tpu.memory_space<vmem>> -> memref<128x64xf32, #tpu.memory_space<vmem>>
      tpu.enqueue_dma source(%dma_start3A_91 : memref<128x64xf32, #tpu.memory_space<vmem>>) target(%dma_start3A_87 : memref<128x64xf32, #tpu.memory_space<vmem_shared>>) target_semaphore(%run_scoped3A_79 : memref<!tpu.dma_semaphore, #tpu.memory_space<semaphore_mem>>)
      %dma_wait3A_92 = arith.constant 0 : i32
      %dma_wait3A_93 = arith.constant 0 : i32
      %dma_wait3A_94 = tpu.memref_slice %arg10[%run_scoped3A_18, %dma_wait3A_92, %dma_wait3A_93] : memref<2x256x64xf32, #tpu.memory_space<vmem>> -> memref<1x128x64xf32, #tpu.memory_space<vmem>>
      %dma_wait3A_95 = tpu.memref_squeeze %dma_wait3A_94 : memref<1x128x64xf32, #tpu.memory_space<vmem>> -> memref<128x64xf32, #tpu.memory_space<vmem>>
      %dma_wait3A_96 = arith.constant 0 : i32
      %dma_wait3A_97 = tpu.memref_slice %arg12[%add3A_17, %dma_wait3A_96] : memref<10240x64xf32, #tpu.memory_space<vmem_shared>> -> memref<128x64xf32, #tpu.memory_space<vmem_shared>>
      %dma_wait3A_98 = arith.constant 0 : i32
      %dma_wait3A_99 = tpu.memref_slice %arg12[%add3A_17, %dma_wait3A_98] : memref<10240x64xf32, #tpu.memory_space<vmem_shared>> -> memref<128x64xf32, #tpu.memory_space<vmem_shared>>
      %dma_wait3A_100 = arith.constant 0 : i32
      %dma_wait3A_101 = arith.constant 0 : i32
      %dma_wait3A_102 = tpu.memref_slice %arg10[%run_scoped3A_18, %dma_wait3A_100, %dma_wait3A_101] : memref<2x256x64xf32, #tpu.memory_space<vmem>> -> memref<1x128x64xf32, #tpu.memory_space<vmem>>
      %dma_wait3A_103 = tpu.memref_squeeze %dma_wait3A_102 : memref<1x128x64xf32, #tpu.memory_space<vmem>> -> memref<128x64xf32, #tpu.memory_space<vmem>>
      tpu.wait_dma2 semaphore(%run_scoped3A_79 : memref<!tpu.dma_semaphore, #tpu.memory_space<semaphore_mem>>) src(%dma_wait3A_103 : memref<128x64xf32, #tpu.memory_space<vmem>>) dst(%dma_wait3A_99 : memref<128x64xf32, #tpu.memory_space<vmem_shared>>)
      tpu.yield
    }) : () -> ()
    %mul3A_19 = arith.constant 640 : i32
    %mul3A_20 = arith.muli %arg1, %mul3A_19 : i32
    %add3A_21 = arith.constant 256 : i32
    %add3A_22 = arith.addi %mul3A_20, %add3A_21 : i32
    %run_scoped3A_23 = arith.constant 0 : i32
    "tpu.region"() ({
      %run_scoped3A_79 = tpu.sem_alloc : memref<!tpu.dma_semaphore, #tpu.memory_space<semaphore_mem>>
      %dma_start3A_80 = arith.constant 0 : i32
      %dma_start3A_81 = arith.constant 0 : i32
      %dma_start3A_82 = tpu.memref_slice %arg10[%run_scoped3A_23, %dma_start3A_80, %dma_start3A_81] : memref<2x256x64xf32, #tpu.memory_space<vmem>> -> memref<1x128x64xf32, #tpu.memory_space<vmem>>
      %dma_start3A_83 = tpu.memref_squeeze %dma_start3A_82 : memref<1x128x64xf32, #tpu.memory_space<vmem>> -> memref<128x64xf32, #tpu.memory_space<vmem>>
      %dma_start3A_84 = arith.constant 0 : i32
      %dma_start3A_85 = tpu.memref_slice %arg12[%add3A_22, %dma_start3A_84] : memref<10240x64xf32, #tpu.memory_space<vmem_shared>> -> memref<128x64xf32, #tpu.memory_space<vmem_shared>>
      %dma_start3A_86 = arith.constant 0 : i32
      %dma_start3A_87 = tpu.memref_slice %arg12[%add3A_22, %dma_start3A_86] : memref<10240x64xf32, #tpu.memory_space<vmem_shared>> -> memref<128x64xf32, #tpu.memory_space<vmem_shared>>
      %dma_start3A_88 = arith.constant 0 : i32
      %dma_start3A_89 = arith.constant 0 : i32
      %dma_start3A_90 = tpu.memref_slice %arg10[%run_scoped3A_23, %dma_start3A_88, %dma_start3A_89] : memref<2x256x64xf32, #tpu.memory_space<vmem>> -> memref<1x128x64xf32, #tpu.memory_space<vmem>>
      %dma_start3A_91 = tpu.memref_squeeze %dma_start3A_90 : memref<1x128x64xf32, #tpu.memory_space<vmem>> -> memref<128x64xf32, #tpu.memory_space<vmem>>
      tpu.enqueue_dma source(%dma_start3A_91 : memref<128x64xf32, #tpu.memory_space<vmem>>) target(%dma_start3A_87 : memref<128x64xf32, #tpu.memory_space<vmem_shared>>) target_semaphore(%run_scoped3A_79 : memref<!tpu.dma_semaphore, #tpu.memory_space<semaphore_mem>>)
      %dma_wait3A_92 = arith.constant 0 : i32
      %dma_wait3A_93 = arith.constant 0 : i32
      %dma_wait3A_94 = tpu.memref_slice %arg10[%run_scoped3A_23, %dma_wait3A_92, %dma_wait3A_93] : memref<2x256x64xf32, #tpu.memory_space<vmem>> -> memref<1x128x64xf32, #tpu.memory_space<vmem>>
      %dma_wait3A_95 = tpu.memref_squeeze %dma_wait3A_94 : memref<1x128x64xf32, #tpu.memory_space<vmem>> -> memref<128x64xf32, #tpu.memory_space<vmem>>
      %dma_wait3A_96 = arith.constant 0 : i32
      %dma_wait3A_97 = tpu.memref_slice %arg12[%add3A_22, %dma_wait3A_96] : memref<10240x64xf32, #tpu.memory_space<vmem_shared>> -> memref<128x64xf32, #tpu.memory_space<vmem_shared>>
      %dma_wait3A_98 = arith.constant 0 : i32
      %dma_wait3A_99 = tpu.memref_slice %arg12[%add3A_22, %dma_wait3A_98] : memref<10240x64xf32, #tpu.memory_space<vmem_shared>> -> memref<128x64xf32, #tpu.memory_space<vmem_shared>>
      %dma_wait3A_100 = arith.constant 0 : i32
      %dma_wait3A_101 = arith.constant 0 : i32
      %dma_wait3A_102 = tpu.memref_slice %arg10[%run_scoped3A_23, %dma_wait3A_100, %dma_wait3A_101] : memref<2x256x64xf32, #tpu.memory_space<vmem>> -> memref<1x128x64xf32, #tpu.memory_space<vmem>>
      %dma_wait3A_103 = tpu.memref_squeeze %dma_wait3A_102 : memref<1x128x64xf32, #tpu.memory_space<vmem>> -> memref<128x64xf32, #tpu.memory_space<vmem>>
      tpu.wait_dma2 semaphore(%run_scoped3A_79 : memref<!tpu.dma_semaphore, #tpu.memory_space<semaphore_mem>>) src(%dma_wait3A_103 : memref<128x64xf32, #tpu.memory_space<vmem>>) dst(%dma_wait3A_99 : memref<128x64xf32, #tpu.memory_space<vmem_shared>>)
      tpu.yield
    }) : () -> ()
    %mul3A_24 = arith.constant 640 : i32
    %mul3A_25 = arith.muli %arg1, %mul3A_24 : i32
    %add3A_26 = arith.constant 384 : i32
    %add3A_27 = arith.addi %mul3A_25, %add3A_26 : i32
    %run_scoped3A_28 = arith.constant 0 : i32
    "tpu.region"() ({
      %run_scoped3A_79 = tpu.sem_alloc : memref<!tpu.dma_semaphore, #tpu.memory_space<semaphore_mem>>
      %dma_start3A_80 = arith.constant 0 : i32
      %dma_start3A_81 = arith.constant 0 : i32
      %dma_start3A_82 = tpu.memref_slice %arg10[%run_scoped3A_28, %dma_start3A_80, %dma_start3A_81] : memref<2x256x64xf32, #tpu.memory_space<vmem>> -> memref<1x128x64xf32, #tpu.memory_space<vmem>>
      %dma_start3A_83 = tpu.memref_squeeze %dma_start3A_82 : memref<1x128x64xf32, #tpu.memory_space<vmem>> -> memref<128x64xf32, #tpu.memory_space<vmem>>
      %dma_start3A_84 = arith.constant 0 : i32
      %dma_start3A_85 = tpu.memref_slice %arg12[%add3A_27, %dma_start3A_84] : memref<10240x64xf32, #tpu.memory_space<vmem_shared>> -> memref<128x64xf32, #tpu.memory_space<vmem_shared>>
      %dma_start3A_86 = arith.constant 0 : i32
      %dma_start3A_87 = tpu.memref_slice %arg12[%add3A_27, %dma_start3A_86] : memref<10240x64xf32, #tpu.memory_space<vmem_shared>> -> memref<128x64xf32, #tpu.memory_space<vmem_shared>>
      %dma_start3A_88 = arith.constant 0 : i32
      %dma_start3A_89 = arith.constant 0 : i32
      %dma_start3A_90 = tpu.memref_slice %arg10[%run_scoped3A_28, %dma_start3A_88, %dma_start3A_89] : memref<2x256x64xf32, #tpu.memory_space<vmem>> -> memref<1x128x64xf32, #tpu.memory_space<vmem>>
      %dma_start3A_91 = tpu.memref_squeeze %dma_start3A_90 : memref<1x128x64xf32, #tpu.memory_space<vmem>> -> memref<128x64xf32, #tpu.memory_space<vmem>>
      tpu.enqueue_dma source(%dma_start3A_91 : memref<128x64xf32, #tpu.memory_space<vmem>>) target(%dma_start3A_87 : memref<128x64xf32, #tpu.memory_space<vmem_shared>>) target_semaphore(%run_scoped3A_79 : memref<!tpu.dma_semaphore, #tpu.memory_space<semaphore_mem>>)
      %dma_wait3A_92 = arith.constant 0 : i32
      %dma_wait3A_93 = arith.constant 0 : i32
      %dma_wait3A_94 = tpu.memref_slice %arg10[%run_scoped3A_28, %dma_wait3A_92, %dma_wait3A_93] : memref<2x256x64xf32, #tpu.memory_space<vmem>> -> memref<1x128x64xf32, #tpu.memory_space<vmem>>
      %dma_wait3A_95 = tpu.memref_squeeze %dma_wait3A_94 : memref<1x128x64xf32, #tpu.memory_space<vmem>> -> memref<128x64xf32, #tpu.memory_space<vmem>>
      %dma_wait3A_96 = arith.constant 0 : i32
      %dma_wait3A_97 = tpu.memref_slice %arg12[%add3A_27, %dma_wait3A_96] : memref<10240x64xf32, #tpu.memory_space<vmem_shared>> -> memref<128x64xf32, #tpu.memory_space<vmem_shared>>
      %dma_wait3A_98 = arith.constant 0 : i32
      %dma_wait3A_99 = tpu.memref_slice %arg12[%add3A_27, %dma_wait3A_98] : memref<10240x64xf32, #tpu.memory_space<vmem_shared>> -> memref<128x64xf32, #tpu.memory_space<vmem_shared>>
      %dma_wait3A_100 = arith.constant 0 : i32
      %dma_wait3A_101 = arith.constant 0 : i32
      %dma_wait3A_102 = tpu.memref_slice %arg10[%run_scoped3A_28, %dma_wait3A_100, %dma_wait3A_101] : memref<2x256x64xf32, #tpu.memory_space<vmem>> -> memref<1x128x64xf32, #tpu.memory_space<vmem>>
      %dma_wait3A_103 = tpu.memref_squeeze %dma_wait3A_102 : memref<1x128x64xf32, #tpu.memory_space<vmem>> -> memref<128x64xf32, #tpu.memory_space<vmem>>
      tpu.wait_dma2 semaphore(%run_scoped3A_79 : memref<!tpu.dma_semaphore, #tpu.memory_space<semaphore_mem>>) src(%dma_wait3A_103 : memref<128x64xf32, #tpu.memory_space<vmem>>) dst(%dma_wait3A_99 : memref<128x64xf32, #tpu.memory_space<vmem_shared>>)
      tpu.yield
    }) : () -> ()
    %mul3A_29 = arith.constant 640 : i32
    %mul3A_30 = arith.muli %arg1, %mul3A_29 : i32
    %add3A_31 = arith.constant 512 : i32
    %add3A_32 = arith.addi %mul3A_30, %add3A_31 : i32
    %run_scoped3A_33 = arith.constant 0 : i32
    "tpu.region"() ({
      %run_scoped3A_79 = tpu.sem_alloc : memref<!tpu.dma_semaphore, #tpu.memory_space<semaphore_mem>>
      %dma_start3A_80 = arith.constant 0 : i32
      %dma_start3A_81 = arith.constant 0 : i32
      %dma_start3A_82 = tpu.memref_slice %arg10[%run_scoped3A_33, %dma_start3A_80, %dma_start3A_81] : memref<2x256x64xf32, #tpu.memory_space<vmem>> -> memref<1x128x64xf32, #tpu.memory_space<vmem>>
      %dma_start3A_83 = tpu.memref_squeeze %dma_start3A_82 : memref<1x128x64xf32, #tpu.memory_space<vmem>> -> memref<128x64xf32, #tpu.memory_space<vmem>>
      %dma_start3A_84 = arith.constant 0 : i32
      %dma_start3A_85 = tpu.memref_slice %arg12[%add3A_32, %dma_start3A_84] : memref<10240x64xf32, #tpu.memory_space<vmem_shared>> -> memref<128x64xf32, #tpu.memory_space<vmem_shared>>
      %dma_start3A_86 = arith.constant 0 : i32
      %dma_start3A_87 = tpu.memref_slice %arg12[%add3A_32, %dma_start3A_86] : memref<10240x64xf32, #tpu.memory_space<vmem_shared>> -> memref<128x64xf32, #tpu.memory_space<vmem_shared>>
      %dma_start3A_88 = arith.constant 0 : i32
      %dma_start3A_89 = arith.constant 0 : i32
      %dma_start3A_90 = tpu.memref_slice %arg10[%run_scoped3A_33, %dma_start3A_88, %dma_start3A_89] : memref<2x256x64xf32, #tpu.memory_space<vmem>> -> memref<1x128x64xf32, #tpu.memory_space<vmem>>
      %dma_start3A_91 = tpu.memref_squeeze %dma_start3A_90 : memref<1x128x64xf32, #tpu.memory_space<vmem>> -> memref<128x64xf32, #tpu.memory_space<vmem>>
      tpu.enqueue_dma source(%dma_start3A_91 : memref<128x64xf32, #tpu.memory_space<vmem>>) target(%dma_start3A_87 : memref<128x64xf32, #tpu.memory_space<vmem_shared>>) target_semaphore(%run_scoped3A_79 : memref<!tpu.dma_semaphore, #tpu.memory_space<semaphore_mem>>)
      %dma_wait3A_92 = arith.constant 0 : i32
      %dma_wait3A_93 = arith.constant 0 : i32
      %dma_wait3A_94 = tpu.memref_slice %arg10[%run_scoped3A_33, %dma_wait3A_92, %dma_wait3A_93] : memref<2x256x64xf32, #tpu.memory_space<vmem>> -> memref<1x128x64xf32, #tpu.memory_space<vmem>>
      %dma_wait3A_95 = tpu.memref_squeeze %dma_wait3A_94 : memref<1x128x64xf32, #tpu.memory_space<vmem>> -> memref<128x64xf32, #tpu.memory_space<vmem>>
      %dma_wait3A_96 = arith.constant 0 : i32
      %dma_wait3A_97 = tpu.memref_slice %arg12[%add3A_32, %dma_wait3A_96] : memref<10240x64xf32, #tpu.memory_space<vmem_shared>> -> memref<128x64xf32, #tpu.memory_space<vmem_shared>>
      %dma_wait3A_98 = arith.constant 0 : i32
      %dma_wait3A_99 = tpu.memref_slice %arg12[%add3A_32, %dma_wait3A_98] : memref<10240x64xf32, #tpu.memory_space<vmem_shared>> -> memref<128x64xf32, #tpu.memory_space<vmem_shared>>
      %dma_wait3A_100 = arith.constant 0 : i32
      %dma_wait3A_101 = arith.constant 0 : i32
      %dma_wait3A_102 = tpu.memref_slice %arg10[%run_scoped3A_33, %dma_wait3A_100, %dma_wait3A_101] : memref<2x256x64xf32, #tpu.memory_space<vmem>> -> memref<1x128x64xf32, #tpu.memory_space<vmem>>
      %dma_wait3A_103 = tpu.memref_squeeze %dma_wait3A_102 : memref<1x128x64xf32, #tpu.memory_space<vmem>> -> memref<128x64xf32, #tpu.memory_space<vmem>>
      tpu.wait_dma2 semaphore(%run_scoped3A_79 : memref<!tpu.dma_semaphore, #tpu.memory_space<semaphore_mem>>) src(%dma_wait3A_103 : memref<128x64xf32, #tpu.memory_space<vmem>>) dst(%dma_wait3A_99 : memref<128x64xf32, #tpu.memory_space<vmem_shared>>)
      tpu.yield
    }) : () -> ()
    %barrier3A = arith.constant 0 : index
    tpu.barrier barrier_id(%barrier3A)
    %run_scoped3A_34 = arith.constant 0 : i32
    "tpu.region"() ({
      %run_scoped3A_79 = tpu.sem_alloc : memref<!tpu.dma_semaphore, #tpu.memory_space<semaphore_mem>>
      %dma_start3A_80 = arith.constant 0 : i32
      %dma_start3A_81 = arith.constant 0 : i32
      %dma_start3A_82 = tpu.memref_slice %arg8[%run_scoped3A_34, %dma_start3A_80, %dma_start3A_81] : memref<2x8x256xi32, #tpu.memory_space<vmem>> -> memref<1x8x256xi32, #tpu.memory_space<vmem>>
      %dma_start3A_83 = tpu.memref_squeeze %dma_start3A_82 : memref<1x8x256xi32, #tpu.memory_space<vmem>> -> memref<8x256xi32, #tpu.memory_space<vmem>>
      %dma_start3A_84 = arith.constant 0 : i32
      %dma_start3A_85 = arith.constant 0 : i32
      %dma_start3A_86 = tpu.memref_slice %arg4[%arg1, %dma_start3A_84, %dma_start3A_85] : memref<16x80x256xi32, #tpu.memory_space<hbm>> -> memref<1x8x256xi32, #tpu.memory_space<hbm>>
      %dma_start3A_87 = tpu.memref_squeeze %dma_start3A_86 : memref<1x8x256xi32, #tpu.memory_space<hbm>> -> memref<8x256xi32, #tpu.memory_space<hbm>>
      %dma_start3A_88 = arith.constant 0 : i32
      %dma_start3A_89 = arith.constant 0 : i32
      %dma_start3A_90 = tpu.memref_slice %arg8[%run_scoped3A_34, %dma_start3A_88, %dma_start3A_89] : memref<2x8x256xi32, #tpu.memory_space<vmem>> -> memref<1x8x256xi32, #tpu.memory_space<vmem>>
      %dma_start3A_91 = tpu.memref_squeeze %dma_start3A_90 : memref<1x8x256xi32, #tpu.memory_space<vmem>> -> memref<8x256xi32, #tpu.memory_space<vmem>>
      %dma_start3A_92 = arith.constant 0 : i32
      %dma_start3A_93 = arith.constant 0 : i32
      %dma_start3A_94 = tpu.memref_slice %arg4[%arg1, %dma_start3A_92, %dma_start3A_93] : memref<16x80x256xi32, #tpu.memory_space<hbm>> -> memref<1x8x256xi32, #tpu.memory_space<hbm>>
      %dma_start3A_95 = tpu.memref_squeeze %dma_start3A_94 : memref<1x8x256xi32, #tpu.memory_space<hbm>> -> memref<8x256xi32, #tpu.memory_space<hbm>>
      tpu.enqueue_dma source(%dma_start3A_95 : memref<8x256xi32, #tpu.memory_space<hbm>>) target(%dma_start3A_91 : memref<8x256xi32, #tpu.memory_space<vmem>>) target_semaphore(%run_scoped3A_79 : memref<!tpu.dma_semaphore, #tpu.memory_space<semaphore_mem>>)
      %dma_wait3A_96 = arith.constant 0 : i32
      %dma_wait3A_97 = arith.constant 0 : i32
      %dma_wait3A_98 = tpu.memref_slice %arg8[%run_scoped3A_34, %dma_wait3A_96, %dma_wait3A_97] : memref<2x8x256xi32, #tpu.memory_space<vmem>> -> memref<1x8x256xi32, #tpu.memory_space<vmem>>
      %dma_wait3A_99 = tpu.memref_squeeze %dma_wait3A_98 : memref<1x8x256xi32, #tpu.memory_space<vmem>> -> memref<8x256xi32, #tpu.memory_space<vmem>>
      %dma_wait3A_100 = arith.constant 0 : i32
      %dma_wait3A_101 = arith.constant 0 : i32
      %dma_wait3A_102 = tpu.memref_slice %arg4[%arg1, %dma_wait3A_100, %dma_wait3A_101] : memref<16x80x256xi32, #tpu.memory_space<hbm>> -> memref<1x8x256xi32, #tpu.memory_space<hbm>>
      %dma_wait3A_103 = tpu.memref_squeeze %dma_wait3A_102 : memref<1x8x256xi32, #tpu.memory_space<hbm>> -> memref<8x256xi32, #tpu.memory_space<hbm>>
      %dma_wait3A_104 = arith.constant 0 : i32
      %dma_wait3A_105 = arith.constant 0 : i32
      %dma_wait3A_106 = tpu.memref_slice %arg8[%run_scoped3A_34, %dma_wait3A_104, %dma_wait3A_105] : memref<2x8x256xi32, #tpu.memory_space<vmem>> -> memref<1x8x256xi32, #tpu.memory_space<vmem>>
      %dma_wait3A_107 = tpu.memref_squeeze %dma_wait3A_106 : memref<1x8x256xi32, #tpu.memory_space<vmem>> -> memref<8x256xi32, #tpu.memory_space<vmem>>
      %dma_wait3A_108 = arith.constant 0 : i32
      %dma_wait3A_109 = arith.constant 0 : i32
      %dma_wait3A_110 = tpu.memref_slice %arg4[%arg1, %dma_wait3A_108, %dma_wait3A_109] : memref<16x80x256xi32, #tpu.memory_space<hbm>> -> memref<1x8x256xi32, #tpu.memory_space<hbm>>
      %dma_wait3A_111 = tpu.memref_squeeze %dma_wait3A_110 : memref<1x8x256xi32, #tpu.memory_space<hbm>> -> memref<8x256xi32, #tpu.memory_space<hbm>>
      tpu.wait_dma2 semaphore(%run_scoped3A_79 : memref<!tpu.dma_semaphore, #tpu.memory_space<semaphore_mem>>) src(%dma_wait3A_111 : memref<8x256xi32, #tpu.memory_space<hbm>>) dst(%dma_wait3A_107 : memref<8x256xi32, #tpu.memory_space<vmem>>)
      tpu.yield
    }) : () -> ()
    %run_scoped3A_35 = arith.constant 0 : i32
    "tpu.region"() ({
      %run_scoped3A_79 = tpu.sem_alloc : memref<!tpu.dma_semaphore, #tpu.memory_space<semaphore_mem>>
      %dma_start3A_80 = arith.constant 0 : i32
      %dma_start3A_81 = arith.constant 0 : i32
      %dma_start3A_82 = tpu.memref_slice %arg9[%run_scoped3A_35, %dma_start3A_80, %dma_start3A_81] : memref<2x8x256xi32, #tpu.memory_space<vmem>> -> memref<1x8x256xi32, #tpu.memory_space<vmem>>
      %dma_start3A_83 = tpu.memref_squeeze %dma_start3A_82 : memref<1x8x256xi32, #tpu.memory_space<vmem>> -> memref<8x256xi32, #tpu.memory_space<vmem>>
      %dma_start3A_84 = arith.constant 0 : i32
      %dma_start3A_85 = arith.constant 0 : i32
      %dma_start3A_86 = tpu.memref_slice %arg5[%arg1, %dma_start3A_84, %dma_start3A_85] : memref<16x80x256xi32, #tpu.memory_space<hbm>> -> memref<1x8x256xi32, #tpu.memory_space<hbm>>
      %dma_start3A_87 = tpu.memref_squeeze %dma_start3A_86 : memref<1x8x256xi32, #tpu.memory_space<hbm>> -> memref<8x256xi32, #tpu.memory_space<hbm>>
      %dma_start3A_88 = arith.constant 0 : i32
      %dma_start3A_89 = arith.constant 0 : i32
      %dma_start3A_90 = tpu.memref_slice %arg9[%run_scoped3A_35, %dma_start3A_88, %dma_start3A_89] : memref<2x8x256xi32, #tpu.memory_space<vmem>> -> memref<1x8x256xi32, #tpu.memory_space<vmem>>
      %dma_start3A_91 = tpu.memref_squeeze %dma_start3A_90 : memref<1x8x256xi32, #tpu.memory_space<vmem>> -> memref<8x256xi32, #tpu.memory_space<vmem>>
      %dma_start3A_92 = arith.constant 0 : i32
      %dma_start3A_93 = arith.constant 0 : i32
      %dma_start3A_94 = tpu.memref_slice %arg5[%arg1, %dma_start3A_92, %dma_start3A_93] : memref<16x80x256xi32, #tpu.memory_space<hbm>> -> memref<1x8x256xi32, #tpu.memory_space<hbm>>
      %dma_start3A_95 = tpu.memref_squeeze %dma_start3A_94 : memref<1x8x256xi32, #tpu.memory_space<hbm>> -> memref<8x256xi32, #tpu.memory_space<hbm>>
      tpu.enqueue_dma source(%dma_start3A_95 : memref<8x256xi32, #tpu.memory_space<hbm>>) target(%dma_start3A_91 : memref<8x256xi32, #tpu.memory_space<vmem>>) target_semaphore(%run_scoped3A_79 : memref<!tpu.dma_semaphore, #tpu.memory_space<semaphore_mem>>)
      %dma_wait3A_96 = arith.constant 0 : i32
      %dma_wait3A_97 = arith.constant 0 : i32
      %dma_wait3A_98 = tpu.memref_slice %arg9[%run_scoped3A_35, %dma_wait3A_96, %dma_wait3A_97] : memref<2x8x256xi32, #tpu.memory_space<vmem>> -> memref<1x8x256xi32, #tpu.memory_space<vmem>>
      %dma_wait3A_99 = tpu.memref_squeeze %dma_wait3A_98 : memref<1x8x256xi32, #tpu.memory_space<vmem>> -> memref<8x256xi32, #tpu.memory_space<vmem>>
      %dma_wait3A_100 = arith.constant 0 : i32
      %dma_wait3A_101 = arith.constant 0 : i32
      %dma_wait3A_102 = tpu.memref_slice %arg5[%arg1, %dma_wait3A_100, %dma_wait3A_101] : memref<16x80x256xi32, #tpu.memory_space<hbm>> -> memref<1x8x256xi32, #tpu.memory_space<hbm>>
      %dma_wait3A_103 = tpu.memref_squeeze %dma_wait3A_102 : memref<1x8x256xi32, #tpu.memory_space<hbm>> -> memref<8x256xi32, #tpu.memory_space<hbm>>
      %dma_wait3A_104 = arith.constant 0 : i32
      %dma_wait3A_105 = arith.constant 0 : i32
      %dma_wait3A_106 = tpu.memref_slice %arg9[%run_scoped3A_35, %dma_wait3A_104, %dma_wait3A_105] : memref<2x8x256xi32, #tpu.memory_space<vmem>> -> memref<1x8x256xi32, #tpu.memory_space<vmem>>
      %dma_wait3A_107 = tpu.memref_squeeze %dma_wait3A_106 : memref<1x8x256xi32, #tpu.memory_space<vmem>> -> memref<8x256xi32, #tpu.memory_space<vmem>>
      %dma_wait3A_108 = arith.constant 0 : i32
      %dma_wait3A_109 = arith.constant 0 : i32
      %dma_wait3A_110 = tpu.memref_slice %arg5[%arg1, %dma_wait3A_108, %dma_wait3A_109] : memref<16x80x256xi32, #tpu.memory_space<hbm>> -> memref<1x8x256xi32, #tpu.memory_space<hbm>>
      %dma_wait3A_111 = tpu.memref_squeeze %dma_wait3A_110 : memref<1x8x256xi32, #tpu.memory_space<hbm>> -> memref<8x256xi32, #tpu.memory_space<hbm>>
      tpu.wait_dma2 semaphore(%run_scoped3A_79 : memref<!tpu.dma_semaphore, #tpu.memory_space<semaphore_mem>>) src(%dma_wait3A_111 : memref<8x256xi32, #tpu.memory_space<hbm>>) dst(%dma_wait3A_107 : memref<8x256xi32, #tpu.memory_space<vmem>>)
      tpu.yield
    }) : () -> ()
    %dma_start3A = arith.constant 0 : i32
    %dma_start3A_36 = arith.constant 0 : i32
    %dma_start3A_37 = arith.constant 0 : i32
    %dma_start3A_38 = arith.constant 0 : i32
    %dma_start3A_39 = arith.constant 0 : i32
    %dma_start3A_40 = tpu.memref_slice %arg10[%dma_start3A_37, %dma_start3A_38, %dma_start3A_39] : memref<2x256x64xf32, #tpu.memory_space<vmem>> -> memref<1x256x64xf32, #tpu.memory_space<vmem>>
    %dma_start3A_41 = tpu.memref_squeeze %dma_start3A_40 : memref<1x256x64xf32, #tpu.memory_space<vmem>> -> memref<256x64xf32, #tpu.memory_space<vmem>>
    %dma_start3A_42 = arith.constant 0 : i32
    %dma_start3A_43 = tpu.memref_slice %arg8[%dma_start3A, %dma_start3A_36, %dma_start3A_42] : memref<2x8x256xi32, #tpu.memory_space<vmem>> -> memref<1x1x256xi32, #tpu.memory_space<vmem>>
    %dma_start3A_44 = tpu.memref_squeeze %dma_start3A_43 : memref<1x1x256xi32, #tpu.memory_space<vmem>> -> memref<256xi32, #tpu.memory_space<vmem>>
    %dma_start3A_45 = arith.constant 0 : i32
    %dma_start3A_46 = arith.constant 0 : i32
    %dma_start3A_47 = tpu.memref_slice %arg11[%dma_start3A_45, %dma_start3A_46] : memref<10000x64xf32, #tpu.memory_space<vmem_shared>> -> memref<10000x64xf32, #tpu.memory_space<vmem_shared>>
    tpu.enqueue_indirect_dma source(%dma_start3A_47 : memref<10000x64xf32, #tpu.memory_space<vmem_shared>>) target(%dma_start3A_41 : memref<256x64xf32, #tpu.memory_space<vmem>>) offsets(%dma_start3A_44 : memref<256xi32, #tpu.memory_space<vmem>>) semaphore(%arg13 : memref<!tpu.dma_semaphore, #tpu.memory_space<semaphore_mem>>)
    %scan3A_48 = arith.constant 0 : i32
    %scan3A_49 = arith.constant 0 : i32
    %scan3A_50 = arith.constant 10 : i32
    %scan3A_51 = arith.addi %scan3A_49, %scan3A_50 : i32
    %scan3A_52 = arith.constant 1 : i32
    scf.for %scan3A_79 = %scan3A_49 to %scan3A_51 step %scan3A_52  : i32 {
      %add3A_80 = arith.constant 1 : i32
      %add3A_81 = arith.addi %scan3A_79, %add3A_80 : i32
      %rem3A = arith.constant 2 : i32
      %rem3A_82 = arith.remsi %scan3A_79, %rem3A : i32
      %rem3A_83 = arith.constant 2 : i32
      %rem3A_84 = arith.remsi %add3A_81, %rem3A_83 : i32
      %gt3A = arith.constant 0 : i32
      %gt3A_85 = arith.cmpi sgt, %scan3A_79, %gt3A : i32
      %convert_element_type3A_86 = arith.extui %gt3A_85 : i1 to i32
      %cond3A_87 = arith.constant 0 : i32
      %cond3A_88 = arith.cmpi ne, %convert_element_type3A_86, %cond3A_87 : i32
      scf.if %cond3A_88 {
        %dma_wait3A_503 = arith.constant 1 : i32
        %dma_wait3A_504 = arith.constant 0 : i32
        %dma_wait3A_505 = arith.constant 0 : i32
        %dma_wait3A_506 = tpu.memref_slice %arg10[%dma_wait3A_503, %dma_wait3A_504, %dma_wait3A_505] : memref<2x256x64xf32, #tpu.memory_space<vmem>> -> memref<1x256x64xf32, #tpu.memory_space<vmem>>
        %dma_wait3A_507 = tpu.memref_squeeze %dma_wait3A_506 : memref<1x256x64xf32, #tpu.memory_space<vmem>> -> memref<256x64xf32, #tpu.memory_space<vmem>>
        %dma_wait3A_508 = arith.constant 0 : i32
        %dma_wait3A_509 = arith.constant 0 : i32
        %dma_wait3A_510 = tpu.memref_slice %arg12[%dma_wait3A_508, %dma_wait3A_509] : memref<10240x64xf32, #tpu.memory_space<vmem_shared>> -> memref<256x64xf32, #tpu.memory_space<vmem_shared>>
        %dma_wait3A_511 = arith.constant 0 : i32
        %dma_wait3A_512 = arith.constant 0 : i32
        %dma_wait3A_513 = tpu.memref_slice %arg12[%dma_wait3A_511, %dma_wait3A_512] : memref<10240x64xf32, #tpu.memory_space<vmem_shared>> -> memref<256x64xf32, #tpu.memory_space<vmem_shared>>
        %dma_wait3A_514 = arith.constant 0 : i32
        %dma_wait3A_515 = arith.constant 0 : i32
        %dma_wait3A_516 = tpu.memref_slice %arg10[%dma_wait3A_503, %dma_wait3A_514, %dma_wait3A_515] : memref<2x256x64xf32, #tpu.memory_space<vmem>> -> memref<1x256x64xf32, #tpu.memory_space<vmem>>
        %dma_wait3A_517 = tpu.memref_squeeze %dma_wait3A_516 : memref<1x256x64xf32, #tpu.memory_space<vmem>> -> memref<256x64xf32, #tpu.memory_space<vmem>>
        tpu.wait_dma2 semaphore(%arg16 : memref<!tpu.dma_semaphore, #tpu.memory_space<semaphore_mem>>) src(%dma_wait3A_517 : memref<256x64xf32, #tpu.memory_space<vmem>>) dst(%dma_wait3A_513 : memref<256x64xf32, #tpu.memory_space<vmem_shared>>)
      } else {
      }
      %lt3A = arith.constant 10 : i32
      %lt3A_89 = arith.cmpi slt, %add3A_81, %lt3A : i32
      %convert_element_type3A_90 = arith.extui %lt3A_89 : i1 to i32
      %cond3A_91 = arith.constant 0 : i32
      %cond3A_92 = arith.cmpi ne, %convert_element_type3A_90, %cond3A_91 : i32
      scf.if %cond3A_92 {
        %mul3A_503 = arith.constant 8 : i32
        %mul3A_504 = arith.muli %add3A_81, %mul3A_503 : i32
        %dma_start3A_505 = arith.constant 0 : i32
        %dma_start3A_506 = arith.constant 0 : i32
        %dma_start3A_507 = tpu.memref_slice %arg8[%rem3A_84, %dma_start3A_505, %dma_start3A_506] : memref<2x8x256xi32, #tpu.memory_space<vmem>> -> memref<1x8x256xi32, #tpu.memory_space<vmem>>
        %dma_start3A_508 = tpu.memref_squeeze %dma_start3A_507 : memref<1x8x256xi32, #tpu.memory_space<vmem>> -> memref<8x256xi32, #tpu.memory_space<vmem>>
        %dma_start3A_509 = arith.constant 0 : i32
        %dma_start3A_510 = tpu.memref_slice %arg4[%arg1, %mul3A_504, %dma_start3A_509] : memref<16x80x256xi32, #tpu.memory_space<hbm>> -> memref<1x8x256xi32, #tpu.memory_space<hbm>>
        %dma_start3A_511 = tpu.memref_squeeze %dma_start3A_510 : memref<1x8x256xi32, #tpu.memory_space<hbm>> -> memref<8x256xi32, #tpu.memory_space<hbm>>
        %dma_start3A_512 = arith.constant 0 : i32
        %dma_start3A_513 = arith.constant 0 : i32
        %dma_start3A_514 = tpu.memref_slice %arg8[%rem3A_84, %dma_start3A_512, %dma_start3A_513] : memref<2x8x256xi32, #tpu.memory_space<vmem>> -> memref<1x8x256xi32, #tpu.memory_space<vmem>>
        %dma_start3A_515 = tpu.memref_squeeze %dma_start3A_514 : memref<1x8x256xi32, #tpu.memory_space<vmem>> -> memref<8x256xi32, #tpu.memory_space<vmem>>
        %dma_start3A_516 = arith.constant 0 : i32
        %dma_start3A_517 = tpu.memref_slice %arg4[%arg1, %mul3A_504, %dma_start3A_516] : memref<16x80x256xi32, #tpu.memory_space<hbm>> -> memref<1x8x256xi32, #tpu.memory_space<hbm>>
        %dma_start3A_518 = tpu.memref_squeeze %dma_start3A_517 : memref<1x8x256xi32, #tpu.memory_space<hbm>> -> memref<8x256xi32, #tpu.memory_space<hbm>>
        tpu.enqueue_dma source(%dma_start3A_518 : memref<8x256xi32, #tpu.memory_space<hbm>>) target(%dma_start3A_515 : memref<8x256xi32, #tpu.memory_space<vmem>>) target_semaphore(%arg17 : memref<!tpu.dma_semaphore, #tpu.memory_space<semaphore_mem>>)
        %mul3A_519 = arith.constant 8 : i32
        %mul3A_520 = arith.muli %add3A_81, %mul3A_519 : i32
        %dma_start3A_521 = arith.constant 0 : i32
        %dma_start3A_522 = arith.constant 0 : i32
        %dma_start3A_523 = tpu.memref_slice %arg9[%rem3A_84, %dma_start3A_521, %dma_start3A_522] : memref<2x8x256xi32, #tpu.memory_space<vmem>> -> memref<1x8x256xi32, #tpu.memory_space<vmem>>
        %dma_start3A_524 = tpu.memref_squeeze %dma_start3A_523 : memref<1x8x256xi32, #tpu.memory_space<vmem>> -> memref<8x256xi32, #tpu.memory_space<vmem>>
        %dma_start3A_525 = arith.constant 0 : i32
        %dma_start3A_526 = tpu.memref_slice %arg5[%arg1, %mul3A_520, %dma_start3A_525] : memref<16x80x256xi32, #tpu.memory_space<hbm>> -> memref<1x8x256xi32, #tpu.memory_space<hbm>>
        %dma_start3A_527 = tpu.memref_squeeze %dma_start3A_526 : memref<1x8x256xi32, #tpu.memory_space<hbm>> -> memref<8x256xi32, #tpu.memory_space<hbm>>
        %dma_start3A_528 = arith.constant 0 : i32
        %dma_start3A_529 = arith.constant 0 : i32
        %dma_start3A_530 = tpu.memref_slice %arg9[%rem3A_84, %dma_start3A_528, %dma_start3A_529] : memref<2x8x256xi32, #tpu.memory_space<vmem>> -> memref<1x8x256xi32, #tpu.memory_space<vmem>>
        %dma_start3A_531 = tpu.memref_squeeze %dma_start3A_530 : memref<1x8x256xi32, #tpu.memory_space<vmem>> -> memref<8x256xi32, #tpu.memory_space<vmem>>
        %dma_start3A_532 = arith.constant 0 : i32
        %dma_start3A_533 = tpu.memref_slice %arg5[%arg1, %mul3A_520, %dma_start3A_532] : memref<16x80x256xi32, #tpu.memory_space<hbm>> -> memref<1x8x256xi32, #tpu.memory_space<hbm>>
        %dma_start3A_534 = tpu.memref_squeeze %dma_start3A_533 : memref<1x8x256xi32, #tpu.memory_space<hbm>> -> memref<8x256xi32, #tpu.memory_space<hbm>>
        tpu.enqueue_dma source(%dma_start3A_534 : memref<8x256xi32, #tpu.memory_space<hbm>>) target(%dma_start3A_531 : memref<8x256xi32, #tpu.memory_space<vmem>>) target_semaphore(%arg17 : memref<!tpu.dma_semaphore, #tpu.memory_space<semaphore_mem>>)
      } else {
      }
      %dma_wait3A_93 = arith.constant 0 : i32
      %dma_wait3A_94 = arith.constant 0 : i32
      %dma_wait3A_95 = arith.constant 0 : i32
      %dma_wait3A_96 = tpu.memref_slice %arg10[%dma_wait3A_93, %dma_wait3A_94, %dma_wait3A_95] : memref<2x256x64xf32, #tpu.memory_space<vmem>> -> memref<1x256x64xf32, #tpu.memory_space<vmem>>
      %dma_wait3A_97 = tpu.memref_squeeze %dma_wait3A_96 : memref<1x256x64xf32, #tpu.memory_space<vmem>> -> memref<256x64xf32, #tpu.memory_space<vmem>>
      %dma_wait3A_98 = arith.constant 0 : i32
      %dma_wait3A_99 = arith.constant 0 : i32
      %dma_wait3A_100 = tpu.memref_slice %arg2[%dma_wait3A_98, %dma_wait3A_99] : memref<10000x64xf32, #tpu.memory_space<hbm>> -> memref<256x64xf32, #tpu.memory_space<hbm>>
      %dma_wait3A_101 = arith.constant 0 : i32
      %dma_wait3A_102 = arith.constant 0 : i32
      %dma_wait3A_103 = tpu.memref_slice %arg10[%dma_wait3A_93, %dma_wait3A_101, %dma_wait3A_102] : memref<2x256x64xf32, #tpu.memory_space<vmem>> -> memref<1x256x64xf32, #tpu.memory_space<vmem>>
      %dma_wait3A_104 = tpu.memref_squeeze %dma_wait3A_103 : memref<1x256x64xf32, #tpu.memory_space<vmem>> -> memref<256x64xf32, #tpu.memory_space<vmem>>
      %dma_wait3A_105 = arith.constant 0 : i32
      %dma_wait3A_106 = arith.constant 0 : i32
      %dma_wait3A_107 = tpu.memref_slice %arg2[%dma_wait3A_105, %dma_wait3A_106] : memref<10000x64xf32, #tpu.memory_space<hbm>> -> memref<256x64xf32, #tpu.memory_space<hbm>>
      tpu.wait_dma2 semaphore(%arg13 : memref<!tpu.dma_semaphore, #tpu.memory_space<semaphore_mem>>) src(%dma_wait3A_107 : memref<256x64xf32, #tpu.memory_space<hbm>>) dst(%dma_wait3A_104 : memref<256x64xf32, #tpu.memory_space<vmem>>)
      %dma_start3A_108 = arith.constant 1 : i32
      %dma_start3A_109 = arith.constant 1 : i32
      %dma_start3A_110 = arith.constant 0 : i32
      %dma_start3A_111 = arith.constant 0 : i32
      %dma_start3A_112 = tpu.memref_slice %arg10[%dma_start3A_109, %dma_start3A_110, %dma_start3A_111] : memref<2x256x64xf32, #tpu.memory_space<vmem>> -> memref<1x256x64xf32, #tpu.memory_space<vmem>>
      %dma_start3A_113 = tpu.memref_squeeze %dma_start3A_112 : memref<1x256x64xf32, #tpu.memory_space<vmem>> -> memref<256x64xf32, #tpu.memory_space<vmem>>
      %dma_start3A_114 = arith.constant 0 : i32
      %dma_start3A_115 = tpu.memref_slice %arg8[%rem3A_82, %dma_start3A_108, %dma_start3A_114] : memref<2x8x256xi32, #tpu.memory_space<vmem>> -> memref<1x1x256xi32, #tpu.memory_space<vmem>>
      %dma_start3A_116 = tpu.memref_squeeze %dma_start3A_115 : memref<1x1x256xi32, #tpu.memory_space<vmem>> -> memref<256xi32, #tpu.memory_space<vmem>>
      %dma_start3A_117 = arith.constant 0 : i32
      %dma_start3A_118 = arith.constant 0 : i32
      %dma_start3A_119 = tpu.memref_slice %arg11[%dma_start3A_117, %dma_start3A_118] : memref<10000x64xf32, #tpu.memory_space<vmem_shared>> -> memref<10000x64xf32, #tpu.memory_space<vmem_shared>>
      tpu.enqueue_indirect_dma source(%dma_start3A_119 : memref<10000x64xf32, #tpu.memory_space<vmem_shared>>) target(%dma_start3A_113 : memref<256x64xf32, #tpu.memory_space<vmem>>) offsets(%dma_start3A_116 : memref<256xi32, #tpu.memory_space<vmem>>) semaphore(%arg14 : memref<!tpu.dma_semaphore, #tpu.memory_space<semaphore_mem>>)
      %dma_start3A_120 = arith.constant 0 : i32
      %dma_start3A_121 = arith.constant 0 : i32
      %dma_start3A_122 = arith.constant 0 : i32
      %dma_start3A_123 = arith.constant 0 : i32
      %dma_start3A_124 = tpu.memref_slice %arg10[%dma_start3A_120, %dma_start3A_122, %dma_start3A_123] : memref<2x256x64xf32, #tpu.memory_space<vmem>> -> memref<1x256x64xf32, #tpu.memory_space<vmem>>
      %dma_start3A_125 = tpu.memref_squeeze %dma_start3A_124 : memref<1x256x64xf32, #tpu.memory_space<vmem>> -> memref<256x64xf32, #tpu.memory_space<vmem>>
      %dma_start3A_126 = arith.constant 0 : i32
      %dma_start3A_127 = tpu.memref_slice %arg9[%rem3A_82, %dma_start3A_121, %dma_start3A_126] : memref<2x8x256xi32, #tpu.memory_space<vmem>> -> memref<1x1x256xi32, #tpu.memory_space<vmem>>
      %dma_start3A_128 = tpu.memref_squeeze %dma_start3A_127 : memref<1x1x256xi32, #tpu.memory_space<vmem>> -> memref<256xi32, #tpu.memory_space<vmem>>
      %dma_start3A_129 = arith.constant 0 : i32
      %dma_start3A_130 = arith.constant 0 : i32
      %dma_start3A_131 = tpu.memref_slice %arg12[%dma_start3A_129, %dma_start3A_130] : memref<10240x64xf32, #tpu.memory_space<vmem_shared>> -> memref<10240x64xf32, #tpu.memory_space<vmem_shared>>
      tpu.enqueue_indirect_dma source(%dma_start3A_125 : memref<256x64xf32, #tpu.memory_space<vmem>>) target(%dma_start3A_131 : memref<10240x64xf32, #tpu.memory_space<vmem_shared>>) offsets(%dma_start3A_128 : memref<256xi32, #tpu.memory_space<vmem>>) semaphore(%arg15 : memref<!tpu.dma_semaphore, #tpu.memory_space<semaphore_mem>>) {add = true}
      %dma_wait3A_132 = arith.constant 1 : i32
      %dma_wait3A_133 = arith.constant 0 : i32
      %dma_wait3A_134 = arith.constant 0 : i32
      %dma_wait3A_135 = tpu.memref_slice %arg10[%dma_wait3A_132, %dma_wait3A_133, %dma_wait3A_134] : memref<2x256x64xf32, #tpu.memory_space<vmem>> -> memref<1x256x64xf32, #tpu.memory_space<vmem>>
      %dma_wait3A_136 = tpu.memref_squeeze %dma_wait3A_135 : memref<1x256x64xf32, #tpu.memory_space<vmem>> -> memref<256x64xf32, #tpu.memory_space<vmem>>
      %dma_wait3A_137 = arith.constant 0 : i32
      %dma_wait3A_138 = arith.constant 0 : i32
      %dma_wait3A_139 = tpu.memref_slice %arg2[%dma_wait3A_137, %dma_wait3A_138] : memref<10000x64xf32, #tpu.memory_space<hbm>> -> memref<256x64xf32, #tpu.memory_space<hbm>>
      %dma_wait3A_140 = arith.constant 0 : i32
      %dma_wait3A_141 = arith.constant 0 : i32
      %dma_wait3A_142 = tpu.memref_slice %arg10[%dma_wait3A_132, %dma_wait3A_140, %dma_wait3A_141] : memref<2x256x64xf32, #tpu.memory_space<vmem>> -> memref<1x256x64xf32, #tpu.memory_space<vmem>>
      %dma_wait3A_143 = tpu.memref_squeeze %dma_wait3A_142 : memref<1x256x64xf32, #tpu.memory_space<vmem>> -> memref<256x64xf32, #tpu.memory_space<vmem>>
      %dma_wait3A_144 = arith.constant 0 : i32
      %dma_wait3A_145 = arith.constant 0 : i32
      %dma_wait3A_146 = tpu.memref_slice %arg2[%dma_wait3A_144, %dma_wait3A_145] : memref<10000x64xf32, #tpu.memory_space<hbm>> -> memref<256x64xf32, #tpu.memory_space<hbm>>
      tpu.wait_dma2 semaphore(%arg14 : memref<!tpu.dma_semaphore, #tpu.memory_space<semaphore_mem>>) src(%dma_wait3A_146 : memref<256x64xf32, #tpu.memory_space<hbm>>) dst(%dma_wait3A_143 : memref<256x64xf32, #tpu.memory_space<vmem>>)
      %dma_wait3A_147 = arith.constant 0 : i32
      %dma_wait3A_148 = arith.constant 0 : i32
      %dma_wait3A_149 = arith.constant 0 : i32
      %dma_wait3A_150 = tpu.memref_slice %arg10[%dma_wait3A_147, %dma_wait3A_148, %dma_wait3A_149] : memref<2x256x64xf32, #tpu.memory_space<vmem>> -> memref<1x256x64xf32, #tpu.memory_space<vmem>>
      %dma_wait3A_151 = tpu.memref_squeeze %dma_wait3A_150 : memref<1x256x64xf32, #tpu.memory_space<vmem>> -> memref<256x64xf32, #tpu.memory_space<vmem>>
      %dma_wait3A_152 = arith.constant 0 : i32
      %dma_wait3A_153 = arith.constant 0 : i32
      %dma_wait3A_154 = tpu.memref_slice %arg12[%dma_wait3A_152, %dma_wait3A_153] : memref<10240x64xf32, #tpu.memory_space<vmem_shared>> -> memref<256x64xf32, #tpu.memory_space<vmem_shared>>
      %dma_wait3A_155 = arith.constant 0 : i32
      %dma_wait3A_156 = arith.constant 0 : i32
      %dma_wait3A_157 = tpu.memref_slice %arg12[%dma_wait3A_155, %dma_wait3A_156] : memref<10240x64xf32, #tpu.memory_space<vmem_shared>> -> memref<256x64xf32, #tpu.memory_space<vmem_shared>>
      %dma_wait3A_158 = arith.constant 0 : i32
      %dma_wait3A_159 = arith.constant 0 : i32
      %dma_wait3A_160 = tpu.memref_slice %arg10[%dma_wait3A_147, %dma_wait3A_158, %dma_wait3A_159] : memref<2x256x64xf32, #tpu.memory_space<vmem>> -> memref<1x256x64xf32, #tpu.memory_space<vmem>>
      %dma_wait3A_161 = tpu.memref_squeeze %dma_wait3A_160 : memref<1x256x64xf32, #tpu.memory_space<vmem>> -> memref<256x64xf32, #tpu.memory_space<vmem>>
      tpu.wait_dma2 semaphore(%arg15 : memref<!tpu.dma_semaphore, #tpu.memory_space<semaphore_mem>>) src(%dma_wait3A_161 : memref<256x64xf32, #tpu.memory_space<vmem>>) dst(%dma_wait3A_157 : memref<256x64xf32, #tpu.memory_space<vmem_shared>>)
      %dma_start3A_162 = arith.constant 2 : i32
      %dma_start3A_163 = arith.constant 0 : i32
      %dma_start3A_164 = arith.constant 0 : i32
      %dma_start3A_165 = arith.constant 0 : i32
      %dma_start3A_166 = tpu.memref_slice %arg10[%dma_start3A_163, %dma_start3A_164, %dma_start3A_165] : memref<2x256x64xf32, #tpu.memory_space<vmem>> -> memref<1x256x64xf32, #tpu.memory_space<vmem>>
      %dma_start3A_167 = tpu.memref_squeeze %dma_start3A_166 : memref<1x256x64xf32, #tpu.memory_space<vmem>> -> memref<256x64xf32, #tpu.memory_space<vmem>>
      %dma_start3A_168 = arith.constant 0 : i32
      %dma_start3A_169 = tpu.memref_slice %arg8[%rem3A_82, %dma_start3A_162, %dma_start3A_168] : memref<2x8x256xi32, #tpu.memory_space<vmem>> -> memref<1x1x256xi32, #tpu.memory_space<vmem>>
      %dma_start3A_170 = tpu.memref_squeeze %dma_start3A_169 : memref<1x1x256xi32, #tpu.memory_space<vmem>> -> memref<256xi32, #tpu.memory_space<vmem>>
      %dma_start3A_171 = arith.constant 0 : i32
      %dma_start3A_172 = arith.constant 0 : i32
      %dma_start3A_173 = tpu.memref_slice %arg11[%dma_start3A_171, %dma_start3A_172] : memref<10000x64xf32, #tpu.memory_space<vmem_shared>> -> memref<10000x64xf32, #tpu.memory_space<vmem_shared>>
      tpu.enqueue_indirect_dma source(%dma_start3A_173 : memref<10000x64xf32, #tpu.memory_space<vmem_shared>>) target(%dma_start3A_167 : memref<256x64xf32, #tpu.memory_space<vmem>>) offsets(%dma_start3A_170 : memref<256xi32, #tpu.memory_space<vmem>>) semaphore(%arg13 : memref<!tpu.dma_semaphore, #tpu.memory_space<semaphore_mem>>)
      %dma_start3A_174 = arith.constant 1 : i32
      %dma_start3A_175 = arith.constant 1 : i32
      %dma_start3A_176 = arith.constant 0 : i32
      %dma_start3A_177 = arith.constant 0 : i32
      %dma_start3A_178 = tpu.memref_slice %arg10[%dma_start3A_174, %dma_start3A_176, %dma_start3A_177] : memref<2x256x64xf32, #tpu.memory_space<vmem>> -> memref<1x256x64xf32, #tpu.memory_space<vmem>>
      %dma_start3A_179 = tpu.memref_squeeze %dma_start3A_178 : memref<1x256x64xf32, #tpu.memory_space<vmem>> -> memref<256x64xf32, #tpu.memory_space<vmem>>
      %dma_start3A_180 = arith.constant 0 : i32
      %dma_start3A_181 = tpu.memref_slice %arg9[%rem3A_82, %dma_start3A_175, %dma_start3A_180] : memref<2x8x256xi32, #tpu.memory_space<vmem>> -> memref<1x1x256xi32, #tpu.memory_space<vmem>>
      %dma_start3A_182 = tpu.memref_squeeze %dma_start3A_181 : memref<1x1x256xi32, #tpu.memory_space<vmem>> -> memref<256xi32, #tpu.memory_space<vmem>>
      %dma_start3A_183 = arith.constant 0 : i32
      %dma_start3A_184 = arith.constant 0 : i32
      %dma_start3A_185 = tpu.memref_slice %arg12[%dma_start3A_183, %dma_start3A_184] : memref<10240x64xf32, #tpu.memory_space<vmem_shared>> -> memref<10240x64xf32, #tpu.memory_space<vmem_shared>>
      tpu.enqueue_indirect_dma source(%dma_start3A_179 : memref<256x64xf32, #tpu.memory_space<vmem>>) target(%dma_start3A_185 : memref<10240x64xf32, #tpu.memory_space<vmem_shared>>) offsets(%dma_start3A_182 : memref<256xi32, #tpu.memory_space<vmem>>) semaphore(%arg16 : memref<!tpu.dma_semaphore, #tpu.memory_space<semaphore_mem>>) {add = true}
      %dma_wait3A_186 = arith.constant 0 : i32
      %dma_wait3A_187 = arith.constant 0 : i32
      %dma_wait3A_188 = arith.constant 0 : i32
      %dma_wait3A_189 = tpu.memref_slice %arg10[%dma_wait3A_186, %dma_wait3A_187, %dma_wait3A_188] : memref<2x256x64xf32, #tpu.memory_space<vmem>> -> memref<1x256x64xf32, #tpu.memory_space<vmem>>
      %dma_wait3A_190 = tpu.memref_squeeze %dma_wait3A_189 : memref<1x256x64xf32, #tpu.memory_space<vmem>> -> memref<256x64xf32, #tpu.memory_space<vmem>>
      %dma_wait3A_191 = arith.constant 0 : i32
      %dma_wait3A_192 = arith.constant 0 : i32
      %dma_wait3A_193 = tpu.memref_slice %arg2[%dma_wait3A_191, %dma_wait3A_192] : memref<10000x64xf32, #tpu.memory_space<hbm>> -> memref<256x64xf32, #tpu.memory_space<hbm>>
      %dma_wait3A_194 = arith.constant 0 : i32
      %dma_wait3A_195 = arith.constant 0 : i32
      %dma_wait3A_196 = tpu.memref_slice %arg10[%dma_wait3A_186, %dma_wait3A_194, %dma_wait3A_195] : memref<2x256x64xf32, #tpu.memory_space<vmem>> -> memref<1x256x64xf32, #tpu.memory_space<vmem>>
      %dma_wait3A_197 = tpu.memref_squeeze %dma_wait3A_196 : memref<1x256x64xf32, #tpu.memory_space<vmem>> -> memref<256x64xf32, #tpu.memory_space<vmem>>
      %dma_wait3A_198 = arith.constant 0 : i32
      %dma_wait3A_199 = arith.constant 0 : i32
      %dma_wait3A_200 = tpu.memref_slice %arg2[%dma_wait3A_198, %dma_wait3A_199] : memref<10000x64xf32, #tpu.memory_space<hbm>> -> memref<256x64xf32, #tpu.memory_space<hbm>>
      tpu.wait_dma2 semaphore(%arg13 : memref<!tpu.dma_semaphore, #tpu.memory_space<semaphore_mem>>) src(%dma_wait3A_200 : memref<256x64xf32, #tpu.memory_space<hbm>>) dst(%dma_wait3A_197 : memref<256x64xf32, #tpu.memory_space<vmem>>)
      %dma_wait3A_201 = arith.constant 1 : i32
      %dma_wait3A_202 = arith.constant 0 : i32
      %dma_wait3A_203 = arith.constant 0 : i32
      %dma_wait3A_204 = tpu.memref_slice %arg10[%dma_wait3A_201, %dma_wait3A_202, %dma_wait3A_203] : memref<2x256x64xf32, #tpu.memory_space<vmem>> -> memref<1x256x64xf32, #tpu.memory_space<vmem>>
      %dma_wait3A_205 = tpu.memref_squeeze %dma_wait3A_204 : memref<1x256x64xf32, #tpu.memory_space<vmem>> -> memref<256x64xf32, #tpu.memory_space<vmem>>
      %dma_wait3A_206 = arith.constant 0 : i32
      %dma_wait3A_207 = arith.constant 0 : i32
      %dma_wait3A_208 = tpu.memref_slice %arg12[%dma_wait3A_206, %dma_wait3A_207] : memref<10240x64xf32, #tpu.memory_space<vmem_shared>> -> memref<256x64xf32, #tpu.memory_space<vmem_shared>>
      %dma_wait3A_209 = arith.constant 0 : i32
      %dma_wait3A_210 = arith.constant 0 : i32
      %dma_wait3A_211 = tpu.memref_slice %arg12[%dma_wait3A_209, %dma_wait3A_210] : memref<10240x64xf32, #tpu.memory_space<vmem_shared>> -> memref<256x64xf32, #tpu.memory_space<vmem_shared>>
      %dma_wait3A_212 = arith.constant 0 : i32
      %dma_wait3A_213 = arith.constant 0 : i32
      %dma_wait3A_214 = tpu.memref_slice %arg10[%dma_wait3A_201, %dma_wait3A_212, %dma_wait3A_213] : memref<2x256x64xf32, #tpu.memory_space<vmem>> -> memref<1x256x64xf32, #tpu.memory_space<vmem>>
      %dma_wait3A_215 = tpu.memref_squeeze %dma_wait3A_214 : memref<1x256x64xf32, #tpu.memory_space<vmem>> -> memref<256x64xf32, #tpu.memory_space<vmem>>
      tpu.wait_dma2 semaphore(%arg16 : memref<!tpu.dma_semaphore, #tpu.memory_space<semaphore_mem>>) src(%dma_wait3A_215 : memref<256x64xf32, #tpu.memory_space<vmem>>) dst(%dma_wait3A_211 : memref<256x64xf32, #tpu.memory_space<vmem_shared>>)
      %dma_start3A_216 = arith.constant 3 : i32
      %dma_start3A_217 = arith.constant 1 : i32
      %dma_start3A_218 = arith.constant 0 : i32
      %dma_start3A_219 = arith.constant 0 : i32
      %dma_start3A_220 = tpu.memref_slice %arg10[%dma_start3A_217, %dma_start3A_218, %dma_start3A_219] : memref<2x256x64xf32, #tpu.memory_space<vmem>> -> memref<1x256x64xf32, #tpu.memory_space<vmem>>
      %dma_start3A_221 = tpu.memref_squeeze %dma_start3A_220 : memref<1x256x64xf32, #tpu.memory_space<vmem>> -> memref<256x64xf32, #tpu.memory_space<vmem>>
      %dma_start3A_222 = arith.constant 0 : i32
      %dma_start3A_223 = tpu.memref_slice %arg8[%rem3A_82, %dma_start3A_216, %dma_start3A_222] : memref<2x8x256xi32, #tpu.memory_space<vmem>> -> memref<1x1x256xi32, #tpu.memory_space<vmem>>
      %dma_start3A_224 = tpu.memref_squeeze %dma_start3A_223 : memref<1x1x256xi32, #tpu.memory_space<vmem>> -> memref<256xi32, #tpu.memory_space<vmem>>
      %dma_start3A_225 = arith.constant 0 : i32
      %dma_start3A_226 = arith.constant 0 : i32
      %dma_start3A_227 = tpu.memref_slice %arg11[%dma_start3A_225, %dma_start3A_226] : memref<10000x64xf32, #tpu.memory_space<vmem_shared>> -> memref<10000x64xf32, #tpu.memory_space<vmem_shared>>
      tpu.enqueue_indirect_dma source(%dma_start3A_227 : memref<10000x64xf32, #tpu.memory_space<vmem_shared>>) target(%dma_start3A_221 : memref<256x64xf32, #tpu.memory_space<vmem>>) offsets(%dma_start3A_224 : memref<256xi32, #tpu.memory_space<vmem>>) semaphore(%arg14 : memref<!tpu.dma_semaphore, #tpu.memory_space<semaphore_mem>>)
      %dma_start3A_228 = arith.constant 0 : i32
      %dma_start3A_229 = arith.constant 2 : i32
      %dma_start3A_230 = arith.constant 0 : i32
      %dma_start3A_231 = arith.constant 0 : i32
      %dma_start3A_232 = tpu.memref_slice %arg10[%dma_start3A_228, %dma_start3A_230, %dma_start3A_231] : memref<2x256x64xf32, #tpu.memory_space<vmem>> -> memref<1x256x64xf32, #tpu.memory_space<vmem>>
      %dma_start3A_233 = tpu.memref_squeeze %dma_start3A_232 : memref<1x256x64xf32, #tpu.memory_space<vmem>> -> memref<256x64xf32, #tpu.memory_space<vmem>>
      %dma_start3A_234 = arith.constant 0 : i32
      %dma_start3A_235 = tpu.memref_slice %arg9[%rem3A_82, %dma_start3A_229, %dma_start3A_234] : memref<2x8x256xi32, #tpu.memory_space<vmem>> -> memref<1x1x256xi32, #tpu.memory_space<vmem>>
      %dma_start3A_236 = tpu.memref_squeeze %dma_start3A_235 : memref<1x1x256xi32, #tpu.memory_space<vmem>> -> memref<256xi32, #tpu.memory_space<vmem>>
      %dma_start3A_237 = arith.constant 0 : i32
      %dma_start3A_238 = arith.constant 0 : i32
      %dma_start3A_239 = tpu.memref_slice %arg12[%dma_start3A_237, %dma_start3A_238] : memref<10240x64xf32, #tpu.memory_space<vmem_shared>> -> memref<10240x64xf32, #tpu.memory_space<vmem_shared>>
      tpu.enqueue_indirect_dma source(%dma_start3A_233 : memref<256x64xf32, #tpu.memory_space<vmem>>) target(%dma_start3A_239 : memref<10240x64xf32, #tpu.memory_space<vmem_shared>>) offsets(%dma_start3A_236 : memref<256xi32, #tpu.memory_space<vmem>>) semaphore(%arg15 : memref<!tpu.dma_semaphore, #tpu.memory_space<semaphore_mem>>) {add = true}
      %dma_wait3A_240 = arith.constant 1 : i32
      %dma_wait3A_241 = arith.constant 0 : i32
      %dma_wait3A_242 = arith.constant 0 : i32
      %dma_wait3A_243 = tpu.memref_slice %arg10[%dma_wait3A_240, %dma_wait3A_241, %dma_wait3A_242] : memref<2x256x64xf32, #tpu.memory_space<vmem>> -> memref<1x256x64xf32, #tpu.memory_space<vmem>>
      %dma_wait3A_244 = tpu.memref_squeeze %dma_wait3A_243 : memref<1x256x64xf32, #tpu.memory_space<vmem>> -> memref<256x64xf32, #tpu.memory_space<vmem>>
      %dma_wait3A_245 = arith.constant 0 : i32
      %dma_wait3A_246 = arith.constant 0 : i32
      %dma_wait3A_247 = tpu.memref_slice %arg2[%dma_wait3A_245, %dma_wait3A_246] : memref<10000x64xf32, #tpu.memory_space<hbm>> -> memref<256x64xf32, #tpu.memory_space<hbm>>
      %dma_wait3A_248 = arith.constant 0 : i32
      %dma_wait3A_249 = arith.constant 0 : i32
      %dma_wait3A_250 = tpu.memref_slice %arg10[%dma_wait3A_240, %dma_wait3A_248, %dma_wait3A_249] : memref<2x256x64xf32, #tpu.memory_space<vmem>> -> memref<1x256x64xf32, #tpu.memory_space<vmem>>
      %dma_wait3A_251 = tpu.memref_squeeze %dma_wait3A_250 : memref<1x256x64xf32, #tpu.memory_space<vmem>> -> memref<256x64xf32, #tpu.memory_space<vmem>>
      %dma_wait3A_252 = arith.constant 0 : i32
      %dma_wait3A_253 = arith.constant 0 : i32
      %dma_wait3A_254 = tpu.memref_slice %arg2[%dma_wait3A_252, %dma_wait3A_253] : memref<10000x64xf32, #tpu.memory_space<hbm>> -> memref<256x64xf32, #tpu.memory_space<hbm>>
      tpu.wait_dma2 semaphore(%arg14 : memref<!tpu.dma_semaphore, #tpu.memory_space<semaphore_mem>>) src(%dma_wait3A_254 : memref<256x64xf32, #tpu.memory_space<hbm>>) dst(%dma_wait3A_251 : memref<256x64xf32, #tpu.memory_space<vmem>>)
      %dma_wait3A_255 = arith.constant 0 : i32
      %dma_wait3A_256 = arith.constant 0 : i32
      %dma_wait3A_257 = arith.constant 0 : i32
      %dma_wait3A_258 = tpu.memref_slice %arg10[%dma_wait3A_255, %dma_wait3A_256, %dma_wait3A_257] : memref<2x256x64xf32, #tpu.memory_space<vmem>> -> memref<1x256x64xf32, #tpu.memory_space<vmem>>
      %dma_wait3A_259 = tpu.memref_squeeze %dma_wait3A_258 : memref<1x256x64xf32, #tpu.memory_space<vmem>> -> memref<256x64xf32, #tpu.memory_space<vmem>>
      %dma_wait3A_260 = arith.constant 0 : i32
      %dma_wait3A_261 = arith.constant 0 : i32
      %dma_wait3A_262 = tpu.memref_slice %arg12[%dma_wait3A_260, %dma_wait3A_261] : memref<10240x64xf32, #tpu.memory_space<vmem_shared>> -> memref<256x64xf32, #tpu.memory_space<vmem_shared>>
      %dma_wait3A_263 = arith.constant 0 : i32
      %dma_wait3A_264 = arith.constant 0 : i32
      %dma_wait3A_265 = tpu.memref_slice %arg12[%dma_wait3A_263, %dma_wait3A_264] : memref<10240x64xf32, #tpu.memory_space<vmem_shared>> -> memref<256x64xf32, #tpu.memory_space<vmem_shared>>
      %dma_wait3A_266 = arith.constant 0 : i32
      %dma_wait3A_267 = arith.constant 0 : i32
      %dma_wait3A_268 = tpu.memref_slice %arg10[%dma_wait3A_255, %dma_wait3A_266, %dma_wait3A_267] : memref<2x256x64xf32, #tpu.memory_space<vmem>> -> memref<1x256x64xf32, #tpu.memory_space<vmem>>
      %dma_wait3A_269 = tpu.memref_squeeze %dma_wait3A_268 : memref<1x256x64xf32, #tpu.memory_space<vmem>> -> memref<256x64xf32, #tpu.memory_space<vmem>>
      tpu.wait_dma2 semaphore(%arg15 : memref<!tpu.dma_semaphore, #tpu.memory_space<semaphore_mem>>) src(%dma_wait3A_269 : memref<256x64xf32, #tpu.memory_space<vmem>>) dst(%dma_wait3A_265 : memref<256x64xf32, #tpu.memory_space<vmem_shared>>)
      %dma_start3A_270 = arith.constant 4 : i32
      %dma_start3A_271 = arith.constant 0 : i32
      %dma_start3A_272 = arith.constant 0 : i32
      %dma_start3A_273 = arith.constant 0 : i32
      %dma_start3A_274 = tpu.memref_slice %arg10[%dma_start3A_271, %dma_start3A_272, %dma_start3A_273] : memref<2x256x64xf32, #tpu.memory_space<vmem>> -> memref<1x256x64xf32, #tpu.memory_space<vmem>>
      %dma_start3A_275 = tpu.memref_squeeze %dma_start3A_274 : memref<1x256x64xf32, #tpu.memory_space<vmem>> -> memref<256x64xf32, #tpu.memory_space<vmem>>
      %dma_start3A_276 = arith.constant 0 : i32
      %dma_start3A_277 = tpu.memref_slice %arg8[%rem3A_82, %dma_start3A_270, %dma_start3A_276] : memref<2x8x256xi32, #tpu.memory_space<vmem>> -> memref<1x1x256xi32, #tpu.memory_space<vmem>>
      %dma_start3A_278 = tpu.memref_squeeze %dma_start3A_277 : memref<1x1x256xi32, #tpu.memory_space<vmem>> -> memref<256xi32, #tpu.memory_space<vmem>>
      %dma_start3A_279 = arith.constant 0 : i32
      %dma_start3A_280 = arith.constant 0 : i32
      %dma_start3A_281 = tpu.memref_slice %arg11[%dma_start3A_279, %dma_start3A_280] : memref<10000x64xf32, #tpu.memory_space<vmem_shared>> -> memref<10000x64xf32, #tpu.memory_space<vmem_shared>>
      tpu.enqueue_indirect_dma source(%dma_start3A_281 : memref<10000x64xf32, #tpu.memory_space<vmem_shared>>) target(%dma_start3A_275 : memref<256x64xf32, #tpu.memory_space<vmem>>) offsets(%dma_start3A_278 : memref<256xi32, #tpu.memory_space<vmem>>) semaphore(%arg13 : memref<!tpu.dma_semaphore, #tpu.memory_space<semaphore_mem>>)
      %dma_start3A_282 = arith.constant 1 : i32
      %dma_start3A_283 = arith.constant 3 : i32
      %dma_start3A_284 = arith.constant 0 : i32
      %dma_start3A_285 = arith.constant 0 : i32
      %dma_start3A_286 = tpu.memref_slice %arg10[%dma_start3A_282, %dma_start3A_284, %dma_start3A_285] : memref<2x256x64xf32, #tpu.memory_space<vmem>> -> memref<1x256x64xf32, #tpu.memory_space<vmem>>
      %dma_start3A_287 = tpu.memref_squeeze %dma_start3A_286 : memref<1x256x64xf32, #tpu.memory_space<vmem>> -> memref<256x64xf32, #tpu.memory_space<vmem>>
      %dma_start3A_288 = arith.constant 0 : i32
      %dma_start3A_289 = tpu.memref_slice %arg9[%rem3A_82, %dma_start3A_283, %dma_start3A_288] : memref<2x8x256xi32, #tpu.memory_space<vmem>> -> memref<1x1x256xi32, #tpu.memory_space<vmem>>
      %dma_start3A_290 = tpu.memref_squeeze %dma_start3A_289 : memref<1x1x256xi32, #tpu.memory_space<vmem>> -> memref<256xi32, #tpu.memory_space<vmem>>
      %dma_start3A_291 = arith.constant 0 : i32
      %dma_start3A_292 = arith.constant 0 : i32
      %dma_start3A_293 = tpu.memref_slice %arg12[%dma_start3A_291, %dma_start3A_292] : memref<10240x64xf32, #tpu.memory_space<vmem_shared>> -> memref<10240x64xf32, #tpu.memory_space<vmem_shared>>
      tpu.enqueue_indirect_dma source(%dma_start3A_287 : memref<256x64xf32, #tpu.memory_space<vmem>>) target(%dma_start3A_293 : memref<10240x64xf32, #tpu.memory_space<vmem_shared>>) offsets(%dma_start3A_290 : memref<256xi32, #tpu.memory_space<vmem>>) semaphore(%arg16 : memref<!tpu.dma_semaphore, #tpu.memory_space<semaphore_mem>>) {add = true}
      %dma_wait3A_294 = arith.constant 0 : i32
      %dma_wait3A_295 = arith.constant 0 : i32
      %dma_wait3A_296 = arith.constant 0 : i32
      %dma_wait3A_297 = tpu.memref_slice %arg10[%dma_wait3A_294, %dma_wait3A_295, %dma_wait3A_296] : memref<2x256x64xf32, #tpu.memory_space<vmem>> -> memref<1x256x64xf32, #tpu.memory_space<vmem>>
      %dma_wait3A_298 = tpu.memref_squeeze %dma_wait3A_297 : memref<1x256x64xf32, #tpu.memory_space<vmem>> -> memref<256x64xf32, #tpu.memory_space<vmem>>
      %dma_wait3A_299 = arith.constant 0 : i32
      %dma_wait3A_300 = arith.constant 0 : i32
      %dma_wait3A_301 = tpu.memref_slice %arg2[%dma_wait3A_299, %dma_wait3A_300] : memref<10000x64xf32, #tpu.memory_space<hbm>> -> memref<256x64xf32, #tpu.memory_space<hbm>>
      %dma_wait3A_302 = arith.constant 0 : i32
      %dma_wait3A_303 = arith.constant 0 : i32
      %dma_wait3A_304 = tpu.memref_slice %arg10[%dma_wait3A_294, %dma_wait3A_302, %dma_wait3A_303] : memref<2x256x64xf32, #tpu.memory_space<vmem>> -> memref<1x256x64xf32, #tpu.memory_space<vmem>>
      %dma_wait3A_305 = tpu.memref_squeeze %dma_wait3A_304 : memref<1x256x64xf32, #tpu.memory_space<vmem>> -> memref<256x64xf32, #tpu.memory_space<vmem>>
      %dma_wait3A_306 = arith.constant 0 : i32
      %dma_wait3A_307 = arith.constant 0 : i32
      %dma_wait3A_308 = tpu.memref_slice %arg2[%dma_wait3A_306, %dma_wait3A_307] : memref<10000x64xf32, #tpu.memory_space<hbm>> -> memref<256x64xf32, #tpu.memory_space<hbm>>
      tpu.wait_dma2 semaphore(%arg13 : memref<!tpu.dma_semaphore, #tpu.memory_space<semaphore_mem>>) src(%dma_wait3A_308 : memref<256x64xf32, #tpu.memory_space<hbm>>) dst(%dma_wait3A_305 : memref<256x64xf32, #tpu.memory_space<vmem>>)
      %dma_wait3A_309 = arith.constant 1 : i32
      %dma_wait3A_310 = arith.constant 0 : i32
      %dma_wait3A_311 = arith.constant 0 : i32
      %dma_wait3A_312 = tpu.memref_slice %arg10[%dma_wait3A_309, %dma_wait3A_310, %dma_wait3A_311] : memref<2x256x64xf32, #tpu.memory_space<vmem>> -> memref<1x256x64xf32, #tpu.memory_space<vmem>>
      %dma_wait3A_313 = tpu.memref_squeeze %dma_wait3A_312 : memref<1x256x64xf32, #tpu.memory_space<vmem>> -> memref<256x64xf32, #tpu.memory_space<vmem>>
      %dma_wait3A_314 = arith.constant 0 : i32
      %dma_wait3A_315 = arith.constant 0 : i32
      %dma_wait3A_316 = tpu.memref_slice %arg12[%dma_wait3A_314, %dma_wait3A_315] : memref<10240x64xf32, #tpu.memory_space<vmem_shared>> -> memref<256x64xf32, #tpu.memory_space<vmem_shared>>
      %dma_wait3A_317 = arith.constant 0 : i32
      %dma_wait3A_318 = arith.constant 0 : i32
      %dma_wait3A_319 = tpu.memref_slice %arg12[%dma_wait3A_317, %dma_wait3A_318] : memref<10240x64xf32, #tpu.memory_space<vmem_shared>> -> memref<256x64xf32, #tpu.memory_space<vmem_shared>>
      %dma_wait3A_320 = arith.constant 0 : i32
      %dma_wait3A_321 = arith.constant 0 : i32
      %dma_wait3A_322 = tpu.memref_slice %arg10[%dma_wait3A_309, %dma_wait3A_320, %dma_wait3A_321] : memref<2x256x64xf32, #tpu.memory_space<vmem>> -> memref<1x256x64xf32, #tpu.memory_space<vmem>>
      %dma_wait3A_323 = tpu.memref_squeeze %dma_wait3A_322 : memref<1x256x64xf32, #tpu.memory_space<vmem>> -> memref<256x64xf32, #tpu.memory_space<vmem>>
      tpu.wait_dma2 semaphore(%arg16 : memref<!tpu.dma_semaphore, #tpu.memory_space<semaphore_mem>>) src(%dma_wait3A_323 : memref<256x64xf32, #tpu.memory_space<vmem>>) dst(%dma_wait3A_319 : memref<256x64xf32, #tpu.memory_space<vmem_shared>>)
      %dma_start3A_324 = arith.constant 5 : i32
      %dma_start3A_325 = arith.constant 1 : i32
      %dma_start3A_326 = arith.constant 0 : i32
      %dma_start3A_327 = arith.constant 0 : i32
      %dma_start3A_328 = tpu.memref_slice %arg10[%dma_start3A_325, %dma_start3A_326, %dma_start3A_327] : memref<2x256x64xf32, #tpu.memory_space<vmem>> -> memref<1x256x64xf32, #tpu.memory_space<vmem>>
      %dma_start3A_329 = tpu.memref_squeeze %dma_start3A_328 : memref<1x256x64xf32, #tpu.memory_space<vmem>> -> memref<256x64xf32, #tpu.memory_space<vmem>>
      %dma_start3A_330 = arith.constant 0 : i32
      %dma_start3A_331 = tpu.memref_slice %arg8[%rem3A_82, %dma_start3A_324, %dma_start3A_330] : memref<2x8x256xi32, #tpu.memory_space<vmem>> -> memref<1x1x256xi32, #tpu.memory_space<vmem>>
      %dma_start3A_332 = tpu.memref_squeeze %dma_start3A_331 : memref<1x1x256xi32, #tpu.memory_space<vmem>> -> memref<256xi32, #tpu.memory_space<vmem>>
      %dma_start3A_333 = arith.constant 0 : i32
      %dma_start3A_334 = arith.constant 0 : i32
      %dma_start3A_335 = tpu.memref_slice %arg11[%dma_start3A_333, %dma_start3A_334] : memref<10000x64xf32, #tpu.memory_space<vmem_shared>> -> memref<10000x64xf32, #tpu.memory_space<vmem_shared>>
      tpu.enqueue_indirect_dma source(%dma_start3A_335 : memref<10000x64xf32, #tpu.memory_space<vmem_shared>>) target(%dma_start3A_329 : memref<256x64xf32, #tpu.memory_space<vmem>>) offsets(%dma_start3A_332 : memref<256xi32, #tpu.memory_space<vmem>>) semaphore(%arg14 : memref<!tpu.dma_semaphore, #tpu.memory_space<semaphore_mem>>)
      %dma_start3A_336 = arith.constant 0 : i32
      %dma_start3A_337 = arith.constant 4 : i32
      %dma_start3A_338 = arith.constant 0 : i32
      %dma_start3A_339 = arith.constant 0 : i32
      %dma_start3A_340 = tpu.memref_slice %arg10[%dma_start3A_336, %dma_start3A_338, %dma_start3A_339] : memref<2x256x64xf32, #tpu.memory_space<vmem>> -> memref<1x256x64xf32, #tpu.memory_space<vmem>>
      %dma_start3A_341 = tpu.memref_squeeze %dma_start3A_340 : memref<1x256x64xf32, #tpu.memory_space<vmem>> -> memref<256x64xf32, #tpu.memory_space<vmem>>
      %dma_start3A_342 = arith.constant 0 : i32
      %dma_start3A_343 = tpu.memref_slice %arg9[%rem3A_82, %dma_start3A_337, %dma_start3A_342] : memref<2x8x256xi32, #tpu.memory_space<vmem>> -> memref<1x1x256xi32, #tpu.memory_space<vmem>>
      %dma_start3A_344 = tpu.memref_squeeze %dma_start3A_343 : memref<1x1x256xi32, #tpu.memory_space<vmem>> -> memref<256xi32, #tpu.memory_space<vmem>>
      %dma_start3A_345 = arith.constant 0 : i32
      %dma_start3A_346 = arith.constant 0 : i32
      %dma_start3A_347 = tpu.memref_slice %arg12[%dma_start3A_345, %dma_start3A_346] : memref<10240x64xf32, #tpu.memory_space<vmem_shared>> -> memref<10240x64xf32, #tpu.memory_space<vmem_shared>>
      tpu.enqueue_indirect_dma source(%dma_start3A_341 : memref<256x64xf32, #tpu.memory_space<vmem>>) target(%dma_start3A_347 : memref<10240x64xf32, #tpu.memory_space<vmem_shared>>) offsets(%dma_start3A_344 : memref<256xi32, #tpu.memory_space<vmem>>) semaphore(%arg15 : memref<!tpu.dma_semaphore, #tpu.memory_space<semaphore_mem>>) {add = true}
      %dma_wait3A_348 = arith.constant 1 : i32
      %dma_wait3A_349 = arith.constant 0 : i32
      %dma_wait3A_350 = arith.constant 0 : i32
      %dma_wait3A_351 = tpu.memref_slice %arg10[%dma_wait3A_348, %dma_wait3A_349, %dma_wait3A_350] : memref<2x256x64xf32, #tpu.memory_space<vmem>> -> memref<1x256x64xf32, #tpu.memory_space<vmem>>
      %dma_wait3A_352 = tpu.memref_squeeze %dma_wait3A_351 : memref<1x256x64xf32, #tpu.memory_space<vmem>> -> memref<256x64xf32, #tpu.memory_space<vmem>>
      %dma_wait3A_353 = arith.constant 0 : i32
      %dma_wait3A_354 = arith.constant 0 : i32
      %dma_wait3A_355 = tpu.memref_slice %arg2[%dma_wait3A_353, %dma_wait3A_354] : memref<10000x64xf32, #tpu.memory_space<hbm>> -> memref<256x64xf32, #tpu.memory_space<hbm>>
      %dma_wait3A_356 = arith.constant 0 : i32
      %dma_wait3A_357 = arith.constant 0 : i32
      %dma_wait3A_358 = tpu.memref_slice %arg10[%dma_wait3A_348, %dma_wait3A_356, %dma_wait3A_357] : memref<2x256x64xf32, #tpu.memory_space<vmem>> -> memref<1x256x64xf32, #tpu.memory_space<vmem>>
      %dma_wait3A_359 = tpu.memref_squeeze %dma_wait3A_358 : memref<1x256x64xf32, #tpu.memory_space<vmem>> -> memref<256x64xf32, #tpu.memory_space<vmem>>
      %dma_wait3A_360 = arith.constant 0 : i32
      %dma_wait3A_361 = arith.constant 0 : i32
      %dma_wait3A_362 = tpu.memref_slice %arg2[%dma_wait3A_360, %dma_wait3A_361] : memref<10000x64xf32, #tpu.memory_space<hbm>> -> memref<256x64xf32, #tpu.memory_space<hbm>>
      tpu.wait_dma2 semaphore(%arg14 : memref<!tpu.dma_semaphore, #tpu.memory_space<semaphore_mem>>) src(%dma_wait3A_362 : memref<256x64xf32, #tpu.memory_space<hbm>>) dst(%dma_wait3A_359 : memref<256x64xf32, #tpu.memory_space<vmem>>)
      %dma_wait3A_363 = arith.constant 0 : i32
      %dma_wait3A_364 = arith.constant 0 : i32
      %dma_wait3A_365 = arith.constant 0 : i32
      %dma_wait3A_366 = tpu.memref_slice %arg10[%dma_wait3A_363, %dma_wait3A_364, %dma_wait3A_365] : memref<2x256x64xf32, #tpu.memory_space<vmem>> -> memref<1x256x64xf32, #tpu.memory_space<vmem>>
      %dma_wait3A_367 = tpu.memref_squeeze %dma_wait3A_366 : memref<1x256x64xf32, #tpu.memory_space<vmem>> -> memref<256x64xf32, #tpu.memory_space<vmem>>
      %dma_wait3A_368 = arith.constant 0 : i32
      %dma_wait3A_369 = arith.constant 0 : i32
      %dma_wait3A_370 = tpu.memref_slice %arg12[%dma_wait3A_368, %dma_wait3A_369] : memref<10240x64xf32, #tpu.memory_space<vmem_shared>> -> memref<256x64xf32, #tpu.memory_space<vmem_shared>>
      %dma_wait3A_371 = arith.constant 0 : i32
      %dma_wait3A_372 = arith.constant 0 : i32
      %dma_wait3A_373 = tpu.memref_slice %arg12[%dma_wait3A_371, %dma_wait3A_372] : memref<10240x64xf32, #tpu.memory_space<vmem_shared>> -> memref<256x64xf32, #tpu.memory_space<vmem_shared>>
      %dma_wait3A_374 = arith.constant 0 : i32
      %dma_wait3A_375 = arith.constant 0 : i32
      %dma_wait3A_376 = tpu.memref_slice %arg10[%dma_wait3A_363, %dma_wait3A_374, %dma_wait3A_375] : memref<2x256x64xf32, #tpu.memory_space<vmem>> -> memref<1x256x64xf32, #tpu.memory_space<vmem>>
      %dma_wait3A_377 = tpu.memref_squeeze %dma_wait3A_376 : memref<1x256x64xf32, #tpu.memory_space<vmem>> -> memref<256x64xf32, #tpu.memory_space<vmem>>
      tpu.wait_dma2 semaphore(%arg15 : memref<!tpu.dma_semaphore, #tpu.memory_space<semaphore_mem>>) src(%dma_wait3A_377 : memref<256x64xf32, #tpu.memory_space<vmem>>) dst(%dma_wait3A_373 : memref<256x64xf32, #tpu.memory_space<vmem_shared>>)
      %dma_start3A_378 = arith.constant 6 : i32
      %dma_start3A_379 = arith.constant 0 : i32
      %dma_start3A_380 = arith.constant 0 : i32
      %dma_start3A_381 = arith.constant 0 : i32
      %dma_start3A_382 = tpu.memref_slice %arg10[%dma_start3A_379, %dma_start3A_380, %dma_start3A_381] : memref<2x256x64xf32, #tpu.memory_space<vmem>> -> memref<1x256x64xf32, #tpu.memory_space<vmem>>
      %dma_start3A_383 = tpu.memref_squeeze %dma_start3A_382 : memref<1x256x64xf32, #tpu.memory_space<vmem>> -> memref<256x64xf32, #tpu.memory_space<vmem>>
      %dma_start3A_384 = arith.constant 0 : i32
      %dma_start3A_385 = tpu.memref_slice %arg8[%rem3A_82, %dma_start3A_378, %dma_start3A_384] : memref<2x8x256xi32, #tpu.memory_space<vmem>> -> memref<1x1x256xi32, #tpu.memory_space<vmem>>
      %dma_start3A_386 = tpu.memref_squeeze %dma_start3A_385 : memref<1x1x256xi32, #tpu.memory_space<vmem>> -> memref<256xi32, #tpu.memory_space<vmem>>
      %dma_start3A_387 = arith.constant 0 : i32
      %dma_start3A_388 = arith.constant 0 : i32
      %dma_start3A_389 = tpu.memref_slice %arg11[%dma_start3A_387, %dma_start3A_388] : memref<10000x64xf32, #tpu.memory_space<vmem_shared>> -> memref<10000x64xf32, #tpu.memory_space<vmem_shared>>
      tpu.enqueue_indirect_dma source(%dma_start3A_389 : memref<10000x64xf32, #tpu.memory_space<vmem_shared>>) target(%dma_start3A_383 : memref<256x64xf32, #tpu.memory_space<vmem>>) offsets(%dma_start3A_386 : memref<256xi32, #tpu.memory_space<vmem>>) semaphore(%arg13 : memref<!tpu.dma_semaphore, #tpu.memory_space<semaphore_mem>>)
      %dma_start3A_390 = arith.constant 1 : i32
      %dma_start3A_391 = arith.constant 5 : i32
      %dma_start3A_392 = arith.constant 0 : i32
      %dma_start3A_393 = arith.constant 0 : i32
      %dma_start3A_394 = tpu.memref_slice %arg10[%dma_start3A_390, %dma_start3A_392, %dma_start3A_393] : memref<2x256x64xf32, #tpu.memory_space<vmem>> -> memref<1x256x64xf32, #tpu.memory_space<vmem>>
      %dma_start3A_395 = tpu.memref_squeeze %dma_start3A_394 : memref<1x256x64xf32, #tpu.memory_space<vmem>> -> memref<256x64xf32, #tpu.memory_space<vmem>>
      %dma_start3A_396 = arith.constant 0 : i32
      %dma_start3A_397 = tpu.memref_slice %arg9[%rem3A_82, %dma_start3A_391, %dma_start3A_396] : memref<2x8x256xi32, #tpu.memory_space<vmem>> -> memref<1x1x256xi32, #tpu.memory_space<vmem>>
      %dma_start3A_398 = tpu.memref_squeeze %dma_start3A_397 : memref<1x1x256xi32, #tpu.memory_space<vmem>> -> memref<256xi32, #tpu.memory_space<vmem>>
      %dma_start3A_399 = arith.constant 0 : i32
      %dma_start3A_400 = arith.constant 0 : i32
      %dma_start3A_401 = tpu.memref_slice %arg12[%dma_start3A_399, %dma_start3A_400] : memref<10240x64xf32, #tpu.memory_space<vmem_shared>> -> memref<10240x64xf32, #tpu.memory_space<vmem_shared>>
      tpu.enqueue_indirect_dma source(%dma_start3A_395 : memref<256x64xf32, #tpu.memory_space<vmem>>) target(%dma_start3A_401 : memref<10240x64xf32, #tpu.memory_space<vmem_shared>>) offsets(%dma_start3A_398 : memref<256xi32, #tpu.memory_space<vmem>>) semaphore(%arg16 : memref<!tpu.dma_semaphore, #tpu.memory_space<semaphore_mem>>) {add = true}
      %dma_wait3A_402 = arith.constant 0 : i32
      %dma_wait3A_403 = arith.constant 0 : i32
      %dma_wait3A_404 = arith.constant 0 : i32
      %dma_wait3A_405 = tpu.memref_slice %arg10[%dma_wait3A_402, %dma_wait3A_403, %dma_wait3A_404] : memref<2x256x64xf32, #tpu.memory_space<vmem>> -> memref<1x256x64xf32, #tpu.memory_space<vmem>>
      %dma_wait3A_406 = tpu.memref_squeeze %dma_wait3A_405 : memref<1x256x64xf32, #tpu.memory_space<vmem>> -> memref<256x64xf32, #tpu.memory_space<vmem>>
      %dma_wait3A_407 = arith.constant 0 : i32
      %dma_wait3A_408 = arith.constant 0 : i32
      %dma_wait3A_409 = tpu.memref_slice %arg2[%dma_wait3A_407, %dma_wait3A_408] : memref<10000x64xf32, #tpu.memory_space<hbm>> -> memref<256x64xf32, #tpu.memory_space<hbm>>
      %dma_wait3A_410 = arith.constant 0 : i32
      %dma_wait3A_411 = arith.constant 0 : i32
      %dma_wait3A_412 = tpu.memref_slice %arg10[%dma_wait3A_402, %dma_wait3A_410, %dma_wait3A_411] : memref<2x256x64xf32, #tpu.memory_space<vmem>> -> memref<1x256x64xf32, #tpu.memory_space<vmem>>
      %dma_wait3A_413 = tpu.memref_squeeze %dma_wait3A_412 : memref<1x256x64xf32, #tpu.memory_space<vmem>> -> memref<256x64xf32, #tpu.memory_space<vmem>>
      %dma_wait3A_414 = arith.constant 0 : i32
      %dma_wait3A_415 = arith.constant 0 : i32
      %dma_wait3A_416 = tpu.memref_slice %arg2[%dma_wait3A_414, %dma_wait3A_415] : memref<10000x64xf32, #tpu.memory_space<hbm>> -> memref<256x64xf32, #tpu.memory_space<hbm>>
      tpu.wait_dma2 semaphore(%arg13 : memref<!tpu.dma_semaphore, #tpu.memory_space<semaphore_mem>>) src(%dma_wait3A_416 : memref<256x64xf32, #tpu.memory_space<hbm>>) dst(%dma_wait3A_413 : memref<256x64xf32, #tpu.memory_space<vmem>>)
      %dma_wait3A_417 = arith.constant 1 : i32
      %dma_wait3A_418 = arith.constant 0 : i32
      %dma_wait3A_419 = arith.constant 0 : i32
      %dma_wait3A_420 = tpu.memref_slice %arg10[%dma_wait3A_417, %dma_wait3A_418, %dma_wait3A_419] : memref<2x256x64xf32, #tpu.memory_space<vmem>> -> memref<1x256x64xf32, #tpu.memory_space<vmem>>
      %dma_wait3A_421 = tpu.memref_squeeze %dma_wait3A_420 : memref<1x256x64xf32, #tpu.memory_space<vmem>> -> memref<256x64xf32, #tpu.memory_space<vmem>>
      %dma_wait3A_422 = arith.constant 0 : i32
      %dma_wait3A_423 = arith.constant 0 : i32
      %dma_wait3A_424 = tpu.memref_slice %arg12[%dma_wait3A_422, %dma_wait3A_423] : memref<10240x64xf32, #tpu.memory_space<vmem_shared>> -> memref<256x64xf32, #tpu.memory_space<vmem_shared>>
      %dma_wait3A_425 = arith.constant 0 : i32
      %dma_wait3A_426 = arith.constant 0 : i32
      %dma_wait3A_427 = tpu.memref_slice %arg12[%dma_wait3A_425, %dma_wait3A_426] : memref<10240x64xf32, #tpu.memory_space<vmem_shared>> -> memref<256x64xf32, #tpu.memory_space<vmem_shared>>
      %dma_wait3A_428 = arith.constant 0 : i32
      %dma_wait3A_429 = arith.constant 0 : i32
      %dma_wait3A_430 = tpu.memref_slice %arg10[%dma_wait3A_417, %dma_wait3A_428, %dma_wait3A_429] : memref<2x256x64xf32, #tpu.memory_space<vmem>> -> memref<1x256x64xf32, #tpu.memory_space<vmem>>
      %dma_wait3A_431 = tpu.memref_squeeze %dma_wait3A_430 : memref<1x256x64xf32, #tpu.memory_space<vmem>> -> memref<256x64xf32, #tpu.memory_space<vmem>>
      tpu.wait_dma2 semaphore(%arg16 : memref<!tpu.dma_semaphore, #tpu.memory_space<semaphore_mem>>) src(%dma_wait3A_431 : memref<256x64xf32, #tpu.memory_space<vmem>>) dst(%dma_wait3A_427 : memref<256x64xf32, #tpu.memory_space<vmem_shared>>)
      %dma_start3A_432 = arith.constant 7 : i32
      %dma_start3A_433 = arith.constant 1 : i32
      %dma_start3A_434 = arith.constant 0 : i32
      %dma_start3A_435 = arith.constant 0 : i32
      %dma_start3A_436 = tpu.memref_slice %arg10[%dma_start3A_433, %dma_start3A_434, %dma_start3A_435] : memref<2x256x64xf32, #tpu.memory_space<vmem>> -> memref<1x256x64xf32, #tpu.memory_space<vmem>>
      %dma_start3A_437 = tpu.memref_squeeze %dma_start3A_436 : memref<1x256x64xf32, #tpu.memory_space<vmem>> -> memref<256x64xf32, #tpu.memory_space<vmem>>
      %dma_start3A_438 = arith.constant 0 : i32
      %dma_start3A_439 = tpu.memref_slice %arg8[%rem3A_82, %dma_start3A_432, %dma_start3A_438] : memref<2x8x256xi32, #tpu.memory_space<vmem>> -> memref<1x1x256xi32, #tpu.memory_space<vmem>>
      %dma_start3A_440 = tpu.memref_squeeze %dma_start3A_439 : memref<1x1x256xi32, #tpu.memory_space<vmem>> -> memref<256xi32, #tpu.memory_space<vmem>>
      %dma_start3A_441 = arith.constant 0 : i32
      %dma_start3A_442 = arith.constant 0 : i32
      %dma_start3A_443 = tpu.memref_slice %arg11[%dma_start3A_441, %dma_start3A_442] : memref<10000x64xf32, #tpu.memory_space<vmem_shared>> -> memref<10000x64xf32, #tpu.memory_space<vmem_shared>>
      tpu.enqueue_indirect_dma source(%dma_start3A_443 : memref<10000x64xf32, #tpu.memory_space<vmem_shared>>) target(%dma_start3A_437 : memref<256x64xf32, #tpu.memory_space<vmem>>) offsets(%dma_start3A_440 : memref<256xi32, #tpu.memory_space<vmem>>) semaphore(%arg14 : memref<!tpu.dma_semaphore, #tpu.memory_space<semaphore_mem>>)
      %dma_start3A_444 = arith.constant 0 : i32
      %dma_start3A_445 = arith.constant 6 : i32
      %dma_start3A_446 = arith.constant 0 : i32
      %dma_start3A_447 = arith.constant 0 : i32
      %dma_start3A_448 = tpu.memref_slice %arg10[%dma_start3A_444, %dma_start3A_446, %dma_start3A_447] : memref<2x256x64xf32, #tpu.memory_space<vmem>> -> memref<1x256x64xf32, #tpu.memory_space<vmem>>
      %dma_start3A_449 = tpu.memref_squeeze %dma_start3A_448 : memref<1x256x64xf32, #tpu.memory_space<vmem>> -> memref<256x64xf32, #tpu.memory_space<vmem>>
      %dma_start3A_450 = arith.constant 0 : i32
      %dma_start3A_451 = tpu.memref_slice %arg9[%rem3A_82, %dma_start3A_445, %dma_start3A_450] : memref<2x8x256xi32, #tpu.memory_space<vmem>> -> memref<1x1x256xi32, #tpu.memory_space<vmem>>
      %dma_start3A_452 = tpu.memref_squeeze %dma_start3A_451 : memref<1x1x256xi32, #tpu.memory_space<vmem>> -> memref<256xi32, #tpu.memory_space<vmem>>
      %dma_start3A_453 = arith.constant 0 : i32
      %dma_start3A_454 = arith.constant 0 : i32
      %dma_start3A_455 = tpu.memref_slice %arg12[%dma_start3A_453, %dma_start3A_454] : memref<10240x64xf32, #tpu.memory_space<vmem_shared>> -> memref<10240x64xf32, #tpu.memory_space<vmem_shared>>
      tpu.enqueue_indirect_dma source(%dma_start3A_449 : memref<256x64xf32, #tpu.memory_space<vmem>>) target(%dma_start3A_455 : memref<10240x64xf32, #tpu.memory_space<vmem_shared>>) offsets(%dma_start3A_452 : memref<256xi32, #tpu.memory_space<vmem>>) semaphore(%arg15 : memref<!tpu.dma_semaphore, #tpu.memory_space<semaphore_mem>>) {add = true}
      %dma_wait3A_456 = arith.constant 1 : i32
      %dma_wait3A_457 = arith.constant 0 : i32
      %dma_wait3A_458 = arith.constant 0 : i32
      %dma_wait3A_459 = tpu.memref_slice %arg10[%dma_wait3A_456, %dma_wait3A_457, %dma_wait3A_458] : memref<2x256x64xf32, #tpu.memory_space<vmem>> -> memref<1x256x64xf32, #tpu.memory_space<vmem>>
      %dma_wait3A_460 = tpu.memref_squeeze %dma_wait3A_459 : memref<1x256x64xf32, #tpu.memory_space<vmem>> -> memref<256x64xf32, #tpu.memory_space<vmem>>
      %dma_wait3A_461 = arith.constant 0 : i32
      %dma_wait3A_462 = arith.constant 0 : i32
      %dma_wait3A_463 = tpu.memref_slice %arg2[%dma_wait3A_461, %dma_wait3A_462] : memref<10000x64xf32, #tpu.memory_space<hbm>> -> memref<256x64xf32, #tpu.memory_space<hbm>>
      %dma_wait3A_464 = arith.constant 0 : i32
      %dma_wait3A_465 = arith.constant 0 : i32
      %dma_wait3A_466 = tpu.memref_slice %arg10[%dma_wait3A_456, %dma_wait3A_464, %dma_wait3A_465] : memref<2x256x64xf32, #tpu.memory_space<vmem>> -> memref<1x256x64xf32, #tpu.memory_space<vmem>>
      %dma_wait3A_467 = tpu.memref_squeeze %dma_wait3A_466 : memref<1x256x64xf32, #tpu.memory_space<vmem>> -> memref<256x64xf32, #tpu.memory_space<vmem>>
      %dma_wait3A_468 = arith.constant 0 : i32
      %dma_wait3A_469 = arith.constant 0 : i32
      %dma_wait3A_470 = tpu.memref_slice %arg2[%dma_wait3A_468, %dma_wait3A_469] : memref<10000x64xf32, #tpu.memory_space<hbm>> -> memref<256x64xf32, #tpu.memory_space<hbm>>
      tpu.wait_dma2 semaphore(%arg14 : memref<!tpu.dma_semaphore, #tpu.memory_space<semaphore_mem>>) src(%dma_wait3A_470 : memref<256x64xf32, #tpu.memory_space<hbm>>) dst(%dma_wait3A_467 : memref<256x64xf32, #tpu.memory_space<vmem>>)
      %dma_wait3A_471 = arith.constant 0 : i32
      %dma_wait3A_472 = arith.constant 0 : i32
      %dma_wait3A_473 = arith.constant 0 : i32
      %dma_wait3A_474 = tpu.memref_slice %arg10[%dma_wait3A_471, %dma_wait3A_472, %dma_wait3A_473] : memref<2x256x64xf32, #tpu.memory_space<vmem>> -> memref<1x256x64xf32, #tpu.memory_space<vmem>>
      %dma_wait3A_475 = tpu.memref_squeeze %dma_wait3A_474 : memref<1x256x64xf32, #tpu.memory_space<vmem>> -> memref<256x64xf32, #tpu.memory_space<vmem>>
      %dma_wait3A_476 = arith.constant 0 : i32
      %dma_wait3A_477 = arith.constant 0 : i32
      %dma_wait3A_478 = tpu.memref_slice %arg12[%dma_wait3A_476, %dma_wait3A_477] : memref<10240x64xf32, #tpu.memory_space<vmem_shared>> -> memref<256x64xf32, #tpu.memory_space<vmem_shared>>
      %dma_wait3A_479 = arith.constant 0 : i32
      %dma_wait3A_480 = arith.constant 0 : i32
      %dma_wait3A_481 = tpu.memref_slice %arg12[%dma_wait3A_479, %dma_wait3A_480] : memref<10240x64xf32, #tpu.memory_space<vmem_shared>> -> memref<256x64xf32, #tpu.memory_space<vmem_shared>>
      %dma_wait3A_482 = arith.constant 0 : i32
      %dma_wait3A_483 = arith.constant 0 : i32
      %dma_wait3A_484 = tpu.memref_slice %arg10[%dma_wait3A_471, %dma_wait3A_482, %dma_wait3A_483] : memref<2x256x64xf32, #tpu.memory_space<vmem>> -> memref<1x256x64xf32, #tpu.memory_space<vmem>>
      %dma_wait3A_485 = tpu.memref_squeeze %dma_wait3A_484 : memref<1x256x64xf32, #tpu.memory_space<vmem>> -> memref<256x64xf32, #tpu.memory_space<vmem>>
      tpu.wait_dma2 semaphore(%arg15 : memref<!tpu.dma_semaphore, #tpu.memory_space<semaphore_mem>>) src(%dma_wait3A_485 : memref<256x64xf32, #tpu.memory_space<vmem>>) dst(%dma_wait3A_481 : memref<256x64xf32, #tpu.memory_space<vmem_shared>>)
      %lt3A_486 = arith.constant 10 : i32
      %lt3A_487 = arith.cmpi slt, %add3A_81, %lt3A_486 : i32
      %convert_element_type3A_488 = arith.extui %lt3A_487 : i1 to i32
      %cond3A_489 = arith.constant 0 : i32
      %cond3A_490 = arith.cmpi ne, %convert_element_type3A_488, %cond3A_489 : i32
      scf.if %cond3A_490 {
        %dma_wait3A_503 = arith.constant 0 : i32
        %dma_wait3A_504 = arith.constant 0 : i32
        %dma_wait3A_505 = tpu.memref_slice %arg8[%rem3A_84, %dma_wait3A_503, %dma_wait3A_504] : memref<2x8x256xi32, #tpu.memory_space<vmem>> -> memref<1x8x256xi32, #tpu.memory_space<vmem>>
        %dma_wait3A_506 = tpu.memref_squeeze %dma_wait3A_505 : memref<1x8x256xi32, #tpu.memory_space<vmem>> -> memref<8x256xi32, #tpu.memory_space<vmem>>
        %dma_wait3A_507 = arith.constant 0 : i32
        %dma_wait3A_508 = arith.constant 0 : i32
        %dma_wait3A_509 = tpu.memref_slice %arg4[%arg1, %dma_wait3A_507, %dma_wait3A_508] : memref<16x80x256xi32, #tpu.memory_space<hbm>> -> memref<1x8x256xi32, #tpu.memory_space<hbm>>
        %dma_wait3A_510 = tpu.memref_squeeze %dma_wait3A_509 : memref<1x8x256xi32, #tpu.memory_space<hbm>> -> memref<8x256xi32, #tpu.memory_space<hbm>>
        %dma_wait3A_511 = arith.constant 0 : i32
        %dma_wait3A_512 = arith.constant 0 : i32
        %dma_wait3A_513 = tpu.memref_slice %arg8[%rem3A_84, %dma_wait3A_511, %dma_wait3A_512] : memref<2x8x256xi32, #tpu.memory_space<vmem>> -> memref<1x8x256xi32, #tpu.memory_space<vmem>>
        %dma_wait3A_514 = tpu.memref_squeeze %dma_wait3A_513 : memref<1x8x256xi32, #tpu.memory_space<vmem>> -> memref<8x256xi32, #tpu.memory_space<vmem>>
        %dma_wait3A_515 = arith.constant 0 : i32
        %dma_wait3A_516 = arith.constant 0 : i32
        %dma_wait3A_517 = tpu.memref_slice %arg4[%arg1, %dma_wait3A_515, %dma_wait3A_516] : memref<16x80x256xi32, #tpu.memory_space<hbm>> -> memref<1x8x256xi32, #tpu.memory_space<hbm>>
        %dma_wait3A_518 = tpu.memref_squeeze %dma_wait3A_517 : memref<1x8x256xi32, #tpu.memory_space<hbm>> -> memref<8x256xi32, #tpu.memory_space<hbm>>
        tpu.wait_dma2 semaphore(%arg17 : memref<!tpu.dma_semaphore, #tpu.memory_space<semaphore_mem>>) src(%dma_wait3A_518 : memref<8x256xi32, #tpu.memory_space<hbm>>) dst(%dma_wait3A_514 : memref<8x256xi32, #tpu.memory_space<vmem>>)
        %dma_wait3A_519 = arith.constant 0 : i32
        %dma_wait3A_520 = arith.constant 0 : i32
        %dma_wait3A_521 = tpu.memref_slice %arg9[%rem3A_84, %dma_wait3A_519, %dma_wait3A_520] : memref<2x8x256xi32, #tpu.memory_space<vmem>> -> memref<1x8x256xi32, #tpu.memory_space<vmem>>
        %dma_wait3A_522 = tpu.memref_squeeze %dma_wait3A_521 : memref<1x8x256xi32, #tpu.memory_space<vmem>> -> memref<8x256xi32, #tpu.memory_space<vmem>>
        %dma_wait3A_523 = arith.constant 0 : i32
        %dma_wait3A_524 = arith.constant 0 : i32
        %dma_wait3A_525 = tpu.memref_slice %arg5[%arg1, %dma_wait3A_523, %dma_wait3A_524] : memref<16x80x256xi32, #tpu.memory_space<hbm>> -> memref<1x8x256xi32, #tpu.memory_space<hbm>>
        %dma_wait3A_526 = tpu.memref_squeeze %dma_wait3A_525 : memref<1x8x256xi32, #tpu.memory_space<hbm>> -> memref<8x256xi32, #tpu.memory_space<hbm>>
        %dma_wait3A_527 = arith.constant 0 : i32
        %dma_wait3A_528 = arith.constant 0 : i32
        %dma_wait3A_529 = tpu.memref_slice %arg9[%rem3A_84, %dma_wait3A_527, %dma_wait3A_528] : memref<2x8x256xi32, #tpu.memory_space<vmem>> -> memref<1x8x256xi32, #tpu.memory_space<vmem>>
        %dma_wait3A_530 = tpu.memref_squeeze %dma_wait3A_529 : memref<1x8x256xi32, #tpu.memory_space<vmem>> -> memref<8x256xi32, #tpu.memory_space<vmem>>
        %dma_wait3A_531 = arith.constant 0 : i32
        %dma_wait3A_532 = arith.constant 0 : i32
        %dma_wait3A_533 = tpu.memref_slice %arg5[%arg1, %dma_wait3A_531, %dma_wait3A_532] : memref<16x80x256xi32, #tpu.memory_space<hbm>> -> memref<1x8x256xi32, #tpu.memory_space<hbm>>
        %dma_wait3A_534 = tpu.memref_squeeze %dma_wait3A_533 : memref<1x8x256xi32, #tpu.memory_space<hbm>> -> memref<8x256xi32, #tpu.memory_space<hbm>>
        tpu.wait_dma2 semaphore(%arg17 : memref<!tpu.dma_semaphore, #tpu.memory_space<semaphore_mem>>) src(%dma_wait3A_534 : memref<8x256xi32, #tpu.memory_space<hbm>>) dst(%dma_wait3A_530 : memref<8x256xi32, #tpu.memory_space<vmem>>)
        %dma_start3A_535 = arith.constant 0 : i32
        %dma_start3A_536 = arith.constant 0 : i32
        %dma_start3A_537 = arith.constant 0 : i32
        %dma_start3A_538 = arith.constant 0 : i32
        %dma_start3A_539 = tpu.memref_slice %arg10[%dma_start3A_536, %dma_start3A_537, %dma_start3A_538] : memref<2x256x64xf32, #tpu.memory_space<vmem>> -> memref<1x256x64xf32, #tpu.memory_space<vmem>>
        %dma_start3A_540 = tpu.memref_squeeze %dma_start3A_539 : memref<1x256x64xf32, #tpu.memory_space<vmem>> -> memref<256x64xf32, #tpu.memory_space<vmem>>
        %dma_start3A_541 = arith.constant 0 : i32
        %dma_start3A_542 = tpu.memref_slice %arg8[%rem3A_84, %dma_start3A_535, %dma_start3A_541] : memref<2x8x256xi32, #tpu.memory_space<vmem>> -> memref<1x1x256xi32, #tpu.memory_space<vmem>>
        %dma_start3A_543 = tpu.memref_squeeze %dma_start3A_542 : memref<1x1x256xi32, #tpu.memory_space<vmem>> -> memref<256xi32, #tpu.memory_space<vmem>>
        %dma_start3A_544 = arith.constant 0 : i32
        %dma_start3A_545 = arith.constant 0 : i32
        %dma_start3A_546 = tpu.memref_slice %arg11[%dma_start3A_544, %dma_start3A_545] : memref<10000x64xf32, #tpu.memory_space<vmem_shared>> -> memref<10000x64xf32, #tpu.memory_space<vmem_shared>>
        tpu.enqueue_indirect_dma source(%dma_start3A_546 : memref<10000x64xf32, #tpu.memory_space<vmem_shared>>) target(%dma_start3A_540 : memref<256x64xf32, #tpu.memory_space<vmem>>) offsets(%dma_start3A_543 : memref<256xi32, #tpu.memory_space<vmem>>) semaphore(%arg13 : memref<!tpu.dma_semaphore, #tpu.memory_space<semaphore_mem>>)
      } else {
      }
      %dma_start3A_491 = arith.constant 1 : i32
      %dma_start3A_492 = arith.constant 7 : i32
      %dma_start3A_493 = arith.constant 0 : i32
      %dma_start3A_494 = arith.constant 0 : i32
      %dma_start3A_495 = tpu.memref_slice %arg10[%dma_start3A_491, %dma_start3A_493, %dma_start3A_494] : memref<2x256x64xf32, #tpu.memory_space<vmem>> -> memref<1x256x64xf32, #tpu.memory_space<vmem>>
      %dma_start3A_496 = tpu.memref_squeeze %dma_start3A_495 : memref<1x256x64xf32, #tpu.memory_space<vmem>> -> memref<256x64xf32, #tpu.memory_space<vmem>>
      %dma_start3A_497 = arith.constant 0 : i32
      %dma_start3A_498 = tpu.memref_slice %arg9[%rem3A_82, %dma_start3A_492, %dma_start3A_497] : memref<2x8x256xi32, #tpu.memory_space<vmem>> -> memref<1x1x256xi32, #tpu.memory_space<vmem>>
      %dma_start3A_499 = tpu.memref_squeeze %dma_start3A_498 : memref<1x1x256xi32, #tpu.memory_space<vmem>> -> memref<256xi32, #tpu.memory_space<vmem>>
      %dma_start3A_500 = arith.constant 0 : i32
      %dma_start3A_501 = arith.constant 0 : i32
      %dma_start3A_502 = tpu.memref_slice %arg12[%dma_start3A_500, %dma_start3A_501] : memref<10240x64xf32, #tpu.memory_space<vmem_shared>> -> memref<10240x64xf32, #tpu.memory_space<vmem_shared>>
      tpu.enqueue_indirect_dma source(%dma_start3A_496 : memref<256x64xf32, #tpu.memory_space<vmem>>) target(%dma_start3A_502 : memref<10240x64xf32, #tpu.memory_space<vmem_shared>>) offsets(%dma_start3A_499 : memref<256xi32, #tpu.memory_space<vmem>>) semaphore(%arg16 : memref<!tpu.dma_semaphore, #tpu.memory_space<semaphore_mem>>) {add = true}
    }
    %scan3A_53 = arith.constant 10 : i32
    %dma_wait3A = arith.constant 1 : i32
    %dma_wait3A_54 = arith.constant 0 : i32
    %dma_wait3A_55 = arith.constant 0 : i32
    %dma_wait3A_56 = tpu.memref_slice %arg10[%dma_wait3A, %dma_wait3A_54, %dma_wait3A_55] : memref<2x256x64xf32, #tpu.memory_space<vmem>> -> memref<1x256x64xf32, #tpu.memory_space<vmem>>
    %dma_wait3A_57 = tpu.memref_squeeze %dma_wait3A_56 : memref<1x256x64xf32, #tpu.memory_space<vmem>> -> memref<256x64xf32, #tpu.memory_space<vmem>>
    %dma_wait3A_58 = arith.constant 0 : i32
    %dma_wait3A_59 = arith.constant 0 : i32
    %dma_wait3A_60 = tpu.memref_slice %arg12[%dma_wait3A_58, %dma_wait3A_59] : memref<10240x64xf32, #tpu.memory_space<vmem_shared>> -> memref<256x64xf32, #tpu.memory_space<vmem_shared>>
    %dma_wait3A_61 = arith.constant 0 : i32
    %dma_wait3A_62 = arith.constant 0 : i32
    %dma_wait3A_63 = tpu.memref_slice %arg12[%dma_wait3A_61, %dma_wait3A_62] : memref<10240x64xf32, #tpu.memory_space<vmem_shared>> -> memref<256x64xf32, #tpu.memory_space<vmem_shared>>
    %dma_wait3A_64 = arith.constant 0 : i32
    %dma_wait3A_65 = arith.constant 0 : i32
    %dma_wait3A_66 = tpu.memref_slice %arg10[%dma_wait3A, %dma_wait3A_64, %dma_wait3A_65] : memref<2x256x64xf32, #tpu.memory_space<vmem>> -> memref<1x256x64xf32, #tpu.memory_space<vmem>>
    %dma_wait3A_67 = tpu.memref_squeeze %dma_wait3A_66 : memref<1x256x64xf32, #tpu.memory_space<vmem>> -> memref<256x64xf32, #tpu.memory_space<vmem>>
    tpu.wait_dma2 semaphore(%arg16 : memref<!tpu.dma_semaphore, #tpu.memory_space<semaphore_mem>>) src(%dma_wait3A_67 : memref<256x64xf32, #tpu.memory_space<vmem>>) dst(%dma_wait3A_63 : memref<256x64xf32, #tpu.memory_space<vmem_shared>>)
    %barrier3A_68 = arith.constant 0 : index
    tpu.barrier barrier_id(%barrier3A_68)
    %eq3A_69 = arith.constant 0 : i32
    %eq3A_70 = arith.cmpi eq, %arg0, %eq3A_69 : i32
    %convert_element_type3A_71 = arith.extui %eq3A_70 : i1 to i32
    %cond3A_72 = arith.constant 0 : i32
    %cond3A_73 = arith.cmpi ne, %convert_element_type3A_71, %cond3A_72 : i32
    scf.if %cond3A_73 {
      %mul3A_79 = arith.constant 640 : i32
      %mul3A_80 = arith.muli %arg1, %mul3A_79 : i32
      %lt3A = arith.constant 15 : i32
      %lt3A_81 = arith.cmpi slt, %arg1, %lt3A : i32
      %convert_element_type3A_82 = arith.extui %lt3A_81 : i1 to i32
      %cond3A_83 = arith.constant 0 : i32
      %cond3A_84 = arith.cmpi ne, %convert_element_type3A_82, %cond3A_83 : i32
      scf.if %cond3A_84 {
        "tpu.region"() ({
          %run_scoped3A_90 = tpu.sem_alloc : memref<!tpu.dma_semaphore, #tpu.memory_space<semaphore_mem>>
          %dma_start3A_91 = arith.constant 0 : i32
          %dma_start3A_92 = tpu.memref_slice %arg6[%mul3A_80, %dma_start3A_91] : memref<10000x64xf32, #tpu.memory_space<hbm>> -> memref<640x64xf32, #tpu.memory_space<hbm>>
          %dma_start3A_93 = arith.constant 0 : i32
          %dma_start3A_94 = tpu.memref_slice %arg12[%mul3A_80, %dma_start3A_93] : memref<10240x64xf32, #tpu.memory_space<vmem_shared>> -> memref<640x64xf32, #tpu.memory_space<vmem_shared>>
          tpu.enqueue_dma source(%dma_start3A_94 : memref<640x64xf32, #tpu.memory_space<vmem_shared>>) target(%dma_start3A_92 : memref<640x64xf32, #tpu.memory_space<hbm>>) target_semaphore(%run_scoped3A_90 : memref<!tpu.dma_semaphore, #tpu.memory_space<semaphore_mem>>)
          %dma_wait3A_95 = arith.constant 0 : i32
          %dma_wait3A_96 = tpu.memref_slice %arg6[%mul3A_80, %dma_wait3A_95] : memref<10000x64xf32, #tpu.memory_space<hbm>> -> memref<640x64xf32, #tpu.memory_space<hbm>>
          %dma_wait3A_97 = arith.constant 0 : i32
          %dma_wait3A_98 = tpu.memref_slice %arg12[%mul3A_80, %dma_wait3A_97] : memref<10240x64xf32, #tpu.memory_space<vmem_shared>> -> memref<640x64xf32, #tpu.memory_space<vmem_shared>>
          tpu.wait_dma2 semaphore(%run_scoped3A_90 : memref<!tpu.dma_semaphore, #tpu.memory_space<semaphore_mem>>) src(%dma_wait3A_98 : memref<640x64xf32, #tpu.memory_space<vmem_shared>>) dst(%dma_wait3A_96 : memref<640x64xf32, #tpu.memory_space<hbm>>)
          tpu.yield
        }) : () -> ()
      } else {
      }
      %eq3A_85 = arith.constant 15 : i32
      %eq3A_86 = arith.cmpi eq, %arg1, %eq3A_85 : i32
      %convert_element_type3A_87 = arith.extui %eq3A_86 : i1 to i32
      %cond3A_88 = arith.constant 0 : i32
      %cond3A_89 = arith.cmpi ne, %convert_element_type3A_87, %cond3A_88 : i32
      scf.if %cond3A_89 {
        "tpu.region"() ({
          %run_scoped3A_90 = tpu.sem_alloc : memref<!tpu.dma_semaphore, #tpu.memory_space<semaphore_mem>>
          %dma_start3A_91 = arith.constant 9600 : i32
          %dma_start3A_92 = arith.constant 0 : i32
          %dma_start3A_93 = tpu.memref_slice %arg6[%dma_start3A_91, %dma_start3A_92] : memref<10000x64xf32, #tpu.memory_space<hbm>> -> memref<400x64xf32, #tpu.memory_space<hbm>>
          %dma_start3A_94 = arith.constant 9600 : i32
          %dma_start3A_95 = arith.constant 0 : i32
          %dma_start3A_96 = tpu.memref_slice %arg12[%dma_start3A_94, %dma_start3A_95] : memref<10240x64xf32, #tpu.memory_space<vmem_shared>> -> memref<400x64xf32, #tpu.memory_space<vmem_shared>>
          tpu.enqueue_dma source(%dma_start3A_96 : memref<400x64xf32, #tpu.memory_space<vmem_shared>>) target(%dma_start3A_93 : memref<400x64xf32, #tpu.memory_space<hbm>>) target_semaphore(%run_scoped3A_90 : memref<!tpu.dma_semaphore, #tpu.memory_space<semaphore_mem>>)
          %dma_wait3A_97 = arith.constant 9600 : i32
          %dma_wait3A_98 = arith.constant 0 : i32
          %dma_wait3A_99 = tpu.memref_slice %arg6[%dma_wait3A_97, %dma_wait3A_98] : memref<10000x64xf32, #tpu.memory_space<hbm>> -> memref<400x64xf32, #tpu.memory_space<hbm>>
          %dma_wait3A_100 = arith.constant 9600 : i32
          %dma_wait3A_101 = arith.constant 0 : i32
          %dma_wait3A_102 = tpu.memref_slice %arg12[%dma_wait3A_100, %dma_wait3A_101] : memref<10240x64xf32, #tpu.memory_space<vmem_shared>> -> memref<400x64xf32, #tpu.memory_space<vmem_shared>>
          tpu.wait_dma2 semaphore(%run_scoped3A_90 : memref<!tpu.dma_semaphore, #tpu.memory_space<semaphore_mem>>) src(%dma_wait3A_102 : memref<400x64xf32, #tpu.memory_space<vmem_shared>>) dst(%dma_wait3A_99 : memref<400x64xf32, #tpu.memory_space<hbm>>)
          tpu.yield
        }) : () -> ()
      } else {
      }
    } else {
    }
    %eq3A_74 = arith.constant 1 : i32
    %eq3A_75 = arith.cmpi eq, %arg0, %eq3A_74 : i32
    %convert_element_type3A_76 = arith.extui %eq3A_75 : i1 to i32
    %cond3A_77 = arith.constant 0 : i32
    %cond3A_78 = arith.cmpi ne, %convert_element_type3A_76, %cond3A_77 : i32
    scf.if %cond3A_78 {
      %mul3A_79 = arith.constant 640 : i32
      %mul3A_80 = arith.muli %arg1, %mul3A_79 : i32
      %lt3A = arith.constant 15 : i32
      %lt3A_81 = arith.cmpi slt, %arg1, %lt3A : i32
      %convert_element_type3A_82 = arith.extui %lt3A_81 : i1 to i32
      %cond3A_83 = arith.constant 0 : i32
      %cond3A_84 = arith.cmpi ne, %convert_element_type3A_82, %cond3A_83 : i32
      scf.if %cond3A_84 {
        "tpu.region"() ({
          %run_scoped3A_90 = tpu.sem_alloc : memref<!tpu.dma_semaphore, #tpu.memory_space<semaphore_mem>>
          %dma_start3A_91 = arith.constant 0 : i32
          %dma_start3A_92 = tpu.memref_slice %arg7[%mul3A_80, %dma_start3A_91] : memref<10000x64xf32, #tpu.memory_space<hbm>> -> memref<640x64xf32, #tpu.memory_space<hbm>>
          %dma_start3A_93 = arith.constant 0 : i32
          %dma_start3A_94 = tpu.memref_slice %arg12[%mul3A_80, %dma_start3A_93] : memref<10240x64xf32, #tpu.memory_space<vmem_shared>> -> memref<640x64xf32, #tpu.memory_space<vmem_shared>>
          tpu.enqueue_dma source(%dma_start3A_94 : memref<640x64xf32, #tpu.memory_space<vmem_shared>>) target(%dma_start3A_92 : memref<640x64xf32, #tpu.memory_space<hbm>>) target_semaphore(%run_scoped3A_90 : memref<!tpu.dma_semaphore, #tpu.memory_space<semaphore_mem>>)
          %dma_wait3A_95 = arith.constant 0 : i32
          %dma_wait3A_96 = tpu.memref_slice %arg7[%mul3A_80, %dma_wait3A_95] : memref<10000x64xf32, #tpu.memory_space<hbm>> -> memref<640x64xf32, #tpu.memory_space<hbm>>
          %dma_wait3A_97 = arith.constant 0 : i32
          %dma_wait3A_98 = tpu.memref_slice %arg12[%mul3A_80, %dma_wait3A_97] : memref<10240x64xf32, #tpu.memory_space<vmem_shared>> -> memref<640x64xf32, #tpu.memory_space<vmem_shared>>
          tpu.wait_dma2 semaphore(%run_scoped3A_90 : memref<!tpu.dma_semaphore, #tpu.memory_space<semaphore_mem>>) src(%dma_wait3A_98 : memref<640x64xf32, #tpu.memory_space<vmem_shared>>) dst(%dma_wait3A_96 : memref<640x64xf32, #tpu.memory_space<hbm>>)
          tpu.yield
        }) : () -> ()
      } else {
      }
      %eq3A_85 = arith.constant 15 : i32
      %eq3A_86 = arith.cmpi eq, %arg1, %eq3A_85 : i32
      %convert_element_type3A_87 = arith.extui %eq3A_86 : i1 to i32
      %cond3A_88 = arith.constant 0 : i32
      %cond3A_89 = arith.cmpi ne, %convert_element_type3A_87, %cond3A_88 : i32
      scf.if %cond3A_89 {
        "tpu.region"() ({
          %run_scoped3A_90 = tpu.sem_alloc : memref<!tpu.dma_semaphore, #tpu.memory_space<semaphore_mem>>
          %dma_start3A_91 = arith.constant 9600 : i32
          %dma_start3A_92 = arith.constant 0 : i32
          %dma_start3A_93 = tpu.memref_slice %arg7[%dma_start3A_91, %dma_start3A_92] : memref<10000x64xf32, #tpu.memory_space<hbm>> -> memref<400x64xf32, #tpu.memory_space<hbm>>
          %dma_start3A_94 = arith.constant 9600 : i32
          %dma_start3A_95 = arith.constant 0 : i32
          %dma_start3A_96 = tpu.memref_slice %arg12[%dma_start3A_94, %dma_start3A_95] : memref<10240x64xf32, #tpu.memory_space<vmem_shared>> -> memref<400x64xf32, #tpu.memory_space<vmem_shared>>
          tpu.enqueue_dma source(%dma_start3A_96 : memref<400x64xf32, #tpu.memory_space<vmem_shared>>) target(%dma_start3A_93 : memref<400x64xf32, #tpu.memory_space<hbm>>) target_semaphore(%run_scoped3A_90 : memref<!tpu.dma_semaphore, #tpu.memory_space<semaphore_mem>>)
          %dma_wait3A_97 = arith.constant 9600 : i32
          %dma_wait3A_98 = arith.constant 0 : i32
          %dma_wait3A_99 = tpu.memref_slice %arg7[%dma_wait3A_97, %dma_wait3A_98] : memref<10000x64xf32, #tpu.memory_space<hbm>> -> memref<400x64xf32, #tpu.memory_space<hbm>>
          %dma_wait3A_100 = arith.constant 9600 : i32
          %dma_wait3A_101 = arith.constant 0 : i32
          %dma_wait3A_102 = tpu.memref_slice %arg12[%dma_wait3A_100, %dma_wait3A_101] : memref<10240x64xf32, #tpu.memory_space<vmem_shared>> -> memref<400x64xf32, #tpu.memory_space<vmem_shared>>
          tpu.wait_dma2 semaphore(%run_scoped3A_90 : memref<!tpu.dma_semaphore, #tpu.memory_space<semaphore_mem>>) src(%dma_wait3A_102 : memref<400x64xf32, #tpu.memory_space<vmem_shared>>) dst(%dma_wait3A_99 : memref<400x64xf32, #tpu.memory_space<hbm>>)
          tpu.yield
        }) : () -> ()
      } else {
      }
    } else {
    }
    return
  }
}

module attributes {stable_mosaic.version = 14 : i64} {
  func.func @_mlp2_body(%arg0: memref<10000x64xf32, #tpu.memory_space<vmem>>, %arg1: memref<10000x64xf32, #tpu.memory_space<vmem>>, %arg2: memref<10000x64xf32, #tpu.memory_space<vmem>>, %arg3: memref<10000x64xf32, #tpu.memory_space<vmem>>, %arg4: memref<10000x64xf32, #tpu.memory_space<vmem>>, %arg5: memref<10000x64xf32, #tpu.memory_space<vmem>>, %arg6: memref<10000x64xf32, #tpu.memory_space<vmem>>, %arg7: memref<10000x64xf32, #tpu.memory_space<vmem>>, %arg8: memref<1x10000xi32, #tpu.memory_space<vmem>>, %arg9: memref<256x256xf32, #tpu.memory_space<vmem>>, %arg10: memref<1x256xf32, #tpu.memory_space<vmem>>, %arg11: memref<1x256xf32, #tpu.memory_space<vmem>>, %arg12: memref<1x256xf32, #tpu.memory_space<vmem>>, %arg13: memref<256x256xf32, #tpu.memory_space<vmem>>, %arg14: memref<1x256xf32, #tpu.memory_space<vmem>>, %arg15: memref<256x256xf32, #tpu.memory_space<vmem>>, %arg16: memref<1x256xf32, #tpu.memory_space<vmem>>, %arg17: memref<64x256xf32, #tpu.memory_space<vmem>>) attributes {dimension_semantics = [], scalar_prefetch = 0 : i64, scratch_operands = 0 : i64, tpu.core_type = #tpu.core_type<tc>} {
    %get3A = arith.constant 0 : index
    %get3A_0 = arith.constant 0 : index
    %get3A_1 = vector.load %arg0[%get3A, %get3A_0] : memref<10000x64xf32, #tpu.memory_space<vmem>>, vector<10000x64xf32>
    %get3A_2 = arith.constant 0 : index
    %get3A_3 = arith.constant 0 : index
    %get3A_4 = vector.load %arg4[%get3A_2, %get3A_3] : memref<10000x64xf32, #tpu.memory_space<vmem>>, vector<10000x64xf32>
    %add3A = arith.addf %get3A_1, %get3A_4 : vector<10000x64xf32>
    %get3A_5 = arith.constant 0 : index
    %get3A_6 = arith.constant 0 : index
    %get3A_7 = vector.load %arg1[%get3A_5, %get3A_6] : memref<10000x64xf32, #tpu.memory_space<vmem>>, vector<10000x64xf32>
    %get3A_8 = arith.constant 0 : index
    %get3A_9 = arith.constant 0 : index
    %get3A_10 = vector.load %arg5[%get3A_8, %get3A_9] : memref<10000x64xf32, #tpu.memory_space<vmem>>, vector<10000x64xf32>
    %add3A_11 = arith.addf %get3A_7, %get3A_10 : vector<10000x64xf32>
    %get3A_12 = arith.constant 0 : index
    %get3A_13 = arith.constant 0 : index
    %get3A_14 = vector.load %arg2[%get3A_12, %get3A_13] : memref<10000x64xf32, #tpu.memory_space<vmem>>, vector<10000x64xf32>
    %get3A_15 = arith.constant 0 : index
    %get3A_16 = arith.constant 0 : index
    %get3A_17 = vector.load %arg6[%get3A_15, %get3A_16] : memref<10000x64xf32, #tpu.memory_space<vmem>>, vector<10000x64xf32>
    %add3A_18 = arith.addf %get3A_14, %get3A_17 : vector<10000x64xf32>
    %get3A_19 = arith.constant 0 : index
    %get3A_20 = arith.constant 0 : index
    %get3A_21 = vector.load %arg3[%get3A_19, %get3A_20] : memref<10000x64xf32, #tpu.memory_space<vmem>>, vector<10000x64xf32>
    %get3A_22 = arith.constant 0 : index
    %get3A_23 = arith.constant 0 : index
    %get3A_24 = vector.load %arg7[%get3A_22, %get3A_23] : memref<10000x64xf32, #tpu.memory_space<vmem>>, vector<10000x64xf32>
    %add3A_25 = arith.addf %get3A_21, %get3A_24 : vector<10000x64xf32>
    %concatenate3A = tpu.concatenate %add3A, %add3A_11, %add3A_18, %add3A_25 in 1 : vector<10000x64xf32>, vector<10000x64xf32>, vector<10000x64xf32>, vector<10000x64xf32> -> vector<10000x256xf32>
    %get3A_26 = arith.constant 0 : index
    %get3A_27 = arith.constant 0 : index
    %get3A_28 = vector.load %arg9[%get3A_26, %get3A_27] : memref<256x256xf32, #tpu.memory_space<vmem>>, vector<256x256xf32>
    %dot_general3A = arith.constant dense<0.000000e+00> : vector<10000x256xf32>
    %dot_general3A_29 = tpu.matmul %concatenate3A, %get3A_28, %dot_general3A {dimension_numbers = #tpu.dot_dimension_numbers<[1], [0], [0], [1], [0, 0, 1, 1], [], []>, transpose_lhs_hint = false} : vector<10000x256xf32>, vector<256x256xf32>, vector<10000x256xf32> -> vector<10000x256xf32>
    %get3A_30 = arith.constant 0 : index
    %get3A_31 = arith.constant 0 : index
    %get3A_32 = vector.load %arg10[%get3A_30, %get3A_31] : memref<1x256xf32, #tpu.memory_space<vmem>>, vector<1x256xf32>
    %add3A_33 = vector.broadcast %get3A_32 : vector<1x256xf32> to vector<10000x256xf32>
    %add3A_34 = arith.addf %dot_general3A_29, %add3A_33 : vector<10000x256xf32>
    %reduce_sum3A = arith.constant dense<0.000000e+00> : vector<256xf32>
    %reduce_sum3A_35 = vector.multi_reduction <add>, %add3A_34, %reduce_sum3A [0] : vector<10000x256xf32> to vector<256xf32>
    %broadcast_in_dim3A = vector.shape_cast %reduce_sum3A_35 : vector<256xf32> to vector<1x256xf32>
    %div3A = arith.constant 1.000000e+04 : f32
    %div3A_36 = vector.broadcast %div3A : f32 to vector<1x256xf32>
    %div3A_37 = arith.divf %broadcast_in_dim3A, %div3A_36 : vector<1x256xf32>
    %mul3A = arith.mulf %add3A_34, %add3A_34 : vector<10000x256xf32>
    %reduce_sum3A_38 = arith.constant dense<0.000000e+00> : vector<256xf32>
    %reduce_sum3A_39 = vector.multi_reduction <add>, %mul3A, %reduce_sum3A_38 [0] : vector<10000x256xf32> to vector<256xf32>
    %broadcast_in_dim3A_40 = vector.shape_cast %reduce_sum3A_39 : vector<256xf32> to vector<1x256xf32>
    %div3A_41 = arith.constant 1.000000e+04 : f32
    %div3A_42 = vector.broadcast %div3A_41 : f32 to vector<1x256xf32>
    %div3A_43 = arith.divf %broadcast_in_dim3A_40, %div3A_42 : vector<1x256xf32>
    %mul3A_44 = arith.mulf %div3A_37, %div3A_37 : vector<1x256xf32>
    %sub3A = arith.subf %div3A_43, %mul3A_44 : vector<1x256xf32>
    %sub3A_45 = vector.broadcast %div3A_37 : vector<1x256xf32> to vector<10000x256xf32>
    %sub3A_46 = arith.subf %add3A_34, %sub3A_45 : vector<10000x256xf32>
    %get3A_47 = arith.constant 0 : index
    %get3A_48 = arith.constant 0 : index
    %get3A_49 = vector.load %arg11[%get3A_47, %get3A_48] : memref<1x256xf32, #tpu.memory_space<vmem>>, vector<1x256xf32>
    %add3A_50 = arith.constant 9.99999974E-6 : f32
    %add3A_51 = vector.broadcast %add3A_50 : f32 to vector<1x256xf32>
    %add3A_52 = arith.addf %sub3A, %add3A_51 : vector<1x256xf32>
    %rsqrt3A = math.rsqrt %add3A_52 : vector<1x256xf32>
    %mul3A_53 = arith.mulf %get3A_49, %rsqrt3A : vector<1x256xf32>
    %mul3A_54 = vector.broadcast %mul3A_53 : vector<1x256xf32> to vector<10000x256xf32>
    %mul3A_55 = arith.mulf %sub3A_46, %mul3A_54 : vector<10000x256xf32>
    %get3A_56 = arith.constant 0 : index
    %get3A_57 = arith.constant 0 : index
    %get3A_58 = vector.load %arg12[%get3A_56, %get3A_57] : memref<1x256xf32, #tpu.memory_space<vmem>>, vector<1x256xf32>
    %add3A_59 = vector.broadcast %get3A_58 : vector<1x256xf32> to vector<10000x256xf32>
    %add3A_60 = arith.addf %mul3A_55, %add3A_59 : vector<10000x256xf32>
    %max3A = arith.constant 0.000000e+00 : f32
    %max3A_61 = vector.broadcast %max3A : f32 to vector<10000x256xf32>
    %max3A_62 = arith.maximumf %add3A_60, %max3A_61 : vector<10000x256xf32>
    %get3A_63 = arith.constant 0 : index
    %get3A_64 = arith.constant 0 : index
    %get3A_65 = vector.load %arg13[%get3A_63, %get3A_64] : memref<256x256xf32, #tpu.memory_space<vmem>>, vector<256x256xf32>
    %dot_general3A_66 = arith.constant dense<0.000000e+00> : vector<10000x256xf32>
    %dot_general3A_67 = tpu.matmul %max3A_62, %get3A_65, %dot_general3A_66 {dimension_numbers = #tpu.dot_dimension_numbers<[1], [0], [0], [1], [0, 0, 1, 1], [], []>, transpose_lhs_hint = false} : vector<10000x256xf32>, vector<256x256xf32>, vector<10000x256xf32> -> vector<10000x256xf32>
    %get3A_68 = arith.constant 0 : index
    %get3A_69 = arith.constant 0 : index
    %get3A_70 = vector.load %arg14[%get3A_68, %get3A_69] : memref<1x256xf32, #tpu.memory_space<vmem>>, vector<1x256xf32>
    %add3A_71 = vector.broadcast %get3A_70 : vector<1x256xf32> to vector<10000x256xf32>
    %add3A_72 = arith.addf %dot_general3A_67, %add3A_71 : vector<10000x256xf32>
    %max3A_73 = arith.constant 0.000000e+00 : f32
    %max3A_74 = vector.broadcast %max3A_73 : f32 to vector<10000x256xf32>
    %max3A_75 = arith.maximumf %add3A_72, %max3A_74 : vector<10000x256xf32>
    %iota3A = tpu.iota {dimensions = array<i32: 0>} : vector<64x10000xi32>
    %get3A_76 = arith.constant 0 : index
    %get3A_77 = arith.constant 0 : index
    %get3A_78 = vector.load %arg8[%get3A_76, %get3A_77] : memref<1x10000xi32, #tpu.memory_space<vmem>>, vector<1x10000xi32>
    %eq3A = vector.broadcast %get3A_78 : vector<1x10000xi32> to vector<64x10000xi32>
    %eq3A_79 = arith.cmpi eq, %eq3A, %iota3A : vector<64x10000xi32>
    %convert_element_type3A = arith.extui %eq3A_79 : vector<64x10000xi1> to vector<64x10000xi32>
    %convert_element_type3A_80 = arith.sitofp %convert_element_type3A : vector<64x10000xi32> to vector<64x10000xf32>
    %dot_general3A_81 = arith.constant dense<0.000000e+00> : vector<64x256xf32>
    %dot_general3A_82 = tpu.matmul %convert_element_type3A_80, %max3A_75, %dot_general3A_81 {dimension_numbers = #tpu.dot_dimension_numbers<[1], [0], [0], [1], [0, 0, 1, 1], [], []>, transpose_lhs_hint = false} : vector<64x10000xf32>, vector<10000x256xf32>, vector<64x256xf32> -> vector<64x256xf32>
    %reduce_sum3A_83 = arith.constant dense<0.000000e+00> : vector<64xf32>
    %reduce_sum3A_84 = vector.multi_reduction <add>, %convert_element_type3A_80, %reduce_sum3A_83 [1] : vector<64x10000xf32> to vector<64xf32>
    %broadcast_in_dim3A_85 = vector.shape_cast %reduce_sum3A_84 : vector<64xf32> to vector<64x1xf32>
    %max3A_86 = arith.constant 1.000000e+00 : f32
    %max3A_87 = vector.broadcast %max3A_86 : f32 to vector<64x1xf32>
    %max3A_88 = arith.maximumf %broadcast_in_dim3A_85, %max3A_87 : vector<64x1xf32>
    %div3A_89 = vector.broadcast %max3A_88 : vector<64x1xf32> to vector<64x256xf32>
    %div3A_90 = arith.divf %dot_general3A_82, %div3A_89 : vector<64x256xf32>
    %get3A_91 = arith.constant 0 : index
    %get3A_92 = arith.constant 0 : index
    %get3A_93 = vector.load %arg15[%get3A_91, %get3A_92] : memref<256x256xf32, #tpu.memory_space<vmem>>, vector<256x256xf32>
    %dot_general3A_94 = arith.constant dense<0.000000e+00> : vector<64x256xf32>
    %dot_general3A_95 = tpu.matmul %div3A_90, %get3A_93, %dot_general3A_94 {dimension_numbers = #tpu.dot_dimension_numbers<[1], [0], [0], [1], [0, 0, 1, 1], [], []>, transpose_lhs_hint = false} : vector<64x256xf32>, vector<256x256xf32>, vector<64x256xf32> -> vector<64x256xf32>
    %get3A_96 = arith.constant 0 : index
    %get3A_97 = arith.constant 0 : index
    %get3A_98 = vector.load %arg16[%get3A_96, %get3A_97] : memref<1x256xf32, #tpu.memory_space<vmem>>, vector<1x256xf32>
    %add3A_99 = vector.broadcast %get3A_98 : vector<1x256xf32> to vector<64x256xf32>
    %add3A_100 = arith.addf %dot_general3A_95, %add3A_99 : vector<64x256xf32>
    %swap3A = arith.constant 0 : index
    %swap3A_101 = arith.constant 0 : index
    %swap3A_102 = vector.load %arg17[%swap3A, %swap3A_101] : memref<64x256xf32, #tpu.memory_space<vmem>>, vector<64x256xf32>
    tpu.vector_store %arg17[%swap3A, %swap3A_101], %add3A_100 {strides = array<i32>} : memref<64x256xf32, #tpu.memory_space<vmem>>, vector<64x256xf32>,
    return
  }
}

module attributes {stable_mosaic.version = 14 : i64} {
  func.func @_mlp1_body(%arg0: memref<10000x128xf32, #tpu.memory_space<vmem>>, %arg1: memref<10000x64xf32, #tpu.memory_space<vmem>>, %arg2: memref<10000x64xf32, #tpu.memory_space<vmem>>, %arg3: memref<128x256xf32, #tpu.memory_space<vmem>>, %arg4: memref<1x256xf32, #tpu.memory_space<vmem>>, %arg5: memref<1x256xf32, #tpu.memory_space<vmem>>, %arg6: memref<1x256xf32, #tpu.memory_space<vmem>>, %arg7: memref<256x256xf32, #tpu.memory_space<vmem>>, %arg8: memref<1x256xf32, #tpu.memory_space<vmem>>, %arg9: memref<10000x64xf32, #tpu.memory_space<vmem>>, %arg10: memref<10000x64xf32, #tpu.memory_space<vmem>>, %arg11: memref<10000x64xf32, #tpu.memory_space<vmem>>, %arg12: memref<10000x64xf32, #tpu.memory_space<vmem>>) attributes {dimension_semantics = [], scalar_prefetch = 0 : i64, scratch_operands = 0 : i64, tpu.core_type = #tpu.core_type<tc>} {
    %get3A = arith.constant 0 : index
    %get3A_0 = arith.constant 0 : index
    %get3A_1 = vector.load %arg0[%get3A, %get3A_0] : memref<10000x128xf32, #tpu.memory_space<vmem>>, vector<10000x128xf32>
    %get3A_2 = arith.constant 0 : index
    %get3A_3 = arith.constant 0 : index
    %get3A_4 = vector.load %arg1[%get3A_2, %get3A_3] : memref<10000x64xf32, #tpu.memory_space<vmem>>, vector<10000x64xf32>
    %get3A_5 = arith.constant 0 : index
    %get3A_6 = arith.constant 0 : index
    %get3A_7 = vector.load %arg2[%get3A_5, %get3A_6] : memref<10000x64xf32, #tpu.memory_space<vmem>>, vector<10000x64xf32>
    %concatenate3A = tpu.concatenate %get3A_4, %get3A_7 in 1 : vector<10000x64xf32>, vector<10000x64xf32> -> vector<10000x128xf32>
    %add3A = arith.addf %get3A_1, %concatenate3A : vector<10000x128xf32>
    %get3A_8 = arith.constant 0 : index
    %get3A_9 = arith.constant 0 : index
    %get3A_10 = vector.load %arg3[%get3A_8, %get3A_9] : memref<128x256xf32, #tpu.memory_space<vmem>>, vector<128x256xf32>
    %dot_general3A = arith.constant dense<0.000000e+00> : vector<10000x256xf32>
    %dot_general3A_11 = tpu.matmul %add3A, %get3A_10, %dot_general3A {dimension_numbers = #tpu.dot_dimension_numbers<[1], [0], [0], [1], [0, 0, 1, 1], [], []>, transpose_lhs_hint = false} : vector<10000x128xf32>, vector<128x256xf32>, vector<10000x256xf32> -> vector<10000x256xf32>
    %get3A_12 = arith.constant 0 : index
    %get3A_13 = arith.constant 0 : index
    %get3A_14 = vector.load %arg4[%get3A_12, %get3A_13] : memref<1x256xf32, #tpu.memory_space<vmem>>, vector<1x256xf32>
    %add3A_15 = vector.broadcast %get3A_14 : vector<1x256xf32> to vector<10000x256xf32>
    %add3A_16 = arith.addf %dot_general3A_11, %add3A_15 : vector<10000x256xf32>
    %reduce_sum3A = arith.constant dense<0.000000e+00> : vector<256xf32>
    %reduce_sum3A_17 = vector.multi_reduction <add>, %add3A_16, %reduce_sum3A [0] : vector<10000x256xf32> to vector<256xf32>
    %broadcast_in_dim3A = vector.shape_cast %reduce_sum3A_17 : vector<256xf32> to vector<1x256xf32>
    %div3A = arith.constant 1.000000e+04 : f32
    %div3A_18 = vector.broadcast %div3A : f32 to vector<1x256xf32>
    %div3A_19 = arith.divf %broadcast_in_dim3A, %div3A_18 : vector<1x256xf32>
    %mul3A = arith.mulf %add3A_16, %add3A_16 : vector<10000x256xf32>
    %reduce_sum3A_20 = arith.constant dense<0.000000e+00> : vector<256xf32>
    %reduce_sum3A_21 = vector.multi_reduction <add>, %mul3A, %reduce_sum3A_20 [0] : vector<10000x256xf32> to vector<256xf32>
    %broadcast_in_dim3A_22 = vector.shape_cast %reduce_sum3A_21 : vector<256xf32> to vector<1x256xf32>
    %div3A_23 = arith.constant 1.000000e+04 : f32
    %div3A_24 = vector.broadcast %div3A_23 : f32 to vector<1x256xf32>
    %div3A_25 = arith.divf %broadcast_in_dim3A_22, %div3A_24 : vector<1x256xf32>
    %mul3A_26 = arith.mulf %div3A_19, %div3A_19 : vector<1x256xf32>
    %sub3A = arith.subf %div3A_25, %mul3A_26 : vector<1x256xf32>
    %sub3A_27 = vector.broadcast %div3A_19 : vector<1x256xf32> to vector<10000x256xf32>
    %sub3A_28 = arith.subf %add3A_16, %sub3A_27 : vector<10000x256xf32>
    %get3A_29 = arith.constant 0 : index
    %get3A_30 = arith.constant 0 : index
    %get3A_31 = vector.load %arg5[%get3A_29, %get3A_30] : memref<1x256xf32, #tpu.memory_space<vmem>>, vector<1x256xf32>
    %add3A_32 = arith.constant 9.99999974E-6 : f32
    %add3A_33 = vector.broadcast %add3A_32 : f32 to vector<1x256xf32>
    %add3A_34 = arith.addf %sub3A, %add3A_33 : vector<1x256xf32>
    %rsqrt3A = math.rsqrt %add3A_34 : vector<1x256xf32>
    %mul3A_35 = arith.mulf %get3A_31, %rsqrt3A : vector<1x256xf32>
    %mul3A_36 = vector.broadcast %mul3A_35 : vector<1x256xf32> to vector<10000x256xf32>
    %mul3A_37 = arith.mulf %sub3A_28, %mul3A_36 : vector<10000x256xf32>
    %get3A_38 = arith.constant 0 : index
    %get3A_39 = arith.constant 0 : index
    %get3A_40 = vector.load %arg6[%get3A_38, %get3A_39] : memref<1x256xf32, #tpu.memory_space<vmem>>, vector<1x256xf32>
    %add3A_41 = vector.broadcast %get3A_40 : vector<1x256xf32> to vector<10000x256xf32>
    %add3A_42 = arith.addf %mul3A_37, %add3A_41 : vector<10000x256xf32>
    %max3A = arith.constant 0.000000e+00 : f32
    %max3A_43 = vector.broadcast %max3A : f32 to vector<10000x256xf32>
    %max3A_44 = arith.maximumf %add3A_42, %max3A_43 : vector<10000x256xf32>
    %get3A_45 = arith.constant 0 : index
    %get3A_46 = arith.constant 0 : index
    %get3A_47 = vector.load %arg7[%get3A_45, %get3A_46] : memref<256x256xf32, #tpu.memory_space<vmem>>, vector<256x256xf32>
    %dot_general3A_48 = arith.constant dense<0.000000e+00> : vector<10000x256xf32>
    %dot_general3A_49 = tpu.matmul %max3A_44, %get3A_47, %dot_general3A_48 {dimension_numbers = #tpu.dot_dimension_numbers<[1], [0], [0], [1], [0, 0, 1, 1], [], []>, transpose_lhs_hint = false} : vector<10000x256xf32>, vector<256x256xf32>, vector<10000x256xf32> -> vector<10000x256xf32>
    %get3A_50 = arith.constant 0 : index
    %get3A_51 = arith.constant 0 : index
    %get3A_52 = vector.load %arg8[%get3A_50, %get3A_51] : memref<1x256xf32, #tpu.memory_space<vmem>>, vector<1x256xf32>
    %add3A_53 = vector.broadcast %get3A_52 : vector<1x256xf32> to vector<10000x256xf32>
    %add3A_54 = arith.addf %dot_general3A_49, %add3A_53 : vector<10000x256xf32>
    %max3A_55 = arith.constant 0.000000e+00 : f32
    %max3A_56 = vector.broadcast %max3A_55 : f32 to vector<10000x256xf32>
    %max3A_57 = arith.maximumf %add3A_54, %max3A_56 : vector<10000x256xf32>
    %slice3A = vector.extract_strided_slice %max3A_57 {offsets = [0, 0], sizes = [10000, 64], strides = [1, 1]} : vector<10000x256xf32> to vector<10000x64xf32>
    %swap3A = arith.constant 0 : index
    %swap3A_58 = arith.constant 0 : index
    %swap3A_59 = vector.load %arg9[%swap3A, %swap3A_58] : memref<10000x64xf32, #tpu.memory_space<vmem>>, vector<10000x64xf32>
    tpu.vector_store %arg9[%swap3A, %swap3A_58], %slice3A {strides = array<i32>} : memref<10000x64xf32, #tpu.memory_space<vmem>>, vector<10000x64xf32>,
    %slice3A_60 = vector.extract_strided_slice %max3A_57 {offsets = [0, 64], sizes = [10000, 64], strides = [1, 1]} : vector<10000x256xf32> to vector<10000x64xf32>
    %swap3A_61 = arith.constant 0 : index
    %swap3A_62 = arith.constant 0 : index
    %swap3A_63 = vector.load %arg10[%swap3A_61, %swap3A_62] : memref<10000x64xf32, #tpu.memory_space<vmem>>, vector<10000x64xf32>
    tpu.vector_store %arg10[%swap3A_61, %swap3A_62], %slice3A_60 {strides = array<i32>} : memref<10000x64xf32, #tpu.memory_space<vmem>>, vector<10000x64xf32>,
    %slice3A_64 = vector.extract_strided_slice %max3A_57 {offsets = [0, 128], sizes = [10000, 64], strides = [1, 1]} : vector<10000x256xf32> to vector<10000x64xf32>
    %swap3A_65 = arith.constant 0 : index
    %swap3A_66 = arith.constant 0 : index
    %swap3A_67 = vector.load %arg11[%swap3A_65, %swap3A_66] : memref<10000x64xf32, #tpu.memory_space<vmem>>, vector<10000x64xf32>
    tpu.vector_store %arg11[%swap3A_65, %swap3A_66], %slice3A_64 {strides = array<i32>} : memref<10000x64xf32, #tpu.memory_space<vmem>>, vector<10000x64xf32>,
    %slice3A_68 = vector.extract_strided_slice %max3A_57 {offsets = [0, 192], sizes = [10000, 64], strides = [1, 1]} : vector<10000x256xf32> to vector<10000x64xf32>
    %swap3A_69 = arith.constant 0 : index
    %swap3A_70 = arith.constant 0 : index
    %swap3A_71 = vector.load %arg12[%swap3A_69, %swap3A_70] : memref<10000x64xf32, #tpu.memory_space<vmem>>, vector<10000x64xf32>
    tpu.vector_store %arg12[%swap3A_69, %swap3A_70], %slice3A_68 {strides = array<i32>} : memref<10000x64xf32, #tpu.memory_space<vmem>>, vector<10000x64xf32>,
    return
  }
}

</mosaic_0001>

<sc_bundles>
// kernel: kernel.6.cloned.1.call-start
scs
__scs_entry_jumppad:
0x0: {  	(pc) =	sbr.rel $0x88, $3  }
0x1: {  	(tag) =	ssettag $0x0;
	lr =	simm.s32 $0x1  }
0x2: {  	[smem:$0x3F90] =	sst lr;
	_ =	strace $0xD0000000  }
0x3: {  	_ = 	snop  }
0x4: {  	_ = 	snop  }
0x5: {  	_ = 	snop  }
0x6: {  	_ = 	snop  }
0x7: {  	_ = 	snop  }
__scs_overlays_trampoline_lowered:
0x8: {  	[smem:$0x3F9F] =	sst s0  }
0x9: {  	[smem:$0x3FA0] =	sst s1  }
0xa: {  	[smem:$0x3FA1] =	sst s2  }
0xb: {  	[smem:$0x3FA2] =	sst s3  }
0xc: {  	[smem:$0x3FA3] =	sst s4  }
0xd: {  	[smem:$0x3FA4] =	sst s5  }
0xe: {  	[smem:$0x3FA5] =	sst s6  }
0xf: {  	[smem:$0x3FA6] =	sst s7  }
0x10: {  	[smem:$0x3FA7] =	sst s8  }
0x11: {  	[smem:$0x3FA8] =	sst s9;
	s0 =	simm.s32 @!p0 $0x0  }
0x12: {  	s1 =	sld [smem:$0x3F8E];
	s0 =	simm.s32 @p0 $0x1  }
0x13: {  	[smem:$0x3FA9] =	sst s0;
	s0 =	simm.s32 @!p1 $0x0  }
0x14: {  	s2 =	sld [smem:$0x3F8D];
	s0 =	simm.s32 @p1 $0x1  }
0x15: {  	[smem:$0x3FAA] =	sst s0;
	s0 =	simm.s32 @!p2 $0x0  }
0x16: {  	s3 =	sld [smem:$0x3FDB];
	s0 =	simm.s32 @p2 $0x1  }
0x17: {  	s4 =	simm.s32 $0x1BF5;
	[smem:$0x3FAC] =	sst s0  }
0x18: {  	s0 =	sld [smem:$0x3F8F];
	_ =	swait.ge [sflag:s4], $0x0  }
0x19: {  	s7 =	sld [smem:$0x3F90]  }
0x1a: {  	s8 =	sadd.s32 $0xFFFFE003, lr  }
0x1b: {  	s9 =	sadd.s32 $0xFFFFFEF7, lr;
	s5 =	simm.s32 $0xFFFFFFFF;
	p2 =	slt.u32 s8, $0xFFFFF086  }
0x1c: {  	p1 =	slt.u32 s9, $0xF7A;
	s5 =	simm.s32 @!p2 $0x0  }
0x1d: {  	s5 =	simm.s32 @p1 $0x1;
	p0 =	seq.s32 s7, s2  }
0x1e: {  	s7 =	smul.u32 @!p0 $0xF7A, s2;
	p2 =	seq.s32 @!p0 s5, $0x0  }
0x1f: {  	s9 =	smul.u32 $0xF7A, s1;
	s8 =	simm.s32 @!p0 $0x1BF5;
	p2 =	por !p2, p0  }
0x20: {  	[sflag:s8] =	ssyncset.s32 @!p0 $0xFFFFF086;
	s6 =	sadd.s32 @!p0 s3, s7;
	s7 =	simm.s32 @!p0 $0x108  }
0x21: {  	s3 =	sadd.s32 s3, s9;
	s6 =	sadd.s32 @!p0 $0x88, s6;
	s7 =	simm.s32 @p2 $0x1082  }
0x22: {  	[simem:s7], [sflag:s8] =	dma.local @!p0 [hbm:s6], $0xF7A  }
0x23: {  	s9 =	sor.u32 $0xD0000000, s2;
	s6 =	simm.s32 $0x108;
	_ =	swait.ge @!p0 [sflag:s8], $0x0  }
0x24: {  	s3 =	sadd.s32 $0x88, s3;
	s6 =	simm.s32 @!p1 $0x1082;
	[sflag:s4] =	ssyncset.s32 $0xFFFFF086  }
0x25: {  	[simem:s6], [sflag:s4] =	dma.local [hbm:s3], $0xF7A  }
0x26: {  	[smem:$0x3F90] =	sst s1;
	(tag) =	ssettag s2;
	_ =	strace s9  }
0x27: {  	s1 =	sld [smem:$0x3FA0]  }
0x28: {  	s2 =	sld [smem:$0x3FA1]  }
0x29: {  	s4 =	sld [smem:$0x3FA3]  }
0x2a: {  	p0 =	seq.s32 s5, $0x0;
	s5 =	sld [smem:$0x3FA4]  }
0x2b: {  	s6 =	sld [smem:$0x3FA5]  }
0x2c: {  	s7 =	sld [smem:$0x3FA6]  }
0x2d: {  	s3 =	simm.s32 $0x108;
	s8 =	sld [smem:$0x3FA7]  }
0x2e: {  	s3 =	simm.s32 @!p0 $0x1082;
	s9 =	sld [smem:$0x3FA8]  }
0x2f: {  	lr =	sadd.s32 s0, s3;
	s0 =	sld [smem:$0x3F9F]  }
0x30: {  	s3 =	sld [smem:$0x3FA2]  }
0x31: {  	[smem:$0x3FAB] =	sst s10  }
0x32: {  	s10 =	sld [smem:$0x3FA9];
	_ =	sdelay $0x3  }
0x33: {  	p0 =	seq.s32 s10, $0x1;
	s10 =	sld [smem:$0x3FAB];
	_ =	sdelay $0x3  }
0x34: {  	[smem:$0x3FAB] =	sst s10  }
0x35: {  	s10 =	sld [smem:$0x3FAA];
	_ =	sdelay $0x3  }
0x36: {  	p1 =	seq.s32 s10, $0x1;
	s10 =	sld [smem:$0x3FAB];
	_ =	sdelay $0x3  }
0x37: {  	[smem:$0x3FAB] =	sst s10  }
0x38: {  	s10 =	sld [smem:$0x3FAC]  }
0x39: {  	_ = 	snop;
	(pc) =	sbr.ind lr, $3  }
0x3a: {  	_ = 	snop  }
0x3b: {  	_ = 	snop  }
0x3c: {  	p2 =	seq.s32 s10, $0x1;
	s10 =	sld [smem:$0x3FAB]  }
0x3d: {  	_ =	shalt  }
0x3e: {  	_ =	shalt  }
0x3f: {  	_ =	shalt  }
0x40: {  	_ =	shalt  }
0x41: {  	_ =	shalt  }
0x42: {  	_ =	shalt  }
0x43: {  	_ =	shalt  }
0x44: {  	_ =	shalt  }
0x45: {  	_ =	shalt  }
0x46: {  	_ =	shalt  }
0x47: {  	_ =	shalt  }
0x48: {  	_ =	shalt  }
0x49: {  	_ =	shalt  }
0x4a: {  	_ =	shalt  }
0x4b: {  	_ =	shalt  }
0x4c: {  	_ =	shalt  }
0x4d: {  	_ =	shalt  }
0x4e: {  	_ =	shalt  }
0x4f: {  	_ =	shalt  }
0x50: {  	_ =	shalt  }
0x51: {  	_ =	shalt  }
0x52: {  	_ =	shalt  }
0x53: {  	_ =	shalt  }
0x54: {  	_ =	shalt  }
0x55: {  	_ =	shalt  }
0x56: {  	_ =	shalt  }
0x57: {  	_ =	shalt  }
0x58: {  	_ =	shalt  }
0x59: {  	_ =	shalt  }
0x5a: {  	_ =	shalt  }
0x5b: {  	_ =	shalt  }
0x5c: {  	_ =	shalt  }
0x5d: {  	_ =	shalt  }
0x5e: {  	_ =	shalt  }
0x5f: {  	_ =	shalt  }
0x60: {  	_ =	shalt  }
0x61: {  	_ =	shalt  }
0x62: {  	_ =	shalt  }
0x63: {  	_ =	shalt  }
0x64: {  	_ =	shalt  }
0x65: {  	_ =	shalt  }
0x66: {  	_ =	shalt  }
0x67: {  	_ =	shalt  }
0x68: {  	_ =	shalt  }
0x69: {  	_ =	shalt  }
0x6a: {  	_ =	shalt  }
0x6b: {  	_ =	shalt  }
0x6c: {  	_ =	shalt  }
0x6d: {  	_ =	shalt  }
0x6e: {  	_ =	shalt  }
0x6f: {  	_ =	shalt  }
0x70: {  	_ =	shalt  }
0x71: {  	_ =	shalt  }
0x72: {  	_ =	shalt  }
0x73: {  	_ =	shalt  }
0x74: {  	_ =	shalt  }
0x75: {  	_ =	shalt  }
0x76: {  	_ =	shalt  }
0x77: {  	_ =	shalt  }
0x78: {  	_ =	shalt  }
0x79: {  	_ =	shalt  }
0x7a: {  	_ =	shalt  }
0x7b: {  	_ =	shalt  }
0x7c: {  	_ =	shalt  }
0x7d: {  	_ =	shalt  }
0x7e: {  	_ =	shalt  }
0x7f: {  	_ =	shalt  }
0x80: {  	_ =	shalt  }
0x81: {  	_ =	shalt  }
0x82: {  	_ =	shalt  }
0x83: {  	_ =	shalt  }
0x84: {  	_ =	shalt  }
0x85: {  	_ =	shalt  }
0x86: {  	_ =	shalt  }
0x87: {  	_ =	shalt  }
.Lfunc_end0:
.L_simem_size_0:
called_computation_lowered:
.L_overlay_start_0:
0x88: {  	s2 =	sld [smem:$0x3FD9]  }
0x89: {  	s3 =	sld [smem:$0x3FFE];
	_ =	sdelay $0x1  }
0x8a: {  	s1 =	srdreg.scid  }
0x8b: {  	s0 =	sand.u32 $0x1, s1  }
0x8c: {  	s16 =	sshll.u32 s0, $0xA;
	s2 =	sadd.s32 s3, s2  }
0x8d: {  	s2 =	sadd.s32 s2, s16  }
0x8e: {  	[smem:$0x3FB7] =	sst s2  }
0x8f: {  	_ = 	snop  }
0x90: {  	(tm) =	ssettm $0x1  }
0x91: {  	s17 =	sld [smem:$0x3FFB];
	_ =	sdelay $0x3  }
0x92: {  	_ =	strace s17  }
0x93: {  	s2 =	sld [smem:$0x3FFC];
	_ =	sdelay $0x3  }
0x94: {  	_ =	strace s2  }
0x95: {  	s2 =	sld [smem:$0x3FFD];
	_ =	sdelay $0x3  }
0x96: {  	_ =	strace s2  }
0x97: {  	_ =	strace $0x8FFFFFFF  }
0x98: {  	s18 =	sld [smem:$0x3FDB];
	_ =	sdelay $0x1  }
0x99: {  	s19 =	simm.s32 $_scs_section_size  }
0x9a: {  	s4 =	simm.s32 $_size__tile_overlayer_lowered;
	s5 =	simm.s32 $_tile_overlayer_lowered  }
0x9b: {  	s22 =	simm.s32 $0x1BFF;
	s21 =	sshll.u32 s5, $0x1;
	s2 =	sadd.s32 s19, s18  }
0x9c: {  	s6 =	simm.s32 $0x0;
	s20 =	sshll.u32 s4, $0x1;
	s4 =	sadd.s32 s21, s2  }
0x9d: {  	[timem:s6], [sflag:s22] =	dma.local [hbm:s4], s20  }
0x9e: {  	_ =	swait.ge [sflag:s22], s20  }
0x9f: {  	s3 =	ssub.s32 $0x0, s20;
	[sflag:s22] =	ssyncset.done $0x0  }
0xa0: {  	[sflag:s22] =	ssyncadd.s32 s3;
	_ =	sdelay $0x1  }
0xa1: {  	s23 =	simm.s32 $0x1B8B  }
0xa2: {  	_ =	swait.ge [sflag:s23], $0x1  }
0xa3: {  	[sflag:s23] =	ssyncset.done $0x0  }
0xa4: {  	s25 =	simm.s32 $0x1B8E;
	s24 =	sld [smem:$0x3FFE];
	[sflag:s23] =	ssyncadd.s32 $0xFFFFFFFF  }
0xa5: {  	s26 =	simm.s32 $execute0_lowered;
	[smem:$0x3FD2] =	sst s25  }
0xa6: {  	s4 =	sshll.u32 s26, $0x1;
	_ =	strace $0x80000046;
	[dreg:$0x1] =	wrdreg $0xFFFFFFFF  }
0xa7: {  	s28 =	simm.s32 $_size_execute0_lowered;
	s2 =	sadd.s32 s2, s4;
	[dreg:$0x0] =	wrdreg $0x0  }
0xa8: {  	s4 =	sshll.u32 s28, $0x1;
	[dreg:$0x2] =	wrdreg s2  }
0xa9: {  	[dreg:$0x3] =	wrdreg s4  }
0xaa: {  	[dreg:$0x4] =	wrdreg $0xC0  }
0xab: {  	_ =	task [dreg:s6], $0x5FFFF  }
0xac: {  	[dreg:$0x1] =	wrdreg $0xFFFFFFFF  }
0xad: {  	[dreg:$0x0] =	wrdreg $0x60  }
0xae: {  	[dreg:$0x2] =	wrdreg s24  }
0xaf: {  	[dreg:$0x3] =	wrdreg $0xA0000  }
0xb0: {  	[dreg:$0x4] =	wrdreg $0x13C400  }
0xb1: {  	[dreg:$0x5] =	wrdreg $0x9  }
0xb2: {  	_ =	task.clear_ibuf [dreg:s6], $0x6FFFF;
	_ =	strace $0x90000046  }
0xb3: {  	s29 =	simm.s32 $0x9;
	_ =	strace $0x80000048  }
0xb4: {  	_ =	swait.ge [sflag:s29], $0x1  }
0xb5: {  	[sflag:s29] =	ssyncadd.s32 $0xFFFFFFFF  }
0xb6: {  	_ =	strace $0x90000048  }
0xb7: {  	_ =	sfence  }
0xb8: {  	s30 =	sld [smem:$0x0];
	_ =	sdelay $0x2  }
0xb9: {  	s31 =	sshll.u32 s1, $0xD;
	s1 =	sshrl.u32 s1, $0x2  }
0xba: {  	s3 =	sand.u32 $0x4000, s31;
	s1 =	sadd.s32 s1, s30  }
0xbb: {  	s0 =	sor.u32 s3, s0;
	s1 =	sshll.u32 s1, $0x11  }
0xbc: {  	s0 =	sor.u32 s1, s0  }
0xbd: {  	s0 =	sadd.s32 $0x8F2B, s0  }
0xbe: {  	[sflag:s0] =	ssyncadd.remote.s32 $0x1  }
0xbf: {  	_ =	sfence.sel $0xFFFF  }
0xc0: {  	[dreg:$0x0] =	wrdreg $0xFFFFFFFF;
	(pc) =	sbr.abs _section_cstart, $3  }
0xc1: {  	[dreg:$0x1] =	wrdreg $0xFFFFFFFF  }
0xc2: {  	_ =	task.clear_ibuf [dreg:s6], $0x2FFFF;
	_ =	strace $0x9FFFFFFF  }
0xc3: {  	(tm) =	ssettm $0x7FFFFFFF  }
tec
execute0_lowered:
.L_overlay_start_1:
0x0: {  	(tag) =	ssettag $0x1  }
0x1: {  	s0 =	rddreg [dreg:$0x0]  }
0x2: {  	s2 =	rddreg [dreg:$0x1]  }
0x3: {  	s3 =	rddreg [dreg:$0x2];
	s4 =	simm.s32 $0x0  }
0x4: {  	s15 =	stileid.u32;
	s1 =	srdreg.scid;
	s28 =	simm.s32 $0x6  }
0x5: {  	s30 =	simm.s32 $0x100;
	s31 =	simm.s32 $0x1;
	s29 =	simm.s32 $0x2  }
0x6: {  	[smem:$0x7FF] =	sst s4;
	s6 =	smul.u32 $0xA000, s15;
	s1 =	sand.u32 $0x1, s1  }
0x7: {  	s8 =	sadd.s32 $0x34800, s0;
	s9 =	sadd.s32 $0x2A800, s0;
	s11 =	smul.u32 $0x28000, s15  }
0x8: {  	s13 =	sadd.s32 $0x16000, s0;
	s17 =	sadd.s32 $0x29A00, s0;
	s14 =	smul.u32 $0x5000, s15  }
0x9: {  	s23 =	smul.u32 $0xA00, s15;
	_ =	strace $0x80000047;
	[dreg:$0x5] =	wrdreg s13  }
0xa: {  	s5 =	ssub.s32 $0x2, s1;
	[dreg:$0x7] =	wrdreg s17;
	p3 =	sne.s32 s1, $0x0  }
0xb: {  	s7 =	sshrl.u32 s6, $0x3;
	s10 =	sshrl.u32 s5, $0x1;
	s11 =	sshrl.u32 s11, $0x2  }
0xc: {  	s22 =	sshrl.u32 s14, $0x3;
	s26 =	sadd.s32 s23, s9;
	p1 =	seq.s32 @p3 s15, $0xF  }
0xd: {  	p4 =	seq.s32 @!p3 s15, $0xF;
	s12 =	sadd.s32 s7, s0;
	s10 =	ssub.s32 s5, s10  }
0xe: {  	s5 =	sadd.s32 s6, s2;
	s18 =	sadd.s32 s11, s3;
	s11 =	sadd.s32 s6, s3  }
0xf: {  	s24 =	sadd.s32 s8, s22;
	s6 =	sadd.s32 s9, s22;
	s8 =	sadd.s32 s23, s8  }
0x10: {  	s22 =	sadd.s32 $0x64E00, s0;
	p0 =	por !p1, !p3;
	[dreg:$0xc] =	wrdreg s24  }
0x11: {  	p1 =	por p1, !p3;
	s7 =	sadd.s32 $0x3400, s12;
	[dreg:$0xd] =	wrdreg s6  }
0x12: {  	p2 =	por !p4, p3;
	s16 =	sadd.s32 $0x16E00, s12;
	[dreg:$0x4] =	wrdreg s7  }
0x13: {  	p3 =	por p4, p3;
	s19 =	sadd.s32 $0x2000, s18;
	[dreg:$0x6] =	wrdreg s16  }
0x14: {  	s9 =	simm.s32 $0x0;
	s20 =	sadd.s32 $0x4000, s18;
	[dreg:$0x8] =	wrdreg s19  }
0x15: {  	s21 =	sadd.s32 $0x6000, s18;
	s13 =	sadd.s32 $0x8000, s18;
	[dreg:$0x9] =	wrdreg s20  }
0x16: {  	s25 =	sadd.s32 $0x3E800, s12;
	s23 =	smax.u32 s10, $0x1;
	[dreg:$0xa] =	wrdreg s21  }
0x17: {  	s24 =	sadd.s32 $0x100, s26;
	s26 =	simm.s32 $0x2000;
	[dreg:$0xb] =	wrdreg s13  }
0x18: {  	s6 =	simm.s32 $0x3;
	s7 =	sadd.s32 $0x96000, s2;
	[dreg:$0xe] =	wrdreg s25  }
0x19: {  	s19 =	sadd.s32 $0x51400, s0;
	s20 =	sadd.s32 $0x96000, s3;
	s21 =	sadd.s32 $0x52200, s12  }
0x1a: {  	v0 =	vimm.f32 $0.0e+00;
	s25 =	sadd.s32 $0x100, s8;
	s0 =	simm.s32 $0x6000;
	s8 =	simm.s32 $0x4  }
.LBB2_1:
0x1b: {  	s1 =	sshrl.u32 @!p0 s7, $0x3;
	s10 =	simm.s32 @!p0 $0x1FC6;
	s12 =	rddreg [dreg:$0x5]  }
0x1c: {  	[spmem:s1], [sflag:s10] =	dma.local @!p0 [hbm:s12], $0xC80  }
0x1d: {  	s13 =	stileid.u32;
	s1 =	simm.s32 @!p0 $0x6  }
0x1e: {  	s10 =	sshll.u32 @!p1 s13, $0x6;
	_ =	swait.ge @!p0 [sflag:s1], $0xC80  }
0x1f: {  	s10 =	sor.u32 @!p1 $0x1C06, s10;
	[sflag:s1] =	ssyncset.done @!p0 $0x0  }
0x20: {  	s12 =	rddreg [dreg:$0x4];
	[sflag:s1] =	ssyncadd.s32 @!p0 $0xFFFFF380;
	s1 =	sshrl.u32 @!p1 s5, $0x3  }
0x21: {  	[spmem:s1], [sflag:s10] =	dma.local @!p1 [hbm:s12], $0x1400  }
0x22: {  	s1 =	simm.s32 @!p1 $0x6  }
0x23: {  	_ =	swait.ge @!p1 [sflag:s1], $0x1400  }
0x24: {  	s12 =	simm.s32 @!p2 $0x1FC6;
	[sflag:s1] =	ssyncset.done @!p1 $0x0  }
0x25: {  	s14 =	rddreg [dreg:$0x7];
	[sflag:s1] =	ssyncadd.s32 @!p1 $0xFFFFEC00;
	s1 =	sshrl.u32 @!p2 s7, $0x3  }
0x26: {  	[spmem:s1], [sflag:s12] =	dma.local @!p2 [hbm:s14], $0xC80  }
0x27: {  	s1 =	simm.s32 @!p2 $0x6  }
0x28: {  	_ =	swait.ge @!p2 [sflag:s1], $0xC80  }
0x29: {  	s12 =	sshll.u32 @!p3 s13, $0x6;
	[sflag:s1] =	ssyncset.done @!p2 $0x0;
	s13 =	rddreg [dreg:$0x6]  }
0x2a: {  	[sflag:s1] =	ssyncadd.s32 @!p2 $0xFFFFF380;
	s1 =	sor.u32 @!p3 $0x1C06, s12;
	s12 =	sshrl.u32 @!p3 s5, $0x3  }
0x2b: {  	[spmem:s12], [sflag:s1] =	dma.local @!p3 [hbm:s13], $0x1400  }
0x2c: {  	s12 =	simm.s32 @!p3 $0x6  }
0x2d: {  	_ =	swait.ge @!p3 [sflag:s12], $0x1400  }
0x2e: {  	[sflag:s12] =	ssyncset.done @!p3 $0x0  }
0x2f: {  	s13 =	simm.s32 $0x100;
	[sflag:s12] =	ssyncadd.s32 @!p3 $0xFFFFEC00;
	s12 =	simm.s32 $0x0  }
.LBB2_2:
0x30: {  	p4 =	sne.s32 s13, $0xFF00;
	[tilespmem:s12+$0x2030] =	vst v0;
	s14 =	smov.u32 s13;
	s13 =	sadd.s32 $0x100, s13  }
.Ltmp0:
0x31: {  	[tilespmem:s12+$0x2020] =	vst v0;
	(pc) =	sbr.rel @p4 .LBB2_2-.Ltmp0, $3  }
0x32: {  	[tilespmem:s12+$0x2000] =	vst v0  }
0x33: {  	[tilespmem:s12+$0x2010] =	vst v0;
	_ =	sdelay $0x1  }
0x34: {  	s12 =	sshra.s32 s14, $0x2  }
0x35: {  	[tilespmem:s12+$0x2030] =	vst v0  }
0x36: {  	[tilespmem:s12+$0x2020] =	vst v0  }
0x37: {  	[tilespmem:s12+$0x2000] =	vst v0  }
0x38: {  	[tilespmem:s12+$0x2010] =	vst v0  }
0x39: {  	[spmem:s11] =	stream.linear.scatter [tilespmem:s26], [sflag:$0x6], $0x2000, $0x38;
	[tilespmem:$0x1DC40] =	vst v63  }
0x3a: {  	_ =	swait.ge [sflag:s28], $0x2000  }
0x3b: {  	[sflag:s28] =	ssyncset.done $0x0  }
0x3c: {  	s14 =	rddreg [dreg:$0x8];
	[sflag:s28] =	ssyncadd.s32 $0xFFFFE000  }
0x3d: {  	[spmem:s14] =	stream.linear.scatter [tilespmem:s26], [sflag:$0x6], $0x2000, $0x38;
	[tilespmem:$0x1DC40] =	vst v63  }
0x3e: {  	_ =	swait.ge [sflag:s28], $0x2000  }
0x3f: {  	[sflag:s28] =	ssyncset.done $0x0  }
0x40: {  	s15 =	rddreg [dreg:$0x9];
	[sflag:s28] =	ssyncadd.s32 $0xFFFFE000  }
0x41: {  	[spmem:s15] =	stream.linear.scatter [tilespmem:s26], [sflag:$0x6], $0x2000, $0x38;
	[tilespmem:$0x1DC40] =	vst v63  }
0x42: {  	_ =	swait.ge [sflag:s28], $0x2000  }
0x43: {  	[sflag:s28] =	ssyncset.done $0x0  }
0x44: {  	s16 =	rddreg [dreg:$0xa];
	[sflag:s28] =	ssyncadd.s32 $0xFFFFE000  }
0x45: {  	[spmem:s16] =	stream.linear.scatter [tilespmem:s26], [sflag:$0x6], $0x2000, $0x38;
	[tilespmem:$0x1DC40] =	vst v63  }
0x46: {  	_ =	swait.ge [sflag:s28], $0x2000  }
0x47: {  	[sflag:s28] =	ssyncset.done $0x0  }
0x48: {  	s17 =	rddreg [dreg:$0xb];
	[sflag:s28] =	ssyncadd.s32 $0xFFFFE000  }
0x49: {  	[spmem:s17] =	stream.linear.scatter [tilespmem:s26], [sflag:$0x6], $0x2000, $0x38;
	[tilespmem:$0x1DC40] =	vst v63  }
0x4a: {  	_ =	swait.ge [sflag:s28], $0x2000  }
0x4b: {  	[sflag:s28] =	ssyncset.done $0x0  }
0x4c: {  	[sflag:s28] =	ssyncadd.s32 $0xFFFFE000  }
0x4d: {  	[bflag:$0x0] =	sbarrier.arrive $0xFFFF  }
0x4e: {  	s12 =	simm.s32 $0x0;
	s13 =	rddreg [dreg:$0xc]  }
0x4f: {  	[tilespmem:s12], [sflag:$0x6] =	stream.linear.gather [hbm4b:s13+s12], $0x800, $0x38;
	[tilespmem:$0x1DC40] =	vst v63  }
0x50: {  	_ =	swait.ge [sflag:s28], $0x800  }
0x51: {  	[sflag:s28] =	ssyncset.done $0x0  }
0x52: {  	s14 =	simm.s32 $0x1000;
	s18 =	rddreg [dreg:$0xd];
	[sflag:s28] =	ssyncadd.s32 $0xFFFFF800  }
0x53: {  	[tilespmem:s14], [sflag:$0x6] =	stream.linear.gather [hbm4b:s18+s12], $0x800, $0x38;
	[tilespmem:$0x1DC40] =	vst v63  }
0x54: {  	_ =	swait.ge [sflag:s28], $0x800  }
0x55: {  	[sflag:s28] =	ssyncset.done $0x0  }
0x56: {  	s13 =	simm.s32 $0x1;
	s14 =	simm.s32 $0x0;
	[sflag:s28] =	ssyncadd.s32 $0xFFFFF800  }
0x57: {  	[tilespmem:s26], [sflag:$0x1] =	stream.indirect.gather [spmem:s2], $0x40, s12, s30, $0xb8;
	[tilespmem:$0x1DC40] =	vst v63  }
.LBB2_4:
0x58: {  	p4 =	seq.s32 s14, $0x0  }
0x59: {  	s16 =	simm.s32 @!p4 $0x4  }
0x5a: {  	p5 =	seq.s32 @!p4 s14, $0x900;
	_ =	swait.ge @!p4 [sflag:s16], $0x4000  }
0x5b: {  	s15 =	sand.u32 $0x1, s13;
	p5 =	por p4, !p5;
	[sflag:s16] =	ssyncset.done @!p4 $0x0  }
0x5c: {  	s17 =	sadd.s32 @p5 s14, s25;
	[sflag:s16] =	ssyncadd.s32 @!p4 $0xFFFFC000;
	s16 =	sshll.u32 @p5 s15, $0xB  }
0x5d: {  	[tilespmem:s16], [sflag:$0x5] =	stream.linear.gather @p5 [hbm4b:s17+s4], $0x800, $0x38;
	[tilespmem:$0x1DC40] =	vst v63  }
0x5e: {  	s16 =	sor.u32 @p5 $0x1000, s16;
	s17 =	sadd.s32 @p5 s14, s24  }
0x5f: {  	[tilespmem:s16], [sflag:$0x5] =	stream.linear.gather @p5 [hbm4b:s17+s4], $0x800, $0x38;
	[tilespmem:$0x1DC40] =	vst v63  }
0x60: {  	_ =	swait.ge [sflag:s31], $0x4000  }
0x61: {  	s16 =	sand.u32 $0x800, s12;
	[sflag:s31] =	ssyncset.done $0x0  }
0x62: {  	s18 =	sor.u32 $0x100, s16;
	[sflag:s31] =	ssyncadd.s32 $0xFFFFC000  }
0x63: {  	[tilespmem:s0], [sflag:$0x2] =	stream.indirect.gather [spmem:s2], $0x40, s18, s30, $0xb8;
	[tilespmem:$0x1DC40] =	vst v63  }
0x64: {  	s18 =	sor.u32 $0x1000, s16  }
0x65: {  	[spmem:s3] =	stream.indirect.scatter.add.f32 [tilespmem:s26], [sflag:$0x3], $0x40, s18, s30, $0xb8;
	[tilespmem:$0x1DC40] =	vst v63  }
0x66: {  	_ =	swait.ge [sflag:s29], $0x4000  }
0x67: {  	[sflag:s29] =	ssyncset.done $0x0  }
0x68: {  	[sflag:s29] =	ssyncadd.s32 $0xFFFFC000  }
0x69: {  	_ =	swait.ge [sflag:s6], $0x4000  }
0x6a: {  	[sflag:s6] =	ssyncset.done $0x0  }
0x6b: {  	s18 =	sor.u32 $0x200, s16;
	[sflag:s6] =	ssyncadd.s32 $0xFFFFC000  }
0x6c: {  	[tilespmem:s26], [sflag:$0x1] =	stream.indirect.gather [spmem:s2], $0x40, s18, s30, $0xb8;
	[tilespmem:$0x1DC40] =	vst v63  }
0x6d: {  	s18 =	sor.u32 $0x1100, s16  }
0x6e: {  	[spmem:s3] =	stream.indirect.scatter.add.f32 [tilespmem:s0], [sflag:$0x4], $0x40, s18, s30, $0xb8;
	[tilespmem:$0x1DC40] =	vst v63  }
0x6f: {  	_ =	swait.ge [sflag:s31], $0x4000  }
0x70: {  	[sflag:s31] =	ssyncset.done $0x0  }
0x71: {  	[sflag:s31] =	ssyncadd.s32 $0xFFFFC000  }
0x72: {  	_ =	swait.ge [sflag:s8], $0x4000  }
0x73: {  	[sflag:s8] =	ssyncset.done $0x0  }
0x74: {  	s18 =	sor.u32 $0x300, s16;
	[sflag:s8] =	ssyncadd.s32 $0xFFFFC000  }
0x75: {  	[tilespmem:s0], [sflag:$0x2] =	stream.indirect.gather [spmem:s2], $0x40, s18, s30, $0xb8;
	[tilespmem:$0x1DC40] =	vst v63  }
0x76: {  	s18 =	sor.u32 $0x1200, s16  }
0x77: {  	[spmem:s3] =	stream.indirect.scatter.add.f32 [tilespmem:s26], [sflag:$0x3], $0x40, s18, s30, $0xb8;
	[tilespmem:$0x1DC40] =	vst v63  }
0x78: {  	_ =	swait.ge [sflag:s29], $0x4000  }
0x79: {  	[sflag:s29] =	ssyncset.done $0x0  }
0x7a: {  	[sflag:s29] =	ssyncadd.s32 $0xFFFFC000  }
0x7b: {  	_ =	swait.ge [sflag:s6], $0x4000  }
0x7c: {  	[sflag:s6] =	ssyncset.done $0x0  }
0x7d: {  	s18 =	sor.u32 $0x400, s16;
	[sflag:s6] =	ssyncadd.s32 $0xFFFFC000  }
0x7e: {  	[tilespmem:s26], [sflag:$0x1] =	stream.indirect.gather [spmem:s2], $0x40, s18, s30, $0xb8;
	[tilespmem:$0x1DC40] =	vst v63  }
0x7f: {  	s18 =	sor.u32 $0x1300, s16  }
0x80: {  	[spmem:s3] =	stream.indirect.scatter.add.f32 [tilespmem:s0], [sflag:$0x4], $0x40, s18, s30, $0xb8;
	[tilespmem:$0x1DC40] =	vst v63  }
0x81: {  	_ =	swait.ge [sflag:s31], $0x4000  }
0x82: {  	[sflag:s31] =	ssyncset.done $0x0  }
0x83: {  	[sflag:s31] =	ssyncadd.s32 $0xFFFFC000  }
0x84: {  	_ =	swait.ge [sflag:s8], $0x4000  }
0x85: {  	[sflag:s8] =	ssyncset.done $0x0  }
0x86: {  	s18 =	sor.u32 $0x500, s16;
	[sflag:s8] =	ssyncadd.s32 $0xFFFFC000  }
0x87: {  	[tilespmem:s0], [sflag:$0x2] =	stream.indirect.gather [spmem:s2], $0x40, s18, s30, $0xb8;
	[tilespmem:$0x1DC40] =	vst v63  }
0x88: {  	s18 =	sor.u32 $0x1400, s16  }
0x89: {  	[spmem:s3] =	stream.indirect.scatter.add.f32 [tilespmem:s26], [sflag:$0x3], $0x40, s18, s30, $0xb8;
	[tilespmem:$0x1DC40] =	vst v63  }
0x8a: {  	_ =	swait.ge [sflag:s29], $0x4000  }
0x8b: {  	[sflag:s29] =	ssyncset.done $0x0  }
0x8c: {  	[sflag:s29] =	ssyncadd.s32 $0xFFFFC000  }
0x8d: {  	_ =	swait.ge [sflag:s6], $0x4000  }
0x8e: {  	[sflag:s6] =	ssyncset.done $0x0  }
0x8f: {  	s18 =	sor.u32 $0x600, s16;
	[sflag:s6] =	ssyncadd.s32 $0xFFFFC000  }
0x90: {  	[tilespmem:s26], [sflag:$0x1] =	stream.indirect.gather [spmem:s2], $0x40, s18, s30, $0xb8;
	[tilespmem:$0x1DC40] =	vst v63  }
0x91: {  	s18 =	sor.u32 $0x1500, s16  }
0x92: {  	[spmem:s3] =	stream.indirect.scatter.add.f32 [tilespmem:s0], [sflag:$0x4], $0x40, s18, s30, $0xb8;
	[tilespmem:$0x1DC40] =	vst v63  }
0x93: {  	_ =	swait.ge [sflag:s31], $0x4000  }
0x94: {  	[sflag:s31] =	ssyncset.done $0x0  }
0x95: {  	[sflag:s31] =	ssyncadd.s32 $0xFFFFC000  }
0x96: {  	_ =	swait.ge [sflag:s8], $0x4000  }
0x97: {  	[sflag:s8] =	ssyncset.done $0x0  }
0x98: {  	s17 =	sor.u32 $0x700, s16;
	[sflag:s8] =	ssyncadd.s32 $0xFFFFC000  }
0x99: {  	[tilespmem:s0], [sflag:$0x2] =	stream.indirect.gather [spmem:s2], $0x40, s17, s30, $0xb8;
	[tilespmem:$0x1DC40] =	vst v63  }
0x9a: {  	s16 =	sor.u32 $0x1600, s16  }
0x9b: {  	[spmem:s3] =	stream.indirect.scatter.add.f32 [tilespmem:s26], [sflag:$0x3], $0x40, s16, s30, $0xb8;
	[tilespmem:$0x1DC40] =	vst v63  }
0x9c: {  	_ =	swait.ge [sflag:s29], $0x4000  }
0x9d: {  	[sflag:s29] =	ssyncset.done $0x0  }
0x9e: {  	[sflag:s29] =	ssyncadd.s32 $0xFFFFC000  }
0x9f: {  	p4 =	por @!p4 $0x1, $0x1;
	_ =	swait.ge [sflag:s6], $0x4000  }
0xa0: {  	p4 =	por @p5 $0x0, $0x0;
	[sflag:s6] =	ssyncset.done $0x0  }
0xa1: {  	s16 =	simm.s32 @!p4 $0x5;
	[sflag:s6] =	ssyncadd.s32 $0xFFFFC000  }
0xa2: {  	_ =	swait.ge @!p4 [sflag:s16], $0x800  }
0xa3: {  	[sflag:s16] =	ssyncset.done @!p4 $0x0  }
0xa4: {  	[sflag:s16] =	ssyncadd.s32 @!p4 $0xFFFFF800  }
0xa5: {  	_ =	swait.ge @!p4 [sflag:s16], $0x800  }
0xa6: {  	s14 =	sadd.s32 $0x100, s14;
	s15 =	sshll.u32 @!p4 s15, $0xB;
	[sflag:s16] =	ssyncset.done @!p4 $0x0  }
0xa7: {  	s18 =	simm.s32 @!p4 $0x2000;
	[sflag:s16] =	ssyncadd.s32 @!p4 $0xFFFFF800;
	s16 =	simm.s32 @!p4 $0x100  }
0xa8: {  	[tilespmem:s18], [sflag:$0x1] =	stream.indirect.gather @!p4 [spmem:s2], $0x40, s15, s16, $0xb8;
	[tilespmem:$0x1DC40] =	vst v63  }
0xa9: {  	p4 =	sne.s32 s14, $0xA00  }
.Ltmp1:
0xaa: {  	_ = 	snop;
	(pc) =	sbr.rel @p4 .LBB2_4-.Ltmp1, $3  }
0xab: {  	_ =	sdelay $0x1  }
0xac: {  	s13 =	sadd.s32 $0x1, s13;
	s12 =	sadd.s32 $0x800, s12;
	s18 =	sor.u32 $0x1000, s17  }
0xad: {  	[spmem:s3] =	stream.indirect.scatter.add.f32 [tilespmem:s0], [sflag:$0x4], $0x40, s18, s30, $0xb8;
	[tilespmem:$0x1DC40] =	vst v63  }
0xae: {  	_ =	swait.ge [sflag:s8], $0x4000  }
0xaf: {  	[sflag:s8] =	ssyncset.done $0x0  }
0xb0: {  	[sflag:s8] =	ssyncadd.s32 $0xFFFFC000  }
0xb1: {  	s12 =	sshrl.u32 @!p0 s20, $0x3;
	s13 =	simm.s32 @!p0 $0x1FC6;
	[bflag:$0x0] =	sbarrier.arrive $0xFFFF  }
0xb2: {  	[hbm:s19], [sflag:s13] =	dma.local @!p0 [spmem:s12], $0xC80  }
0xb3: {  	s12 =	simm.s32 @!p0 $0x6  }
0xb4: {  	_ =	swait.ge @!p0 [sflag:s12], $0xC80  }
0xb5: {  	[sflag:s12] =	ssyncset.done @!p0 $0x0  }
0xb6: {  	s13 =	rddreg [dreg:$0xe];
	[sflag:s12] =	ssyncadd.s32 @!p0 $0xFFFFF380;
	s12 =	sshrl.u32 @!p1 s11, $0x3  }
0xb7: {  	[hbm:s13], [sflag:s10] =	dma.local @!p1 [spmem:s12], $0x1400  }
0xb8: {  	s10 =	simm.s32 @!p1 $0x6  }
0xb9: {  	_ =	swait.ge @!p1 [sflag:s10], $0x1400  }
0xba: {  	[sflag:s10] =	ssyncset.done @!p1 $0x0  }
0xbb: {  	s12 =	simm.s32 @!p2 $0x1FC6;
	[sflag:s10] =	ssyncadd.s32 @!p1 $0xFFFFEC00;
	s10 =	sshrl.u32 @!p2 s20, $0x3  }
0xbc: {  	[hbm:s22], [sflag:s12] =	dma.local @!p2 [spmem:s10], $0xC80  }
0xbd: {  	s10 =	simm.s32 @!p2 $0x6  }
0xbe: {  	_ =	swait.ge @!p2 [sflag:s10], $0xC80  }
0xbf: {  	s9 =	sadd.s32 $0x1, s9;
	[sflag:s10] =	ssyncset.done @!p2 $0x0  }
0xc0: {  	p4 =	sne.s32 s9, s23;
	[sflag:s10] =	ssyncadd.s32 @!p2 $0xFFFFF380;
	s10 =	sshrl.u32 @!p3 s11, $0x3  }
0xc1: {  	[hbm:s21], [sflag:s1] =	dma.local @!p3 [spmem:s10], $0x1400  }
.Ltmp2:
0xc2: {  	_ = 	snop;
	(pc) =	sbr.rel @p4 .LBB2_1-.Ltmp2, $4  }
0xc3: {  	s1 =	simm.s32 @!p3 $0x6  }
0xc4: {  	_ =	swait.ge @!p3 [sflag:s1], $0x1400  }
0xc5: {  	[sflag:s1] =	ssyncset.done @!p3 $0x0  }
0xc6: {  	[sflag:s1] =	ssyncadd.s32 @!p3 $0xFFFFEC00  }
0xc7: {  	_ =	sfence.sel $0x180000  }
0xc8: {  	[bflag:$0x0] =	sbarrier.arrive $0xFFFF  }
0xc9: {  	_ =	strace $0x90000047  }
0xca: {  	s0 =	stileid.u32;
	[bflag:$0x2] =	sbarrier.arrive $0xFFFF  }
0xcb: {  	p0 =	sne.s32 s0, $0x0;
	s0 =	rddreg [dreg:$0x3]  }
0xcc: {  	s0 =	sadd.s32 @!p0 $0x100000, s0  }
0xcd: {  	[sflag:s0] =	ssyncadd.tile.s32 @!p0 $0x1;
	_ =	shalt  }
.Lfunc_end2:
_tile_overlayer_lowered:
.L_overlay_start_2:
0xce: {  	(tag) =	ssettag $0x2  }
0xcf: {  	s0 =	rddreg [dreg:$0x0];
	s2 =	stileid.u32  }
0xd0: {  	s1 =	rddreg [dreg:$0x1];
	p0 =	sne.s32 s2, $0x0  }
0xd1: {  	s3 =	rddreg [dreg:$0x2];
	[bflag:$0x3] =	sbarrier.arrive $0xFFFF;
	s2 =	simm.s32 @!p0 $0x1C06  }
0xd2: {  	[timem:s3], [sflag:s2] =	dma.local @!p0 [hbm:s0], s1  }
0xd3: {  	s0 =	simm.s32 @!p0 $0x6  }
0xd4: {  	_ =	swait.ge @!p0 [sflag:s0], s1  }
0xd5: {  	s1 =	ssub.s32 @!p0 $0x0, s1;
	[sflag:s0] =	ssyncset.done @!p0 $0x0  }
0xd6: {  	[sflag:s0] =	ssyncadd.s32 @!p0 s1  }
0xd7: {  	[bflag:$0x3] =	sbarrier.arrive $0xFFFF  }
0xd8: {  	_ =	shalt  }

// kernel: kernel.9.cloned.1.call-start
scs
__scs_entry_jumppad:
0x0: {  	(pc) =	sbr.rel $0x88, $3  }
0x1: {  	(tag) =	ssettag $0x0;
	lr =	simm.s32 $0x1  }
0x2: {  	[smem:$0x3F90] =	sst lr;
	_ =	strace $0xD0000000  }
0x3: {  	_ = 	snop  }
0x4: {  	_ = 	snop  }
0x5: {  	_ = 	snop  }
0x6: {  	_ = 	snop  }
0x7: {  	_ = 	snop  }
__scs_overlays_trampoline_lowered:
0x8: {  	[smem:$0x3F9F] =	sst s0  }
0x9: {  	[smem:$0x3FA0] =	sst s1  }
0xa: {  	[smem:$0x3FA1] =	sst s2  }
0xb: {  	[smem:$0x3FA2] =	sst s3  }
0xc: {  	[smem:$0x3FA3] =	sst s4  }
0xd: {  	[smem:$0x3FA4] =	sst s5  }
0xe: {  	[smem:$0x3FA5] =	sst s6  }
0xf: {  	[smem:$0x3FA6] =	sst s7  }
0x10: {  	[smem:$0x3FA7] =	sst s8  }
0x11: {  	[smem:$0x3FA8] =	sst s9;
	s0 =	simm.s32 @!p0 $0x0  }
0x12: {  	s1 =	sld [smem:$0x3F8E];
	s0 =	simm.s32 @p0 $0x1  }
0x13: {  	[smem:$0x3FA9] =	sst s0;
	s0 =	simm.s32 @!p1 $0x0  }
0x14: {  	s2 =	sld [smem:$0x3F8D];
	s0 =	simm.s32 @p1 $0x1  }
0x15: {  	[smem:$0x3FAA] =	sst s0;
	s0 =	simm.s32 @!p2 $0x0  }
0x16: {  	s3 =	sld [smem:$0x3FDB];
	s0 =	simm.s32 @p2 $0x1  }
0x17: {  	s4 =	simm.s32 $0x1BF5;
	[smem:$0x3FAC] =	sst s0  }
0x18: {  	s0 =	sld [smem:$0x3F8F];
	_ =	swait.ge [sflag:s4], $0x0  }
0x19: {  	s7 =	sld [smem:$0x3F90]  }
0x1a: {  	s8 =	sadd.s32 $0xFFFFE003, lr  }
0x1b: {  	s9 =	sadd.s32 $0xFFFFFEF7, lr;
	s5 =	simm.s32 $0xFFFFFFFF;
	p2 =	slt.u32 s8, $0xFFFFF086  }
0x1c: {  	p1 =	slt.u32 s9, $0xF7A;
	s5 =	simm.s32 @!p2 $0x0  }
0x1d: {  	s5 =	simm.s32 @p1 $0x1;
	p0 =	seq.s32 s7, s2  }
0x1e: {  	s7 =	smul.u32 @!p0 $0xF7A, s2;
	p2 =	seq.s32 @!p0 s5, $0x0  }
0x1f: {  	s9 =	smul.u32 $0xF7A, s1;
	s8 =	simm.s32 @!p0 $0x1BF5;
	p2 =	por !p2, p0  }
0x20: {  	[sflag:s8] =	ssyncset.s32 @!p0 $0xFFFFF086;
	s6 =	sadd.s32 @!p0 s3, s7;
	s7 =	simm.s32 @!p0 $0x108  }
0x21: {  	s3 =	sadd.s32 s3, s9;
	s6 =	sadd.s32 @!p0 $0x88, s6;
	s7 =	simm.s32 @p2 $0x1082  }
0x22: {  	[simem:s7], [sflag:s8] =	dma.local @!p0 [hbm:s6], $0xF7A  }
0x23: {  	s9 =	sor.u32 $0xD0000000, s2;
	s6 =	simm.s32 $0x108;
	_ =	swait.ge @!p0 [sflag:s8], $0x0  }
0x24: {  	s3 =	sadd.s32 $0x88, s3;
	s6 =	simm.s32 @!p1 $0x1082;
	[sflag:s4] =	ssyncset.s32 $0xFFFFF086  }
0x25: {  	[simem:s6], [sflag:s4] =	dma.local [hbm:s3], $0xF7A  }
0x26: {  	[smem:$0x3F90] =	sst s1;
	(tag) =	ssettag s2;
	_ =	strace s9  }
0x27: {  	s1 =	sld [smem:$0x3FA0]  }
0x28: {  	s2 =	sld [smem:$0x3FA1]  }
0x29: {  	s4 =	sld [smem:$0x3FA3]  }
0x2a: {  	p0 =	seq.s32 s5, $0x0;
	s5 =	sld [smem:$0x3FA4]  }
0x2b: {  	s6 =	sld [smem:$0x3FA5]  }
0x2c: {  	s7 =	sld [smem:$0x3FA6]  }
0x2d: {  	s3 =	simm.s32 $0x108;
	s8 =	sld [smem:$0x3FA7]  }
0x2e: {  	s3 =	simm.s32 @!p0 $0x1082;
	s9 =	sld [smem:$0x3FA8]  }
0x2f: {  	lr =	sadd.s32 s0, s3;
	s0 =	sld [smem:$0x3F9F]  }
0x30: {  	s3 =	sld [smem:$0x3FA2]  }
0x31: {  	[smem:$0x3FAB] =	sst s10  }
0x32: {  	s10 =	sld [smem:$0x3FA9];
	_ =	sdelay $0x3  }
0x33: {  	p0 =	seq.s32 s10, $0x1;
	s10 =	sld [smem:$0x3FAB];
	_ =	sdelay $0x3  }
0x34: {  	[smem:$0x3FAB] =	sst s10  }
0x35: {  	s10 =	sld [smem:$0x3FAA];
	_ =	sdelay $0x3  }
0x36: {  	p1 =	seq.s32 s10, $0x1;
	s10 =	sld [smem:$0x3FAB];
	_ =	sdelay $0x3  }
0x37: {  	[smem:$0x3FAB] =	sst s10  }
0x38: {  	s10 =	sld [smem:$0x3FAC]  }
0x39: {  	_ = 	snop;
	(pc) =	sbr.ind lr, $3  }
0x3a: {  	_ = 	snop  }
0x3b: {  	_ = 	snop  }
0x3c: {  	p2 =	seq.s32 s10, $0x1;
	s10 =	sld [smem:$0x3FAB]  }
0x3d: {  	_ =	shalt  }
0x3e: {  	_ =	shalt  }
0x3f: {  	_ =	shalt  }
0x40: {  	_ =	shalt  }
0x41: {  	_ =	shalt  }
0x42: {  	_ =	shalt  }
0x43: {  	_ =	shalt  }
0x44: {  	_ =	shalt  }
0x45: {  	_ =	shalt  }
0x46: {  	_ =	shalt  }
0x47: {  	_ =	shalt  }
0x48: {  	_ =	shalt  }
0x49: {  	_ =	shalt  }
0x4a: {  	_ =	shalt  }
0x4b: {  	_ =	shalt  }
0x4c: {  	_ =	shalt  }
0x4d: {  	_ =	shalt  }
0x4e: {  	_ =	shalt  }
0x4f: {  	_ =	shalt  }
0x50: {  	_ =	shalt  }
0x51: {  	_ =	shalt  }
0x52: {  	_ =	shalt  }
0x53: {  	_ =	shalt  }
0x54: {  	_ =	shalt  }
0x55: {  	_ =	shalt  }
0x56: {  	_ =	shalt  }
0x57: {  	_ =	shalt  }
0x58: {  	_ =	shalt  }
0x59: {  	_ =	shalt  }
0x5a: {  	_ =	shalt  }
0x5b: {  	_ =	shalt  }
0x5c: {  	_ =	shalt  }
0x5d: {  	_ =	shalt  }
0x5e: {  	_ =	shalt  }
0x5f: {  	_ =	shalt  }
0x60: {  	_ =	shalt  }
0x61: {  	_ =	shalt  }
0x62: {  	_ =	shalt  }
0x63: {  	_ =	shalt  }
0x64: {  	_ =	shalt  }
0x65: {  	_ =	shalt  }
0x66: {  	_ =	shalt  }
0x67: {  	_ =	shalt  }
0x68: {  	_ =	shalt  }
0x69: {  	_ =	shalt  }
0x6a: {  	_ =	shalt  }
0x6b: {  	_ =	shalt  }
0x6c: {  	_ =	shalt  }
0x6d: {  	_ =	shalt  }
0x6e: {  	_ =	shalt  }
0x6f: {  	_ =	shalt  }
0x70: {  	_ =	shalt  }
0x71: {  	_ =	shalt  }
0x72: {  	_ =	shalt  }
0x73: {  	_ =	shalt  }
0x74: {  	_ =	shalt  }
0x75: {  	_ =	shalt  }
0x76: {  	_ =	shalt  }
0x77: {  	_ =	shalt  }
0x78: {  	_ =	shalt  }
0x79: {  	_ =	shalt  }
0x7a: {  	_ =	shalt  }
0x7b: {  	_ =	shalt  }
0x7c: {  	_ =	shalt  }
0x7d: {  	_ =	shalt  }
0x7e: {  	_ =	shalt  }
0x7f: {  	_ =	shalt  }
0x80: {  	_ =	shalt  }
0x81: {  	_ =	shalt  }
0x82: {  	_ =	shalt  }
0x83: {  	_ =	shalt  }
0x84: {  	_ =	shalt  }
0x85: {  	_ =	shalt  }
0x86: {  	_ =	shalt  }
0x87: {  	_ =	shalt  }
.Lfunc_end0:
.L_simem_size_0:
called_computation.1_lowered:
.L_overlay_start_0:
0x88: {  	s2 =	sld [smem:$0x3FD9]  }
0x89: {  	s3 =	sld [smem:$0x3FFE];
	_ =	sdelay $0x1  }
0x8a: {  	s1 =	srdreg.scid  }
0x8b: {  	s0 =	sand.u32 $0x1, s1  }
0x8c: {  	s16 =	sshll.u32 s0, $0xA;
	s2 =	sadd.s32 s3, s2  }
0x8d: {  	s2 =	sadd.s32 s2, s16  }
0x8e: {  	[smem:$0x3FB7] =	sst s2  }
0x8f: {  	_ = 	snop  }
0x90: {  	(tm) =	ssettm $0x1  }
0x91: {  	s17 =	sld [smem:$0x3FFB];
	_ =	sdelay $0x3  }
0x92: {  	_ =	strace s17  }
0x93: {  	s2 =	sld [smem:$0x3FFC];
	_ =	sdelay $0x3  }
0x94: {  	_ =	strace s2  }
0x95: {  	s2 =	sld [smem:$0x3FFD];
	_ =	sdelay $0x3  }
0x96: {  	_ =	strace s2  }
0x97: {  	_ =	strace $0x8FFFFFFF  }
0x98: {  	s18 =	sld [smem:$0x3FDB];
	_ =	sdelay $0x1  }
0x99: {  	s19 =	simm.s32 $_scs_section_size  }
0x9a: {  	s4 =	simm.s32 $_size__tile_overlayer_lowered;
	s5 =	simm.s32 $_tile_overlayer_lowered  }
0x9b: {  	s22 =	simm.s32 $0x1BFF;
	s21 =	sshll.u32 s5, $0x1;
	s2 =	sadd.s32 s19, s18  }
0x9c: {  	s6 =	simm.s32 $0x0;
	s20 =	sshll.u32 s4, $0x1;
	s4 =	sadd.s32 s21, s2  }
0x9d: {  	[timem:s6], [sflag:s22] =	dma.local [hbm:s4], s20  }
0x9e: {  	_ =	swait.ge [sflag:s22], s20  }
0x9f: {  	s3 =	ssub.s32 $0x0, s20;
	[sflag:s22] =	ssyncset.done $0x0  }
0xa0: {  	[sflag:s22] =	ssyncadd.s32 s3;
	_ =	sdelay $0x1  }
0xa1: {  	s23 =	simm.s32 $0x1B8B  }
0xa2: {  	_ =	swait.ge [sflag:s23], $0x1  }
0xa3: {  	[sflag:s23] =	ssyncset.done $0x0  }
0xa4: {  	s25 =	simm.s32 $0x1B8E;
	s24 =	sld [smem:$0x3FFE];
	[sflag:s23] =	ssyncadd.s32 $0xFFFFFFFF  }
0xa5: {  	s26 =	simm.s32 $execute0_lowered;
	[smem:$0x3FD2] =	sst s25  }
0xa6: {  	s4 =	sshll.u32 s26, $0x1;
	_ =	strace $0x80000049;
	[dreg:$0x1] =	wrdreg $0xFFFFFFFF  }
0xa7: {  	s28 =	simm.s32 $_size_execute0_lowered;
	s2 =	sadd.s32 s2, s4;
	[dreg:$0x0] =	wrdreg $0x0  }
0xa8: {  	s4 =	sshll.u32 s28, $0x1;
	[dreg:$0x2] =	wrdreg s2  }
0xa9: {  	[dreg:$0x3] =	wrdreg s4  }
0xaa: {  	[dreg:$0x4] =	wrdreg $0xC0  }
0xab: {  	_ =	task [dreg:s6], $0x5FFFF  }
0xac: {  	[dreg:$0x1] =	wrdreg $0xFFFFFFFF  }
0xad: {  	[dreg:$0x0] =	wrdreg $0x60  }
0xae: {  	[dreg:$0x2] =	wrdreg s24  }
0xaf: {  	[dreg:$0x3] =	wrdreg $0xA0000  }
0xb0: {  	[dreg:$0x4] =	wrdreg $0x13C400  }
0xb1: {  	[dreg:$0x5] =	wrdreg $0x9  }
0xb2: {  	_ =	task.clear_ibuf [dreg:s6], $0x6FFFF;
	_ =	strace $0x90000049  }
0xb3: {  	s29 =	simm.s32 $0x9;
	_ =	strace $0x8000004B  }
0xb4: {  	_ =	swait.ge [sflag:s29], $0x1  }
0xb5: {  	[sflag:s29] =	ssyncadd.s32 $0xFFFFFFFF  }
0xb6: {  	_ =	strace $0x9000004B  }
0xb7: {  	_ =	sfence  }
0xb8: {  	s30 =	sld [smem:$0x0];
	_ =	sdelay $0x2  }
0xb9: {  	s31 =	sshll.u32 s1, $0xD;
	s1 =	sshrl.u32 s1, $0x2  }
0xba: {  	s3 =	sand.u32 $0x4000, s31;
	s1 =	sadd.s32 s1, s30  }
0xbb: {  	s0 =	sor.u32 s3, s0;
	s1 =	sshll.u32 s1, $0x11  }
0xbc: {  	s0 =	sor.u32 s1, s0  }
0xbd: {  	s0 =	sadd.s32 $0x8F2B, s0  }
0xbe: {  	[sflag:s0] =	ssyncadd.remote.s32 $0x1  }
0xbf: {  	_ =	sfence.sel $0xFFFF  }
0xc0: {  	[dreg:$0x0] =	wrdreg $0xFFFFFFFF;
	(pc) =	sbr.abs _section_cstart, $3  }
0xc1: {  	[dreg:$0x1] =	wrdreg $0xFFFFFFFF  }
0xc2: {  	_ =	task.clear_ibuf [dreg:s6], $0x2FFFF;
	_ =	strace $0x9FFFFFFF  }
0xc3: {  	(tm) =	ssettm $0x7FFFFFFF  }
tec
execute0_lowered:
.L_overlay_start_1:
0x0: {  	(tag) =	ssettag $0x1  }
0x1: {  	s0 =	rddreg [dreg:$0x0]  }
0x2: {  	s1 =	rddreg [dreg:$0x1]  }
0x3: {  	s3 =	rddreg [dreg:$0x2];
	s12 =	stileid.u32  }
0x4: {  	s4 =	simm.s32 $0x0;
	s5 =	srdreg.scid;
	s2 =	smul.u32 $0xA000, s12  }
0x5: {  	[smem:$0x7FF] =	sst s4;
	s11 =	smul.u32 $0x28000, s12  }
0x6: {  	s6 =	sadd.s32 $0x34800, s0;
	s5 =	sand.u32 $0x1, s5;
	s28 =	smul.u32 $0x5000, s12  }
0x7: {  	s7 =	sadd.s32 $0x2A800, s0;
	s24 =	sadd.s32 $0x51400, s0;
	s14 =	smul.u32 $0xA00, s12  }
0x8: {  	_ =	strace $0x8000004A;
	s9 =	ssub.s32 $0x2, s5;
	[dreg:$0x6] =	wrdreg s24  }
0x9: {  	p3 =	sne.s32 s5, $0x0;
	s24 =	sadd.s32 $0x9FC00, s0;
	s8 =	sshrl.u32 s2, $0x3  }
0xa: {  	s10 =	sshrl.u32 s9, $0x1;
	s22 =	sadd.s32 s2, s1;
	[dreg:$0x14] =	wrdreg s24  }
0xb: {  	s11 =	sshrl.u32 s11, $0x2;
	s8 =	sadd.s32 s8, s0;
	[dreg:$0x4] =	wrdreg s22  }
0xc: {  	s26 =	sadd.s32 s11, s3;
	s11 =	sshrl.u32 s28, $0x3;
	s28 =	sadd.s32 $0x29A00, s0  }
0xd: {  	s19 =	sadd.s32 s14, s7;
	s23 =	sadd.s32 $0x3E800, s8;
	[dreg:$0x17] =	wrdreg s28  }
0xe: {  	p1 =	seq.s32 @p3 s12, $0xF;
	s25 =	sadd.s32 $0x52200, s8;
	[dreg:$0x5] =	wrdreg s23  }
0xf: {  	p4 =	seq.s32 @!p3 s12, $0xF;
	s13 =	sadd.s32 $0x2000, s26;
	[dreg:$0x7] =	wrdreg s25  }
0x10: {  	s24 =	simm.s32 $0x0;
	s29 =	sadd.s32 $0x4000, s26;
	[dreg:$0x8] =	wrdreg s13  }
0x11: {  	s10 =	ssub.s32 s9, s10;
	s30 =	sadd.s32 $0x6000, s26;
	[dreg:$0x9] =	wrdreg s29  }
0x12: {  	s9 =	sadd.s32 s2, s3;
	s2 =	sadd.s32 $0x8000, s26;
	[dreg:$0xa] =	wrdreg s30  }
0x13: {  	s31 =	sadd.s32 $0x100, s19;
	s15 =	sadd.s32 s6, s11;
	[dreg:$0xb] =	wrdreg s2  }
0x14: {  	p0 =	por !p1, !p3;
	s16 =	sadd.s32 $0x8D000, s8;
	[dreg:$0xc] =	wrdreg s15  }
0x15: {  	p1 =	por p1, !p3;
	s17 =	sadd.s32 $0x3400, s8;
	[dreg:$0xd] =	wrdreg s16  }
0x16: {  	p2 =	por !p4, p3;
	s18 =	sadd.s32 $0xA0A00, s8;
	[dreg:$0xe] =	wrdreg s17  }
0x17: {  	p3 =	por p4, p3;
	s20 =	sadd.s32 $0x16E00, s8;
	[dreg:$0xf] =	wrdreg s18  }
0x18: {  	s19 =	simm.s32 $0x1;
	s21 =	sadd.s32 $0x65C00, s8;
	[dreg:$0x10] =	wrdreg s20  }
0x19: {  	s6 =	sadd.s32 s14, s6;
	s22 =	sadd.s32 $0x79600, s8;
	[dreg:$0x11] =	wrdreg s21  }
0x1a: {  	s26 =	sadd.s32 $0xB3600, s0;
	s8 =	simm.s32 $0x2000;
	[dreg:$0x12] =	wrdreg s22  }
0x1b: {  	s15 =	sadd.s32 s7, s11;
	s23 =	sadd.s32 $0x64E00, s0;
	[dreg:$0x16] =	wrdreg s26  }
0x1c: {  	s25 =	sadd.s32 $0x16000, s0;
	s29 =	sadd.s32 $0x78800, s0;
	[dreg:$0x13] =	wrdreg s23  }
0x1d: {  	s0 =	sadd.s32 $0x8C200, s0;
	s30 =	smax.u32 s10, $0x1;
	[dreg:$0x15] =	wrdreg s25  }
0x1e: {  	s7 =	sadd.s32 $0x96000, s3;
	s16 =	simm.s32 $0x6;
	[dreg:$0x18] =	wrdreg s29  }
0x1f: {  	s18 =	simm.s32 $0x100;
	s20 =	simm.s32 $0x6000;
	[dreg:$0x19] =	wrdreg s0  }
0x20: {  	s21 =	simm.s32 $0x2;
	s22 =	simm.s32 $0x3;
	[dreg:$0x1a] =	wrdreg s30  }
0x21: {  	v0 =	vimm.f32 $0.0e+00;
	s0 =	sadd.s32 $0x100, s6;
	s6 =	sadd.s32 $0x96000, s1;
	s23 =	simm.s32 $0x4  }
.LBB2_1:
0x22: {  	s17 =	sshrl.u32 @!p0 s6, $0x3;
	s2 =	simm.s32 @!p0 $0x1FC6;
	s5 =	rddreg [dreg:$0x6]  }
0x23: {  	[spmem:s17], [sflag:s2] =	dma.local @!p0 [hbm:s5], $0xC80  }
0x24: {  	s10 =	stileid.u32;
	s2 =	simm.s32 @!p0 $0x6  }
0x25: {  	s5 =	sshll.u32 @!p1 s10, $0x6;
	_ =	swait.ge @!p0 [sflag:s2], $0xC80  }
0x26: {  	s25 =	sor.u32 @!p1 $0x1C06, s5;
	[sflag:s2] =	ssyncset.done @!p0 $0x0;
	s11 =	rddreg [dreg:$0x4]  }
0x27: {  	[sflag:s2] =	ssyncadd.s32 @!p0 $0xFFFFF380;
	s30 =	sshrl.u32 @!p1 s11, $0x3;
	s2 =	rddreg [dreg:$0x5]  }
0x28: {  	[spmem:s30], [sflag:s25] =	dma.local @!p1 [hbm:s2], $0x1400  }
0x29: {  	s2 =	simm.s32 @!p1 $0x6  }
0x2a: {  	_ =	swait.ge @!p1 [sflag:s2], $0x1400  }
0x2b: {  	s28 =	sshrl.u32 @!p2 s6, $0x3;
	[sflag:s2] =	ssyncset.done @!p1 $0x0  }
0x2c: {  	s5 =	rddreg [dreg:$0x13];
	[sflag:s2] =	ssyncadd.s32 @!p1 $0xFFFFEC00;
	s2 =	simm.s32 @!p2 $0x1FC6  }
0x2d: {  	[spmem:s28], [sflag:s2] =	dma.local @!p2 [hbm:s5], $0xC80  }
0x2e: {  	s2 =	simm.s32 @!p2 $0x6  }
0x2f: {  	_ =	swait.ge @!p2 [sflag:s2], $0xC80  }
0x30: {  	s26 =	sshrl.u32 @!p3 s11, $0x3;
	s5 =	sshll.u32 @!p3 s10, $0x6;
	[sflag:s2] =	ssyncset.done @!p2 $0x0  }
0x31: {  	[sflag:s2] =	ssyncadd.s32 @!p2 $0xFFFFF380;
	s2 =	sor.u32 @!p3 $0x1C06, s5;
	s5 =	rddreg [dreg:$0x7]  }
0x32: {  	[spmem:s26], [sflag:s2] =	dma.local @!p3 [hbm:s5], $0x1400  }
0x33: {  	s5 =	simm.s32 @!p3 $0x6  }
0x34: {  	_ =	swait.ge @!p3 [sflag:s5], $0x1400  }
0x35: {  	[sflag:s5] =	ssyncset.done @!p3 $0x0  }
0x36: {  	s10 =	simm.s32 $0x100;
	[sflag:s5] =	ssyncadd.s32 @!p3 $0xFFFFEC00;
	s5 =	simm.s32 $0x0  }
.LBB2_2:
0x37: {  	p4 =	sne.s32 s10, $0xFF00;
	[tilespmem:s5+$0x2030] =	vst v0;
	s11 =	smov.u32 s10;
	s10 =	sadd.s32 $0x100, s10  }
.Ltmp0:
0x38: {  	[tilespmem:s5+$0x2020] =	vst v0;
	(pc) =	sbr.rel @p4 .LBB2_2-.Ltmp0, $3  }
0x39: {  	[tilespmem:s5+$0x2000] =	vst v0  }
0x3a: {  	[tilespmem:s5+$0x2010] =	vst v0;
	_ =	sdelay $0x1  }
0x3b: {  	s5 =	sshra.s32 s11, $0x2  }
0x3c: {  	[tilespmem:s5+$0x2030] =	vst v0  }
0x3d: {  	[tilespmem:s5+$0x2020] =	vst v0  }
0x3e: {  	[tilespmem:s5+$0x2000] =	vst v0  }
0x3f: {  	[tilespmem:s5+$0x2010] =	vst v0  }
0x40: {  	[spmem:s9] =	stream.linear.scatter [tilespmem:s8], [sflag:$0x6], $0x2000, $0x38;
	[tilespmem:$0x1DC40] =	vst v63  }
0x41: {  	_ =	swait.ge [sflag:s16], $0x2000  }
0x42: {  	[sflag:s16] =	ssyncset.done $0x0  }
0x43: {  	s14 =	rddreg [dreg:$0x8];
	[sflag:s16] =	ssyncadd.s32 $0xFFFFE000  }
0x44: {  	[spmem:s14] =	stream.linear.scatter [tilespmem:s8], [sflag:$0x6], $0x2000, $0x38;
	[tilespmem:$0x1DC40] =	vst v63  }
0x45: {  	_ =	swait.ge [sflag:s16], $0x2000  }
0x46: {  	[sflag:s16] =	ssyncset.done $0x0  }
0x47: {  	s10 =	rddreg [dreg:$0x9];
	[sflag:s16] =	ssyncadd.s32 $0xFFFFE000  }
0x48: {  	[spmem:s10] =	stream.linear.scatter [tilespmem:s8], [sflag:$0x6], $0x2000, $0x38;
	[tilespmem:$0x1DC40] =	vst v63  }
0x49: {  	_ =	swait.ge [sflag:s16], $0x2000  }
0x4a: {  	[sflag:s16] =	ssyncset.done $0x0  }
0x4b: {  	s11 =	rddreg [dreg:$0xa];
	[sflag:s16] =	ssyncadd.s32 $0xFFFFE000  }
0x4c: {  	[spmem:s11] =	stream.linear.scatter [tilespmem:s8], [sflag:$0x6], $0x2000, $0x38;
	[tilespmem:$0x1DC40] =	vst v63  }
0x4d: {  	_ =	swait.ge [sflag:s16], $0x2000  }
0x4e: {  	[sflag:s16] =	ssyncset.done $0x0  }
0x4f: {  	s12 =	rddreg [dreg:$0xb];
	[sflag:s16] =	ssyncadd.s32 $0xFFFFE000  }
0x50: {  	[spmem:s12] =	stream.linear.scatter [tilespmem:s8], [sflag:$0x6], $0x2000, $0x38;
	[tilespmem:$0x1DC40] =	vst v63  }
0x51: {  	_ =	swait.ge [sflag:s16], $0x2000  }
0x52: {  	[sflag:s16] =	ssyncset.done $0x0  }
0x53: {  	[sflag:s16] =	ssyncadd.s32 $0xFFFFE000  }
0x54: {  	[bflag:$0x0] =	sbarrier.arrive $0xFFFF  }
0x55: {  	s29 =	simm.s32 $0x0;
	s13 =	rddreg [dreg:$0xc]  }
0x56: {  	[tilespmem:s29], [sflag:$0x6] =	stream.linear.gather [hbm4b:s13+s29], $0x800, $0x38;
	[tilespmem:$0x1DC40] =	vst v63  }
0x57: {  	_ =	swait.ge [sflag:s16], $0x800  }
0x58: {  	[sflag:s16] =	ssyncset.done $0x0  }
0x59: {  	s14 =	simm.s32 $0x1000;
	[sflag:s16] =	ssyncadd.s32 $0xFFFFF800  }
0x5a: {  	[tilespmem:s14], [sflag:$0x6] =	stream.linear.gather [hbm4b:s15+s29], $0x800, $0x38;
	[tilespmem:$0x1DC40] =	vst v63  }
0x5b: {  	_ =	swait.ge [sflag:s16], $0x800  }
0x5c: {  	[sflag:s16] =	ssyncset.done $0x0  }
0x5d: {  	s5 =	simm.s32 $0x1;
	s10 =	simm.s32 $0x0;
	[sflag:s16] =	ssyncadd.s32 $0xFFFFF800  }
0x5e: {  	[tilespmem:s8], [sflag:$0x1] =	stream.indirect.gather [spmem:s1], $0x40, s29, s18, $0xb8;
	[tilespmem:$0x1DC40] =	vst v63  }
.LBB2_4:
0x5f: {  	p4 =	seq.s32 s10, $0x0  }
0x60: {  	s12 =	simm.s32 @!p4 $0x4  }
0x61: {  	p5 =	seq.s32 @!p4 s10, $0x900;
	_ =	swait.ge @!p4 [sflag:s12], $0x4000  }
0x62: {  	s11 =	sand.u32 $0x1, s5;
	p5 =	por p4, !p5;
	[sflag:s12] =	ssyncset.done @!p4 $0x0  }
0x63: {  	s13 =	sadd.s32 @p5 s10, s0;
	[sflag:s12] =	ssyncadd.s32 @!p4 $0xFFFFC000;
	s12 =	sshll.u32 @p5 s11, $0xB  }
0x64: {  	[tilespmem:s12], [sflag:$0x5] =	stream.linear.gather @p5 [hbm4b:s13+s4], $0x800, $0x38;
	[tilespmem:$0x1DC40] =	vst v63  }
0x65: {  	s12 =	sor.u32 @p5 $0x1000, s12;
	s13 =	sadd.s32 @p5 s10, s31  }
0x66: {  	[tilespmem:s12], [sflag:$0x5] =	stream.linear.gather @p5 [hbm4b:s13+s4], $0x800, $0x38;
	[tilespmem:$0x1DC40] =	vst v63  }
0x67: {  	_ =	swait.ge [sflag:s19], $0x4000  }
0x68: {  	s12 =	sand.u32 $0x800, s29;
	[sflag:s19] =	ssyncset.done $0x0  }
0x69: {  	s14 =	sor.u32 $0x100, s12;
	[sflag:s19] =	ssyncadd.s32 $0xFFFFC000  }
0x6a: {  	[tilespmem:s20], [sflag:$0x2] =	stream.indirect.gather [spmem:s1], $0x40, s14, s18, $0xb8;
	[tilespmem:$0x1DC40] =	vst v63  }
0x6b: {  	s14 =	sor.u32 $0x1000, s12  }
0x6c: {  	[spmem:s3] =	stream.indirect.scatter.add.f32 [tilespmem:s8], [sflag:$0x3], $0x40, s14, s18, $0xb8;
	[tilespmem:$0x1DC40] =	vst v63  }
0x6d: {  	_ =	swait.ge [sflag:s21], $0x4000  }
0x6e: {  	[sflag:s21] =	ssyncset.done $0x0  }
0x6f: {  	[sflag:s21] =	ssyncadd.s32 $0xFFFFC000  }
0x70: {  	_ =	swait.ge [sflag:s22], $0x4000  }
0x71: {  	[sflag:s22] =	ssyncset.done $0x0  }
0x72: {  	s14 =	sor.u32 $0x200, s12;
	[sflag:s22] =	ssyncadd.s32 $0xFFFFC000  }
0x73: {  	[tilespmem:s8], [sflag:$0x1] =	stream.indirect.gather [spmem:s1], $0x40, s14, s18, $0xb8;
	[tilespmem:$0x1DC40] =	vst v63  }
0x74: {  	s14 =	sor.u32 $0x1100, s12  }
0x75: {  	[spmem:s3] =	stream.indirect.scatter.add.f32 [tilespmem:s20], [sflag:$0x4], $0x40, s14, s18, $0xb8;
	[tilespmem:$0x1DC40] =	vst v63  }
0x76: {  	_ =	swait.ge [sflag:s19], $0x4000  }
0x77: {  	[sflag:s19] =	ssyncset.done $0x0  }
0x78: {  	[sflag:s19] =	ssyncadd.s32 $0xFFFFC000  }
0x79: {  	_ =	swait.ge [sflag:s23], $0x4000  }
0x7a: {  	[sflag:s23] =	ssyncset.done $0x0  }
0x7b: {  	s14 =	sor.u32 $0x300, s12;
	[sflag:s23] =	ssyncadd.s32 $0xFFFFC000  }
0x7c: {  	[tilespmem:s20], [sflag:$0x2] =	stream.indirect.gather [spmem:s1], $0x40, s14, s18, $0xb8;
	[tilespmem:$0x1DC40] =	vst v63  }
0x7d: {  	s14 =	sor.u32 $0x1200, s12  }
0x7e: {  	[spmem:s3] =	stream.indirect.scatter.add.f32 [tilespmem:s8], [sflag:$0x3], $0x40, s14, s18, $0xb8;
	[tilespmem:$0x1DC40] =	vst v63  }
0x7f: {  	_ =	swait.ge [sflag:s21], $0x4000  }
0x80: {  	[sflag:s21] =	ssyncset.done $0x0  }
0x81: {  	[sflag:s21] =	ssyncadd.s32 $0xFFFFC000  }
0x82: {  	_ =	swait.ge [sflag:s22], $0x4000  }
0x83: {  	[sflag:s22] =	ssyncset.done $0x0  }
0x84: {  	s14 =	sor.u32 $0x400, s12;
	[sflag:s22] =	ssyncadd.s32 $0xFFFFC000  }
0x85: {  	[tilespmem:s8], [sflag:$0x1] =	stream.indirect.gather [spmem:s1], $0x40, s14, s18, $0xb8;
	[tilespmem:$0x1DC40] =	vst v63  }
0x86: {  	s14 =	sor.u32 $0x1300, s12  }
0x87: {  	[spmem:s3] =	stream.indirect.scatter.add.f32 [tilespmem:s20], [sflag:$0x4], $0x40, s14, s18, $0xb8;
	[tilespmem:$0x1DC40] =	vst v63  }
0x88: {  	_ =	swait.ge [sflag:s19], $0x4000  }
0x89: {  	[sflag:s19] =	ssyncset.done $0x0  }
0x8a: {  	[sflag:s19] =	ssyncadd.s32 $0xFFFFC000  }
0x8b: {  	_ =	swait.ge [sflag:s23], $0x4000  }
0x8c: {  	[sflag:s23] =	ssyncset.done $0x0  }
0x8d: {  	s14 =	sor.u32 $0x500, s12;
	[sflag:s23] =	ssyncadd.s32 $0xFFFFC000  }
0x8e: {  	[tilespmem:s20], [sflag:$0x2] =	stream.indirect.gather [spmem:s1], $0x40, s14, s18, $0xb8;
	[tilespmem:$0x1DC40] =	vst v63  }
0x8f: {  	s14 =	sor.u32 $0x1400, s12  }
0x90: {  	[spmem:s3] =	stream.indirect.scatter.add.f32 [tilespmem:s8], [sflag:$0x3], $0x40, s14, s18, $0xb8;
	[tilespmem:$0x1DC40] =	vst v63  }
0x91: {  	_ =	swait.ge [sflag:s21], $0x4000  }
0x92: {  	[sflag:s21] =	ssyncset.done $0x0  }
0x93: {  	[sflag:s21] =	ssyncadd.s32 $0xFFFFC000  }
0x94: {  	_ =	swait.ge [sflag:s22], $0x4000  }
0x95: {  	[sflag:s22] =	ssyncset.done $0x0  }
0x96: {  	s14 =	sor.u32 $0x600, s12;
	[sflag:s22] =	ssyncadd.s32 $0xFFFFC000  }
0x97: {  	[tilespmem:s8], [sflag:$0x1] =	stream.indirect.gather [spmem:s1], $0x40, s14, s18, $0xb8;
	[tilespmem:$0x1DC40] =	vst v63  }
0x98: {  	s14 =	sor.u32 $0x1500, s12  }
0x99: {  	[spmem:s3] =	stream.indirect.scatter.add.f32 [tilespmem:s20], [sflag:$0x4], $0x40, s14, s18, $0xb8;
	[tilespmem:$0x1DC40] =	vst v63  }
0x9a: {  	_ =	swait.ge [sflag:s19], $0x4000  }
0x9b: {  	[sflag:s19] =	ssyncset.done $0x0  }
0x9c: {  	[sflag:s19] =	ssyncadd.s32 $0xFFFFC000  }
0x9d: {  	_ =	swait.ge [sflag:s23], $0x4000  }
0x9e: {  	[sflag:s23] =	ssyncset.done $0x0  }
0x9f: {  	s13 =	sor.u32 $0x700, s12;
	[sflag:s23] =	ssyncadd.s32 $0xFFFFC000  }
0xa0: {  	[tilespmem:s20], [sflag:$0x2] =	stream.indirect.gather [spmem:s1], $0x40, s13, s18, $0xb8;
	[tilespmem:$0x1DC40] =	vst v63  }
0xa1: {  	s12 =	sor.u32 $0x1600, s12  }
0xa2: {  	[spmem:s3] =	stream.indirect.scatter.add.f32 [tilespmem:s8], [sflag:$0x3], $0x40, s12, s18, $0xb8;
	[tilespmem:$0x1DC40] =	vst v63  }
0xa3: {  	_ =	swait.ge [sflag:s21], $0x4000  }
0xa4: {  	[sflag:s21] =	ssyncset.done $0x0  }
0xa5: {  	[sflag:s21] =	ssyncadd.s32 $0xFFFFC000  }
0xa6: {  	p4 =	por @!p4 $0x1, $0x1;
	_ =	swait.ge [sflag:s22], $0x4000  }
0xa7: {  	p4 =	por @p5 $0x0, $0x0;
	[sflag:s22] =	ssyncset.done $0x0  }
0xa8: {  	s12 =	simm.s32 @!p4 $0x5;
	[sflag:s22] =	ssyncadd.s32 $0xFFFFC000  }
0xa9: {  	_ =	swait.ge @!p4 [sflag:s12], $0x800  }
0xaa: {  	[sflag:s12] =	ssyncset.done @!p4 $0x0  }
0xab: {  	[sflag:s12] =	ssyncadd.s32 @!p4 $0xFFFFF800  }
0xac: {  	_ =	swait.ge @!p4 [sflag:s12], $0x800  }
0xad: {  	s10 =	sadd.s32 $0x100, s10;
	s11 =	sshll.u32 @!p4 s11, $0xB;
	[sflag:s12] =	ssyncset.done @!p4 $0x0  }
0xae: {  	s14 =	simm.s32 @!p4 $0x2000;
	[sflag:s12] =	ssyncadd.s32 @!p4 $0xFFFFF800;
	s12 =	simm.s32 @!p4 $0x100  }
0xaf: {  	[tilespmem:s14], [sflag:$0x1] =	stream.indirect.gather @!p4 [spmem:s1], $0x40, s11, s12, $0xb8;
	[tilespmem:$0x1DC40] =	vst v63  }
0xb0: {  	p4 =	sne.s32 s10, $0xA00  }
.Ltmp1:
0xb1: {  	_ = 	snop;
	(pc) =	sbr.rel @p4 .LBB2_4-.Ltmp1, $3  }
0xb2: {  	_ =	sdelay $0x1  }
0xb3: {  	s5 =	sadd.s32 $0x1, s5;
	s29 =	sadd.s32 $0x800, s29;
	s14 =	sor.u32 $0x1000, s13  }
0xb4: {  	[spmem:s3] =	stream.indirect.scatter.add.f32 [tilespmem:s20], [sflag:$0x4], $0x40, s14, s18, $0xb8;
	[tilespmem:$0x1DC40] =	vst v63  }
0xb5: {  	_ =	swait.ge [sflag:s23], $0x4000  }
0xb6: {  	[sflag:s23] =	ssyncset.done $0x0  }
0xb7: {  	[sflag:s23] =	ssyncadd.s32 $0xFFFFC000  }
0xb8: {  	[bflag:$0x0] =	sbarrier.arrive $0xFFFF  }
0xb9: {  	s29 =	sshrl.u32 @!p0 s7, $0x3;
	s5 =	simm.s32 @!p0 $0x1FC6;
	s10 =	rddreg [dreg:$0x14]  }
0xba: {  	[hbm:s10], [sflag:s5] =	dma.local @!p0 [spmem:s29], $0xC80  }
0xbb: {  	s10 =	simm.s32 @!p0 $0x6  }
0xbc: {  	_ =	swait.ge @!p0 [sflag:s10], $0xC80  }
0xbd: {  	[sflag:s10] =	ssyncset.done @!p0 $0x0  }
0xbe: {  	s11 =	rddreg [dreg:$0x15];
	[sflag:s10] =	ssyncadd.s32 @!p0 $0xFFFFF380  }
0xbf: {  	[spmem:s17], [sflag:s5] =	dma.local @!p0 [hbm:s11], $0xC80  }
0xc0: {  	_ =	swait.ge @!p0 [sflag:s10], $0xC80  }
0xc1: {  	[sflag:s10] =	ssyncset.done @!p0 $0x0  }
0xc2: {  	s17 =	sshrl.u32 @!p1 s9, $0x3;
	s5 =	rddreg [dreg:$0xd];
	[sflag:s10] =	ssyncadd.s32 @!p0 $0xFFFFF380  }
0xc3: {  	[hbm:s5], [sflag:s25] =	dma.local @!p1 [spmem:s17], $0x1400  }
0xc4: {  	s5 =	simm.s32 @!p1 $0x6  }
0xc5: {  	_ =	swait.ge @!p1 [sflag:s5], $0x1400  }
0xc6: {  	[sflag:s5] =	ssyncset.done @!p1 $0x0  }
0xc7: {  	s10 =	rddreg [dreg:$0xe];
	[sflag:s5] =	ssyncadd.s32 @!p1 $0xFFFFEC00  }
0xc8: {  	[spmem:s30], [sflag:s25] =	dma.local @!p1 [hbm:s10], $0x1400  }
0xc9: {  	_ =	swait.ge @!p1 [sflag:s5], $0x1400  }
0xca: {  	s30 =	sshrl.u32 @!p2 s7, $0x3;
	[sflag:s5] =	ssyncset.done @!p1 $0x0  }
0xcb: {  	s10 =	rddreg [dreg:$0x16];
	[sflag:s5] =	ssyncadd.s32 @!p1 $0xFFFFEC00;
	s5 =	simm.s32 @!p2 $0x1FC6  }
0xcc: {  	[hbm:s10], [sflag:s5] =	dma.local @!p2 [spmem:s30], $0xC80  }
0xcd: {  	s10 =	simm.s32 @!p2 $0x6  }
0xce: {  	_ =	swait.ge @!p2 [sflag:s10], $0xC80  }
0xcf: {  	[sflag:s10] =	ssyncset.done @!p2 $0x0  }
0xd0: {  	s11 =	rddreg [dreg:$0x17];
	[sflag:s10] =	ssyncadd.s32 @!p2 $0xFFFFF380  }
0xd1: {  	[spmem:s28], [sflag:s5] =	dma.local @!p2 [hbm:s11], $0xC80  }
0xd2: {  	_ =	swait.ge @!p2 [sflag:s10], $0xC80  }
0xd3: {  	[sflag:s10] =	ssyncset.done @!p2 $0x0  }
0xd4: {  	s28 =	sshrl.u32 @!p3 s9, $0x3;
	s5 =	rddreg [dreg:$0xf];
	[sflag:s10] =	ssyncadd.s32 @!p2 $0xFFFFF380  }
0xd5: {  	[hbm:s5], [sflag:s2] =	dma.local @!p3 [spmem:s28], $0x1400  }
0xd6: {  	s5 =	simm.s32 @!p3 $0x6  }
0xd7: {  	_ =	swait.ge @!p3 [sflag:s5], $0x1400  }
0xd8: {  	[sflag:s5] =	ssyncset.done @!p3 $0x0  }
0xd9: {  	s10 =	rddreg [dreg:$0x10];
	[sflag:s5] =	ssyncadd.s32 @!p3 $0xFFFFEC00  }
0xda: {  	[spmem:s26], [sflag:s2] =	dma.local @!p3 [hbm:s10], $0x1400  }
0xdb: {  	_ =	swait.ge @!p3 [sflag:s5], $0x1400  }
0xdc: {  	[sflag:s5] =	ssyncset.done @!p3 $0x0  }
0xdd: {  	s10 =	simm.s32 $0x100;
	[sflag:s5] =	ssyncadd.s32 @!p3 $0xFFFFEC00;
	s5 =	simm.s32 $0x0  }
.LBB2_6:
0xde: {  	p4 =	sne.s32 s10, $0xFF00;
	[tilespmem:s5+$0x2030] =	vst v0;
	s11 =	smov.u32 s10;
	s10 =	sadd.s32 $0x100, s10  }
.Ltmp2:
0xdf: {  	[tilespmem:s5+$0x2020] =	vst v0;
	(pc) =	sbr.rel @p4 .LBB2_6-.Ltmp2, $3  }
0xe0: {  	[tilespmem:s5+$0x2000] =	vst v0  }
0xe1: {  	[tilespmem:s5+$0x2010] =	vst v0;
	_ =	sdelay $0x1  }
0xe2: {  	s5 =	sshra.s32 s11, $0x2  }
0xe3: {  	[tilespmem:s5+$0x2030] =	vst v0  }
0xe4: {  	[tilespmem:s5+$0x2020] =	vst v0  }
0xe5: {  	[tilespmem:s5+$0x2000] =	vst v0  }
0xe6: {  	[tilespmem:s5+$0x2010] =	vst v0  }
0xe7: {  	[spmem:s9] =	stream.linear.scatter [tilespmem:s8], [sflag:$0x6], $0x2000, $0x38;
	[tilespmem:$0x1DC40] =	vst v63  }
0xe8: {  	_ =	swait.ge [sflag:s16], $0x2000  }
0xe9: {  	[sflag:s16] =	ssyncset.done $0x0  }
0xea: {  	s26 =	rddreg [dreg:$0x8];
	[sflag:s16] =	ssyncadd.s32 $0xFFFFE000  }
0xeb: {  	[spmem:s26] =	stream.linear.scatter [tilespmem:s8], [sflag:$0x6], $0x2000, $0x38;
	[tilespmem:$0x1DC40] =	vst v63  }
0xec: {  	_ =	swait.ge [sflag:s16], $0x2000  }
0xed: {  	[sflag:s16] =	ssyncset.done $0x0  }
0xee: {  	s10 =	rddreg [dreg:$0x9];
	[sflag:s16] =	ssyncadd.s32 $0xFFFFE000  }
0xef: {  	[spmem:s10] =	stream.linear.scatter [tilespmem:s8], [sflag:$0x6], $0x2000, $0x38;
	[tilespmem:$0x1DC40] =	vst v63  }
0xf0: {  	_ =	swait.ge [sflag:s16], $0x2000  }
0xf1: {  	[sflag:s16] =	ssyncset.done $0x0  }
0xf2: {  	s11 =	rddreg [dreg:$0xa];
	[sflag:s16] =	ssyncadd.s32 $0xFFFFE000  }
0xf3: {  	[spmem:s11] =	stream.linear.scatter [tilespmem:s8], [sflag:$0x6], $0x2000, $0x38;
	[tilespmem:$0x1DC40] =	vst v63  }
0xf4: {  	_ =	swait.ge [sflag:s16], $0x2000  }
0xf5: {  	[sflag:s16] =	ssyncset.done $0x0  }
0xf6: {  	s12 =	rddreg [dreg:$0xb];
	[sflag:s16] =	ssyncadd.s32 $0xFFFFE000  }
0xf7: {  	[spmem:s12] =	stream.linear.scatter [tilespmem:s8], [sflag:$0x6], $0x2000, $0x38;
	[tilespmem:$0x1DC40] =	vst v63  }
0xf8: {  	_ =	swait.ge [sflag:s16], $0x2000  }
0xf9: {  	[sflag:s16] =	ssyncset.done $0x0  }
0xfa: {  	[sflag:s16] =	ssyncadd.s32 $0xFFFFE000  }
0xfb: {  	[bflag:$0x0] =	sbarrier.arrive $0xFFFF  }
0xfc: {  	s26 =	simm.s32 $0x0;
	s13 =	rddreg [dreg:$0xc]  }
0xfd: {  	[tilespmem:s26], [sflag:$0x6] =	stream.linear.gather [hbm4b:s13+s26], $0x800, $0x38;
	[tilespmem:$0x1DC40] =	vst v63  }
0xfe: {  	_ =	swait.ge [sflag:s16], $0x800  }
0xff: {  	[sflag:s16] =	ssyncset.done $0x0  }
0x100: {  	s14 =	simm.s32 $0x1000;
	[sflag:s16] =	ssyncadd.s32 $0xFFFFF800  }
0x101: {  	[tilespmem:s14], [sflag:$0x6] =	stream.linear.gather [hbm4b:s15+s26], $0x800, $0x38;
	[tilespmem:$0x1DC40] =	vst v63  }
0x102: {  	_ =	swait.ge [sflag:s16], $0x800  }
0x103: {  	[sflag:s16] =	ssyncset.done $0x0  }
0x104: {  	s5 =	simm.s32 $0x1;
	s10 =	simm.s32 $0x0;
	[sflag:s16] =	ssyncadd.s32 $0xFFFFF800  }
0x105: {  	[tilespmem:s8], [sflag:$0x1] =	stream.indirect.gather [spmem:s1], $0x40, s26, s18, $0xb8;
	[tilespmem:$0x1DC40] =	vst v63  }
.LBB2_8:
0x106: {  	p4 =	seq.s32 s10, $0x0  }
0x107: {  	s12 =	simm.s32 @!p4 $0x4  }
0x108: {  	p5 =	seq.s32 @!p4 s10, $0x900;
	_ =	swait.ge @!p4 [sflag:s12], $0x4000  }
0x109: {  	s11 =	sand.u32 $0x1, s5;
	p5 =	por p4, !p5;
	[sflag:s12] =	ssyncset.done @!p4 $0x0  }
0x10a: {  	s13 =	sadd.s32 @p5 s10, s0;
	[sflag:s12] =	ssyncadd.s32 @!p4 $0xFFFFC000;
	s12 =	sshll.u32 @p5 s11, $0xB  }
0x10b: {  	[tilespmem:s12], [sflag:$0x5] =	stream.linear.gather @p5 [hbm4b:s13+s4], $0x800, $0x38;
	[tilespmem:$0x1DC40] =	vst v63  }
0x10c: {  	s12 =	sor.u32 @p5 $0x1000, s12;
	s13 =	sadd.s32 @p5 s10, s31  }
0x10d: {  	[tilespmem:s12], [sflag:$0x5] =	stream.linear.gather @p5 [hbm4b:s13+s4], $0x800, $0x38;
	[tilespmem:$0x1DC40] =	vst v63  }
0x10e: {  	_ =	swait.ge [sflag:s19], $0x4000  }
0x10f: {  	s12 =	sand.u32 $0x800, s26;
	[sflag:s19] =	ssyncset.done $0x0  }
0x110: {  	s14 =	sor.u32 $0x100, s12;
	[sflag:s19] =	ssyncadd.s32 $0xFFFFC000  }
0x111: {  	[tilespmem:s20], [sflag:$0x2] =	stream.indirect.gather [spmem:s1], $0x40, s14, s18, $0xb8;
	[tilespmem:$0x1DC40] =	vst v63  }
0x112: {  	s14 =	sor.u32 $0x1000, s12  }
0x113: {  	[spmem:s3] =	stream.indirect.scatter.add.f32 [tilespmem:s8], [sflag:$0x3], $0x40, s14, s18, $0xb8;
	[tilespmem:$0x1DC40] =	vst v63  }
0x114: {  	_ =	swait.ge [sflag:s21], $0x4000  }
0x115: {  	[sflag:s21] =	ssyncset.done $0x0  }
0x116: {  	[sflag:s21] =	ssyncadd.s32 $0xFFFFC000  }
0x117: {  	_ =	swait.ge [sflag:s22], $0x4000  }
0x118: {  	[sflag:s22] =	ssyncset.done $0x0  }
0x119: {  	s14 =	sor.u32 $0x200, s12;
	[sflag:s22] =	ssyncadd.s32 $0xFFFFC000  }
0x11a: {  	[tilespmem:s8], [sflag:$0x1] =	stream.indirect.gather [spmem:s1], $0x40, s14, s18, $0xb8;
	[tilespmem:$0x1DC40] =	vst v63  }
0x11b: {  	s14 =	sor.u32 $0x1100, s12  }
0x11c: {  	[spmem:s3] =	stream.indirect.scatter.add.f32 [tilespmem:s20], [sflag:$0x4], $0x40, s14, s18, $0xb8;
	[tilespmem:$0x1DC40] =	vst v63  }
0x11d: {  	_ =	swait.ge [sflag:s19], $0x4000  }
0x11e: {  	[sflag:s19] =	ssyncset.done $0x0  }
0x11f: {  	[sflag:s19] =	ssyncadd.s32 $0xFFFFC000  }
0x120: {  	_ =	swait.ge [sflag:s23], $0x4000  }
0x121: {  	[sflag:s23] =	ssyncset.done $0x0  }
0x122: {  	s14 =	sor.u32 $0x300, s12;
	[sflag:s23] =	ssyncadd.s32 $0xFFFFC000  }
0x123: {  	[tilespmem:s20], [sflag:$0x2] =	stream.indirect.gather [spmem:s1], $0x40, s14, s18, $0xb8;
	[tilespmem:$0x1DC40] =	vst v63  }
0x124: {  	s14 =	sor.u32 $0x1200, s12  }
0x125: {  	[spmem:s3] =	stream.indirect.scatter.add.f32 [tilespmem:s8], [sflag:$0x3], $0x40, s14, s18, $0xb8;
	[tilespmem:$0x1DC40] =	vst v63  }
0x126: {  	_ =	swait.ge [sflag:s21], $0x4000  }
0x127: {  	[sflag:s21] =	ssyncset.done $0x0  }
0x128: {  	[sflag:s21] =	ssyncadd.s32 $0xFFFFC000  }
0x129: {  	_ =	swait.ge [sflag:s22], $0x4000  }
0x12a: {  	[sflag:s22] =	ssyncset.done $0x0  }
0x12b: {  	s14 =	sor.u32 $0x400, s12;
	[sflag:s22] =	ssyncadd.s32 $0xFFFFC000  }
0x12c: {  	[tilespmem:s8], [sflag:$0x1] =	stream.indirect.gather [spmem:s1], $0x40, s14, s18, $0xb8;
	[tilespmem:$0x1DC40] =	vst v63  }
0x12d: {  	s14 =	sor.u32 $0x1300, s12  }
0x12e: {  	[spmem:s3] =	stream.indirect.scatter.add.f32 [tilespmem:s20], [sflag:$0x4], $0x40, s14, s18, $0xb8;
	[tilespmem:$0x1DC40] =	vst v63  }
0x12f: {  	_ =	swait.ge [sflag:s19], $0x4000  }
0x130: {  	[sflag:s19] =	ssyncset.done $0x0  }
0x131: {  	[sflag:s19] =	ssyncadd.s32 $0xFFFFC000  }
0x132: {  	_ =	swait.ge [sflag:s23], $0x4000  }
0x133: {  	[sflag:s23] =	ssyncset.done $0x0  }
0x134: {  	s14 =	sor.u32 $0x500, s12;
	[sflag:s23] =	ssyncadd.s32 $0xFFFFC000  }
0x135: {  	[tilespmem:s20], [sflag:$0x2] =	stream.indirect.gather [spmem:s1], $0x40, s14, s18, $0xb8;
	[tilespmem:$0x1DC40] =	vst v63  }
0x136: {  	s14 =	sor.u32 $0x1400, s12  }
0x137: {  	[spmem:s3] =	stream.indirect.scatter.add.f32 [tilespmem:s8], [sflag:$0x3], $0x40, s14, s18, $0xb8;
	[tilespmem:$0x1DC40] =	vst v63  }
0x138: {  	_ =	swait.ge [sflag:s21], $0x4000  }
0x139: {  	[sflag:s21] =	ssyncset.done $0x0  }
0x13a: {  	[sflag:s21] =	ssyncadd.s32 $0xFFFFC000  }
0x13b: {  	_ =	swait.ge [sflag:s22], $0x4000  }
0x13c: {  	[sflag:s22] =	ssyncset.done $0x0  }
0x13d: {  	s14 =	sor.u32 $0x600, s12;
	[sflag:s22] =	ssyncadd.s32 $0xFFFFC000  }
0x13e: {  	[tilespmem:s8], [sflag:$0x1] =	stream.indirect.gather [spmem:s1], $0x40, s14, s18, $0xb8;
	[tilespmem:$0x1DC40] =	vst v63  }
0x13f: {  	s14 =	sor.u32 $0x1500, s12  }
0x140: {  	[spmem:s3] =	stream.indirect.scatter.add.f32 [tilespmem:s20], [sflag:$0x4], $0x40, s14, s18, $0xb8;
	[tilespmem:$0x1DC40] =	vst v63  }
0x141: {  	_ =	swait.ge [sflag:s19], $0x4000  }
0x142: {  	[sflag:s19] =	ssyncset.done $0x0  }
0x143: {  	[sflag:s19] =	ssyncadd.s32 $0xFFFFC000  }
0x144: {  	_ =	swait.ge [sflag:s23], $0x4000  }
0x145: {  	[sflag:s23] =	ssyncset.done $0x0  }
0x146: {  	s13 =	sor.u32 $0x700, s12;
	[sflag:s23] =	ssyncadd.s32 $0xFFFFC000  }
0x147: {  	[tilespmem:s20], [sflag:$0x2] =	stream.indirect.gather [spmem:s1], $0x40, s13, s18, $0xb8;
	[tilespmem:$0x1DC40] =	vst v63  }
0x148: {  	s12 =	sor.u32 $0x1600, s12  }
0x149: {  	[spmem:s3] =	stream.indirect.scatter.add.f32 [tilespmem:s8], [sflag:$0x3], $0x40, s12, s18, $0xb8;
	[tilespmem:$0x1DC40] =	vst v63  }
0x14a: {  	_ =	swait.ge [sflag:s21], $0x4000  }
0x14b: {  	[sflag:s21] =	ssyncset.done $0x0  }
0x14c: {  	[sflag:s21] =	ssyncadd.s32 $0xFFFFC000  }
0x14d: {  	p4 =	por @!p4 $0x1, $0x1;
	_ =	swait.ge [sflag:s22], $0x4000  }
0x14e: {  	p4 =	por @p5 $0x0, $0x0;
	[sflag:s22] =	ssyncset.done $0x0  }
0x14f: {  	s12 =	simm.s32 @!p4 $0x5;
	[sflag:s22] =	ssyncadd.s32 $0xFFFFC000  }
0x150: {  	_ =	swait.ge @!p4 [sflag:s12], $0x800  }
0x151: {  	[sflag:s12] =	ssyncset.done @!p4 $0x0  }
0x152: {  	[sflag:s12] =	ssyncadd.s32 @!p4 $0xFFFFF800  }
0x153: {  	_ =	swait.ge @!p4 [sflag:s12], $0x800  }
0x154: {  	s10 =	sadd.s32 $0x100, s10;
	s11 =	sshll.u32 @!p4 s11, $0xB;
	[sflag:s12] =	ssyncset.done @!p4 $0x0  }
0x155: {  	s14 =	simm.s32 @!p4 $0x2000;
	[sflag:s12] =	ssyncadd.s32 @!p4 $0xFFFFF800;
	s12 =	simm.s32 @!p4 $0x100  }
0x156: {  	[tilespmem:s14], [sflag:$0x1] =	stream.indirect.gather @!p4 [spmem:s1], $0x40, s11, s12, $0xb8;
	[tilespmem:$0x1DC40] =	vst v63  }
0x157: {  	p4 =	sne.s32 s10, $0xA00  }
.Ltmp3:
0x158: {  	_ = 	snop;
	(pc) =	sbr.rel @p4 .LBB2_8-.Ltmp3, $3  }
0x159: {  	_ =	sdelay $0x1  }
0x15a: {  	s5 =	sadd.s32 $0x1, s5;
	s26 =	sadd.s32 $0x800, s26;
	s14 =	sor.u32 $0x1000, s13  }
0x15b: {  	[spmem:s3] =	stream.indirect.scatter.add.f32 [tilespmem:s20], [sflag:$0x4], $0x40, s14, s18, $0xb8;
	[tilespmem:$0x1DC40] =	vst v63  }
0x15c: {  	_ =	swait.ge [sflag:s23], $0x4000  }
0x15d: {  	[sflag:s23] =	ssyncset.done $0x0  }
0x15e: {  	[sflag:s23] =	ssyncadd.s32 $0xFFFFC000  }
0x15f: {  	[bflag:$0x0] =	sbarrier.arrive $0xFFFF  }
0x160: {  	s5 =	simm.s32 @!p0 $0x1FC6;
	s10 =	rddreg [dreg:$0x18]  }
0x161: {  	[hbm:s10], [sflag:s5] =	dma.local @!p0 [spmem:s29], $0xC80  }
0x162: {  	s5 =	simm.s32 @!p0 $0x6  }
0x163: {  	_ =	swait.ge @!p0 [sflag:s5], $0xC80  }
0x164: {  	[sflag:s5] =	ssyncset.done @!p0 $0x0  }
0x165: {  	[sflag:s5] =	ssyncadd.s32 @!p0 $0xFFFFF380;
	s5 =	rddreg [dreg:$0x11]  }
0x166: {  	[hbm:s5], [sflag:s25] =	dma.local @!p1 [spmem:s17], $0x1400  }
0x167: {  	s5 =	simm.s32 @!p1 $0x6  }
0x168: {  	_ =	swait.ge @!p1 [sflag:s5], $0x1400  }
0x169: {  	[sflag:s5] =	ssyncset.done @!p1 $0x0  }
0x16a: {  	s10 =	rddreg [dreg:$0x19];
	[sflag:s5] =	ssyncadd.s32 @!p1 $0xFFFFEC00;
	s5 =	simm.s32 @!p2 $0x1FC6  }
0x16b: {  	[hbm:s10], [sflag:s5] =	dma.local @!p2 [spmem:s30], $0xC80  }
0x16c: {  	s5 =	simm.s32 @!p2 $0x6  }
0x16d: {  	_ =	swait.ge @!p2 [sflag:s5], $0xC80  }
0x16e: {  	[sflag:s5] =	ssyncset.done @!p2 $0x0  }
0x16f: {  	[sflag:s5] =	ssyncadd.s32 @!p2 $0xFFFFF380;
	s5 =	rddreg [dreg:$0x12]  }
0x170: {  	[hbm:s5], [sflag:s2] =	dma.local @!p3 [spmem:s28], $0x1400  }
0x171: {  	s2 =	simm.s32 @!p3 $0x6  }
0x172: {  	_ =	swait.ge @!p3 [sflag:s2], $0x1400  }
0x173: {  	s24 =	sadd.s32 $0x1, s24;
	s30 =	rddreg [dreg:$0x1a]  }
0x174: {  	p4 =	sne.s32 s24, s30  }
.Ltmp4:
0x175: {  	_ = 	snop;
	(pc) =	sbr.rel @p4 .LBB2_1-.Ltmp4, $3  }
0x176: {  	_ =	sdelay $0x1  }
0x177: {  	[sflag:s2] =	ssyncset.done @!p3 $0x0  }
0x178: {  	[sflag:s2] =	ssyncadd.s32 @!p3 $0xFFFFEC00  }
0x179: {  	_ =	sfence.sel $0x180000  }
0x17a: {  	[bflag:$0x0] =	sbarrier.arrive $0xFFFF  }
0x17b: {  	_ =	strace $0x9000004A  }
0x17c: {  	s0 =	stileid.u32;
	[bflag:$0x2] =	sbarrier.arrive $0xFFFF  }
0x17d: {  	p0 =	sne.s32 s0, $0x0;
	s0 =	rddreg [dreg:$0x3]  }
0x17e: {  	s0 =	sadd.s32 @!p0 $0x100000, s0  }
0x17f: {  	[sflag:s0] =	ssyncadd.tile.s32 @!p0 $0x1;
	_ =	shalt  }
.Lfunc_end2:
_tile_overlayer_lowered:
.L_overlay_start_2:
0x180: {  	(tag) =	ssettag $0x2  }
0x181: {  	s0 =	rddreg [dreg:$0x0];
	s2 =	stileid.u32  }
0x182: {  	s1 =	rddreg [dreg:$0x1];
	p0 =	sne.s32 s2, $0x0  }
0x183: {  	s3 =	rddreg [dreg:$0x2];
	[bflag:$0x3] =	sbarrier.arrive $0xFFFF;
	s2 =	simm.s32 @!p0 $0x1C06  }
0x184: {  	[timem:s3], [sflag:s2] =	dma.local @!p0 [hbm:s0], s1  }
0x185: {  	s0 =	simm.s32 @!p0 $0x6  }
0x186: {  	_ =	swait.ge @!p0 [sflag:s0], s1  }
0x187: {  	s1 =	ssub.s32 @!p0 $0x0, s1;
	[sflag:s0] =	ssyncset.done @!p0 $0x0  }
0x188: {  	[sflag:s0] =	ssyncadd.s32 @!p0 s1  }
0x189: {  	[bflag:$0x3] =	sbarrier.arrive $0xFFFF  }
0x18a: {  	_ =	shalt  }

</sc_bundles>
